<compile_context>
chip_gen: v7x
topology: tpu7x:2x2x1
jax: 0.10.2.dev20260603
libtpu: 0.0.44.dev20260713+nightly
codegen_flags: <defaults>
</compile_context>

<pallas_src>
import functools
import jax
import jax.numpy as jnp
from jax import lax
from jax.experimental import pallas as pl
from jax.experimental.pallas import tpu as pltpu
from jax.experimental.pallas import tpu_sc as plsc

VOCAB_N = 1000000
D_N = 32
B_N = 16384
L_N = 200

VBLK = 65536
GRID1 = -(-VOCAB_N // VBLK)
SPAD = GRID1 * VBLK


def _matvec_body(t_ref, w_ref, o_ref):
    o_ref[...] = jnp.sum(t_ref[...] * w_ref[:, 0:1], axis=0)


def _stage1(table_t, w128):
    return pl.pallas_call(
        _matvec_body,
        grid=(GRID1,),
        in_specs=[
            pl.BlockSpec((D_N, VBLK), lambda i: (0, i)),
            pl.BlockSpec((D_N, 128), lambda i: (0, 0)),
        ],
        out_specs=pl.BlockSpec((VBLK,), lambda i: (i,)),
        out_shape=jax.ShapeDtypeStruct((SPAD,), jnp.float32),
    )(table_t, w128)


NC = 2
NS = 16
NW = NC * NS
CCH = 128
NCH = (B_N // NW) // CCH
CHUNK = L_N * CCH
LA = 96
LB = L_N - LA
HALFA = LA * CCH
HALFB = LB * CCH
INV = 1.0 / (2 * L_N - 1)

_mesh = plsc.VectorSubcoreMesh(core_axis_name="c", subcore_axis_name="s")


@functools.partial(
    pl.kernel,
    mesh=_mesh,
    out_type=jax.ShapeDtypeStruct((B_N,), jnp.float32),
    scratch_types=[
        pltpu.VMEM((LA, CCH), jnp.int32),
        pltpu.VMEM((LB, CCH), jnp.int32),
        pltpu.VMEM((HALFA,), jnp.float32),
        pltpu.VMEM((HALFB,), jnp.float32),
        pltpu.VMEM((CCH,), jnp.float32),
        pltpu.VMEM((16,), jnp.float32),
        pltpu.VMEM_SHARED((SPAD,), jnp.float32),
        pltpu.SemaphoreType.DMA,
        pltpu.SemaphoreType.DMA,
        pltpu.SemaphoreType.DMA,
    ],
)
def _pool_kernel(xt_hbm, s_hbm, b16_hbm, out_hbm, idx_a, idx_b, vals_a,
                 vals_b, outc_v, b_v, s_sh, sem_a, sem_b, sem_i):
    wid = lax.axis_index("s") * NC + lax.axis_index("c")
    pltpu.sync_copy(b16_hbm, b_v)
    bias = b_v[...]

    def load_idx(ch):
        col = (wid * NCH + ch) * CCH
        ia = pltpu.async_copy(
            xt_hbm.at[pl.ds(0, LA), pl.ds(col, CCH)], idx_a, sem_i)
        ib = pltpu.async_copy(
            xt_hbm.at[pl.ds(LA, LB), pl.ds(col, CCH)], idx_b, sem_i)
        return ia, ib

    def start_gathers():
        ca = pltpu.async_copy(s_sh.at[idx_a.reshape(1, HALFA).at[0]], vals_a,
                              sem_a)
        cb = pltpu.async_copy(s_sh.at[idx_b.reshape(1, HALFB).at[0]], vals_b,
                              sem_b)
        return ca, cb

    ia, ib = load_idx(0)
    sid = lax.axis_index("s")
    spart = SPAD // NS
    pltpu.sync_copy(s_hbm.at[pl.ds(sid * spart, spart)],
                    s_sh.at[pl.ds(sid * spart, spart)])
    plsc.subcore_barrier()
    ia.wait()
    ca = pltpu.async_copy(s_sh.at[idx_a.reshape(1, HALFA).at[0]], vals_a,
                          sem_a)
    ib.wait()
    cb = pltpu.async_copy(s_sh.at[idx_b.reshape(1, HALFB).at[0]], vals_b,
                          sem_b)
    for ch in range(NCH):
        ca.wait()
        cb.wait()
        ci = None
        if ch + 1 < NCH:
            ci = load_idx(ch + 1)
        for g in range(CCH // 16):
            off = g * 16

            def body_a(ll, acc, off=off):
                for u in range(4):
                    acc = acc + vals_a[pl.ds((ll * 4 + u) * CCH + off, 16)]
                return acc

            def body_b(ll, acc, off=off):
                for u in range(4):
                    acc = acc + vals_b[pl.ds((ll * 4 + u) * CCH + off, 16)]
                return acc

            acc = lax.fori_loop(0, LA // 4, body_a,
                                jnp.zeros((16,), jnp.float32))
            acc = lax.fori_loop(0, LB // 4, body_b, acc)
            first = vals_a[pl.ds(off, 16)]
            last = vals_b[pl.ds((LB - 1) * CCH + off, 16)]
            outc_v[pl.ds(off, 16)] = (3.0 * acc - first - last) * INV + bias
        blk = wid * NCH + ch
        pltpu.sync_copy(outc_v, out_hbm.at[pl.ds(blk * CCH, CCH)])
        if ci is not None:
            ci[0].wait()
            ci[1].wait()
            ca, cb = start_gathers()


def kernel(x_in, table, W, b):
    table_t = table.T
    w128 = jnp.broadcast_to(W, (D_N, 128))
    s = _stage1(table_t, w128)
    xt = x_in.astype(jnp.int32).T
    b16 = jnp.broadcast_to(b, (16,))
    pooled = _pool_kernel(xt, s, b16)
    return pooled.reshape(B_N, 1)

# --- scband reference (transcript-rebuilt; emitter-appended) ---
"""Pipeline reference for scband-fast-text-model-42202348651234 (READ-ONLY COPY).

The authoritative reference and input builder live on the scoring server;
editing this copy changes nothing except your own understanding.
"""

import jax, jax.numpy as jnp
import numpy as np

VOCAB = 1000000
D = 32
B = 16384
L = 200

def setup_inputs(seed: int = 0) -> dict:
    key = jax.random.key(seed)
    k1, k2, k3, k4 = jax.random.split(key, 4)
    x_in = jax.random.randint(k1, (B, L), 0, VOCAB, dtype=jnp.int64 if jax.config.jax_enable_x64 else jnp.int32)
    table = jax.random.normal(k2, (VOCAB, D), dtype=jnp.float32)
    # zero out unk_index=0 and pad_index=1 rows, matching the torch __init__
    table = table.at[0].set(0.0).at[1].set(0.0)
    W = jax.random.normal(k3, (D, 1), dtype=jnp.float32) * 0.05
    b = jax.random.normal(k4, (1,), dtype=jnp.float32) * 0.05
    return {"x_in": x_in, "table": table, "W": W, "b": b}

def reference(x_in, table, W, b):
    # embedding gather -> [B, L, D]
    e = jnp.take(table, x_in, axis=0)
    # bigram sums of adjacent token embeddings -> [B, L-1, D]
    n = e[:, :-1] + e[:, 1:]
    # concat along sequence dim -> [B, 2L-1, D]
    y = jnp.concatenate([e, n], axis=1)
    # mean pool over sequence -> [B, D]
    y = jnp.mean(y, axis=1)
    # linear head -> [B, 1]
    y_out = y @ W + b
    return y_out

if __name__ == "__main__":
    import jax
    _d = setup_inputs()
    print(jax.jit(kernel)(*tuple(_d.values())))

</pallas_src>

<mosaic_0001>
#map = affine_map<(d0, d1) -> (0, 0)>
#map1 = affine_map<(d0, d1) -> (0)>
module attributes {stable_mosaic.version = 14 : i64} {
  func.func @_pool_kernel(%arg0: i32, %arg1: i32, %arg2: memref<200x16384xi32, #tpu.memory_space<hbm>>, %arg3: memref<1048576xf32, #tpu.memory_space<hbm>>, %arg4: memref<16xf32, #tpu.memory_space<hbm>>, %arg5: memref<16384xf32, #tpu.memory_space<hbm>>, %arg6: memref<96x128xi32, #tpu.memory_space<vmem>>, %arg7: memref<104x128xi32, #tpu.memory_space<vmem>>, %arg8: memref<12288xf32, #tpu.memory_space<vmem>>, %arg9: memref<13312xf32, #tpu.memory_space<vmem>>, %arg10: memref<128xf32, #tpu.memory_space<vmem>>, %arg11: memref<16xf32, #tpu.memory_space<vmem>>, %arg12: memref<1048576xf32, #tpu.memory_space<vmem_shared>>, %arg13: memref<!tpu.dma_semaphore, #tpu.memory_space<semaphore_mem>>, %arg14: memref<!tpu.dma_semaphore, #tpu.memory_space<semaphore_mem>>, %arg15: memref<!tpu.dma_semaphore, #tpu.memory_space<semaphore_mem>>) attributes {dimension_semantics = [#tpu.dimension_semantics<core_parallel>, #tpu.dimension_semantics<subcore_parallel>], iteration_bounds = array<i64: 2, 16>, scalar_prefetch = 0 : i64, scratch_operands = 10 : i64, tpu.core_type = #tpu.core_type<sc_vector_subcore>, window_params = [{transform_indices = #map}, {transform_indices = #map1}, {transform_indices = #map1}, {transform_indices = #map1}]} {
    %mul3A = arith.constant 2 : i32
    %mul3A_0 = arith.muli %arg1, %mul3A : i32
    %add3A = arith.addi %mul3A_0, %arg0 : i32
    "tpu.region"() ({
      %run_scoped3A = tpu.sem_alloc : memref<!tpu.dma_semaphore, #tpu.memory_space<semaphore_mem>>
      tpu.enqueue_dma source(%arg4 : memref<16xf32, #tpu.memory_space<hbm>>) target(%arg11 : memref<16xf32, #tpu.memory_space<vmem>>) target_semaphore(%run_scoped3A : memref<!tpu.dma_semaphore, #tpu.memory_space<semaphore_mem>>)
      tpu.wait_dma2 semaphore(%run_scoped3A : memref<!tpu.dma_semaphore, #tpu.memory_space<semaphore_mem>>) src(%arg4 : memref<16xf32, #tpu.memory_space<hbm>>) dst(%arg11 : memref<16xf32, #tpu.memory_space<vmem>>)
      tpu.yield
    }) : () -> ()
    %get3A = arith.constant 0 : index
    %get3A_1 = tpu.vector_load %arg11[%get3A] {strides = array<i32>} : memref<16xf32, #tpu.memory_space<vmem>>, vector<16xf32>,
    %get3A_2 = vector.shape_cast %get3A_1 : vector<16xf32> to vector<16xf32>
    %mul3A_3 = arith.constant 4 : i32
    %mul3A_4 = arith.muli %add3A, %mul3A_3 : i32
    %add3A_5 = arith.constant 0 : i32
    %add3A_6 = arith.addi %mul3A_4, %add3A_5 : i32
    %mul3A_7 = arith.constant 128 : i32
    %mul3A_8 = arith.muli %add3A_6, %mul3A_7 : i32
    %dma_start3A = arith.constant 0 : i32
    %dma_start3A_9 = tpu.memref_slice %arg2[%dma_start3A, %mul3A_8] : memref<200x16384xi32, #tpu.memory_space<hbm>> -> memref<96x128xi32, #tpu.memory_space<hbm>>
    %dma_start3A_10 = arith.constant 0 : i32
    %dma_start3A_11 = tpu.memref_slice %arg2[%dma_start3A_10, %mul3A_8] : memref<200x16384xi32, #tpu.memory_space<hbm>> -> memref<96x128xi32, #tpu.memory_space<hbm>>
    tpu.enqueue_dma source(%dma_start3A_11 : memref<96x128xi32, #tpu.memory_space<hbm>>) target(%arg6 : memref<96x128xi32, #tpu.memory_space<vmem>>) target_semaphore(%arg15 : memref<!tpu.dma_semaphore, #tpu.memory_space<semaphore_mem>>)
    %dma_start3A_12 = arith.constant 96 : i32
    %dma_start3A_13 = tpu.memref_slice %arg2[%dma_start3A_12, %mul3A_8] : memref<200x16384xi32, #tpu.memory_space<hbm>> -> memref<104x128xi32, #tpu.memory_space<hbm>>
    %dma_start3A_14 = arith.constant 96 : i32
    %dma_start3A_15 = tpu.memref_slice %arg2[%dma_start3A_14, %mul3A_8] : memref<200x16384xi32, #tpu.memory_space<hbm>> -> memref<104x128xi32, #tpu.memory_space<hbm>>
    tpu.enqueue_dma source(%dma_start3A_15 : memref<104x128xi32, #tpu.memory_space<hbm>>) target(%arg7 : memref<104x128xi32, #tpu.memory_space<vmem>>) target_semaphore(%arg15 : memref<!tpu.dma_semaphore, #tpu.memory_space<semaphore_mem>>)
    %mul3A_16 = arith.constant 65536 : i32
    %mul3A_17 = arith.muli %arg1, %mul3A_16 : i32
    %mul3A_18 = arith.constant 65536 : i32
    %mul3A_19 = arith.muli %arg1, %mul3A_18 : i32
    "tpu.region"() ({
      %run_scoped3A = tpu.sem_alloc : memref<!tpu.dma_semaphore, #tpu.memory_space<semaphore_mem>>
      %dma_start3A_1281 = tpu.memref_slice %arg12[%mul3A_19] : memref<1048576xf32, #tpu.memory_space<vmem_shared>> -> memref<65536xf32, #tpu.memory_space<vmem_shared>>
      %dma_start3A_1282 = tpu.memref_slice %arg3[%mul3A_17] : memref<1048576xf32, #tpu.memory_space<hbm>> -> memref<65536xf32, #tpu.memory_space<hbm>>
      tpu.enqueue_dma source(%dma_start3A_1282 : memref<65536xf32, #tpu.memory_space<hbm>>) target(%dma_start3A_1281 : memref<65536xf32, #tpu.memory_space<vmem_shared>>) target_semaphore(%run_scoped3A : memref<!tpu.dma_semaphore, #tpu.memory_space<semaphore_mem>>)
      %dma_wait3A_1283 = tpu.memref_slice %arg12[%mul3A_19] : memref<1048576xf32, #tpu.memory_space<vmem_shared>> -> memref<65536xf32, #tpu.memory_space<vmem_shared>>
      %dma_wait3A_1284 = tpu.memref_slice %arg3[%mul3A_17] : memref<1048576xf32, #tpu.memory_space<hbm>> -> memref<65536xf32, #tpu.memory_space<hbm>>
      tpu.wait_dma2 semaphore(%run_scoped3A : memref<!tpu.dma_semaphore, #tpu.memory_space<semaphore_mem>>) src(%dma_wait3A_1284 : memref<65536xf32, #tpu.memory_space<hbm>>) dst(%dma_wait3A_1283 : memref<65536xf32, #tpu.memory_space<vmem_shared>>)
      tpu.yield
    }) : () -> ()
    %barrier3A = arith.constant 0 : index
    tpu.barrier barrier_id(%barrier3A)
    %dma_wait3A = arith.constant 0 : i32
    %dma_wait3A_20 = tpu.memref_slice %arg2[%dma_wait3A, %mul3A_8] : memref<200x16384xi32, #tpu.memory_space<hbm>> -> memref<96x128xi32, #tpu.memory_space<hbm>>
    %dma_wait3A_21 = arith.constant 0 : i32
    %dma_wait3A_22 = tpu.memref_slice %arg2[%dma_wait3A_21, %mul3A_8] : memref<200x16384xi32, #tpu.memory_space<hbm>> -> memref<96x128xi32, #tpu.memory_space<hbm>>
    tpu.wait_dma2 semaphore(%arg15 : memref<!tpu.dma_semaphore, #tpu.memory_space<semaphore_mem>>) src(%dma_wait3A_22 : memref<96x128xi32, #tpu.memory_space<hbm>>) dst(%arg6 : memref<96x128xi32, #tpu.memory_space<vmem>>)
    %dma_start3A_23 = arith.constant 0 : i32
    %dma_start3A_24 = tpu.memref_reshape %arg6 : memref<96x128xi32, #tpu.memory_space<vmem>> -> memref<1x12288xi32, #tpu.memory_space<vmem>>
    %dma_start3A_25 = arith.constant 0 : i32
    %dma_start3A_26 = tpu.memref_slice %dma_start3A_24[%dma_start3A_23, %dma_start3A_25] : memref<1x12288xi32, #tpu.memory_space<vmem>> -> memref<1x12288xi32, #tpu.memory_space<vmem>>
    %dma_start3A_27 = tpu.memref_squeeze %dma_start3A_26 : memref<1x12288xi32, #tpu.memory_space<vmem>> -> memref<12288xi32, #tpu.memory_space<vmem>>
    %dma_start3A_28 = arith.constant 0 : i32
    %dma_start3A_29 = tpu.memref_slice %arg12[%dma_start3A_28] : memref<1048576xf32, #tpu.memory_space<vmem_shared>> -> memref<1048576xf32, #tpu.memory_space<vmem_shared>>
    tpu.enqueue_indirect_dma source(%dma_start3A_29 : memref<1048576xf32, #tpu.memory_space<vmem_shared>>) target(%arg8 : memref<12288xf32, #tpu.memory_space<vmem>>) offsets(%dma_start3A_27 : memref<12288xi32, #tpu.memory_space<vmem>>) semaphore(%arg13 : memref<!tpu.dma_semaphore, #tpu.memory_space<semaphore_mem>>)
    %dma_wait3A_30 = arith.constant 96 : i32
    %dma_wait3A_31 = tpu.memref_slice %arg2[%dma_wait3A_30, %mul3A_8] : memref<200x16384xi32, #tpu.memory_space<hbm>> -> memref<104x128xi32, #tpu.memory_space<hbm>>
    %dma_wait3A_32 = arith.constant 96 : i32
    %dma_wait3A_33 = tpu.memref_slice %arg2[%dma_wait3A_32, %mul3A_8] : memref<200x16384xi32, #tpu.memory_space<hbm>> -> memref<104x128xi32, #tpu.memory_space<hbm>>
    tpu.wait_dma2 semaphore(%arg15 : memref<!tpu.dma_semaphore, #tpu.memory_space<semaphore_mem>>) src(%dma_wait3A_33 : memref<104x128xi32, #tpu.memory_space<hbm>>) dst(%arg7 : memref<104x128xi32, #tpu.memory_space<vmem>>)
    %dma_start3A_34 = arith.constant 0 : i32
    %dma_start3A_35 = tpu.memref_reshape %arg7 : memref<104x128xi32, #tpu.memory_space<vmem>> -> memref<1x13312xi32, #tpu.memory_space<vmem>>
    %dma_start3A_36 = arith.constant 0 : i32
    %dma_start3A_37 = tpu.memref_slice %dma_start3A_35[%dma_start3A_34, %dma_start3A_36] : memref<1x13312xi32, #tpu.memory_space<vmem>> -> memref<1x13312xi32, #tpu.memory_space<vmem>>
    %dma_start3A_38 = tpu.memref_squeeze %dma_start3A_37 : memref<1x13312xi32, #tpu.memory_space<vmem>> -> memref<13312xi32, #tpu.memory_space<vmem>>
    %dma_start3A_39 = arith.constant 0 : i32
    %dma_start3A_40 = tpu.memref_slice %arg12[%dma_start3A_39] : memref<1048576xf32, #tpu.memory_space<vmem_shared>> -> memref<1048576xf32, #tpu.memory_space<vmem_shared>>
    tpu.enqueue_indirect_dma source(%dma_start3A_40 : memref<1048576xf32, #tpu.memory_space<vmem_shared>>) target(%arg9 : memref<13312xf32, #tpu.memory_space<vmem>>) offsets(%dma_start3A_38 : memref<13312xi32, #tpu.memory_space<vmem>>) semaphore(%arg14 : memref<!tpu.dma_semaphore, #tpu.memory_space<semaphore_mem>>)
    %dma_wait3A_41 = arith.constant 0 : i32
    %dma_wait3A_42 = tpu.memref_reshape %arg6 : memref<96x128xi32, #tpu.memory_space<vmem>> -> memref<1x12288xi32, #tpu.memory_space<vmem>>
    %dma_wait3A_43 = arith.constant 0 : i32
    %dma_wait3A_44 = tpu.memref_slice %dma_wait3A_42[%dma_wait3A_41, %dma_wait3A_43] : memref<1x12288xi32, #tpu.memory_space<vmem>> -> memref<1x12288xi32, #tpu.memory_space<vmem>>
    %dma_wait3A_45 = tpu.memref_squeeze %dma_wait3A_44 : memref<1x12288xi32, #tpu.memory_space<vmem>> -> memref<12288xi32, #tpu.memory_space<vmem>>
    %dma_wait3A_46 = arith.constant 0 : i32
    %dma_wait3A_47 = tpu.memref_slice %arg12[%dma_wait3A_46] : memref<1048576xf32, #tpu.memory_space<vmem_shared>> -> memref<1048576xf32, #tpu.memory_space<vmem_shared>>
    tpu.wait_indirect_dma semaphore(%arg13 : memref<!tpu.dma_semaphore, #tpu.memory_space<semaphore_mem>>) src(%dma_wait3A_47 : memref<1048576xf32, #tpu.memory_space<vmem_shared>>) dst(%arg8 : memref<12288xf32, #tpu.memory_space<vmem>>)
    %dma_wait3A_48 = arith.constant 0 : i32
    %dma_wait3A_49 = tpu.memref_reshape %arg7 : memref<104x128xi32, #tpu.memory_space<vmem>> -> memref<1x13312xi32, #tpu.memory_space<vmem>>
    %dma_wait3A_50 = arith.constant 0 : i32
    %dma_wait3A_51 = tpu.memref_slice %dma_wait3A_49[%dma_wait3A_48, %dma_wait3A_50] : memref<1x13312xi32, #tpu.memory_space<vmem>> -> memref<1x13312xi32, #tpu.memory_space<vmem>>
    %dma_wait3A_52 = tpu.memref_squeeze %dma_wait3A_51 : memref<1x13312xi32, #tpu.memory_space<vmem>> -> memref<13312xi32, #tpu.memory_space<vmem>>
    %dma_wait3A_53 = arith.constant 0 : i32
    %dma_wait3A_54 = tpu.memref_slice %arg12[%dma_wait3A_53] : memref<1048576xf32, #tpu.memory_space<vmem_shared>> -> memref<1048576xf32, #tpu.memory_space<vmem_shared>>
    tpu.wait_indirect_dma semaphore(%arg14 : memref<!tpu.dma_semaphore, #tpu.memory_space<semaphore_mem>>) src(%dma_wait3A_54 : memref<1048576xf32, #tpu.memory_space<vmem_shared>>) dst(%arg9 : memref<13312xf32, #tpu.memory_space<vmem>>)
    %mul3A_55 = arith.constant 4 : i32
    %mul3A_56 = arith.muli %add3A, %mul3A_55 : i32
    %add3A_57 = arith.constant 1 : i32
    %add3A_58 = arith.addi %mul3A_56, %add3A_57 : i32
    %mul3A_59 = arith.constant 128 : i32
    %mul3A_60 = arith.muli %add3A_58, %mul3A_59 : i32
    %dma_start3A_61 = arith.constant 0 : i32
    %dma_start3A_62 = tpu.memref_slice %arg2[%dma_start3A_61, %mul3A_60] : memref<200x16384xi32, #tpu.memory_space<hbm>> -> memref<96x128xi32, #tpu.memory_space<hbm>>
    %dma_start3A_63 = arith.constant 0 : i32
    %dma_start3A_64 = tpu.memref_slice %arg2[%dma_start3A_63, %mul3A_60] : memref<200x16384xi32, #tpu.memory_space<hbm>> -> memref<96x128xi32, #tpu.memory_space<hbm>>
    tpu.enqueue_dma source(%dma_start3A_64 : memref<96x128xi32, #tpu.memory_space<hbm>>) target(%arg6 : memref<96x128xi32, #tpu.memory_space<vmem>>) target_semaphore(%arg15 : memref<!tpu.dma_semaphore, #tpu.memory_space<semaphore_mem>>)
    %dma_start3A_65 = arith.constant 96 : i32
    %dma_start3A_66 = tpu.memref_slice %arg2[%dma_start3A_65, %mul3A_60] : memref<200x16384xi32, #tpu.memory_space<hbm>> -> memref<104x128xi32, #tpu.memory_space<hbm>>
    %dma_start3A_67 = arith.constant 96 : i32
    %dma_start3A_68 = tpu.memref_slice %arg2[%dma_start3A_67, %mul3A_60] : memref<200x16384xi32, #tpu.memory_space<hbm>> -> memref<104x128xi32, #tpu.memory_space<hbm>>
    tpu.enqueue_dma source(%dma_start3A_68 : memref<104x128xi32, #tpu.memory_space<hbm>>) target(%arg7 : memref<104x128xi32, #tpu.memory_space<vmem>>) target_semaphore(%arg15 : memref<!tpu.dma_semaphore, #tpu.memory_space<semaphore_mem>>)
    %broadcast_in_dim3A = arith.constant 0.000000e+00 : f32
    %broadcast_in_dim3A_69 = vector.broadcast %broadcast_in_dim3A : f32 to vector<16xf32>
    %scan3A = arith.constant 0 : i32
    %scan3A_70 = arith.constant 24 : i32
    %scan3A_71 = arith.addi %scan3A, %scan3A_70 : i32
    %scan3A_72 = arith.constant 1 : i32
    %scan3A_73 = scf.for %scan3A_1281 = %scan3A to %scan3A_71 step %scan3A_72 iter_args(%scan3A_1282 = %broadcast_in_dim3A_69) -> (vector<16xf32>)  : i32 {
      %mul3A_1283 = arith.constant 4 : i32
      %mul3A_1284 = arith.muli %scan3A_1281, %mul3A_1283 : i32
      %add3A_1285 = arith.constant 0 : i32
      %add3A_1286 = arith.addi %mul3A_1284, %add3A_1285 : i32
      %mul3A_1287 = arith.constant 128 : i32
      %mul3A_1288 = arith.muli %add3A_1286, %mul3A_1287 : i32
      %add3A_1289 = arith.constant 0 : i32
      %add3A_1290 = arith.addi %mul3A_1288, %add3A_1289 : i32
      %get3A_1291 = arith.index_cast %add3A_1290 : i32 to index
      %get3A_1292 = tpu.vector_load %arg8[%get3A_1291] {strides = array<i32>} : memref<12288xf32, #tpu.memory_space<vmem>>, vector<16xf32>,
      %get3A_1293 = vector.shape_cast %get3A_1292 : vector<16xf32> to vector<16xf32>
      %add3A_1294 = arith.addf %scan3A_1282, %get3A_1293 : vector<16xf32>
      %mul3A_1295 = arith.constant 4 : i32
      %mul3A_1296 = arith.muli %scan3A_1281, %mul3A_1295 : i32
      %add3A_1297 = arith.constant 1 : i32
      %add3A_1298 = arith.addi %mul3A_1296, %add3A_1297 : i32
      %mul3A_1299 = arith.constant 128 : i32
      %mul3A_1300 = arith.muli %add3A_1298, %mul3A_1299 : i32
      %add3A_1301 = arith.constant 0 : i32
      %add3A_1302 = arith.addi %mul3A_1300, %add3A_1301 : i32
      %get3A_1303 = arith.index_cast %add3A_1302 : i32 to index
      %get3A_1304 = tpu.vector_load %arg8[%get3A_1303] {strides = array<i32>} : memref<12288xf32, #tpu.memory_space<vmem>>, vector<16xf32>,
      %get3A_1305 = vector.shape_cast %get3A_1304 : vector<16xf32> to vector<16xf32>
      %add3A_1306 = arith.addf %add3A_1294, %get3A_1305 : vector<16xf32>
      %mul3A_1307 = arith.constant 4 : i32
      %mul3A_1308 = arith.muli %scan3A_1281, %mul3A_1307 : i32
      %add3A_1309 = arith.constant 2 : i32
      %add3A_1310 = arith.addi %mul3A_1308, %add3A_1309 : i32
      %mul3A_1311 = arith.constant 128 : i32
      %mul3A_1312 = arith.muli %add3A_1310, %mul3A_1311 : i32
      %add3A_1313 = arith.constant 0 : i32
      %add3A_1314 = arith.addi %mul3A_1312, %add3A_1313 : i32
      %get3A_1315 = arith.index_cast %add3A_1314 : i32 to index
      %get3A_1316 = tpu.vector_load %arg8[%get3A_1315] {strides = array<i32>} : memref<12288xf32, #tpu.memory_space<vmem>>, vector<16xf32>,
      %get3A_1317 = vector.shape_cast %get3A_1316 : vector<16xf32> to vector<16xf32>
      %add3A_1318 = arith.addf %add3A_1306, %get3A_1317 : vector<16xf32>
      %mul3A_1319 = arith.constant 4 : i32
      %mul3A_1320 = arith.muli %scan3A_1281, %mul3A_1319 : i32
      %add3A_1321 = arith.constant 3 : i32
      %add3A_1322 = arith.addi %mul3A_1320, %add3A_1321 : i32
      %mul3A_1323 = arith.constant 128 : i32
      %mul3A_1324 = arith.muli %add3A_1322, %mul3A_1323 : i32
      %add3A_1325 = arith.constant 0 : i32
      %add3A_1326 = arith.addi %mul3A_1324, %add3A_1325 : i32
      %get3A_1327 = arith.index_cast %add3A_1326 : i32 to index
      %get3A_1328 = tpu.vector_load %arg8[%get3A_1327] {strides = array<i32>} : memref<12288xf32, #tpu.memory_space<vmem>>, vector<16xf32>,
      %get3A_1329 = vector.shape_cast %get3A_1328 : vector<16xf32> to vector<16xf32>
      %add3A_1330 = arith.addf %add3A_1318, %get3A_1329 : vector<16xf32>
      scf.yield %add3A_1330 : vector<16xf32>
    }
    %scan3A_74 = arith.constant 24 : i32
    %scan3A_75 = arith.constant 0 : i32
    %scan3A_76 = arith.constant 26 : i32
    %scan3A_77 = arith.addi %scan3A_75, %scan3A_76 : i32
    %scan3A_78 = arith.constant 1 : i32
    %scan3A_79 = scf.for %scan3A_1281 = %scan3A_75 to %scan3A_77 step %scan3A_78 iter_args(%scan3A_1282 = %scan3A_73) -> (vector<16xf32>)  : i32 {
      %mul3A_1283 = arith.constant 4 : i32
      %mul3A_1284 = arith.muli %scan3A_1281, %mul3A_1283 : i32
      %add3A_1285 = arith.constant 0 : i32
      %add3A_1286 = arith.addi %mul3A_1284, %add3A_1285 : i32
      %mul3A_1287 = arith.constant 128 : i32
      %mul3A_1288 = arith.muli %add3A_1286, %mul3A_1287 : i32
      %add3A_1289 = arith.constant 0 : i32
      %add3A_1290 = arith.addi %mul3A_1288, %add3A_1289 : i32
      %get3A_1291 = arith.index_cast %add3A_1290 : i32 to index
      %get3A_1292 = tpu.vector_load %arg9[%get3A_1291] {strides = array<i32>} : memref<13312xf32, #tpu.memory_space<vmem>>, vector<16xf32>,
      %get3A_1293 = vector.shape_cast %get3A_1292 : vector<16xf32> to vector<16xf32>
      %add3A_1294 = arith.addf %scan3A_1282, %get3A_1293 : vector<16xf32>
      %mul3A_1295 = arith.constant 4 : i32
      %mul3A_1296 = arith.muli %scan3A_1281, %mul3A_1295 : i32
      %add3A_1297 = arith.constant 1 : i32
      %add3A_1298 = arith.addi %mul3A_1296, %add3A_1297 : i32
      %mul3A_1299 = arith.constant 128 : i32
      %mul3A_1300 = arith.muli %add3A_1298, %mul3A_1299 : i32
      %add3A_1301 = arith.constant 0 : i32
      %add3A_1302 = arith.addi %mul3A_1300, %add3A_1301 : i32
      %get3A_1303 = arith.index_cast %add3A_1302 : i32 to index
      %get3A_1304 = tpu.vector_load %arg9[%get3A_1303] {strides = array<i32>} : memref<13312xf32, #tpu.memory_space<vmem>>, vector<16xf32>,
      %get3A_1305 = vector.shape_cast %get3A_1304 : vector<16xf32> to vector<16xf32>
      %add3A_1306 = arith.addf %add3A_1294, %get3A_1305 : vector<16xf32>
      %mul3A_1307 = arith.constant 4 : i32
      %mul3A_1308 = arith.muli %scan3A_1281, %mul3A_1307 : i32
      %add3A_1309 = arith.constant 2 : i32
      %add3A_1310 = arith.addi %mul3A_1308, %add3A_1309 : i32
      %mul3A_1311 = arith.constant 128 : i32
      %mul3A_1312 = arith.muli %add3A_1310, %mul3A_1311 : i32
      %add3A_1313 = arith.constant 0 : i32
      %add3A_1314 = arith.addi %mul3A_1312, %add3A_1313 : i32
      %get3A_1315 = arith.index_cast %add3A_1314 : i32 to index
      %get3A_1316 = tpu.vector_load %arg9[%get3A_1315] {strides = array<i32>} : memref<13312xf32, #tpu.memory_space<vmem>>, vector<16xf32>,
      %get3A_1317 = vector.shape_cast %get3A_1316 : vector<16xf32> to vector<16xf32>
      %add3A_1318 = arith.addf %add3A_1306, %get3A_1317 : vector<16xf32>
      %mul3A_1319 = arith.constant 4 : i32
      %mul3A_1320 = arith.muli %scan3A_1281, %mul3A_1319 : i32
      %add3A_1321 = arith.constant 3 : i32
      %add3A_1322 = arith.addi %mul3A_1320, %add3A_1321 : i32
      %mul3A_1323 = arith.constant 128 : i32
      %mul3A_1324 = arith.muli %add3A_1322, %mul3A_1323 : i32
      %add3A_1325 = arith.constant 0 : i32
      %add3A_1326 = arith.addi %mul3A_1324, %add3A_1325 : i32
      %get3A_1327 = arith.index_cast %add3A_1326 : i32 to index
      %get3A_1328 = tpu.vector_load %arg9[%get3A_1327] {strides = array<i32>} : memref<13312xf32, #tpu.memory_space<vmem>>, vector<16xf32>,
      %get3A_1329 = vector.shape_cast %get3A_1328 : vector<16xf32> to vector<16xf32>
      %add3A_1330 = arith.addf %add3A_1318, %get3A_1329 : vector<16xf32>
      scf.yield %add3A_1330 : vector<16xf32>
    }
    %scan3A_80 = arith.constant 26 : i32
    %get3A_81 = arith.constant 0 : index
    %get3A_82 = tpu.vector_load %arg8[%get3A_81] {strides = array<i32>} : memref<12288xf32, #tpu.memory_space<vmem>>, vector<16xf32>,
    %get3A_83 = vector.shape_cast %get3A_82 : vector<16xf32> to vector<16xf32>
    %get3A_84 = arith.constant 13184 : index
    %get3A_85 = tpu.vector_load %arg9[%get3A_84] {strides = array<i32>} : memref<13312xf32, #tpu.memory_space<vmem>>, vector<16xf32>,
    %get3A_86 = vector.shape_cast %get3A_85 : vector<16xf32> to vector<16xf32>
    %mul3A_87 = arith.constant 3.000000e+00 : f32
    %mul3A_88 = vector.broadcast %mul3A_87 : f32 to vector<16xf32>
    %mul3A_89 = arith.mulf %mul3A_88, %scan3A_79 : vector<16xf32>
    %sub3A = arith.subf %mul3A_89, %get3A_83 : vector<16xf32>
    %sub3A_90 = arith.subf %sub3A, %get3A_86 : vector<16xf32>
    %mul3A_91 = arith.constant 0.00250626565 : f32
    %mul3A_92 = vector.broadcast %mul3A_91 : f32 to vector<16xf32>
    %mul3A_93 = arith.mulf %sub3A_90, %mul3A_92 : vector<16xf32>
    %add3A_94 = arith.addf %mul3A_93, %get3A_2 : vector<16xf32>
    %swap3A = arith.constant 0 : index
    %swap3A_95 = tpu.vector_load %arg10[%swap3A] {strides = array<i32>} : memref<128xf32, #tpu.memory_space<vmem>>, vector<16xf32>,
    %swap3A_96 = vector.shape_cast %swap3A_95 : vector<16xf32> to vector<16xf32>
    %swap3A_97 = vector.shape_cast %add3A_94 : vector<16xf32> to vector<16xf32>
    tpu.vector_store %arg10[%swap3A], %swap3A_97 {strides = array<i32>} : memref<128xf32, #tpu.memory_space<vmem>>, vector<16xf32>,
    %broadcast_in_dim3A_98 = arith.constant 0.000000e+00 : f32
    %broadcast_in_dim3A_99 = vector.broadcast %broadcast_in_dim3A_98 : f32 to vector<16xf32>
    %scan3A_100 = arith.constant 0 : i32
    %scan3A_101 = arith.constant 24 : i32
    %scan3A_102 = arith.addi %scan3A_100, %scan3A_101 : i32
    %scan3A_103 = arith.constant 1 : i32
    %scan3A_104 = scf.for %scan3A_1281 = %scan3A_100 to %scan3A_102 step %scan3A_103 iter_args(%scan3A_1282 = %broadcast_in_dim3A_99) -> (vector<16xf32>)  : i32 {
      %mul3A_1283 = arith.constant 4 : i32
      %mul3A_1284 = arith.muli %scan3A_1281, %mul3A_1283 : i32
      %add3A_1285 = arith.constant 0 : i32
      %add3A_1286 = arith.addi %mul3A_1284, %add3A_1285 : i32
      %mul3A_1287 = arith.constant 128 : i32
      %mul3A_1288 = arith.muli %add3A_1286, %mul3A_1287 : i32
      %add3A_1289 = arith.constant 16 : i32
      %add3A_1290 = arith.addi %mul3A_1288, %add3A_1289 : i32
      %get3A_1291 = arith.index_cast %add3A_1290 : i32 to index
      %get3A_1292 = tpu.vector_load %arg8[%get3A_1291] {strides = array<i32>} : memref<12288xf32, #tpu.memory_space<vmem>>, vector<16xf32>,
      %get3A_1293 = vector.shape_cast %get3A_1292 : vector<16xf32> to vector<16xf32>
      %add3A_1294 = arith.addf %scan3A_1282, %get3A_1293 : vector<16xf32>
      %mul3A_1295 = arith.constant 4 : i32
      %mul3A_1296 = arith.muli %scan3A_1281, %mul3A_1295 : i32
      %add3A_1297 = arith.constant 1 : i32
      %add3A_1298 = arith.addi %mul3A_1296, %add3A_1297 : i32
      %mul3A_1299 = arith.constant 128 : i32
      %mul3A_1300 = arith.muli %add3A_1298, %mul3A_1299 : i32
      %add3A_1301 = arith.constant 16 : i32
      %add3A_1302 = arith.addi %mul3A_1300, %add3A_1301 : i32
      %get3A_1303 = arith.index_cast %add3A_1302 : i32 to index
      %get3A_1304 = tpu.vector_load %arg8[%get3A_1303] {strides = array<i32>} : memref<12288xf32, #tpu.memory_space<vmem>>, vector<16xf32>,
      %get3A_1305 = vector.shape_cast %get3A_1304 : vector<16xf32> to vector<16xf32>
      %add3A_1306 = arith.addf %add3A_1294, %get3A_1305 : vector<16xf32>
      %mul3A_1307 = arith.constant 4 : i32
      %mul3A_1308 = arith.muli %scan3A_1281, %mul3A_1307 : i32
      %add3A_1309 = arith.constant 2 : i32
      %add3A_1310 = arith.addi %mul3A_1308, %add3A_1309 : i32
      %mul3A_1311 = arith.constant 128 : i32
      %mul3A_1312 = arith.muli %add3A_1310, %mul3A_1311 : i32
      %add3A_1313 = arith.constant 16 : i32
      %add3A_1314 = arith.addi %mul3A_1312, %add3A_1313 : i32
      %get3A_1315 = arith.index_cast %add3A_1314 : i32 to index
      %get3A_1316 = tpu.vector_load %arg8[%get3A_1315] {strides = array<i32>} : memref<12288xf32, #tpu.memory_space<vmem>>, vector<16xf32>,
      %get3A_1317 = vector.shape_cast %get3A_1316 : vector<16xf32> to vector<16xf32>
      %add3A_1318 = arith.addf %add3A_1306, %get3A_1317 : vector<16xf32>
      %mul3A_1319 = arith.constant 4 : i32
      %mul3A_1320 = arith.muli %scan3A_1281, %mul3A_1319 : i32
      %add3A_1321 = arith.constant 3 : i32
      %add3A_1322 = arith.addi %mul3A_1320, %add3A_1321 : i32
      %mul3A_1323 = arith.constant 128 : i32
      %mul3A_1324 = arith.muli %add3A_1322, %mul3A_1323 : i32
      %add3A_1325 = arith.constant 16 : i32
      %add3A_1326 = arith.addi %mul3A_1324, %add3A_1325 : i32
      %get3A_1327 = arith.index_cast %add3A_1326 : i32 to index
      %get3A_1328 = tpu.vector_load %arg8[%get3A_1327] {strides = array<i32>} : memref<12288xf32, #tpu.memory_space<vmem>>, vector<16xf32>,
      %get3A_1329 = vector.shape_cast %get3A_1328 : vector<16xf32> to vector<16xf32>
      %add3A_1330 = arith.addf %add3A_1318, %get3A_1329 : vector<16xf32>
      scf.yield %add3A_1330 : vector<16xf32>
    }
    %scan3A_105 = arith.constant 24 : i32
    %scan3A_106 = arith.constant 0 : i32
    %scan3A_107 = arith.constant 26 : i32
    %scan3A_108 = arith.addi %scan3A_106, %scan3A_107 : i32
    %scan3A_109 = arith.constant 1 : i32
    %scan3A_110 = scf.for %scan3A_1281 = %scan3A_106 to %scan3A_108 step %scan3A_109 iter_args(%scan3A_1282 = %scan3A_104) -> (vector<16xf32>)  : i32 {
      %mul3A_1283 = arith.constant 4 : i32
      %mul3A_1284 = arith.muli %scan3A_1281, %mul3A_1283 : i32
      %add3A_1285 = arith.constant 0 : i32
      %add3A_1286 = arith.addi %mul3A_1284, %add3A_1285 : i32
      %mul3A_1287 = arith.constant 128 : i32
      %mul3A_1288 = arith.muli %add3A_1286, %mul3A_1287 : i32
      %add3A_1289 = arith.constant 16 : i32
      %add3A_1290 = arith.addi %mul3A_1288, %add3A_1289 : i32
      %get3A_1291 = arith.index_cast %add3A_1290 : i32 to index
      %get3A_1292 = tpu.vector_load %arg9[%get3A_1291] {strides = array<i32>} : memref<13312xf32, #tpu.memory_space<vmem>>, vector<16xf32>,
      %get3A_1293 = vector.shape_cast %get3A_1292 : vector<16xf32> to vector<16xf32>
      %add3A_1294 = arith.addf %scan3A_1282, %get3A_1293 : vector<16xf32>
      %mul3A_1295 = arith.constant 4 : i32
      %mul3A_1296 = arith.muli %scan3A_1281, %mul3A_1295 : i32
      %add3A_1297 = arith.constant 1 : i32
      %add3A_1298 = arith.addi %mul3A_1296, %add3A_1297 : i32
      %mul3A_1299 = arith.constant 128 : i32
      %mul3A_1300 = arith.muli %add3A_1298, %mul3A_1299 : i32
      %add3A_1301 = arith.constant 16 : i32
      %add3A_1302 = arith.addi %mul3A_1300, %add3A_1301 : i32
      %get3A_1303 = arith.index_cast %add3A_1302 : i32 to index
      %get3A_1304 = tpu.vector_load %arg9[%get3A_1303] {strides = array<i32>} : memref<13312xf32, #tpu.memory_space<vmem>>, vector<16xf32>,
      %get3A_1305 = vector.shape_cast %get3A_1304 : vector<16xf32> to vector<16xf32>
      %add3A_1306 = arith.addf %add3A_1294, %get3A_1305 : vector<16xf32>
      %mul3A_1307 = arith.constant 4 : i32
      %mul3A_1308 = arith.muli %scan3A_1281, %mul3A_1307 : i32
      %add3A_1309 = arith.constant 2 : i32
      %add3A_1310 = arith.addi %mul3A_1308, %add3A_1309 : i32
      %mul3A_1311 = arith.constant 128 : i32
      %mul3A_1312 = arith.muli %add3A_1310, %mul3A_1311 : i32
      %add3A_1313 = arith.constant 16 : i32
      %add3A_1314 = arith.addi %mul3A_1312, %add3A_1313 : i32
      %get3A_1315 = arith.index_cast %add3A_1314 : i32 to index
      %get3A_1316 = tpu.vector_load %arg9[%get3A_1315] {strides = array<i32>} : memref<13312xf32, #tpu.memory_space<vmem>>, vector<16xf32>,
      %get3A_1317 = vector.shape_cast %get3A_1316 : vector<16xf32> to vector<16xf32>
      %add3A_1318 = arith.addf %add3A_1306, %get3A_1317 : vector<16xf32>
      %mul3A_1319 = arith.constant 4 : i32
      %mul3A_1320 = arith.muli %scan3A_1281, %mul3A_1319 : i32
      %add3A_1321 = arith.constant 3 : i32
      %add3A_1322 = arith.addi %mul3A_1320, %add3A_1321 : i32
      %mul3A_1323 = arith.constant 128 : i32
      %mul3A_1324 = arith.muli %add3A_1322, %mul3A_1323 : i32
      %add3A_1325 = arith.constant 16 : i32
      %add3A_1326 = arith.addi %mul3A_1324, %add3A_1325 : i32
      %get3A_1327 = arith.index_cast %add3A_1326 : i32 to index
      %get3A_1328 = tpu.vector_load %arg9[%get3A_1327] {strides = array<i32>} : memref<13312xf32, #tpu.memory_space<vmem>>, vector<16xf32>,
      %get3A_1329 = vector.shape_cast %get3A_1328 : vector<16xf32> to vector<16xf32>
      %add3A_1330 = arith.addf %add3A_1318, %get3A_1329 : vector<16xf32>
      scf.yield %add3A_1330 : vector<16xf32>
    }
    %scan3A_111 = arith.constant 26 : i32
    %get3A_112 = arith.constant 16 : index
    %get3A_113 = tpu.vector_load %arg8[%get3A_112] {strides = array<i32>} : memref<12288xf32, #tpu.memory_space<vmem>>, vector<16xf32>,
    %get3A_114 = vector.shape_cast %get3A_113 : vector<16xf32> to vector<16xf32>
    %get3A_115 = arith.constant 13200 : index
    %get3A_116 = tpu.vector_load %arg9[%get3A_115] {strides = array<i32>} : memref<13312xf32, #tpu.memory_space<vmem>>, vector<16xf32>,
    %get3A_117 = vector.shape_cast %get3A_116 : vector<16xf32> to vector<16xf32>
    %mul3A_118 = arith.constant 3.000000e+00 : f32
    %mul3A_119 = vector.broadcast %mul3A_118 : f32 to vector<16xf32>
    %mul3A_120 = arith.mulf %mul3A_119, %scan3A_110 : vector<16xf32>
    %sub3A_121 = arith.subf %mul3A_120, %get3A_114 : vector<16xf32>
    %sub3A_122 = arith.subf %sub3A_121, %get3A_117 : vector<16xf32>
    %mul3A_123 = arith.constant 0.00250626565 : f32
    %mul3A_124 = vector.broadcast %mul3A_123 : f32 to vector<16xf32>
    %mul3A_125 = arith.mulf %sub3A_122, %mul3A_124 : vector<16xf32>
    %add3A_126 = arith.addf %mul3A_125, %get3A_2 : vector<16xf32>
    %swap3A_127 = arith.constant 16 : index
    %swap3A_128 = tpu.vector_load %arg10[%swap3A_127] {strides = array<i32>} : memref<128xf32, #tpu.memory_space<vmem>>, vector<16xf32>,
    %swap3A_129 = vector.shape_cast %swap3A_128 : vector<16xf32> to vector<16xf32>
    %swap3A_130 = vector.shape_cast %add3A_126 : vector<16xf32> to vector<16xf32>
    tpu.vector_store %arg10[%swap3A_127], %swap3A_130 {strides = array<i32>} : memref<128xf32, #tpu.memory_space<vmem>>, vector<16xf32>,
    %broadcast_in_dim3A_131 = arith.constant 0.000000e+00 : f32
    %broadcast_in_dim3A_132 = vector.broadcast %broadcast_in_dim3A_131 : f32 to vector<16xf32>
    %scan3A_133 = arith.constant 0 : i32
    %scan3A_134 = arith.constant 24 : i32
    %scan3A_135 = arith.addi %scan3A_133, %scan3A_134 : i32
    %scan3A_136 = arith.constant 1 : i32
    %scan3A_137 = scf.for %scan3A_1281 = %scan3A_133 to %scan3A_135 step %scan3A_136 iter_args(%scan3A_1282 = %broadcast_in_dim3A_132) -> (vector<16xf32>)  : i32 {
      %mul3A_1283 = arith.constant 4 : i32
      %mul3A_1284 = arith.muli %scan3A_1281, %mul3A_1283 : i32
      %add3A_1285 = arith.constant 0 : i32
      %add3A_1286 = arith.addi %mul3A_1284, %add3A_1285 : i32
      %mul3A_1287 = arith.constant 128 : i32
      %mul3A_1288 = arith.muli %add3A_1286, %mul3A_1287 : i32
      %add3A_1289 = arith.constant 32 : i32
      %add3A_1290 = arith.addi %mul3A_1288, %add3A_1289 : i32
      %get3A_1291 = arith.index_cast %add3A_1290 : i32 to index
      %get3A_1292 = tpu.vector_load %arg8[%get3A_1291] {strides = array<i32>} : memref<12288xf32, #tpu.memory_space<vmem>>, vector<16xf32>,
      %get3A_1293 = vector.shape_cast %get3A_1292 : vector<16xf32> to vector<16xf32>
      %add3A_1294 = arith.addf %scan3A_1282, %get3A_1293 : vector<16xf32>
      %mul3A_1295 = arith.constant 4 : i32
      %mul3A_1296 = arith.muli %scan3A_1281, %mul3A_1295 : i32
      %add3A_1297 = arith.constant 1 : i32
      %add3A_1298 = arith.addi %mul3A_1296, %add3A_1297 : i32
      %mul3A_1299 = arith.constant 128 : i32
      %mul3A_1300 = arith.muli %add3A_1298, %mul3A_1299 : i32
      %add3A_1301 = arith.constant 32 : i32
      %add3A_1302 = arith.addi %mul3A_1300, %add3A_1301 : i32
      %get3A_1303 = arith.index_cast %add3A_1302 : i32 to index
      %get3A_1304 = tpu.vector_load %arg8[%get3A_1303] {strides = array<i32>} : memref<12288xf32, #tpu.memory_space<vmem>>, vector<16xf32>,
      %get3A_1305 = vector.shape_cast %get3A_1304 : vector<16xf32> to vector<16xf32>
      %add3A_1306 = arith.addf %add3A_1294, %get3A_1305 : vector<16xf32>
      %mul3A_1307 = arith.constant 4 : i32
      %mul3A_1308 = arith.muli %scan3A_1281, %mul3A_1307 : i32
      %add3A_1309 = arith.constant 2 : i32
      %add3A_1310 = arith.addi %mul3A_1308, %add3A_1309 : i32
      %mul3A_1311 = arith.constant 128 : i32
      %mul3A_1312 = arith.muli %add3A_1310, %mul3A_1311 : i32
      %add3A_1313 = arith.constant 32 : i32
      %add3A_1314 = arith.addi %mul3A_1312, %add3A_1313 : i32
      %get3A_1315 = arith.index_cast %add3A_1314 : i32 to index
      %get3A_1316 = tpu.vector_load %arg8[%get3A_1315] {strides = array<i32>} : memref<12288xf32, #tpu.memory_space<vmem>>, vector<16xf32>,
      %get3A_1317 = vector.shape_cast %get3A_1316 : vector<16xf32> to vector<16xf32>
      %add3A_1318 = arith.addf %add3A_1306, %get3A_1317 : vector<16xf32>
      %mul3A_1319 = arith.constant 4 : i32
      %mul3A_1320 = arith.muli %scan3A_1281, %mul3A_1319 : i32
      %add3A_1321 = arith.constant 3 : i32
      %add3A_1322 = arith.addi %mul3A_1320, %add3A_1321 : i32
      %mul3A_1323 = arith.constant 128 : i32
      %mul3A_1324 = arith.muli %add3A_1322, %mul3A_1323 : i32
      %add3A_1325 = arith.constant 32 : i32
      %add3A_1326 = arith.addi %mul3A_1324, %add3A_1325 : i32
      %get3A_1327 = arith.index_cast %add3A_1326 : i32 to index
      %get3A_1328 = tpu.vector_load %arg8[%get3A_1327] {strides = array<i32>} : memref<12288xf32, #tpu.memory_space<vmem>>, vector<16xf32>,
      %get3A_1329 = vector.shape_cast %get3A_1328 : vector<16xf32> to vector<16xf32>
      %add3A_1330 = arith.addf %add3A_1318, %get3A_1329 : vector<16xf32>
      scf.yield %add3A_1330 : vector<16xf32>
    }
    %scan3A_138 = arith.constant 24 : i32
    %scan3A_139 = arith.constant 0 : i32
    %scan3A_140 = arith.constant 26 : i32
    %scan3A_141 = arith.addi %scan3A_139, %scan3A_140 : i32
    %scan3A_142 = arith.constant 1 : i32
    %scan3A_143 = scf.for %scan3A_1281 = %scan3A_139 to %scan3A_141 step %scan3A_142 iter_args(%scan3A_1282 = %scan3A_137) -> (vector<16xf32>)  : i32 {
      %mul3A_1283 = arith.constant 4 : i32
      %mul3A_1284 = arith.muli %scan3A_1281, %mul3A_1283 : i32
      %add3A_1285 = arith.constant 0 : i32
      %add3A_1286 = arith.addi %mul3A_1284, %add3A_1285 : i32
      %mul3A_1287 = arith.constant 128 : i32
      %mul3A_1288 = arith.muli %add3A_1286, %mul3A_1287 : i32
      %add3A_1289 = arith.constant 32 : i32
      %add3A_1290 = arith.addi %mul3A_1288, %add3A_1289 : i32
      %get3A_1291 = arith.index_cast %add3A_1290 : i32 to index
      %get3A_1292 = tpu.vector_load %arg9[%get3A_1291] {strides = array<i32>} : memref<13312xf32, #tpu.memory_space<vmem>>, vector<16xf32>,
      %get3A_1293 = vector.shape_cast %get3A_1292 : vector<16xf32> to vector<16xf32>
      %add3A_1294 = arith.addf %scan3A_1282, %get3A_1293 : vector<16xf32>
      %mul3A_1295 = arith.constant 4 : i32
      %mul3A_1296 = arith.muli %scan3A_1281, %mul3A_1295 : i32
      %add3A_1297 = arith.constant 1 : i32
      %add3A_1298 = arith.addi %mul3A_1296, %add3A_1297 : i32
      %mul3A_1299 = arith.constant 128 : i32
      %mul3A_1300 = arith.muli %add3A_1298, %mul3A_1299 : i32
      %add3A_1301 = arith.constant 32 : i32
      %add3A_1302 = arith.addi %mul3A_1300, %add3A_1301 : i32
      %get3A_1303 = arith.index_cast %add3A_1302 : i32 to index
      %get3A_1304 = tpu.vector_load %arg9[%get3A_1303] {strides = array<i32>} : memref<13312xf32, #tpu.memory_space<vmem>>, vector<16xf32>,
      %get3A_1305 = vector.shape_cast %get3A_1304 : vector<16xf32> to vector<16xf32>
      %add3A_1306 = arith.addf %add3A_1294, %get3A_1305 : vector<16xf32>
      %mul3A_1307 = arith.constant 4 : i32
      %mul3A_1308 = arith.muli %scan3A_1281, %mul3A_1307 : i32
      %add3A_1309 = arith.constant 2 : i32
      %add3A_1310 = arith.addi %mul3A_1308, %add3A_1309 : i32
      %mul3A_1311 = arith.constant 128 : i32
      %mul3A_1312 = arith.muli %add3A_1310, %mul3A_1311 : i32
      %add3A_1313 = arith.constant 32 : i32
      %add3A_1314 = arith.addi %mul3A_1312, %add3A_1313 : i32
      %get3A_1315 = arith.index_cast %add3A_1314 : i32 to index
      %get3A_1316 = tpu.vector_load %arg9[%get3A_1315] {strides = array<i32>} : memref<13312xf32, #tpu.memory_space<vmem>>, vector<16xf32>,
      %get3A_1317 = vector.shape_cast %get3A_1316 : vector<16xf32> to vector<16xf32>
      %add3A_1318 = arith.addf %add3A_1306, %get3A_1317 : vector<16xf32>
      %mul3A_1319 = arith.constant 4 : i32
      %mul3A_1320 = arith.muli %scan3A_1281, %mul3A_1319 : i32
      %add3A_1321 = arith.constant 3 : i32
      %add3A_1322 = arith.addi %mul3A_1320, %add3A_1321 : i32
      %mul3A_1323 = arith.constant 128 : i32
      %mul3A_1324 = arith.muli %add3A_1322, %mul3A_1323 : i32
      %add3A_1325 = arith.constant 32 : i32
      %add3A_1326 = arith.addi %mul3A_1324, %add3A_1325 : i32
      %get3A_1327 = arith.index_cast %add3A_1326 : i32 to index
      %get3A_1328 = tpu.vector_load %arg9[%get3A_1327] {strides = array<i32>} : memref<13312xf32, #tpu.memory_space<vmem>>, vector<16xf32>,
      %get3A_1329 = vector.shape_cast %get3A_1328 : vector<16xf32> to vector<16xf32>
      %add3A_1330 = arith.addf %add3A_1318, %get3A_1329 : vector<16xf32>
      scf.yield %add3A_1330 : vector<16xf32>
    }
    %scan3A_144 = arith.constant 26 : i32
    %get3A_145 = arith.constant 32 : index
    %get3A_146 = tpu.vector_load %arg8[%get3A_145] {strides = array<i32>} : memref<12288xf32, #tpu.memory_space<vmem>>, vector<16xf32>,
    %get3A_147 = vector.shape_cast %get3A_146 : vector<16xf32> to vector<16xf32>
    %get3A_148 = arith.constant 13216 : index
    %get3A_149 = tpu.vector_load %arg9[%get3A_148] {strides = array<i32>} : memref<13312xf32, #tpu.memory_space<vmem>>, vector<16xf32>,
    %get3A_150 = vector.shape_cast %get3A_149 : vector<16xf32> to vector<16xf32>
    %mul3A_151 = arith.constant 3.000000e+00 : f32
    %mul3A_152 = vector.broadcast %mul3A_151 : f32 to vector<16xf32>
    %mul3A_153 = arith.mulf %mul3A_152, %scan3A_143 : vector<16xf32>
    %sub3A_154 = arith.subf %mul3A_153, %get3A_147 : vector<16xf32>
    %sub3A_155 = arith.subf %sub3A_154, %get3A_150 : vector<16xf32>
    %mul3A_156 = arith.constant 0.00250626565 : f32
    %mul3A_157 = vector.broadcast %mul3A_156 : f32 to vector<16xf32>
    %mul3A_158 = arith.mulf %sub3A_155, %mul3A_157 : vector<16xf32>
    %add3A_159 = arith.addf %mul3A_158, %get3A_2 : vector<16xf32>
    %swap3A_160 = arith.constant 32 : index
    %swap3A_161 = tpu.vector_load %arg10[%swap3A_160] {strides = array<i32>} : memref<128xf32, #tpu.memory_space<vmem>>, vector<16xf32>,
    %swap3A_162 = vector.shape_cast %swap3A_161 : vector<16xf32> to vector<16xf32>
    %swap3A_163 = vector.shape_cast %add3A_159 : vector<16xf32> to vector<16xf32>
    tpu.vector_store %arg10[%swap3A_160], %swap3A_163 {strides = array<i32>} : memref<128xf32, #tpu.memory_space<vmem>>, vector<16xf32>,
    %broadcast_in_dim3A_164 = arith.constant 0.000000e+00 : f32
    %broadcast_in_dim3A_165 = vector.broadcast %broadcast_in_dim3A_164 : f32 to vector<16xf32>
    %scan3A_166 = arith.constant 0 : i32
    %scan3A_167 = arith.constant 24 : i32
    %scan3A_168 = arith.addi %scan3A_166, %scan3A_167 : i32
    %scan3A_169 = arith.constant 1 : i32
    %scan3A_170 = scf.for %scan3A_1281 = %scan3A_166 to %scan3A_168 step %scan3A_169 iter_args(%scan3A_1282 = %broadcast_in_dim3A_165) -> (vector<16xf32>)  : i32 {
      %mul3A_1283 = arith.constant 4 : i32
      %mul3A_1284 = arith.muli %scan3A_1281, %mul3A_1283 : i32
      %add3A_1285 = arith.constant 0 : i32
      %add3A_1286 = arith.addi %mul3A_1284, %add3A_1285 : i32
      %mul3A_1287 = arith.constant 128 : i32
      %mul3A_1288 = arith.muli %add3A_1286, %mul3A_1287 : i32
      %add3A_1289 = arith.constant 48 : i32
      %add3A_1290 = arith.addi %mul3A_1288, %add3A_1289 : i32
      %get3A_1291 = arith.index_cast %add3A_1290 : i32 to index
      %get3A_1292 = tpu.vector_load %arg8[%get3A_1291] {strides = array<i32>} : memref<12288xf32, #tpu.memory_space<vmem>>, vector<16xf32>,
      %get3A_1293 = vector.shape_cast %get3A_1292 : vector<16xf32> to vector<16xf32>
      %add3A_1294 = arith.addf %scan3A_1282, %get3A_1293 : vector<16xf32>
      %mul3A_1295 = arith.constant 4 : i32
      %mul3A_1296 = arith.muli %scan3A_1281, %mul3A_1295 : i32
      %add3A_1297 = arith.constant 1 : i32
      %add3A_1298 = arith.addi %mul3A_1296, %add3A_1297 : i32
      %mul3A_1299 = arith.constant 128 : i32
      %mul3A_1300 = arith.muli %add3A_1298, %mul3A_1299 : i32
      %add3A_1301 = arith.constant 48 : i32
      %add3A_1302 = arith.addi %mul3A_1300, %add3A_1301 : i32
      %get3A_1303 = arith.index_cast %add3A_1302 : i32 to index
      %get3A_1304 = tpu.vector_load %arg8[%get3A_1303] {strides = array<i32>} : memref<12288xf32, #tpu.memory_space<vmem>>, vector<16xf32>,
      %get3A_1305 = vector.shape_cast %get3A_1304 : vector<16xf32> to vector<16xf32>
      %add3A_1306 = arith.addf %add3A_1294, %get3A_1305 : vector<16xf32>
      %mul3A_1307 = arith.constant 4 : i32
      %mul3A_1308 = arith.muli %scan3A_1281, %mul3A_1307 : i32
      %add3A_1309 = arith.constant 2 : i32
      %add3A_1310 = arith.addi %mul3A_1308, %add3A_1309 : i32
      %mul3A_1311 = arith.constant 128 : i32
      %mul3A_1312 = arith.muli %add3A_1310, %mul3A_1311 : i32
      %add3A_1313 = arith.constant 48 : i32
      %add3A_1314 = arith.addi %mul3A_1312, %add3A_1313 : i32
      %get3A_1315 = arith.index_cast %add3A_1314 : i32 to index
      %get3A_1316 = tpu.vector_load %arg8[%get3A_1315] {strides = array<i32>} : memref<12288xf32, #tpu.memory_space<vmem>>, vector<16xf32>,
      %get3A_1317 = vector.shape_cast %get3A_1316 : vector<16xf32> to vector<16xf32>
      %add3A_1318 = arith.addf %add3A_1306, %get3A_1317 : vector<16xf32>
      %mul3A_1319 = arith.constant 4 : i32
      %mul3A_1320 = arith.muli %scan3A_1281, %mul3A_1319 : i32
      %add3A_1321 = arith.constant 3 : i32
      %add3A_1322 = arith.addi %mul3A_1320, %add3A_1321 : i32
      %mul3A_1323 = arith.constant 128 : i32
      %mul3A_1324 = arith.muli %add3A_1322, %mul3A_1323 : i32
      %add3A_1325 = arith.constant 48 : i32
      %add3A_1326 = arith.addi %mul3A_1324, %add3A_1325 : i32
      %get3A_1327 = arith.index_cast %add3A_1326 : i32 to index
      %get3A_1328 = tpu.vector_load %arg8[%get3A_1327] {strides = array<i32>} : memref<12288xf32, #tpu.memory_space<vmem>>, vector<16xf32>,
      %get3A_1329 = vector.shape_cast %get3A_1328 : vector<16xf32> to vector<16xf32>
      %add3A_1330 = arith.addf %add3A_1318, %get3A_1329 : vector<16xf32>
      scf.yield %add3A_1330 : vector<16xf32>
    }
    %scan3A_171 = arith.constant 24 : i32
    %scan3A_172 = arith.constant 0 : i32
    %scan3A_173 = arith.constant 26 : i32
    %scan3A_174 = arith.addi %scan3A_172, %scan3A_173 : i32
    %scan3A_175 = arith.constant 1 : i32
    %scan3A_176 = scf.for %scan3A_1281 = %scan3A_172 to %scan3A_174 step %scan3A_175 iter_args(%scan3A_1282 = %scan3A_170) -> (vector<16xf32>)  : i32 {
      %mul3A_1283 = arith.constant 4 : i32
      %mul3A_1284 = arith.muli %scan3A_1281, %mul3A_1283 : i32
      %add3A_1285 = arith.constant 0 : i32
      %add3A_1286 = arith.addi %mul3A_1284, %add3A_1285 : i32
      %mul3A_1287 = arith.constant 128 : i32
      %mul3A_1288 = arith.muli %add3A_1286, %mul3A_1287 : i32
      %add3A_1289 = arith.constant 48 : i32
      %add3A_1290 = arith.addi %mul3A_1288, %add3A_1289 : i32
      %get3A_1291 = arith.index_cast %add3A_1290 : i32 to index
      %get3A_1292 = tpu.vector_load %arg9[%get3A_1291] {strides = array<i32>} : memref<13312xf32, #tpu.memory_space<vmem>>, vector<16xf32>,
      %get3A_1293 = vector.shape_cast %get3A_1292 : vector<16xf32> to vector<16xf32>
      %add3A_1294 = arith.addf %scan3A_1282, %get3A_1293 : vector<16xf32>
      %mul3A_1295 = arith.constant 4 : i32
      %mul3A_1296 = arith.muli %scan3A_1281, %mul3A_1295 : i32
      %add3A_1297 = arith.constant 1 : i32
      %add3A_1298 = arith.addi %mul3A_1296, %add3A_1297 : i32
      %mul3A_1299 = arith.constant 128 : i32
      %mul3A_1300 = arith.muli %add3A_1298, %mul3A_1299 : i32
      %add3A_1301 = arith.constant 48 : i32
      %add3A_1302 = arith.addi %mul3A_1300, %add3A_1301 : i32
      %get3A_1303 = arith.index_cast %add3A_1302 : i32 to index
      %get3A_1304 = tpu.vector_load %arg9[%get3A_1303] {strides = array<i32>} : memref<13312xf32, #tpu.memory_space<vmem>>, vector<16xf32>,
      %get3A_1305 = vector.shape_cast %get3A_1304 : vector<16xf32> to vector<16xf32>
      %add3A_1306 = arith.addf %add3A_1294, %get3A_1305 : vector<16xf32>
      %mul3A_1307 = arith.constant 4 : i32
      %mul3A_1308 = arith.muli %scan3A_1281, %mul3A_1307 : i32
      %add3A_1309 = arith.constant 2 : i32
      %add3A_1310 = arith.addi %mul3A_1308, %add3A_1309 : i32
      %mul3A_1311 = arith.constant 128 : i32
      %mul3A_1312 = arith.muli %add3A_1310, %mul3A_1311 : i32
      %add3A_1313 = arith.constant 48 : i32
      %add3A_1314 = arith.addi %mul3A_1312, %add3A_1313 : i32
      %get3A_1315 = arith.index_cast %add3A_1314 : i32 to index
      %get3A_1316 = tpu.vector_load %arg9[%get3A_1315] {strides = array<i32>} : memref<13312xf32, #tpu.memory_space<vmem>>, vector<16xf32>,
      %get3A_1317 = vector.shape_cast %get3A_1316 : vector<16xf32> to vector<16xf32>
      %add3A_1318 = arith.addf %add3A_1306, %get3A_1317 : vector<16xf32>
      %mul3A_1319 = arith.constant 4 : i32
      %mul3A_1320 = arith.muli %scan3A_1281, %mul3A_1319 : i32
      %add3A_1321 = arith.constant 3 : i32
      %add3A_1322 = arith.addi %mul3A_1320, %add3A_1321 : i32
      %mul3A_1323 = arith.constant 128 : i32
      %mul3A_1324 = arith.muli %add3A_1322, %mul3A_1323 : i32
      %add3A_1325 = arith.constant 48 : i32
      %add3A_1326 = arith.addi %mul3A_1324, %add3A_1325 : i32
      %get3A_1327 = arith.index_cast %add3A_1326 : i32 to index
      %get3A_1328 = tpu.vector_load %arg9[%get3A_1327] {strides = array<i32>} : memref<13312xf32, #tpu.memory_space<vmem>>, vector<16xf32>,
      %get3A_1329 = vector.shape_cast %get3A_1328 : vector<16xf32> to vector<16xf32>
      %add3A_1330 = arith.addf %add3A_1318, %get3A_1329 : vector<16xf32>
      scf.yield %add3A_1330 : vector<16xf32>
    }
    %scan3A_177 = arith.constant 26 : i32
    %get3A_178 = arith.constant 48 : index
    %get3A_179 = tpu.vector_load %arg8[%get3A_178] {strides = array<i32>} : memref<12288xf32, #tpu.memory_space<vmem>>, vector<16xf32>,
    %get3A_180 = vector.shape_cast %get3A_179 : vector<16xf32> to vector<16xf32>
    %get3A_181 = arith.constant 13232 : index
    %get3A_182 = tpu.vector_load %arg9[%get3A_181] {strides = array<i32>} : memref<13312xf32, #tpu.memory_space<vmem>>, vector<16xf32>,
    %get3A_183 = vector.shape_cast %get3A_182 : vector<16xf32> to vector<16xf32>
    %mul3A_184 = arith.constant 3.000000e+00 : f32
    %mul3A_185 = vector.broadcast %mul3A_184 : f32 to vector<16xf32>
    %mul3A_186 = arith.mulf %mul3A_185, %scan3A_176 : vector<16xf32>
    %sub3A_187 = arith.subf %mul3A_186, %get3A_180 : vector<16xf32>
    %sub3A_188 = arith.subf %sub3A_187, %get3A_183 : vector<16xf32>
    %mul3A_189 = arith.constant 0.00250626565 : f32
    %mul3A_190 = vector.broadcast %mul3A_189 : f32 to vector<16xf32>
    %mul3A_191 = arith.mulf %sub3A_188, %mul3A_190 : vector<16xf32>
    %add3A_192 = arith.addf %mul3A_191, %get3A_2 : vector<16xf32>
    %swap3A_193 = arith.constant 48 : index
    %swap3A_194 = tpu.vector_load %arg10[%swap3A_193] {strides = array<i32>} : memref<128xf32, #tpu.memory_space<vmem>>, vector<16xf32>,
    %swap3A_195 = vector.shape_cast %swap3A_194 : vector<16xf32> to vector<16xf32>
    %swap3A_196 = vector.shape_cast %add3A_192 : vector<16xf32> to vector<16xf32>
    tpu.vector_store %arg10[%swap3A_193], %swap3A_196 {strides = array<i32>} : memref<128xf32, #tpu.memory_space<vmem>>, vector<16xf32>,
    %broadcast_in_dim3A_197 = arith.constant 0.000000e+00 : f32
    %broadcast_in_dim3A_198 = vector.broadcast %broadcast_in_dim3A_197 : f32 to vector<16xf32>
    %scan3A_199 = arith.constant 0 : i32
    %scan3A_200 = arith.constant 24 : i32
    %scan3A_201 = arith.addi %scan3A_199, %scan3A_200 : i32
    %scan3A_202 = arith.constant 1 : i32
    %scan3A_203 = scf.for %scan3A_1281 = %scan3A_199 to %scan3A_201 step %scan3A_202 iter_args(%scan3A_1282 = %broadcast_in_dim3A_198) -> (vector<16xf32>)  : i32 {
      %mul3A_1283 = arith.constant 4 : i32
      %mul3A_1284 = arith.muli %scan3A_1281, %mul3A_1283 : i32
      %add3A_1285 = arith.constant 0 : i32
      %add3A_1286 = arith.addi %mul3A_1284, %add3A_1285 : i32
      %mul3A_1287 = arith.constant 128 : i32
      %mul3A_1288 = arith.muli %add3A_1286, %mul3A_1287 : i32
      %add3A_1289 = arith.constant 64 : i32
      %add3A_1290 = arith.addi %mul3A_1288, %add3A_1289 : i32
      %get3A_1291 = arith.index_cast %add3A_1290 : i32 to index
      %get3A_1292 = tpu.vector_load %arg8[%get3A_1291] {strides = array<i32>} : memref<12288xf32, #tpu.memory_space<vmem>>, vector<16xf32>,
      %get3A_1293 = vector.shape_cast %get3A_1292 : vector<16xf32> to vector<16xf32>
      %add3A_1294 = arith.addf %scan3A_1282, %get3A_1293 : vector<16xf32>
      %mul3A_1295 = arith.constant 4 : i32
      %mul3A_1296 = arith.muli %scan3A_1281, %mul3A_1295 : i32
      %add3A_1297 = arith.constant 1 : i32
      %add3A_1298 = arith.addi %mul3A_1296, %add3A_1297 : i32
      %mul3A_1299 = arith.constant 128 : i32
      %mul3A_1300 = arith.muli %add3A_1298, %mul3A_1299 : i32
      %add3A_1301 = arith.constant 64 : i32
      %add3A_1302 = arith.addi %mul3A_1300, %add3A_1301 : i32
      %get3A_1303 = arith.index_cast %add3A_1302 : i32 to index
      %get3A_1304 = tpu.vector_load %arg8[%get3A_1303] {strides = array<i32>} : memref<12288xf32, #tpu.memory_space<vmem>>, vector<16xf32>,
      %get3A_1305 = vector.shape_cast %get3A_1304 : vector<16xf32> to vector<16xf32>
      %add3A_1306 = arith.addf %add3A_1294, %get3A_1305 : vector<16xf32>
      %mul3A_1307 = arith.constant 4 : i32
      %mul3A_1308 = arith.muli %scan3A_1281, %mul3A_1307 : i32
      %add3A_1309 = arith.constant 2 : i32
      %add3A_1310 = arith.addi %mul3A_1308, %add3A_1309 : i32
      %mul3A_1311 = arith.constant 128 : i32
      %mul3A_1312 = arith.muli %add3A_1310, %mul3A_1311 : i32
      %add3A_1313 = arith.constant 64 : i32
      %add3A_1314 = arith.addi %mul3A_1312, %add3A_1313 : i32
      %get3A_1315 = arith.index_cast %add3A_1314 : i32 to index
      %get3A_1316 = tpu.vector_load %arg8[%get3A_1315] {strides = array<i32>} : memref<12288xf32, #tpu.memory_space<vmem>>, vector<16xf32>,
      %get3A_1317 = vector.shape_cast %get3A_1316 : vector<16xf32> to vector<16xf32>
      %add3A_1318 = arith.addf %add3A_1306, %get3A_1317 : vector<16xf32>
      %mul3A_1319 = arith.constant 4 : i32
      %mul3A_1320 = arith.muli %scan3A_1281, %mul3A_1319 : i32
      %add3A_1321 = arith.constant 3 : i32
      %add3A_1322 = arith.addi %mul3A_1320, %add3A_1321 : i32
      %mul3A_1323 = arith.constant 128 : i32
      %mul3A_1324 = arith.muli %add3A_1322, %mul3A_1323 : i32
      %add3A_1325 = arith.constant 64 : i32
      %add3A_1326 = arith.addi %mul3A_1324, %add3A_1325 : i32
      %get3A_1327 = arith.index_cast %add3A_1326 : i32 to index
      %get3A_1328 = tpu.vector_load %arg8[%get3A_1327] {strides = array<i32>} : memref<12288xf32, #tpu.memory_space<vmem>>, vector<16xf32>,
      %get3A_1329 = vector.shape_cast %get3A_1328 : vector<16xf32> to vector<16xf32>
      %add3A_1330 = arith.addf %add3A_1318, %get3A_1329 : vector<16xf32>
      scf.yield %add3A_1330 : vector<16xf32>
    }
    %scan3A_204 = arith.constant 24 : i32
    %scan3A_205 = arith.constant 0 : i32
    %scan3A_206 = arith.constant 26 : i32
    %scan3A_207 = arith.addi %scan3A_205, %scan3A_206 : i32
    %scan3A_208 = arith.constant 1 : i32
    %scan3A_209 = scf.for %scan3A_1281 = %scan3A_205 to %scan3A_207 step %scan3A_208 iter_args(%scan3A_1282 = %scan3A_203) -> (vector<16xf32>)  : i32 {
      %mul3A_1283 = arith.constant 4 : i32
      %mul3A_1284 = arith.muli %scan3A_1281, %mul3A_1283 : i32
      %add3A_1285 = arith.constant 0 : i32
      %add3A_1286 = arith.addi %mul3A_1284, %add3A_1285 : i32
      %mul3A_1287 = arith.constant 128 : i32
      %mul3A_1288 = arith.muli %add3A_1286, %mul3A_1287 : i32
      %add3A_1289 = arith.constant 64 : i32
      %add3A_1290 = arith.addi %mul3A_1288, %add3A_1289 : i32
      %get3A_1291 = arith.index_cast %add3A_1290 : i32 to index
      %get3A_1292 = tpu.vector_load %arg9[%get3A_1291] {strides = array<i32>} : memref<13312xf32, #tpu.memory_space<vmem>>, vector<16xf32>,
      %get3A_1293 = vector.shape_cast %get3A_1292 : vector<16xf32> to vector<16xf32>
      %add3A_1294 = arith.addf %scan3A_1282, %get3A_1293 : vector<16xf32>
      %mul3A_1295 = arith.constant 4 : i32
      %mul3A_1296 = arith.muli %scan3A_1281, %mul3A_1295 : i32
      %add3A_1297 = arith.constant 1 : i32
      %add3A_1298 = arith.addi %mul3A_1296, %add3A_1297 : i32
      %mul3A_1299 = arith.constant 128 : i32
      %mul3A_1300 = arith.muli %add3A_1298, %mul3A_1299 : i32
      %add3A_1301 = arith.constant 64 : i32
      %add3A_1302 = arith.addi %mul3A_1300, %add3A_1301 : i32
      %get3A_1303 = arith.index_cast %add3A_1302 : i32 to index
      %get3A_1304 = tpu.vector_load %arg9[%get3A_1303] {strides = array<i32>} : memref<13312xf32, #tpu.memory_space<vmem>>, vector<16xf32>,
      %get3A_1305 = vector.shape_cast %get3A_1304 : vector<16xf32> to vector<16xf32>
      %add3A_1306 = arith.addf %add3A_1294, %get3A_1305 : vector<16xf32>
      %mul3A_1307 = arith.constant 4 : i32
      %mul3A_1308 = arith.muli %scan3A_1281, %mul3A_1307 : i32
      %add3A_1309 = arith.constant 2 : i32
      %add3A_1310 = arith.addi %mul3A_1308, %add3A_1309 : i32
      %mul3A_1311 = arith.constant 128 : i32
      %mul3A_1312 = arith.muli %add3A_1310, %mul3A_1311 : i32
      %add3A_1313 = arith.constant 64 : i32
      %add3A_1314 = arith.addi %mul3A_1312, %add3A_1313 : i32
      %get3A_1315 = arith.index_cast %add3A_1314 : i32 to index
      %get3A_1316 = tpu.vector_load %arg9[%get3A_1315] {strides = array<i32>} : memref<13312xf32, #tpu.memory_space<vmem>>, vector<16xf32>,
      %get3A_1317 = vector.shape_cast %get3A_1316 : vector<16xf32> to vector<16xf32>
      %add3A_1318 = arith.addf %add3A_1306, %get3A_1317 : vector<16xf32>
      %mul3A_1319 = arith.constant 4 : i32
      %mul3A_1320 = arith.muli %scan3A_1281, %mul3A_1319 : i32
      %add3A_1321 = arith.constant 3 : i32
      %add3A_1322 = arith.addi %mul3A_1320, %add3A_1321 : i32
      %mul3A_1323 = arith.constant 128 : i32
      %mul3A_1324 = arith.muli %add3A_1322, %mul3A_1323 : i32
      %add3A_1325 = arith.constant 64 : i32
      %add3A_1326 = arith.addi %mul3A_1324, %add3A_1325 : i32
      %get3A_1327 = arith.index_cast %add3A_1326 : i32 to index
      %get3A_1328 = tpu.vector_load %arg9[%get3A_1327] {strides = array<i32>} : memref<13312xf32, #tpu.memory_space<vmem>>, vector<16xf32>,
      %get3A_1329 = vector.shape_cast %get3A_1328 : vector<16xf32> to vector<16xf32>
      %add3A_1330 = arith.addf %add3A_1318, %get3A_1329 : vector<16xf32>
      scf.yield %add3A_1330 : vector<16xf32>
    }
    %scan3A_210 = arith.constant 26 : i32
    %get3A_211 = arith.constant 64 : index
    %get3A_212 = tpu.vector_load %arg8[%get3A_211] {strides = array<i32>} : memref<12288xf32, #tpu.memory_space<vmem>>, vector<16xf32>,
    %get3A_213 = vector.shape_cast %get3A_212 : vector<16xf32> to vector<16xf32>
    %get3A_214 = arith.constant 13248 : index
    %get3A_215 = tpu.vector_load %arg9[%get3A_214] {strides = array<i32>} : memref<13312xf32, #tpu.memory_space<vmem>>, vector<16xf32>,
    %get3A_216 = vector.shape_cast %get3A_215 : vector<16xf32> to vector<16xf32>
    %mul3A_217 = arith.constant 3.000000e+00 : f32
    %mul3A_218 = vector.broadcast %mul3A_217 : f32 to vector<16xf32>
    %mul3A_219 = arith.mulf %mul3A_218, %scan3A_209 : vector<16xf32>
    %sub3A_220 = arith.subf %mul3A_219, %get3A_213 : vector<16xf32>
    %sub3A_221 = arith.subf %sub3A_220, %get3A_216 : vector<16xf32>
    %mul3A_222 = arith.constant 0.00250626565 : f32
    %mul3A_223 = vector.broadcast %mul3A_222 : f32 to vector<16xf32>
    %mul3A_224 = arith.mulf %sub3A_221, %mul3A_223 : vector<16xf32>
    %add3A_225 = arith.addf %mul3A_224, %get3A_2 : vector<16xf32>
    %swap3A_226 = arith.constant 64 : index
    %swap3A_227 = tpu.vector_load %arg10[%swap3A_226] {strides = array<i32>} : memref<128xf32, #tpu.memory_space<vmem>>, vector<16xf32>,
    %swap3A_228 = vector.shape_cast %swap3A_227 : vector<16xf32> to vector<16xf32>
    %swap3A_229 = vector.shape_cast %add3A_225 : vector<16xf32> to vector<16xf32>
    tpu.vector_store %arg10[%swap3A_226], %swap3A_229 {strides = array<i32>} : memref<128xf32, #tpu.memory_space<vmem>>, vector<16xf32>,
    %broadcast_in_dim3A_230 = arith.constant 0.000000e+00 : f32
    %broadcast_in_dim3A_231 = vector.broadcast %broadcast_in_dim3A_230 : f32 to vector<16xf32>
    %scan3A_232 = arith.constant 0 : i32
    %scan3A_233 = arith.constant 24 : i32
    %scan3A_234 = arith.addi %scan3A_232, %scan3A_233 : i32
    %scan3A_235 = arith.constant 1 : i32
    %scan3A_236 = scf.for %scan3A_1281 = %scan3A_232 to %scan3A_234 step %scan3A_235 iter_args(%scan3A_1282 = %broadcast_in_dim3A_231) -> (vector<16xf32>)  : i32 {
      %mul3A_1283 = arith.constant 4 : i32
      %mul3A_1284 = arith.muli %scan3A_1281, %mul3A_1283 : i32
      %add3A_1285 = arith.constant 0 : i32
      %add3A_1286 = arith.addi %mul3A_1284, %add3A_1285 : i32
      %mul3A_1287 = arith.constant 128 : i32
      %mul3A_1288 = arith.muli %add3A_1286, %mul3A_1287 : i32
      %add3A_1289 = arith.constant 80 : i32
      %add3A_1290 = arith.addi %mul3A_1288, %add3A_1289 : i32
      %get3A_1291 = arith.index_cast %add3A_1290 : i32 to index
      %get3A_1292 = tpu.vector_load %arg8[%get3A_1291] {strides = array<i32>} : memref<12288xf32, #tpu.memory_space<vmem>>, vector<16xf32>,
      %get3A_1293 = vector.shape_cast %get3A_1292 : vector<16xf32> to vector<16xf32>
      %add3A_1294 = arith.addf %scan3A_1282, %get3A_1293 : vector<16xf32>
      %mul3A_1295 = arith.constant 4 : i32
      %mul3A_1296 = arith.muli %scan3A_1281, %mul3A_1295 : i32
      %add3A_1297 = arith.constant 1 : i32
      %add3A_1298 = arith.addi %mul3A_1296, %add3A_1297 : i32
      %mul3A_1299 = arith.constant 128 : i32
      %mul3A_1300 = arith.muli %add3A_1298, %mul3A_1299 : i32
      %add3A_1301 = arith.constant 80 : i32
      %add3A_1302 = arith.addi %mul3A_1300, %add3A_1301 : i32
      %get3A_1303 = arith.index_cast %add3A_1302 : i32 to index
      %get3A_1304 = tpu.vector_load %arg8[%get3A_1303] {strides = array<i32>} : memref<12288xf32, #tpu.memory_space<vmem>>, vector<16xf32>,
      %get3A_1305 = vector.shape_cast %get3A_1304 : vector<16xf32> to vector<16xf32>
      %add3A_1306 = arith.addf %add3A_1294, %get3A_1305 : vector<16xf32>
      %mul3A_1307 = arith.constant 4 : i32
      %mul3A_1308 = arith.muli %scan3A_1281, %mul3A_1307 : i32
      %add3A_1309 = arith.constant 2 : i32
      %add3A_1310 = arith.addi %mul3A_1308, %add3A_1309 : i32
      %mul3A_1311 = arith.constant 128 : i32
      %mul3A_1312 = arith.muli %add3A_1310, %mul3A_1311 : i32
      %add3A_1313 = arith.constant 80 : i32
      %add3A_1314 = arith.addi %mul3A_1312, %add3A_1313 : i32
      %get3A_1315 = arith.index_cast %add3A_1314 : i32 to index
      %get3A_1316 = tpu.vector_load %arg8[%get3A_1315] {strides = array<i32>} : memref<12288xf32, #tpu.memory_space<vmem>>, vector<16xf32>,
      %get3A_1317 = vector.shape_cast %get3A_1316 : vector<16xf32> to vector<16xf32>
      %add3A_1318 = arith.addf %add3A_1306, %get3A_1317 : vector<16xf32>
      %mul3A_1319 = arith.constant 4 : i32
      %mul3A_1320 = arith.muli %scan3A_1281, %mul3A_1319 : i32
      %add3A_1321 = arith.constant 3 : i32
      %add3A_1322 = arith.addi %mul3A_1320, %add3A_1321 : i32
      %mul3A_1323 = arith.constant 128 : i32
      %mul3A_1324 = arith.muli %add3A_1322, %mul3A_1323 : i32
      %add3A_1325 = arith.constant 80 : i32
      %add3A_1326 = arith.addi %mul3A_1324, %add3A_1325 : i32
      %get3A_1327 = arith.index_cast %add3A_1326 : i32 to index
      %get3A_1328 = tpu.vector_load %arg8[%get3A_1327] {strides = array<i32>} : memref<12288xf32, #tpu.memory_space<vmem>>, vector<16xf32>,
      %get3A_1329 = vector.shape_cast %get3A_1328 : vector<16xf32> to vector<16xf32>
      %add3A_1330 = arith.addf %add3A_1318, %get3A_1329 : vector<16xf32>
      scf.yield %add3A_1330 : vector<16xf32>
    }
    %scan3A_237 = arith.constant 24 : i32
    %scan3A_238 = arith.constant 0 : i32
    %scan3A_239 = arith.constant 26 : i32
    %scan3A_240 = arith.addi %scan3A_238, %scan3A_239 : i32
    %scan3A_241 = arith.constant 1 : i32
    %scan3A_242 = scf.for %scan3A_1281 = %scan3A_238 to %scan3A_240 step %scan3A_241 iter_args(%scan3A_1282 = %scan3A_236) -> (vector<16xf32>)  : i32 {
      %mul3A_1283 = arith.constant 4 : i32
      %mul3A_1284 = arith.muli %scan3A_1281, %mul3A_1283 : i32
      %add3A_1285 = arith.constant 0 : i32
      %add3A_1286 = arith.addi %mul3A_1284, %add3A_1285 : i32
      %mul3A_1287 = arith.constant 128 : i32
      %mul3A_1288 = arith.muli %add3A_1286, %mul3A_1287 : i32
      %add3A_1289 = arith.constant 80 : i32
      %add3A_1290 = arith.addi %mul3A_1288, %add3A_1289 : i32
      %get3A_1291 = arith.index_cast %add3A_1290 : i32 to index
      %get3A_1292 = tpu.vector_load %arg9[%get3A_1291] {strides = array<i32>} : memref<13312xf32, #tpu.memory_space<vmem>>, vector<16xf32>,
      %get3A_1293 = vector.shape_cast %get3A_1292 : vector<16xf32> to vector<16xf32>
      %add3A_1294 = arith.addf %scan3A_1282, %get3A_1293 : vector<16xf32>
      %mul3A_1295 = arith.constant 4 : i32
      %mul3A_1296 = arith.muli %scan3A_1281, %mul3A_1295 : i32
      %add3A_1297 = arith.constant 1 : i32
      %add3A_1298 = arith.addi %mul3A_1296, %add3A_1297 : i32
      %mul3A_1299 = arith.constant 128 : i32
      %mul3A_1300 = arith.muli %add3A_1298, %mul3A_1299 : i32
      %add3A_1301 = arith.constant 80 : i32
      %add3A_1302 = arith.addi %mul3A_1300, %add3A_1301 : i32
      %get3A_1303 = arith.index_cast %add3A_1302 : i32 to index
      %get3A_1304 = tpu.vector_load %arg9[%get3A_1303] {strides = array<i32>} : memref<13312xf32, #tpu.memory_space<vmem>>, vector<16xf32>,
      %get3A_1305 = vector.shape_cast %get3A_1304 : vector<16xf32> to vector<16xf32>
      %add3A_1306 = arith.addf %add3A_1294, %get3A_1305 : vector<16xf32>
      %mul3A_1307 = arith.constant 4 : i32
      %mul3A_1308 = arith.muli %scan3A_1281, %mul3A_1307 : i32
      %add3A_1309 = arith.constant 2 : i32
      %add3A_1310 = arith.addi %mul3A_1308, %add3A_1309 : i32
      %mul3A_1311 = arith.constant 128 : i32
      %mul3A_1312 = arith.muli %add3A_1310, %mul3A_1311 : i32
      %add3A_1313 = arith.constant 80 : i32
      %add3A_1314 = arith.addi %mul3A_1312, %add3A_1313 : i32
      %get3A_1315 = arith.index_cast %add3A_1314 : i32 to index
      %get3A_1316 = tpu.vector_load %arg9[%get3A_1315] {strides = array<i32>} : memref<13312xf32, #tpu.memory_space<vmem>>, vector<16xf32>,
      %get3A_1317 = vector.shape_cast %get3A_1316 : vector<16xf32> to vector<16xf32>
      %add3A_1318 = arith.addf %add3A_1306, %get3A_1317 : vector<16xf32>
      %mul3A_1319 = arith.constant 4 : i32
      %mul3A_1320 = arith.muli %scan3A_1281, %mul3A_1319 : i32
      %add3A_1321 = arith.constant 3 : i32
      %add3A_1322 = arith.addi %mul3A_1320, %add3A_1321 : i32
      %mul3A_1323 = arith.constant 128 : i32
      %mul3A_1324 = arith.muli %add3A_1322, %mul3A_1323 : i32
      %add3A_1325 = arith.constant 80 : i32
      %add3A_1326 = arith.addi %mul3A_1324, %add3A_1325 : i32
      %get3A_1327 = arith.index_cast %add3A_1326 : i32 to index
      %get3A_1328 = tpu.vector_load %arg9[%get3A_1327] {strides = array<i32>} : memref<13312xf32, #tpu.memory_space<vmem>>, vector<16xf32>,
      %get3A_1329 = vector.shape_cast %get3A_1328 : vector<16xf32> to vector<16xf32>
      %add3A_1330 = arith.addf %add3A_1318, %get3A_1329 : vector<16xf32>
      scf.yield %add3A_1330 : vector<16xf32>
    }
    %scan3A_243 = arith.constant 26 : i32
    %get3A_244 = arith.constant 80 : index
    %get3A_245 = tpu.vector_load %arg8[%get3A_244] {strides = array<i32>} : memref<12288xf32, #tpu.memory_space<vmem>>, vector<16xf32>,
    %get3A_246 = vector.shape_cast %get3A_245 : vector<16xf32> to vector<16xf32>
    %get3A_247 = arith.constant 13264 : index
    %get3A_248 = tpu.vector_load %arg9[%get3A_247] {strides = array<i32>} : memref<13312xf32, #tpu.memory_space<vmem>>, vector<16xf32>,
    %get3A_249 = vector.shape_cast %get3A_248 : vector<16xf32> to vector<16xf32>
    %mul3A_250 = arith.constant 3.000000e+00 : f32
    %mul3A_251 = vector.broadcast %mul3A_250 : f32 to vector<16xf32>
    %mul3A_252 = arith.mulf %mul3A_251, %scan3A_242 : vector<16xf32>
    %sub3A_253 = arith.subf %mul3A_252, %get3A_246 : vector<16xf32>
    %sub3A_254 = arith.subf %sub3A_253, %get3A_249 : vector<16xf32>
    %mul3A_255 = arith.constant 0.00250626565 : f32
    %mul3A_256 = vector.broadcast %mul3A_255 : f32 to vector<16xf32>
    %mul3A_257 = arith.mulf %sub3A_254, %mul3A_256 : vector<16xf32>
    %add3A_258 = arith.addf %mul3A_257, %get3A_2 : vector<16xf32>
    %swap3A_259 = arith.constant 80 : index
    %swap3A_260 = tpu.vector_load %arg10[%swap3A_259] {strides = array<i32>} : memref<128xf32, #tpu.memory_space<vmem>>, vector<16xf32>,
    %swap3A_261 = vector.shape_cast %swap3A_260 : vector<16xf32> to vector<16xf32>
    %swap3A_262 = vector.shape_cast %add3A_258 : vector<16xf32> to vector<16xf32>
    tpu.vector_store %arg10[%swap3A_259], %swap3A_262 {strides = array<i32>} : memref<128xf32, #tpu.memory_space<vmem>>, vector<16xf32>,
    %broadcast_in_dim3A_263 = arith.constant 0.000000e+00 : f32
    %broadcast_in_dim3A_264 = vector.broadcast %broadcast_in_dim3A_263 : f32 to vector<16xf32>
    %scan3A_265 = arith.constant 0 : i32
    %scan3A_266 = arith.constant 24 : i32
    %scan3A_267 = arith.addi %scan3A_265, %scan3A_266 : i32
    %scan3A_268 = arith.constant 1 : i32
    %scan3A_269 = scf.for %scan3A_1281 = %scan3A_265 to %scan3A_267 step %scan3A_268 iter_args(%scan3A_1282 = %broadcast_in_dim3A_264) -> (vector<16xf32>)  : i32 {
      %mul3A_1283 = arith.constant 4 : i32
      %mul3A_1284 = arith.muli %scan3A_1281, %mul3A_1283 : i32
      %add3A_1285 = arith.constant 0 : i32
      %add3A_1286 = arith.addi %mul3A_1284, %add3A_1285 : i32
      %mul3A_1287 = arith.constant 128 : i32
      %mul3A_1288 = arith.muli %add3A_1286, %mul3A_1287 : i32
      %add3A_1289 = arith.constant 96 : i32
      %add3A_1290 = arith.addi %mul3A_1288, %add3A_1289 : i32
      %get3A_1291 = arith.index_cast %add3A_1290 : i32 to index
      %get3A_1292 = tpu.vector_load %arg8[%get3A_1291] {strides = array<i32>} : memref<12288xf32, #tpu.memory_space<vmem>>, vector<16xf32>,
      %get3A_1293 = vector.shape_cast %get3A_1292 : vector<16xf32> to vector<16xf32>
      %add3A_1294 = arith.addf %scan3A_1282, %get3A_1293 : vector<16xf32>
      %mul3A_1295 = arith.constant 4 : i32
      %mul3A_1296 = arith.muli %scan3A_1281, %mul3A_1295 : i32
      %add3A_1297 = arith.constant 1 : i32
      %add3A_1298 = arith.addi %mul3A_1296, %add3A_1297 : i32
      %mul3A_1299 = arith.constant 128 : i32
      %mul3A_1300 = arith.muli %add3A_1298, %mul3A_1299 : i32
      %add3A_1301 = arith.constant 96 : i32
      %add3A_1302 = arith.addi %mul3A_1300, %add3A_1301 : i32
      %get3A_1303 = arith.index_cast %add3A_1302 : i32 to index
      %get3A_1304 = tpu.vector_load %arg8[%get3A_1303] {strides = array<i32>} : memref<12288xf32, #tpu.memory_space<vmem>>, vector<16xf32>,
      %get3A_1305 = vector.shape_cast %get3A_1304 : vector<16xf32> to vector<16xf32>
      %add3A_1306 = arith.addf %add3A_1294, %get3A_1305 : vector<16xf32>
      %mul3A_1307 = arith.constant 4 : i32
      %mul3A_1308 = arith.muli %scan3A_1281, %mul3A_1307 : i32
      %add3A_1309 = arith.constant 2 : i32
      %add3A_1310 = arith.addi %mul3A_1308, %add3A_1309 : i32
      %mul3A_1311 = arith.constant 128 : i32
      %mul3A_1312 = arith.muli %add3A_1310, %mul3A_1311 : i32
      %add3A_1313 = arith.constant 96 : i32
      %add3A_1314 = arith.addi %mul3A_1312, %add3A_1313 : i32
      %get3A_1315 = arith.index_cast %add3A_1314 : i32 to index
      %get3A_1316 = tpu.vector_load %arg8[%get3A_1315] {strides = array<i32>} : memref<12288xf32, #tpu.memory_space<vmem>>, vector<16xf32>,
      %get3A_1317 = vector.shape_cast %get3A_1316 : vector<16xf32> to vector<16xf32>
      %add3A_1318 = arith.addf %add3A_1306, %get3A_1317 : vector<16xf32>
      %mul3A_1319 = arith.constant 4 : i32
      %mul3A_1320 = arith.muli %scan3A_1281, %mul3A_1319 : i32
      %add3A_1321 = arith.constant 3 : i32
      %add3A_1322 = arith.addi %mul3A_1320, %add3A_1321 : i32
      %mul3A_1323 = arith.constant 128 : i32
      %mul3A_1324 = arith.muli %add3A_1322, %mul3A_1323 : i32
      %add3A_1325 = arith.constant 96 : i32
      %add3A_1326 = arith.addi %mul3A_1324, %add3A_1325 : i32
      %get3A_1327 = arith.index_cast %add3A_1326 : i32 to index
      %get3A_1328 = tpu.vector_load %arg8[%get3A_1327] {strides = array<i32>} : memref<12288xf32, #tpu.memory_space<vmem>>, vector<16xf32>,
      %get3A_1329 = vector.shape_cast %get3A_1328 : vector<16xf32> to vector<16xf32>
      %add3A_1330 = arith.addf %add3A_1318, %get3A_1329 : vector<16xf32>
      scf.yield %add3A_1330 : vector<16xf32>
    }
    %scan3A_270 = arith.constant 24 : i32
    %scan3A_271 = arith.constant 0 : i32
    %scan3A_272 = arith.constant 26 : i32
    %scan3A_273 = arith.addi %scan3A_271, %scan3A_272 : i32
    %scan3A_274 = arith.constant 1 : i32
    %scan3A_275 = scf.for %scan3A_1281 = %scan3A_271 to %scan3A_273 step %scan3A_274 iter_args(%scan3A_1282 = %scan3A_269) -> (vector<16xf32>)  : i32 {
      %mul3A_1283 = arith.constant 4 : i32
      %mul3A_1284 = arith.muli %scan3A_1281, %mul3A_1283 : i32
      %add3A_1285 = arith.constant 0 : i32
      %add3A_1286 = arith.addi %mul3A_1284, %add3A_1285 : i32
      %mul3A_1287 = arith.constant 128 : i32
      %mul3A_1288 = arith.muli %add3A_1286, %mul3A_1287 : i32
      %add3A_1289 = arith.constant 96 : i32
      %add3A_1290 = arith.addi %mul3A_1288, %add3A_1289 : i32
      %get3A_1291 = arith.index_cast %add3A_1290 : i32 to index
      %get3A_1292 = tpu.vector_load %arg9[%get3A_1291] {strides = array<i32>} : memref<13312xf32, #tpu.memory_space<vmem>>, vector<16xf32>,
      %get3A_1293 = vector.shape_cast %get3A_1292 : vector<16xf32> to vector<16xf32>
      %add3A_1294 = arith.addf %scan3A_1282, %get3A_1293 : vector<16xf32>
      %mul3A_1295 = arith.constant 4 : i32
      %mul3A_1296 = arith.muli %scan3A_1281, %mul3A_1295 : i32
      %add3A_1297 = arith.constant 1 : i32
      %add3A_1298 = arith.addi %mul3A_1296, %add3A_1297 : i32
      %mul3A_1299 = arith.constant 128 : i32
      %mul3A_1300 = arith.muli %add3A_1298, %mul3A_1299 : i32
      %add3A_1301 = arith.constant 96 : i32
      %add3A_1302 = arith.addi %mul3A_1300, %add3A_1301 : i32
      %get3A_1303 = arith.index_cast %add3A_1302 : i32 to index
      %get3A_1304 = tpu.vector_load %arg9[%get3A_1303] {strides = array<i32>} : memref<13312xf32, #tpu.memory_space<vmem>>, vector<16xf32>,
      %get3A_1305 = vector.shape_cast %get3A_1304 : vector<16xf32> to vector<16xf32>
      %add3A_1306 = arith.addf %add3A_1294, %get3A_1305 : vector<16xf32>
      %mul3A_1307 = arith.constant 4 : i32
      %mul3A_1308 = arith.muli %scan3A_1281, %mul3A_1307 : i32
      %add3A_1309 = arith.constant 2 : i32
      %add3A_1310 = arith.addi %mul3A_1308, %add3A_1309 : i32
      %mul3A_1311 = arith.constant 128 : i32
      %mul3A_1312 = arith.muli %add3A_1310, %mul3A_1311 : i32
      %add3A_1313 = arith.constant 96 : i32
      %add3A_1314 = arith.addi %mul3A_1312, %add3A_1313 : i32
      %get3A_1315 = arith.index_cast %add3A_1314 : i32 to index
      %get3A_1316 = tpu.vector_load %arg9[%get3A_1315] {strides = array<i32>} : memref<13312xf32, #tpu.memory_space<vmem>>, vector<16xf32>,
      %get3A_1317 = vector.shape_cast %get3A_1316 : vector<16xf32> to vector<16xf32>
      %add3A_1318 = arith.addf %add3A_1306, %get3A_1317 : vector<16xf32>
      %mul3A_1319 = arith.constant 4 : i32
      %mul3A_1320 = arith.muli %scan3A_1281, %mul3A_1319 : i32
      %add3A_1321 = arith.constant 3 : i32
      %add3A_1322 = arith.addi %mul3A_1320, %add3A_1321 : i32
      %mul3A_1323 = arith.constant 128 : i32
      %mul3A_1324 = arith.muli %add3A_1322, %mul3A_1323 : i32
      %add3A_1325 = arith.constant 96 : i32
      %add3A_1326 = arith.addi %mul3A_1324, %add3A_1325 : i32
      %get3A_1327 = arith.index_cast %add3A_1326 : i32 to index
      %get3A_1328 = tpu.vector_load %arg9[%get3A_1327] {strides = array<i32>} : memref<13312xf32, #tpu.memory_space<vmem>>, vector<16xf32>,
      %get3A_1329 = vector.shape_cast %get3A_1328 : vector<16xf32> to vector<16xf32>
      %add3A_1330 = arith.addf %add3A_1318, %get3A_1329 : vector<16xf32>
      scf.yield %add3A_1330 : vector<16xf32>
    }
    %scan3A_276 = arith.constant 26 : i32
    %get3A_277 = arith.constant 96 : index
    %get3A_278 = tpu.vector_load %arg8[%get3A_277] {strides = array<i32>} : memref<12288xf32, #tpu.memory_space<vmem>>, vector<16xf32>,
    %get3A_279 = vector.shape_cast %get3A_278 : vector<16xf32> to vector<16xf32>
    %get3A_280 = arith.constant 13280 : index
    %get3A_281 = tpu.vector_load %arg9[%get3A_280] {strides = array<i32>} : memref<13312xf32, #tpu.memory_space<vmem>>, vector<16xf32>,
    %get3A_282 = vector.shape_cast %get3A_281 : vector<16xf32> to vector<16xf32>
    %mul3A_283 = arith.constant 3.000000e+00 : f32
    %mul3A_284 = vector.broadcast %mul3A_283 : f32 to vector<16xf32>
    %mul3A_285 = arith.mulf %mul3A_284, %scan3A_275 : vector<16xf32>
    %sub3A_286 = arith.subf %mul3A_285, %get3A_279 : vector<16xf32>
    %sub3A_287 = arith.subf %sub3A_286, %get3A_282 : vector<16xf32>
    %mul3A_288 = arith.constant 0.00250626565 : f32
    %mul3A_289 = vector.broadcast %mul3A_288 : f32 to vector<16xf32>
    %mul3A_290 = arith.mulf %sub3A_287, %mul3A_289 : vector<16xf32>
    %add3A_291 = arith.addf %mul3A_290, %get3A_2 : vector<16xf32>
    %swap3A_292 = arith.constant 96 : index
    %swap3A_293 = tpu.vector_load %arg10[%swap3A_292] {strides = array<i32>} : memref<128xf32, #tpu.memory_space<vmem>>, vector<16xf32>,
    %swap3A_294 = vector.shape_cast %swap3A_293 : vector<16xf32> to vector<16xf32>
    %swap3A_295 = vector.shape_cast %add3A_291 : vector<16xf32> to vector<16xf32>
    tpu.vector_store %arg10[%swap3A_292], %swap3A_295 {strides = array<i32>} : memref<128xf32, #tpu.memory_space<vmem>>, vector<16xf32>,
    %broadcast_in_dim3A_296 = arith.constant 0.000000e+00 : f32
    %broadcast_in_dim3A_297 = vector.broadcast %broadcast_in_dim3A_296 : f32 to vector<16xf32>
    %scan3A_298 = arith.constant 0 : i32
    %scan3A_299 = arith.constant 24 : i32
    %scan3A_300 = arith.addi %scan3A_298, %scan3A_299 : i32
    %scan3A_301 = arith.constant 1 : i32
    %scan3A_302 = scf.for %scan3A_1281 = %scan3A_298 to %scan3A_300 step %scan3A_301 iter_args(%scan3A_1282 = %broadcast_in_dim3A_297) -> (vector<16xf32>)  : i32 {
      %mul3A_1283 = arith.constant 4 : i32
      %mul3A_1284 = arith.muli %scan3A_1281, %mul3A_1283 : i32
      %add3A_1285 = arith.constant 0 : i32
      %add3A_1286 = arith.addi %mul3A_1284, %add3A_1285 : i32
      %mul3A_1287 = arith.constant 128 : i32
      %mul3A_1288 = arith.muli %add3A_1286, %mul3A_1287 : i32
      %add3A_1289 = arith.constant 112 : i32
      %add3A_1290 = arith.addi %mul3A_1288, %add3A_1289 : i32
      %get3A_1291 = arith.index_cast %add3A_1290 : i32 to index
      %get3A_1292 = tpu.vector_load %arg8[%get3A_1291] {strides = array<i32>} : memref<12288xf32, #tpu.memory_space<vmem>>, vector<16xf32>,
      %get3A_1293 = vector.shape_cast %get3A_1292 : vector<16xf32> to vector<16xf32>
      %add3A_1294 = arith.addf %scan3A_1282, %get3A_1293 : vector<16xf32>
      %mul3A_1295 = arith.constant 4 : i32
      %mul3A_1296 = arith.muli %scan3A_1281, %mul3A_1295 : i32
      %add3A_1297 = arith.constant 1 : i32
      %add3A_1298 = arith.addi %mul3A_1296, %add3A_1297 : i32
      %mul3A_1299 = arith.constant 128 : i32
      %mul3A_1300 = arith.muli %add3A_1298, %mul3A_1299 : i32
      %add3A_1301 = arith.constant 112 : i32
      %add3A_1302 = arith.addi %mul3A_1300, %add3A_1301 : i32
      %get3A_1303 = arith.index_cast %add3A_1302 : i32 to index
      %get3A_1304 = tpu.vector_load %arg8[%get3A_1303] {strides = array<i32>} : memref<12288xf32, #tpu.memory_space<vmem>>, vector<16xf32>,
      %get3A_1305 = vector.shape_cast %get3A_1304 : vector<16xf32> to vector<16xf32>
      %add3A_1306 = arith.addf %add3A_1294, %get3A_1305 : vector<16xf32>
      %mul3A_1307 = arith.constant 4 : i32
      %mul3A_1308 = arith.muli %scan3A_1281, %mul3A_1307 : i32
      %add3A_1309 = arith.constant 2 : i32
      %add3A_1310 = arith.addi %mul3A_1308, %add3A_1309 : i32
      %mul3A_1311 = arith.constant 128 : i32
      %mul3A_1312 = arith.muli %add3A_1310, %mul3A_1311 : i32
      %add3A_1313 = arith.constant 112 : i32
      %add3A_1314 = arith.addi %mul3A_1312, %add3A_1313 : i32
      %get3A_1315 = arith.index_cast %add3A_1314 : i32 to index
      %get3A_1316 = tpu.vector_load %arg8[%get3A_1315] {strides = array<i32>} : memref<12288xf32, #tpu.memory_space<vmem>>, vector<16xf32>,
      %get3A_1317 = vector.shape_cast %get3A_1316 : vector<16xf32> to vector<16xf32>
      %add3A_1318 = arith.addf %add3A_1306, %get3A_1317 : vector<16xf32>
      %mul3A_1319 = arith.constant 4 : i32
      %mul3A_1320 = arith.muli %scan3A_1281, %mul3A_1319 : i32
      %add3A_1321 = arith.constant 3 : i32
      %add3A_1322 = arith.addi %mul3A_1320, %add3A_1321 : i32
      %mul3A_1323 = arith.constant 128 : i32
      %mul3A_1324 = arith.muli %add3A_1322, %mul3A_1323 : i32
      %add3A_1325 = arith.constant 112 : i32
      %add3A_1326 = arith.addi %mul3A_1324, %add3A_1325 : i32
      %get3A_1327 = arith.index_cast %add3A_1326 : i32 to index
      %get3A_1328 = tpu.vector_load %arg8[%get3A_1327] {strides = array<i32>} : memref<12288xf32, #tpu.memory_space<vmem>>, vector<16xf32>,
      %get3A_1329 = vector.shape_cast %get3A_1328 : vector<16xf32> to vector<16xf32>
      %add3A_1330 = arith.addf %add3A_1318, %get3A_1329 : vector<16xf32>
      scf.yield %add3A_1330 : vector<16xf32>
    }
    %scan3A_303 = arith.constant 24 : i32
    %scan3A_304 = arith.constant 0 : i32
    %scan3A_305 = arith.constant 26 : i32
    %scan3A_306 = arith.addi %scan3A_304, %scan3A_305 : i32
    %scan3A_307 = arith.constant 1 : i32
    %scan3A_308 = scf.for %scan3A_1281 = %scan3A_304 to %scan3A_306 step %scan3A_307 iter_args(%scan3A_1282 = %scan3A_302) -> (vector<16xf32>)  : i32 {
      %mul3A_1283 = arith.constant 4 : i32
      %mul3A_1284 = arith.muli %scan3A_1281, %mul3A_1283 : i32
      %add3A_1285 = arith.constant 0 : i32
      %add3A_1286 = arith.addi %mul3A_1284, %add3A_1285 : i32
      %mul3A_1287 = arith.constant 128 : i32
      %mul3A_1288 = arith.muli %add3A_1286, %mul3A_1287 : i32
      %add3A_1289 = arith.constant 112 : i32
      %add3A_1290 = arith.addi %mul3A_1288, %add3A_1289 : i32
      %get3A_1291 = arith.index_cast %add3A_1290 : i32 to index
      %get3A_1292 = tpu.vector_load %arg9[%get3A_1291] {strides = array<i32>} : memref<13312xf32, #tpu.memory_space<vmem>>, vector<16xf32>,
      %get3A_1293 = vector.shape_cast %get3A_1292 : vector<16xf32> to vector<16xf32>
      %add3A_1294 = arith.addf %scan3A_1282, %get3A_1293 : vector<16xf32>
      %mul3A_1295 = arith.constant 4 : i32
      %mul3A_1296 = arith.muli %scan3A_1281, %mul3A_1295 : i32
      %add3A_1297 = arith.constant 1 : i32
      %add3A_1298 = arith.addi %mul3A_1296, %add3A_1297 : i32
      %mul3A_1299 = arith.constant 128 : i32
      %mul3A_1300 = arith.muli %add3A_1298, %mul3A_1299 : i32
      %add3A_1301 = arith.constant 112 : i32
      %add3A_1302 = arith.addi %mul3A_1300, %add3A_1301 : i32
      %get3A_1303 = arith.index_cast %add3A_1302 : i32 to index
      %get3A_1304 = tpu.vector_load %arg9[%get3A_1303] {strides = array<i32>} : memref<13312xf32, #tpu.memory_space<vmem>>, vector<16xf32>,
      %get3A_1305 = vector.shape_cast %get3A_1304 : vector<16xf32> to vector<16xf32>
      %add3A_1306 = arith.addf %add3A_1294, %get3A_1305 : vector<16xf32>
      %mul3A_1307 = arith.constant 4 : i32
      %mul3A_1308 = arith.muli %scan3A_1281, %mul3A_1307 : i32
      %add3A_1309 = arith.constant 2 : i32
      %add3A_1310 = arith.addi %mul3A_1308, %add3A_1309 : i32
      %mul3A_1311 = arith.constant 128 : i32
      %mul3A_1312 = arith.muli %add3A_1310, %mul3A_1311 : i32
      %add3A_1313 = arith.constant 112 : i32
      %add3A_1314 = arith.addi %mul3A_1312, %add3A_1313 : i32
      %get3A_1315 = arith.index_cast %add3A_1314 : i32 to index
      %get3A_1316 = tpu.vector_load %arg9[%get3A_1315] {strides = array<i32>} : memref<13312xf32, #tpu.memory_space<vmem>>, vector<16xf32>,
      %get3A_1317 = vector.shape_cast %get3A_1316 : vector<16xf32> to vector<16xf32>
      %add3A_1318 = arith.addf %add3A_1306, %get3A_1317 : vector<16xf32>
      %mul3A_1319 = arith.constant 4 : i32
      %mul3A_1320 = arith.muli %scan3A_1281, %mul3A_1319 : i32
      %add3A_1321 = arith.constant 3 : i32
      %add3A_1322 = arith.addi %mul3A_1320, %add3A_1321 : i32
      %mul3A_1323 = arith.constant 128 : i32
      %mul3A_1324 = arith.muli %add3A_1322, %mul3A_1323 : i32
      %add3A_1325 = arith.constant 112 : i32
      %add3A_1326 = arith.addi %mul3A_1324, %add3A_1325 : i32
      %get3A_1327 = arith.index_cast %add3A_1326 : i32 to index
      %get3A_1328 = tpu.vector_load %arg9[%get3A_1327] {strides = array<i32>} : memref<13312xf32, #tpu.memory_space<vmem>>, vector<16xf32>,
      %get3A_1329 = vector.shape_cast %get3A_1328 : vector<16xf32> to vector<16xf32>
      %add3A_1330 = arith.addf %add3A_1318, %get3A_1329 : vector<16xf32>
      scf.yield %add3A_1330 : vector<16xf32>
    }
    %scan3A_309 = arith.constant 26 : i32
    %get3A_310 = arith.constant 112 : index
    %get3A_311 = tpu.vector_load %arg8[%get3A_310] {strides = array<i32>} : memref<12288xf32, #tpu.memory_space<vmem>>, vector<16xf32>,
    %get3A_312 = vector.shape_cast %get3A_311 : vector<16xf32> to vector<16xf32>
    %get3A_313 = arith.constant 13296 : index
    %get3A_314 = tpu.vector_load %arg9[%get3A_313] {strides = array<i32>} : memref<13312xf32, #tpu.memory_space<vmem>>, vector<16xf32>,
    %get3A_315 = vector.shape_cast %get3A_314 : vector<16xf32> to vector<16xf32>
    %mul3A_316 = arith.constant 3.000000e+00 : f32
    %mul3A_317 = vector.broadcast %mul3A_316 : f32 to vector<16xf32>
    %mul3A_318 = arith.mulf %mul3A_317, %scan3A_308 : vector<16xf32>
    %sub3A_319 = arith.subf %mul3A_318, %get3A_312 : vector<16xf32>
    %sub3A_320 = arith.subf %sub3A_319, %get3A_315 : vector<16xf32>
    %mul3A_321 = arith.constant 0.00250626565 : f32
    %mul3A_322 = vector.broadcast %mul3A_321 : f32 to vector<16xf32>
    %mul3A_323 = arith.mulf %sub3A_320, %mul3A_322 : vector<16xf32>
    %add3A_324 = arith.addf %mul3A_323, %get3A_2 : vector<16xf32>
    %swap3A_325 = arith.constant 112 : index
    %swap3A_326 = tpu.vector_load %arg10[%swap3A_325] {strides = array<i32>} : memref<128xf32, #tpu.memory_space<vmem>>, vector<16xf32>,
    %swap3A_327 = vector.shape_cast %swap3A_326 : vector<16xf32> to vector<16xf32>
    %swap3A_328 = vector.shape_cast %add3A_324 : vector<16xf32> to vector<16xf32>
    tpu.vector_store %arg10[%swap3A_325], %swap3A_328 {strides = array<i32>} : memref<128xf32, #tpu.memory_space<vmem>>, vector<16xf32>,
    %mul3A_329 = arith.constant 4 : i32
    %mul3A_330 = arith.muli %add3A, %mul3A_329 : i32
    %add3A_331 = arith.constant 0 : i32
    %add3A_332 = arith.addi %mul3A_330, %add3A_331 : i32
    %mul3A_333 = arith.constant 128 : i32
    %mul3A_334 = arith.muli %add3A_332, %mul3A_333 : i32
    "tpu.region"() ({
      %run_scoped3A = tpu.sem_alloc : memref<!tpu.dma_semaphore, #tpu.memory_space<semaphore_mem>>
      %dma_start3A_1281 = tpu.memref_slice %arg5[%mul3A_334] : memref<16384xf32, #tpu.memory_space<hbm>> -> memref<128xf32, #tpu.memory_space<hbm>>
      %dma_start3A_1282 = tpu.memref_slice %arg5[%mul3A_334] : memref<16384xf32, #tpu.memory_space<hbm>> -> memref<128xf32, #tpu.memory_space<hbm>>
      tpu.enqueue_dma source(%arg10 : memref<128xf32, #tpu.memory_space<vmem>>) target(%dma_start3A_1282 : memref<128xf32, #tpu.memory_space<hbm>>) target_semaphore(%run_scoped3A : memref<!tpu.dma_semaphore, #tpu.memory_space<semaphore_mem>>)
      %dma_wait3A_1283 = tpu.memref_slice %arg5[%mul3A_334] : memref<16384xf32, #tpu.memory_space<hbm>> -> memref<128xf32, #tpu.memory_space<hbm>>
      %dma_wait3A_1284 = tpu.memref_slice %arg5[%mul3A_334] : memref<16384xf32, #tpu.memory_space<hbm>> -> memref<128xf32, #tpu.memory_space<hbm>>
      tpu.wait_dma2 semaphore(%run_scoped3A : memref<!tpu.dma_semaphore, #tpu.memory_space<semaphore_mem>>) src(%arg10 : memref<128xf32, #tpu.memory_space<vmem>>) dst(%dma_wait3A_1284 : memref<128xf32, #tpu.memory_space<hbm>>)
      tpu.yield
    }) : () -> ()
    %dma_wait3A_335 = arith.constant 0 : i32
    %dma_wait3A_336 = tpu.memref_slice %arg2[%dma_wait3A_335, %mul3A_60] : memref<200x16384xi32, #tpu.memory_space<hbm>> -> memref<96x128xi32, #tpu.memory_space<hbm>>
    %dma_wait3A_337 = arith.constant 0 : i32
    %dma_wait3A_338 = tpu.memref_slice %arg2[%dma_wait3A_337, %mul3A_60] : memref<200x16384xi32, #tpu.memory_space<hbm>> -> memref<96x128xi32, #tpu.memory_space<hbm>>
    tpu.wait_dma2 semaphore(%arg15 : memref<!tpu.dma_semaphore, #tpu.memory_space<semaphore_mem>>) src(%dma_wait3A_338 : memref<96x128xi32, #tpu.memory_space<hbm>>) dst(%arg6 : memref<96x128xi32, #tpu.memory_space<vmem>>)
    %dma_wait3A_339 = arith.constant 96 : i32
    %dma_wait3A_340 = tpu.memref_slice %arg2[%dma_wait3A_339, %mul3A_60] : memref<200x16384xi32, #tpu.memory_space<hbm>> -> memref<104x128xi32, #tpu.memory_space<hbm>>
    %dma_wait3A_341 = arith.constant 96 : i32
    %dma_wait3A_342 = tpu.memref_slice %arg2[%dma_wait3A_341, %mul3A_60] : memref<200x16384xi32, #tpu.memory_space<hbm>> -> memref<104x128xi32, #tpu.memory_space<hbm>>
    tpu.wait_dma2 semaphore(%arg15 : memref<!tpu.dma_semaphore, #tpu.memory_space<semaphore_mem>>) src(%dma_wait3A_342 : memref<104x128xi32, #tpu.memory_space<hbm>>) dst(%arg7 : memref<104x128xi32, #tpu.memory_space<vmem>>)
    %dma_start3A_343 = arith.constant 0 : i32
    %dma_start3A_344 = tpu.memref_reshape %arg6 : memref<96x128xi32, #tpu.memory_space<vmem>> -> memref<1x12288xi32, #tpu.memory_space<vmem>>
    %dma_start3A_345 = arith.constant 0 : i32
    %dma_start3A_346 = tpu.memref_slice %dma_start3A_344[%dma_start3A_343, %dma_start3A_345] : memref<1x12288xi32, #tpu.memory_space<vmem>> -> memref<1x12288xi32, #tpu.memory_space<vmem>>
    %dma_start3A_347 = tpu.memref_squeeze %dma_start3A_346 : memref<1x12288xi32, #tpu.memory_space<vmem>> -> memref<12288xi32, #tpu.memory_space<vmem>>
    %dma_start3A_348 = arith.constant 0 : i32
    %dma_start3A_349 = tpu.memref_slice %arg12[%dma_start3A_348] : memref<1048576xf32, #tpu.memory_space<vmem_shared>> -> memref<1048576xf32, #tpu.memory_space<vmem_shared>>
    tpu.enqueue_indirect_dma source(%dma_start3A_349 : memref<1048576xf32, #tpu.memory_space<vmem_shared>>) target(%arg8 : memref<12288xf32, #tpu.memory_space<vmem>>) offsets(%dma_start3A_347 : memref<12288xi32, #tpu.memory_space<vmem>>) semaphore(%arg13 : memref<!tpu.dma_semaphore, #tpu.memory_space<semaphore_mem>>)
    %dma_start3A_350 = arith.constant 0 : i32
    %dma_start3A_351 = tpu.memref_reshape %arg7 : memref<104x128xi32, #tpu.memory_space<vmem>> -> memref<1x13312xi32, #tpu.memory_space<vmem>>
    %dma_start3A_352 = arith.constant 0 : i32
    %dma_start3A_353 = tpu.memref_slice %dma_start3A_351[%dma_start3A_350, %dma_start3A_352] : memref<1x13312xi32, #tpu.memory_space<vmem>> -> memref<1x13312xi32, #tpu.memory_space<vmem>>
    %dma_start3A_354 = tpu.memref_squeeze %dma_start3A_353 : memref<1x13312xi32, #tpu.memory_space<vmem>> -> memref<13312xi32, #tpu.memory_space<vmem>>
    %dma_start3A_355 = arith.constant 0 : i32
    %dma_start3A_356 = tpu.memref_slice %arg12[%dma_start3A_355] : memref<1048576xf32, #tpu.memory_space<vmem_shared>> -> memref<1048576xf32, #tpu.memory_space<vmem_shared>>
    tpu.enqueue_indirect_dma source(%dma_start3A_356 : memref<1048576xf32, #tpu.memory_space<vmem_shared>>) target(%arg9 : memref<13312xf32, #tpu.memory_space<vmem>>) offsets(%dma_start3A_354 : memref<13312xi32, #tpu.memory_space<vmem>>) semaphore(%arg14 : memref<!tpu.dma_semaphore, #tpu.memory_space<semaphore_mem>>)
    %dma_wait3A_357 = arith.constant 0 : i32
    %dma_wait3A_358 = tpu.memref_reshape %arg6 : memref<96x128xi32, #tpu.memory_space<vmem>> -> memref<1x12288xi32, #tpu.memory_space<vmem>>
    %dma_wait3A_359 = arith.constant 0 : i32
    %dma_wait3A_360 = tpu.memref_slice %dma_wait3A_358[%dma_wait3A_357, %dma_wait3A_359] : memref<1x12288xi32, #tpu.memory_space<vmem>> -> memref<1x12288xi32, #tpu.memory_space<vmem>>
    %dma_wait3A_361 = tpu.memref_squeeze %dma_wait3A_360 : memref<1x12288xi32, #tpu.memory_space<vmem>> -> memref<12288xi32, #tpu.memory_space<vmem>>
    %dma_wait3A_362 = arith.constant 0 : i32
    %dma_wait3A_363 = tpu.memref_slice %arg12[%dma_wait3A_362] : memref<1048576xf32, #tpu.memory_space<vmem_shared>> -> memref<1048576xf32, #tpu.memory_space<vmem_shared>>
    tpu.wait_indirect_dma semaphore(%arg13 : memref<!tpu.dma_semaphore, #tpu.memory_space<semaphore_mem>>) src(%dma_wait3A_363 : memref<1048576xf32, #tpu.memory_space<vmem_shared>>) dst(%arg8 : memref<12288xf32, #tpu.memory_space<vmem>>)
    %dma_wait3A_364 = arith.constant 0 : i32
    %dma_wait3A_365 = tpu.memref_reshape %arg7 : memref<104x128xi32, #tpu.memory_space<vmem>> -> memref<1x13312xi32, #tpu.memory_space<vmem>>
    %dma_wait3A_366 = arith.constant 0 : i32
    %dma_wait3A_367 = tpu.memref_slice %dma_wait3A_365[%dma_wait3A_364, %dma_wait3A_366] : memref<1x13312xi32, #tpu.memory_space<vmem>> -> memref<1x13312xi32, #tpu.memory_space<vmem>>
    %dma_wait3A_368 = tpu.memref_squeeze %dma_wait3A_367 : memref<1x13312xi32, #tpu.memory_space<vmem>> -> memref<13312xi32, #tpu.memory_space<vmem>>
    %dma_wait3A_369 = arith.constant 0 : i32
    %dma_wait3A_370 = tpu.memref_slice %arg12[%dma_wait3A_369] : memref<1048576xf32, #tpu.memory_space<vmem_shared>> -> memref<1048576xf32, #tpu.memory_space<vmem_shared>>
    tpu.wait_indirect_dma semaphore(%arg14 : memref<!tpu.dma_semaphore, #tpu.memory_space<semaphore_mem>>) src(%dma_wait3A_370 : memref<1048576xf32, #tpu.memory_space<vmem_shared>>) dst(%arg9 : memref<13312xf32, #tpu.memory_space<vmem>>)
    %mul3A_371 = arith.constant 4 : i32
    %mul3A_372 = arith.muli %add3A, %mul3A_371 : i32
    %add3A_373 = arith.constant 2 : i32
    %add3A_374 = arith.addi %mul3A_372, %add3A_373 : i32
    %mul3A_375 = arith.constant 128 : i32
    %mul3A_376 = arith.muli %add3A_374, %mul3A_375 : i32
    %dma_start3A_377 = arith.constant 0 : i32
    %dma_start3A_378 = tpu.memref_slice %arg2[%dma_start3A_377, %mul3A_376] : memref<200x16384xi32, #tpu.memory_space<hbm>> -> memref<96x128xi32, #tpu.memory_space<hbm>>
    %dma_start3A_379 = arith.constant 0 : i32
    %dma_start3A_380 = tpu.memref_slice %arg2[%dma_start3A_379, %mul3A_376] : memref<200x16384xi32, #tpu.memory_space<hbm>> -> memref<96x128xi32, #tpu.memory_space<hbm>>
    tpu.enqueue_dma source(%dma_start3A_380 : memref<96x128xi32, #tpu.memory_space<hbm>>) target(%arg6 : memref<96x128xi32, #tpu.memory_space<vmem>>) target_semaphore(%arg15 : memref<!tpu.dma_semaphore, #tpu.memory_space<semaphore_mem>>)
    %dma_start3A_381 = arith.constant 96 : i32
    %dma_start3A_382 = tpu.memref_slice %arg2[%dma_start3A_381, %mul3A_376] : memref<200x16384xi32, #tpu.memory_space<hbm>> -> memref<104x128xi32, #tpu.memory_space<hbm>>
    %dma_start3A_383 = arith.constant 96 : i32
    %dma_start3A_384 = tpu.memref_slice %arg2[%dma_start3A_383, %mul3A_376] : memref<200x16384xi32, #tpu.memory_space<hbm>> -> memref<104x128xi32, #tpu.memory_space<hbm>>
    tpu.enqueue_dma source(%dma_start3A_384 : memref<104x128xi32, #tpu.memory_space<hbm>>) target(%arg7 : memref<104x128xi32, #tpu.memory_space<vmem>>) target_semaphore(%arg15 : memref<!tpu.dma_semaphore, #tpu.memory_space<semaphore_mem>>)
    %broadcast_in_dim3A_385 = arith.constant 0.000000e+00 : f32
    %broadcast_in_dim3A_386 = vector.broadcast %broadcast_in_dim3A_385 : f32 to vector<16xf32>
    %scan3A_387 = arith.constant 0 : i32
    %scan3A_388 = arith.constant 24 : i32
    %scan3A_389 = arith.addi %scan3A_387, %scan3A_388 : i32
    %scan3A_390 = arith.constant 1 : i32
    %scan3A_391 = scf.for %scan3A_1281 = %scan3A_387 to %scan3A_389 step %scan3A_390 iter_args(%scan3A_1282 = %broadcast_in_dim3A_386) -> (vector<16xf32>)  : i32 {
      %mul3A_1283 = arith.constant 4 : i32
      %mul3A_1284 = arith.muli %scan3A_1281, %mul3A_1283 : i32
      %add3A_1285 = arith.constant 0 : i32
      %add3A_1286 = arith.addi %mul3A_1284, %add3A_1285 : i32
      %mul3A_1287 = arith.constant 128 : i32
      %mul3A_1288 = arith.muli %add3A_1286, %mul3A_1287 : i32
      %add3A_1289 = arith.constant 0 : i32
      %add3A_1290 = arith.addi %mul3A_1288, %add3A_1289 : i32
      %get3A_1291 = arith.index_cast %add3A_1290 : i32 to index
      %get3A_1292 = tpu.vector_load %arg8[%get3A_1291] {strides = array<i32>} : memref<12288xf32, #tpu.memory_space<vmem>>, vector<16xf32>,
      %get3A_1293 = vector.shape_cast %get3A_1292 : vector<16xf32> to vector<16xf32>
      %add3A_1294 = arith.addf %scan3A_1282, %get3A_1293 : vector<16xf32>
      %mul3A_1295 = arith.constant 4 : i32
      %mul3A_1296 = arith.muli %scan3A_1281, %mul3A_1295 : i32
      %add3A_1297 = arith.constant 1 : i32
      %add3A_1298 = arith.addi %mul3A_1296, %add3A_1297 : i32
      %mul3A_1299 = arith.constant 128 : i32
      %mul3A_1300 = arith.muli %add3A_1298, %mul3A_1299 : i32
      %add3A_1301 = arith.constant 0 : i32
      %add3A_1302 = arith.addi %mul3A_1300, %add3A_1301 : i32
      %get3A_1303 = arith.index_cast %add3A_1302 : i32 to index
      %get3A_1304 = tpu.vector_load %arg8[%get3A_1303] {strides = array<i32>} : memref<12288xf32, #tpu.memory_space<vmem>>, vector<16xf32>,
      %get3A_1305 = vector.shape_cast %get3A_1304 : vector<16xf32> to vector<16xf32>
      %add3A_1306 = arith.addf %add3A_1294, %get3A_1305 : vector<16xf32>
      %mul3A_1307 = arith.constant 4 : i32
      %mul3A_1308 = arith.muli %scan3A_1281, %mul3A_1307 : i32
      %add3A_1309 = arith.constant 2 : i32
      %add3A_1310 = arith.addi %mul3A_1308, %add3A_1309 : i32
      %mul3A_1311 = arith.constant 128 : i32
      %mul3A_1312 = arith.muli %add3A_1310, %mul3A_1311 : i32
      %add3A_1313 = arith.constant 0 : i32
      %add3A_1314 = arith.addi %mul3A_1312, %add3A_1313 : i32
      %get3A_1315 = arith.index_cast %add3A_1314 : i32 to index
      %get3A_1316 = tpu.vector_load %arg8[%get3A_1315] {strides = array<i32>} : memref<12288xf32, #tpu.memory_space<vmem>>, vector<16xf32>,
      %get3A_1317 = vector.shape_cast %get3A_1316 : vector<16xf32> to vector<16xf32>
      %add3A_1318 = arith.addf %add3A_1306, %get3A_1317 : vector<16xf32>
      %mul3A_1319 = arith.constant 4 : i32
      %mul3A_1320 = arith.muli %scan3A_1281, %mul3A_1319 : i32
      %add3A_1321 = arith.constant 3 : i32
      %add3A_1322 = arith.addi %mul3A_1320, %add3A_1321 : i32
      %mul3A_1323 = arith.constant 128 : i32
      %mul3A_1324 = arith.muli %add3A_1322, %mul3A_1323 : i32
      %add3A_1325 = arith.constant 0 : i32
      %add3A_1326 = arith.addi %mul3A_1324, %add3A_1325 : i32
      %get3A_1327 = arith.index_cast %add3A_1326 : i32 to index
      %get3A_1328 = tpu.vector_load %arg8[%get3A_1327] {strides = array<i32>} : memref<12288xf32, #tpu.memory_space<vmem>>, vector<16xf32>,
      %get3A_1329 = vector.shape_cast %get3A_1328 : vector<16xf32> to vector<16xf32>
      %add3A_1330 = arith.addf %add3A_1318, %get3A_1329 : vector<16xf32>
      scf.yield %add3A_1330 : vector<16xf32>
    }
    %scan3A_392 = arith.constant 24 : i32
    %scan3A_393 = arith.constant 0 : i32
    %scan3A_394 = arith.constant 26 : i32
    %scan3A_395 = arith.addi %scan3A_393, %scan3A_394 : i32
    %scan3A_396 = arith.constant 1 : i32
    %scan3A_397 = scf.for %scan3A_1281 = %scan3A_393 to %scan3A_395 step %scan3A_396 iter_args(%scan3A_1282 = %scan3A_391) -> (vector<16xf32>)  : i32 {
      %mul3A_1283 = arith.constant 4 : i32
      %mul3A_1284 = arith.muli %scan3A_1281, %mul3A_1283 : i32
      %add3A_1285 = arith.constant 0 : i32
      %add3A_1286 = arith.addi %mul3A_1284, %add3A_1285 : i32
      %mul3A_1287 = arith.constant 128 : i32
      %mul3A_1288 = arith.muli %add3A_1286, %mul3A_1287 : i32
      %add3A_1289 = arith.constant 0 : i32
      %add3A_1290 = arith.addi %mul3A_1288, %add3A_1289 : i32
      %get3A_1291 = arith.index_cast %add3A_1290 : i32 to index
      %get3A_1292 = tpu.vector_load %arg9[%get3A_1291] {strides = array<i32>} : memref<13312xf32, #tpu.memory_space<vmem>>, vector<16xf32>,
      %get3A_1293 = vector.shape_cast %get3A_1292 : vector<16xf32> to vector<16xf32>
      %add3A_1294 = arith.addf %scan3A_1282, %get3A_1293 : vector<16xf32>
      %mul3A_1295 = arith.constant 4 : i32
      %mul3A_1296 = arith.muli %scan3A_1281, %mul3A_1295 : i32
      %add3A_1297 = arith.constant 1 : i32
      %add3A_1298 = arith.addi %mul3A_1296, %add3A_1297 : i32
      %mul3A_1299 = arith.constant 128 : i32
      %mul3A_1300 = arith.muli %add3A_1298, %mul3A_1299 : i32
      %add3A_1301 = arith.constant 0 : i32
      %add3A_1302 = arith.addi %mul3A_1300, %add3A_1301 : i32
      %get3A_1303 = arith.index_cast %add3A_1302 : i32 to index
      %get3A_1304 = tpu.vector_load %arg9[%get3A_1303] {strides = array<i32>} : memref<13312xf32, #tpu.memory_space<vmem>>, vector<16xf32>,
      %get3A_1305 = vector.shape_cast %get3A_1304 : vector<16xf32> to vector<16xf32>
      %add3A_1306 = arith.addf %add3A_1294, %get3A_1305 : vector<16xf32>
      %mul3A_1307 = arith.constant 4 : i32
      %mul3A_1308 = arith.muli %scan3A_1281, %mul3A_1307 : i32
      %add3A_1309 = arith.constant 2 : i32
      %add3A_1310 = arith.addi %mul3A_1308, %add3A_1309 : i32
      %mul3A_1311 = arith.constant 128 : i32
      %mul3A_1312 = arith.muli %add3A_1310, %mul3A_1311 : i32
      %add3A_1313 = arith.constant 0 : i32
      %add3A_1314 = arith.addi %mul3A_1312, %add3A_1313 : i32
      %get3A_1315 = arith.index_cast %add3A_1314 : i32 to index
      %get3A_1316 = tpu.vector_load %arg9[%get3A_1315] {strides = array<i32>} : memref<13312xf32, #tpu.memory_space<vmem>>, vector<16xf32>,
      %get3A_1317 = vector.shape_cast %get3A_1316 : vector<16xf32> to vector<16xf32>
      %add3A_1318 = arith.addf %add3A_1306, %get3A_1317 : vector<16xf32>
      %mul3A_1319 = arith.constant 4 : i32
      %mul3A_1320 = arith.muli %scan3A_1281, %mul3A_1319 : i32
      %add3A_1321 = arith.constant 3 : i32
      %add3A_1322 = arith.addi %mul3A_1320, %add3A_1321 : i32
      %mul3A_1323 = arith.constant 128 : i32
      %mul3A_1324 = arith.muli %add3A_1322, %mul3A_1323 : i32
      %add3A_1325 = arith.constant 0 : i32
      %add3A_1326 = arith.addi %mul3A_1324, %add3A_1325 : i32
      %get3A_1327 = arith.index_cast %add3A_1326 : i32 to index
      %get3A_1328 = tpu.vector_load %arg9[%get3A_1327] {strides = array<i32>} : memref<13312xf32, #tpu.memory_space<vmem>>, vector<16xf32>,
      %get3A_1329 = vector.shape_cast %get3A_1328 : vector<16xf32> to vector<16xf32>
      %add3A_1330 = arith.addf %add3A_1318, %get3A_1329 : vector<16xf32>
      scf.yield %add3A_1330 : vector<16xf32>
    }
    %scan3A_398 = arith.constant 26 : i32
    %get3A_399 = arith.constant 0 : index
    %get3A_400 = tpu.vector_load %arg8[%get3A_399] {strides = array<i32>} : memref<12288xf32, #tpu.memory_space<vmem>>, vector<16xf32>,
    %get3A_401 = vector.shape_cast %get3A_400 : vector<16xf32> to vector<16xf32>
    %get3A_402 = arith.constant 13184 : index
    %get3A_403 = tpu.vector_load %arg9[%get3A_402] {strides = array<i32>} : memref<13312xf32, #tpu.memory_space<vmem>>, vector<16xf32>,
    %get3A_404 = vector.shape_cast %get3A_403 : vector<16xf32> to vector<16xf32>
    %mul3A_405 = arith.constant 3.000000e+00 : f32
    %mul3A_406 = vector.broadcast %mul3A_405 : f32 to vector<16xf32>
    %mul3A_407 = arith.mulf %mul3A_406, %scan3A_397 : vector<16xf32>
    %sub3A_408 = arith.subf %mul3A_407, %get3A_401 : vector<16xf32>
    %sub3A_409 = arith.subf %sub3A_408, %get3A_404 : vector<16xf32>
    %mul3A_410 = arith.constant 0.00250626565 : f32
    %mul3A_411 = vector.broadcast %mul3A_410 : f32 to vector<16xf32>
    %mul3A_412 = arith.mulf %sub3A_409, %mul3A_411 : vector<16xf32>
    %add3A_413 = arith.addf %mul3A_412, %get3A_2 : vector<16xf32>
    %swap3A_414 = arith.constant 0 : index
    %swap3A_415 = tpu.vector_load %arg10[%swap3A_414] {strides = array<i32>} : memref<128xf32, #tpu.memory_space<vmem>>, vector<16xf32>,
    %swap3A_416 = vector.shape_cast %swap3A_415 : vector<16xf32> to vector<16xf32>
    %swap3A_417 = vector.shape_cast %add3A_413 : vector<16xf32> to vector<16xf32>
    tpu.vector_store %arg10[%swap3A_414], %swap3A_417 {strides = array<i32>} : memref<128xf32, #tpu.memory_space<vmem>>, vector<16xf32>,
    %broadcast_in_dim3A_418 = arith.constant 0.000000e+00 : f32
    %broadcast_in_dim3A_419 = vector.broadcast %broadcast_in_dim3A_418 : f32 to vector<16xf32>
    %scan3A_420 = arith.constant 0 : i32
    %scan3A_421 = arith.constant 24 : i32
    %scan3A_422 = arith.addi %scan3A_420, %scan3A_421 : i32
    %scan3A_423 = arith.constant 1 : i32
    %scan3A_424 = scf.for %scan3A_1281 = %scan3A_420 to %scan3A_422 step %scan3A_423 iter_args(%scan3A_1282 = %broadcast_in_dim3A_419) -> (vector<16xf32>)  : i32 {
      %mul3A_1283 = arith.constant 4 : i32
      %mul3A_1284 = arith.muli %scan3A_1281, %mul3A_1283 : i32
      %add3A_1285 = arith.constant 0 : i32
      %add3A_1286 = arith.addi %mul3A_1284, %add3A_1285 : i32
      %mul3A_1287 = arith.constant 128 : i32
      %mul3A_1288 = arith.muli %add3A_1286, %mul3A_1287 : i32
      %add3A_1289 = arith.constant 16 : i32
      %add3A_1290 = arith.addi %mul3A_1288, %add3A_1289 : i32
      %get3A_1291 = arith.index_cast %add3A_1290 : i32 to index
      %get3A_1292 = tpu.vector_load %arg8[%get3A_1291] {strides = array<i32>} : memref<12288xf32, #tpu.memory_space<vmem>>, vector<16xf32>,
      %get3A_1293 = vector.shape_cast %get3A_1292 : vector<16xf32> to vector<16xf32>
      %add3A_1294 = arith.addf %scan3A_1282, %get3A_1293 : vector<16xf32>
      %mul3A_1295 = arith.constant 4 : i32
      %mul3A_1296 = arith.muli %scan3A_1281, %mul3A_1295 : i32
      %add3A_1297 = arith.constant 1 : i32
      %add3A_1298 = arith.addi %mul3A_1296, %add3A_1297 : i32
      %mul3A_1299 = arith.constant 128 : i32
      %mul3A_1300 = arith.muli %add3A_1298, %mul3A_1299 : i32
      %add3A_1301 = arith.constant 16 : i32
      %add3A_1302 = arith.addi %mul3A_1300, %add3A_1301 : i32
      %get3A_1303 = arith.index_cast %add3A_1302 : i32 to index
      %get3A_1304 = tpu.vector_load %arg8[%get3A_1303] {strides = array<i32>} : memref<12288xf32, #tpu.memory_space<vmem>>, vector<16xf32>,
      %get3A_1305 = vector.shape_cast %get3A_1304 : vector<16xf32> to vector<16xf32>
      %add3A_1306 = arith.addf %add3A_1294, %get3A_1305 : vector<16xf32>
      %mul3A_1307 = arith.constant 4 : i32
      %mul3A_1308 = arith.muli %scan3A_1281, %mul3A_1307 : i32
      %add3A_1309 = arith.constant 2 : i32
      %add3A_1310 = arith.addi %mul3A_1308, %add3A_1309 : i32
      %mul3A_1311 = arith.constant 128 : i32
      %mul3A_1312 = arith.muli %add3A_1310, %mul3A_1311 : i32
      %add3A_1313 = arith.constant 16 : i32
      %add3A_1314 = arith.addi %mul3A_1312, %add3A_1313 : i32
      %get3A_1315 = arith.index_cast %add3A_1314 : i32 to index
      %get3A_1316 = tpu.vector_load %arg8[%get3A_1315] {strides = array<i32>} : memref<12288xf32, #tpu.memory_space<vmem>>, vector<16xf32>,
      %get3A_1317 = vector.shape_cast %get3A_1316 : vector<16xf32> to vector<16xf32>
      %add3A_1318 = arith.addf %add3A_1306, %get3A_1317 : vector<16xf32>
      %mul3A_1319 = arith.constant 4 : i32
      %mul3A_1320 = arith.muli %scan3A_1281, %mul3A_1319 : i32
      %add3A_1321 = arith.constant 3 : i32
      %add3A_1322 = arith.addi %mul3A_1320, %add3A_1321 : i32
      %mul3A_1323 = arith.constant 128 : i32
      %mul3A_1324 = arith.muli %add3A_1322, %mul3A_1323 : i32
      %add3A_1325 = arith.constant 16 : i32
      %add3A_1326 = arith.addi %mul3A_1324, %add3A_1325 : i32
      %get3A_1327 = arith.index_cast %add3A_1326 : i32 to index
      %get3A_1328 = tpu.vector_load %arg8[%get3A_1327] {strides = array<i32>} : memref<12288xf32, #tpu.memory_space<vmem>>, vector<16xf32>,
      %get3A_1329 = vector.shape_cast %get3A_1328 : vector<16xf32> to vector<16xf32>
      %add3A_1330 = arith.addf %add3A_1318, %get3A_1329 : vector<16xf32>
      scf.yield %add3A_1330 : vector<16xf32>
    }
    %scan3A_425 = arith.constant 24 : i32
    %scan3A_426 = arith.constant 0 : i32
    %scan3A_427 = arith.constant 26 : i32
    %scan3A_428 = arith.addi %scan3A_426, %scan3A_427 : i32
    %scan3A_429 = arith.constant 1 : i32
    %scan3A_430 = scf.for %scan3A_1281 = %scan3A_426 to %scan3A_428 step %scan3A_429 iter_args(%scan3A_1282 = %scan3A_424) -> (vector<16xf32>)  : i32 {
      %mul3A_1283 = arith.constant 4 : i32
      %mul3A_1284 = arith.muli %scan3A_1281, %mul3A_1283 : i32
      %add3A_1285 = arith.constant 0 : i32
      %add3A_1286 = arith.addi %mul3A_1284, %add3A_1285 : i32
      %mul3A_1287 = arith.constant 128 : i32
      %mul3A_1288 = arith.muli %add3A_1286, %mul3A_1287 : i32
      %add3A_1289 = arith.constant 16 : i32
      %add3A_1290 = arith.addi %mul3A_1288, %add3A_1289 : i32
      %get3A_1291 = arith.index_cast %add3A_1290 : i32 to index
      %get3A_1292 = tpu.vector_load %arg9[%get3A_1291] {strides = array<i32>} : memref<13312xf32, #tpu.memory_space<vmem>>, vector<16xf32>,
      %get3A_1293 = vector.shape_cast %get3A_1292 : vector<16xf32> to vector<16xf32>
      %add3A_1294 = arith.addf %scan3A_1282, %get3A_1293 : vector<16xf32>
      %mul3A_1295 = arith.constant 4 : i32
      %mul3A_1296 = arith.muli %scan3A_1281, %mul3A_1295 : i32
      %add3A_1297 = arith.constant 1 : i32
      %add3A_1298 = arith.addi %mul3A_1296, %add3A_1297 : i32
      %mul3A_1299 = arith.constant 128 : i32
      %mul3A_1300 = arith.muli %add3A_1298, %mul3A_1299 : i32
      %add3A_1301 = arith.constant 16 : i32
      %add3A_1302 = arith.addi %mul3A_1300, %add3A_1301 : i32
      %get3A_1303 = arith.index_cast %add3A_1302 : i32 to index
      %get3A_1304 = tpu.vector_load %arg9[%get3A_1303] {strides = array<i32>} : memref<13312xf32, #tpu.memory_space<vmem>>, vector<16xf32>,
      %get3A_1305 = vector.shape_cast %get3A_1304 : vector<16xf32> to vector<16xf32>
      %add3A_1306 = arith.addf %add3A_1294, %get3A_1305 : vector<16xf32>
      %mul3A_1307 = arith.constant 4 : i32
      %mul3A_1308 = arith.muli %scan3A_1281, %mul3A_1307 : i32
      %add3A_1309 = arith.constant 2 : i32
      %add3A_1310 = arith.addi %mul3A_1308, %add3A_1309 : i32
      %mul3A_1311 = arith.constant 128 : i32
      %mul3A_1312 = arith.muli %add3A_1310, %mul3A_1311 : i32
      %add3A_1313 = arith.constant 16 : i32
      %add3A_1314 = arith.addi %mul3A_1312, %add3A_1313 : i32
      %get3A_1315 = arith.index_cast %add3A_1314 : i32 to index
      %get3A_1316 = tpu.vector_load %arg9[%get3A_1315] {strides = array<i32>} : memref<13312xf32, #tpu.memory_space<vmem>>, vector<16xf32>,
      %get3A_1317 = vector.shape_cast %get3A_1316 : vector<16xf32> to vector<16xf32>
      %add3A_1318 = arith.addf %add3A_1306, %get3A_1317 : vector<16xf32>
      %mul3A_1319 = arith.constant 4 : i32
      %mul3A_1320 = arith.muli %scan3A_1281, %mul3A_1319 : i32
      %add3A_1321 = arith.constant 3 : i32
      %add3A_1322 = arith.addi %mul3A_1320, %add3A_1321 : i32
      %mul3A_1323 = arith.constant 128 : i32
      %mul3A_1324 = arith.muli %add3A_1322, %mul3A_1323 : i32
      %add3A_1325 = arith.constant 16 : i32
      %add3A_1326 = arith.addi %mul3A_1324, %add3A_1325 : i32
      %get3A_1327 = arith.index_cast %add3A_1326 : i32 to index
      %get3A_1328 = tpu.vector_load %arg9[%get3A_1327] {strides = array<i32>} : memref<13312xf32, #tpu.memory_space<vmem>>, vector<16xf32>,
      %get3A_1329 = vector.shape_cast %get3A_1328 : vector<16xf32> to vector<16xf32>
      %add3A_1330 = arith.addf %add3A_1318, %get3A_1329 : vector<16xf32>
      scf.yield %add3A_1330 : vector<16xf32>
    }
    %scan3A_431 = arith.constant 26 : i32
    %get3A_432 = arith.constant 16 : index
    %get3A_433 = tpu.vector_load %arg8[%get3A_432] {strides = array<i32>} : memref<12288xf32, #tpu.memory_space<vmem>>, vector<16xf32>,
    %get3A_434 = vector.shape_cast %get3A_433 : vector<16xf32> to vector<16xf32>
    %get3A_435 = arith.constant 13200 : index
    %get3A_436 = tpu.vector_load %arg9[%get3A_435] {strides = array<i32>} : memref<13312xf32, #tpu.memory_space<vmem>>, vector<16xf32>,
    %get3A_437 = vector.shape_cast %get3A_436 : vector<16xf32> to vector<16xf32>
    %mul3A_438 = arith.constant 3.000000e+00 : f32
    %mul3A_439 = vector.broadcast %mul3A_438 : f32 to vector<16xf32>
    %mul3A_440 = arith.mulf %mul3A_439, %scan3A_430 : vector<16xf32>
    %sub3A_441 = arith.subf %mul3A_440, %get3A_434 : vector<16xf32>
    %sub3A_442 = arith.subf %sub3A_441, %get3A_437 : vector<16xf32>
    %mul3A_443 = arith.constant 0.00250626565 : f32
    %mul3A_444 = vector.broadcast %mul3A_443 : f32 to vector<16xf32>
    %mul3A_445 = arith.mulf %sub3A_442, %mul3A_444 : vector<16xf32>
    %add3A_446 = arith.addf %mul3A_445, %get3A_2 : vector<16xf32>
    %swap3A_447 = arith.constant 16 : index
    %swap3A_448 = tpu.vector_load %arg10[%swap3A_447] {strides = array<i32>} : memref<128xf32, #tpu.memory_space<vmem>>, vector<16xf32>,
    %swap3A_449 = vector.shape_cast %swap3A_448 : vector<16xf32> to vector<16xf32>
    %swap3A_450 = vector.shape_cast %add3A_446 : vector<16xf32> to vector<16xf32>
    tpu.vector_store %arg10[%swap3A_447], %swap3A_450 {strides = array<i32>} : memref<128xf32, #tpu.memory_space<vmem>>, vector<16xf32>,
    %broadcast_in_dim3A_451 = arith.constant 0.000000e+00 : f32
    %broadcast_in_dim3A_452 = vector.broadcast %broadcast_in_dim3A_451 : f32 to vector<16xf32>
    %scan3A_453 = arith.constant 0 : i32
    %scan3A_454 = arith.constant 24 : i32
    %scan3A_455 = arith.addi %scan3A_453, %scan3A_454 : i32
    %scan3A_456 = arith.constant 1 : i32
    %scan3A_457 = scf.for %scan3A_1281 = %scan3A_453 to %scan3A_455 step %scan3A_456 iter_args(%scan3A_1282 = %broadcast_in_dim3A_452) -> (vector<16xf32>)  : i32 {
      %mul3A_1283 = arith.constant 4 : i32
      %mul3A_1284 = arith.muli %scan3A_1281, %mul3A_1283 : i32
      %add3A_1285 = arith.constant 0 : i32
      %add3A_1286 = arith.addi %mul3A_1284, %add3A_1285 : i32
      %mul3A_1287 = arith.constant 128 : i32
      %mul3A_1288 = arith.muli %add3A_1286, %mul3A_1287 : i32
      %add3A_1289 = arith.constant 32 : i32
      %add3A_1290 = arith.addi %mul3A_1288, %add3A_1289 : i32
      %get3A_1291 = arith.index_cast %add3A_1290 : i32 to index
      %get3A_1292 = tpu.vector_load %arg8[%get3A_1291] {strides = array<i32>} : memref<12288xf32, #tpu.memory_space<vmem>>, vector<16xf32>,
      %get3A_1293 = vector.shape_cast %get3A_1292 : vector<16xf32> to vector<16xf32>
      %add3A_1294 = arith.addf %scan3A_1282, %get3A_1293 : vector<16xf32>
      %mul3A_1295 = arith.constant 4 : i32
      %mul3A_1296 = arith.muli %scan3A_1281, %mul3A_1295 : i32
      %add3A_1297 = arith.constant 1 : i32
      %add3A_1298 = arith.addi %mul3A_1296, %add3A_1297 : i32
      %mul3A_1299 = arith.constant 128 : i32
      %mul3A_1300 = arith.muli %add3A_1298, %mul3A_1299 : i32
      %add3A_1301 = arith.constant 32 : i32
      %add3A_1302 = arith.addi %mul3A_1300, %add3A_1301 : i32
      %get3A_1303 = arith.index_cast %add3A_1302 : i32 to index
      %get3A_1304 = tpu.vector_load %arg8[%get3A_1303] {strides = array<i32>} : memref<12288xf32, #tpu.memory_space<vmem>>, vector<16xf32>,
      %get3A_1305 = vector.shape_cast %get3A_1304 : vector<16xf32> to vector<16xf32>
      %add3A_1306 = arith.addf %add3A_1294, %get3A_1305 : vector<16xf32>
      %mul3A_1307 = arith.constant 4 : i32
      %mul3A_1308 = arith.muli %scan3A_1281, %mul3A_1307 : i32
      %add3A_1309 = arith.constant 2 : i32
      %add3A_1310 = arith.addi %mul3A_1308, %add3A_1309 : i32
      %mul3A_1311 = arith.constant 128 : i32
      %mul3A_1312 = arith.muli %add3A_1310, %mul3A_1311 : i32
      %add3A_1313 = arith.constant 32 : i32
      %add3A_1314 = arith.addi %mul3A_1312, %add3A_1313 : i32
      %get3A_1315 = arith.index_cast %add3A_1314 : i32 to index
      %get3A_1316 = tpu.vector_load %arg8[%get3A_1315] {strides = array<i32>} : memref<12288xf32, #tpu.memory_space<vmem>>, vector<16xf32>,
      %get3A_1317 = vector.shape_cast %get3A_1316 : vector<16xf32> to vector<16xf32>
      %add3A_1318 = arith.addf %add3A_1306, %get3A_1317 : vector<16xf32>
      %mul3A_1319 = arith.constant 4 : i32
      %mul3A_1320 = arith.muli %scan3A_1281, %mul3A_1319 : i32
      %add3A_1321 = arith.constant 3 : i32
      %add3A_1322 = arith.addi %mul3A_1320, %add3A_1321 : i32
      %mul3A_1323 = arith.constant 128 : i32
      %mul3A_1324 = arith.muli %add3A_1322, %mul3A_1323 : i32
      %add3A_1325 = arith.constant 32 : i32
      %add3A_1326 = arith.addi %mul3A_1324, %add3A_1325 : i32
      %get3A_1327 = arith.index_cast %add3A_1326 : i32 to index
      %get3A_1328 = tpu.vector_load %arg8[%get3A_1327] {strides = array<i32>} : memref<12288xf32, #tpu.memory_space<vmem>>, vector<16xf32>,
      %get3A_1329 = vector.shape_cast %get3A_1328 : vector<16xf32> to vector<16xf32>
      %add3A_1330 = arith.addf %add3A_1318, %get3A_1329 : vector<16xf32>
      scf.yield %add3A_1330 : vector<16xf32>
    }
    %scan3A_458 = arith.constant 24 : i32
    %scan3A_459 = arith.constant 0 : i32
    %scan3A_460 = arith.constant 26 : i32
    %scan3A_461 = arith.addi %scan3A_459, %scan3A_460 : i32
    %scan3A_462 = arith.constant 1 : i32
    %scan3A_463 = scf.for %scan3A_1281 = %scan3A_459 to %scan3A_461 step %scan3A_462 iter_args(%scan3A_1282 = %scan3A_457) -> (vector<16xf32>)  : i32 {
      %mul3A_1283 = arith.constant 4 : i32
      %mul3A_1284 = arith.muli %scan3A_1281, %mul3A_1283 : i32
      %add3A_1285 = arith.constant 0 : i32
      %add3A_1286 = arith.addi %mul3A_1284, %add3A_1285 : i32
      %mul3A_1287 = arith.constant 128 : i32
      %mul3A_1288 = arith.muli %add3A_1286, %mul3A_1287 : i32
      %add3A_1289 = arith.constant 32 : i32
      %add3A_1290 = arith.addi %mul3A_1288, %add3A_1289 : i32
      %get3A_1291 = arith.index_cast %add3A_1290 : i32 to index
      %get3A_1292 = tpu.vector_load %arg9[%get3A_1291] {strides = array<i32>} : memref<13312xf32, #tpu.memory_space<vmem>>, vector<16xf32>,
      %get3A_1293 = vector.shape_cast %get3A_1292 : vector<16xf32> to vector<16xf32>
      %add3A_1294 = arith.addf %scan3A_1282, %get3A_1293 : vector<16xf32>
      %mul3A_1295 = arith.constant 4 : i32
      %mul3A_1296 = arith.muli %scan3A_1281, %mul3A_1295 : i32
      %add3A_1297 = arith.constant 1 : i32
      %add3A_1298 = arith.addi %mul3A_1296, %add3A_1297 : i32
      %mul3A_1299 = arith.constant 128 : i32
      %mul3A_1300 = arith.muli %add3A_1298, %mul3A_1299 : i32
      %add3A_1301 = arith.constant 32 : i32
      %add3A_1302 = arith.addi %mul3A_1300, %add3A_1301 : i32
      %get3A_1303 = arith.index_cast %add3A_1302 : i32 to index
      %get3A_1304 = tpu.vector_load %arg9[%get3A_1303] {strides = array<i32>} : memref<13312xf32, #tpu.memory_space<vmem>>, vector<16xf32>,
      %get3A_1305 = vector.shape_cast %get3A_1304 : vector<16xf32> to vector<16xf32>
      %add3A_1306 = arith.addf %add3A_1294, %get3A_1305 : vector<16xf32>
      %mul3A_1307 = arith.constant 4 : i32
      %mul3A_1308 = arith.muli %scan3A_1281, %mul3A_1307 : i32
      %add3A_1309 = arith.constant 2 : i32
      %add3A_1310 = arith.addi %mul3A_1308, %add3A_1309 : i32
      %mul3A_1311 = arith.constant 128 : i32
      %mul3A_1312 = arith.muli %add3A_1310, %mul3A_1311 : i32
      %add3A_1313 = arith.constant 32 : i32
      %add3A_1314 = arith.addi %mul3A_1312, %add3A_1313 : i32
      %get3A_1315 = arith.index_cast %add3A_1314 : i32 to index
      %get3A_1316 = tpu.vector_load %arg9[%get3A_1315] {strides = array<i32>} : memref<13312xf32, #tpu.memory_space<vmem>>, vector<16xf32>,
      %get3A_1317 = vector.shape_cast %get3A_1316 : vector<16xf32> to vector<16xf32>
      %add3A_1318 = arith.addf %add3A_1306, %get3A_1317 : vector<16xf32>
      %mul3A_1319 = arith.constant 4 : i32
      %mul3A_1320 = arith.muli %scan3A_1281, %mul3A_1319 : i32
      %add3A_1321 = arith.constant 3 : i32
      %add3A_1322 = arith.addi %mul3A_1320, %add3A_1321 : i32
      %mul3A_1323 = arith.constant 128 : i32
      %mul3A_1324 = arith.muli %add3A_1322, %mul3A_1323 : i32
      %add3A_1325 = arith.constant 32 : i32
      %add3A_1326 = arith.addi %mul3A_1324, %add3A_1325 : i32
      %get3A_1327 = arith.index_cast %add3A_1326 : i32 to index
      %get3A_1328 = tpu.vector_load %arg9[%get3A_1327] {strides = array<i32>} : memref<13312xf32, #tpu.memory_space<vmem>>, vector<16xf32>,
      %get3A_1329 = vector.shape_cast %get3A_1328 : vector<16xf32> to vector<16xf32>
      %add3A_1330 = arith.addf %add3A_1318, %get3A_1329 : vector<16xf32>
      scf.yield %add3A_1330 : vector<16xf32>
    }
    %scan3A_464 = arith.constant 26 : i32
    %get3A_465 = arith.constant 32 : index
    %get3A_466 = tpu.vector_load %arg8[%get3A_465] {strides = array<i32>} : memref<12288xf32, #tpu.memory_space<vmem>>, vector<16xf32>,
    %get3A_467 = vector.shape_cast %get3A_466 : vector<16xf32> to vector<16xf32>
    %get3A_468 = arith.constant 13216 : index
    %get3A_469 = tpu.vector_load %arg9[%get3A_468] {strides = array<i32>} : memref<13312xf32, #tpu.memory_space<vmem>>, vector<16xf32>,
    %get3A_470 = vector.shape_cast %get3A_469 : vector<16xf32> to vector<16xf32>
    %mul3A_471 = arith.constant 3.000000e+00 : f32
    %mul3A_472 = vector.broadcast %mul3A_471 : f32 to vector<16xf32>
    %mul3A_473 = arith.mulf %mul3A_472, %scan3A_463 : vector<16xf32>
    %sub3A_474 = arith.subf %mul3A_473, %get3A_467 : vector<16xf32>
    %sub3A_475 = arith.subf %sub3A_474, %get3A_470 : vector<16xf32>
    %mul3A_476 = arith.constant 0.00250626565 : f32
    %mul3A_477 = vector.broadcast %mul3A_476 : f32 to vector<16xf32>
    %mul3A_478 = arith.mulf %sub3A_475, %mul3A_477 : vector<16xf32>
    %add3A_479 = arith.addf %mul3A_478, %get3A_2 : vector<16xf32>
    %swap3A_480 = arith.constant 32 : index
    %swap3A_481 = tpu.vector_load %arg10[%swap3A_480] {strides = array<i32>} : memref<128xf32, #tpu.memory_space<vmem>>, vector<16xf32>,
    %swap3A_482 = vector.shape_cast %swap3A_481 : vector<16xf32> to vector<16xf32>
    %swap3A_483 = vector.shape_cast %add3A_479 : vector<16xf32> to vector<16xf32>
    tpu.vector_store %arg10[%swap3A_480], %swap3A_483 {strides = array<i32>} : memref<128xf32, #tpu.memory_space<vmem>>, vector<16xf32>,
    %broadcast_in_dim3A_484 = arith.constant 0.000000e+00 : f32
    %broadcast_in_dim3A_485 = vector.broadcast %broadcast_in_dim3A_484 : f32 to vector<16xf32>
    %scan3A_486 = arith.constant 0 : i32
    %scan3A_487 = arith.constant 24 : i32
    %scan3A_488 = arith.addi %scan3A_486, %scan3A_487 : i32
    %scan3A_489 = arith.constant 1 : i32
    %scan3A_490 = scf.for %scan3A_1281 = %scan3A_486 to %scan3A_488 step %scan3A_489 iter_args(%scan3A_1282 = %broadcast_in_dim3A_485) -> (vector<16xf32>)  : i32 {
      %mul3A_1283 = arith.constant 4 : i32
      %mul3A_1284 = arith.muli %scan3A_1281, %mul3A_1283 : i32
      %add3A_1285 = arith.constant 0 : i32
      %add3A_1286 = arith.addi %mul3A_1284, %add3A_1285 : i32
      %mul3A_1287 = arith.constant 128 : i32
      %mul3A_1288 = arith.muli %add3A_1286, %mul3A_1287 : i32
      %add3A_1289 = arith.constant 48 : i32
      %add3A_1290 = arith.addi %mul3A_1288, %add3A_1289 : i32
      %get3A_1291 = arith.index_cast %add3A_1290 : i32 to index
      %get3A_1292 = tpu.vector_load %arg8[%get3A_1291] {strides = array<i32>} : memref<12288xf32, #tpu.memory_space<vmem>>, vector<16xf32>,
      %get3A_1293 = vector.shape_cast %get3A_1292 : vector<16xf32> to vector<16xf32>
      %add3A_1294 = arith.addf %scan3A_1282, %get3A_1293 : vector<16xf32>
      %mul3A_1295 = arith.constant 4 : i32
      %mul3A_1296 = arith.muli %scan3A_1281, %mul3A_1295 : i32
      %add3A_1297 = arith.constant 1 : i32
      %add3A_1298 = arith.addi %mul3A_1296, %add3A_1297 : i32
      %mul3A_1299 = arith.constant 128 : i32
      %mul3A_1300 = arith.muli %add3A_1298, %mul3A_1299 : i32
      %add3A_1301 = arith.constant 48 : i32
      %add3A_1302 = arith.addi %mul3A_1300, %add3A_1301 : i32
      %get3A_1303 = arith.index_cast %add3A_1302 : i32 to index
      %get3A_1304 = tpu.vector_load %arg8[%get3A_1303] {strides = array<i32>} : memref<12288xf32, #tpu.memory_space<vmem>>, vector<16xf32>,
      %get3A_1305 = vector.shape_cast %get3A_1304 : vector<16xf32> to vector<16xf32>
      %add3A_1306 = arith.addf %add3A_1294, %get3A_1305 : vector<16xf32>
      %mul3A_1307 = arith.constant 4 : i32
      %mul3A_1308 = arith.muli %scan3A_1281, %mul3A_1307 : i32
      %add3A_1309 = arith.constant 2 : i32
      %add3A_1310 = arith.addi %mul3A_1308, %add3A_1309 : i32
      %mul3A_1311 = arith.constant 128 : i32
      %mul3A_1312 = arith.muli %add3A_1310, %mul3A_1311 : i32
      %add3A_1313 = arith.constant 48 : i32
      %add3A_1314 = arith.addi %mul3A_1312, %add3A_1313 : i32
      %get3A_1315 = arith.index_cast %add3A_1314 : i32 to index
      %get3A_1316 = tpu.vector_load %arg8[%get3A_1315] {strides = array<i32>} : memref<12288xf32, #tpu.memory_space<vmem>>, vector<16xf32>,
      %get3A_1317 = vector.shape_cast %get3A_1316 : vector<16xf32> to vector<16xf32>
      %add3A_1318 = arith.addf %add3A_1306, %get3A_1317 : vector<16xf32>
      %mul3A_1319 = arith.constant 4 : i32
      %mul3A_1320 = arith.muli %scan3A_1281, %mul3A_1319 : i32
      %add3A_1321 = arith.constant 3 : i32
      %add3A_1322 = arith.addi %mul3A_1320, %add3A_1321 : i32
      %mul3A_1323 = arith.constant 128 : i32
      %mul3A_1324 = arith.muli %add3A_1322, %mul3A_1323 : i32
      %add3A_1325 = arith.constant 48 : i32
      %add3A_1326 = arith.addi %mul3A_1324, %add3A_1325 : i32
      %get3A_1327 = arith.index_cast %add3A_1326 : i32 to index
      %get3A_1328 = tpu.vector_load %arg8[%get3A_1327] {strides = array<i32>} : memref<12288xf32, #tpu.memory_space<vmem>>, vector<16xf32>,
      %get3A_1329 = vector.shape_cast %get3A_1328 : vector<16xf32> to vector<16xf32>
      %add3A_1330 = arith.addf %add3A_1318, %get3A_1329 : vector<16xf32>
      scf.yield %add3A_1330 : vector<16xf32>
    }
    %scan3A_491 = arith.constant 24 : i32
    %scan3A_492 = arith.constant 0 : i32
    %scan3A_493 = arith.constant 26 : i32
    %scan3A_494 = arith.addi %scan3A_492, %scan3A_493 : i32
    %scan3A_495 = arith.constant 1 : i32
    %scan3A_496 = scf.for %scan3A_1281 = %scan3A_492 to %scan3A_494 step %scan3A_495 iter_args(%scan3A_1282 = %scan3A_490) -> (vector<16xf32>)  : i32 {
      %mul3A_1283 = arith.constant 4 : i32
      %mul3A_1284 = arith.muli %scan3A_1281, %mul3A_1283 : i32
      %add3A_1285 = arith.constant 0 : i32
      %add3A_1286 = arith.addi %mul3A_1284, %add3A_1285 : i32
      %mul3A_1287 = arith.constant 128 : i32
      %mul3A_1288 = arith.muli %add3A_1286, %mul3A_1287 : i32
      %add3A_1289 = arith.constant 48 : i32
      %add3A_1290 = arith.addi %mul3A_1288, %add3A_1289 : i32
      %get3A_1291 = arith.index_cast %add3A_1290 : i32 to index
      %get3A_1292 = tpu.vector_load %arg9[%get3A_1291] {strides = array<i32>} : memref<13312xf32, #tpu.memory_space<vmem>>, vector<16xf32>,
      %get3A_1293 = vector.shape_cast %get3A_1292 : vector<16xf32> to vector<16xf32>
      %add3A_1294 = arith.addf %scan3A_1282, %get3A_1293 : vector<16xf32>
      %mul3A_1295 = arith.constant 4 : i32
      %mul3A_1296 = arith.muli %scan3A_1281, %mul3A_1295 : i32
      %add3A_1297 = arith.constant 1 : i32
      %add3A_1298 = arith.addi %mul3A_1296, %add3A_1297 : i32
      %mul3A_1299 = arith.constant 128 : i32
      %mul3A_1300 = arith.muli %add3A_1298, %mul3A_1299 : i32
      %add3A_1301 = arith.constant 48 : i32
      %add3A_1302 = arith.addi %mul3A_1300, %add3A_1301 : i32
      %get3A_1303 = arith.index_cast %add3A_1302 : i32 to index
      %get3A_1304 = tpu.vector_load %arg9[%get3A_1303] {strides = array<i32>} : memref<13312xf32, #tpu.memory_space<vmem>>, vector<16xf32>,
      %get3A_1305 = vector.shape_cast %get3A_1304 : vector<16xf32> to vector<16xf32>
      %add3A_1306 = arith.addf %add3A_1294, %get3A_1305 : vector<16xf32>
      %mul3A_1307 = arith.constant 4 : i32
      %mul3A_1308 = arith.muli %scan3A_1281, %mul3A_1307 : i32
      %add3A_1309 = arith.constant 2 : i32
      %add3A_1310 = arith.addi %mul3A_1308, %add3A_1309 : i32
      %mul3A_1311 = arith.constant 128 : i32
      %mul3A_1312 = arith.muli %add3A_1310, %mul3A_1311 : i32
      %add3A_1313 = arith.constant 48 : i32
      %add3A_1314 = arith.addi %mul3A_1312, %add3A_1313 : i32
      %get3A_1315 = arith.index_cast %add3A_1314 : i32 to index
      %get3A_1316 = tpu.vector_load %arg9[%get3A_1315] {strides = array<i32>} : memref<13312xf32, #tpu.memory_space<vmem>>, vector<16xf32>,
      %get3A_1317 = vector.shape_cast %get3A_1316 : vector<16xf32> to vector<16xf32>
      %add3A_1318 = arith.addf %add3A_1306, %get3A_1317 : vector<16xf32>
      %mul3A_1319 = arith.constant 4 : i32
      %mul3A_1320 = arith.muli %scan3A_1281, %mul3A_1319 : i32
      %add3A_1321 = arith.constant 3 : i32
      %add3A_1322 = arith.addi %mul3A_1320, %add3A_1321 : i32
      %mul3A_1323 = arith.constant 128 : i32
      %mul3A_1324 = arith.muli %add3A_1322, %mul3A_1323 : i32
      %add3A_1325 = arith.constant 48 : i32
      %add3A_1326 = arith.addi %mul3A_1324, %add3A_1325 : i32
      %get3A_1327 = arith.index_cast %add3A_1326 : i32 to index
      %get3A_1328 = tpu.vector_load %arg9[%get3A_1327] {strides = array<i32>} : memref<13312xf32, #tpu.memory_space<vmem>>, vector<16xf32>,
      %get3A_1329 = vector.shape_cast %get3A_1328 : vector<16xf32> to vector<16xf32>
      %add3A_1330 = arith.addf %add3A_1318, %get3A_1329 : vector<16xf32>
      scf.yield %add3A_1330 : vector<16xf32>
    }
    %scan3A_497 = arith.constant 26 : i32
    %get3A_498 = arith.constant 48 : index
    %get3A_499 = tpu.vector_load %arg8[%get3A_498] {strides = array<i32>} : memref<12288xf32, #tpu.memory_space<vmem>>, vector<16xf32>,
    %get3A_500 = vector.shape_cast %get3A_499 : vector<16xf32> to vector<16xf32>
    %get3A_501 = arith.constant 13232 : index
    %get3A_502 = tpu.vector_load %arg9[%get3A_501] {strides = array<i32>} : memref<13312xf32, #tpu.memory_space<vmem>>, vector<16xf32>,
    %get3A_503 = vector.shape_cast %get3A_502 : vector<16xf32> to vector<16xf32>
    %mul3A_504 = arith.constant 3.000000e+00 : f32
    %mul3A_505 = vector.broadcast %mul3A_504 : f32 to vector<16xf32>
    %mul3A_506 = arith.mulf %mul3A_505, %scan3A_496 : vector<16xf32>
    %sub3A_507 = arith.subf %mul3A_506, %get3A_500 : vector<16xf32>
    %sub3A_508 = arith.subf %sub3A_507, %get3A_503 : vector<16xf32>
    %mul3A_509 = arith.constant 0.00250626565 : f32
    %mul3A_510 = vector.broadcast %mul3A_509 : f32 to vector<16xf32>
    %mul3A_511 = arith.mulf %sub3A_508, %mul3A_510 : vector<16xf32>
    %add3A_512 = arith.addf %mul3A_511, %get3A_2 : vector<16xf32>
    %swap3A_513 = arith.constant 48 : index
    %swap3A_514 = tpu.vector_load %arg10[%swap3A_513] {strides = array<i32>} : memref<128xf32, #tpu.memory_space<vmem>>, vector<16xf32>,
    %swap3A_515 = vector.shape_cast %swap3A_514 : vector<16xf32> to vector<16xf32>
    %swap3A_516 = vector.shape_cast %add3A_512 : vector<16xf32> to vector<16xf32>
    tpu.vector_store %arg10[%swap3A_513], %swap3A_516 {strides = array<i32>} : memref<128xf32, #tpu.memory_space<vmem>>, vector<16xf32>,
    %broadcast_in_dim3A_517 = arith.constant 0.000000e+00 : f32
    %broadcast_in_dim3A_518 = vector.broadcast %broadcast_in_dim3A_517 : f32 to vector<16xf32>
    %scan3A_519 = arith.constant 0 : i32
    %scan3A_520 = arith.constant 24 : i32
    %scan3A_521 = arith.addi %scan3A_519, %scan3A_520 : i32
    %scan3A_522 = arith.constant 1 : i32
    %scan3A_523 = scf.for %scan3A_1281 = %scan3A_519 to %scan3A_521 step %scan3A_522 iter_args(%scan3A_1282 = %broadcast_in_dim3A_518) -> (vector<16xf32>)  : i32 {
      %mul3A_1283 = arith.constant 4 : i32
      %mul3A_1284 = arith.muli %scan3A_1281, %mul3A_1283 : i32
      %add3A_1285 = arith.constant 0 : i32
      %add3A_1286 = arith.addi %mul3A_1284, %add3A_1285 : i32
      %mul3A_1287 = arith.constant 128 : i32
      %mul3A_1288 = arith.muli %add3A_1286, %mul3A_1287 : i32
      %add3A_1289 = arith.constant 64 : i32
      %add3A_1290 = arith.addi %mul3A_1288, %add3A_1289 : i32
      %get3A_1291 = arith.index_cast %add3A_1290 : i32 to index
      %get3A_1292 = tpu.vector_load %arg8[%get3A_1291] {strides = array<i32>} : memref<12288xf32, #tpu.memory_space<vmem>>, vector<16xf32>,
      %get3A_1293 = vector.shape_cast %get3A_1292 : vector<16xf32> to vector<16xf32>
      %add3A_1294 = arith.addf %scan3A_1282, %get3A_1293 : vector<16xf32>
      %mul3A_1295 = arith.constant 4 : i32
      %mul3A_1296 = arith.muli %scan3A_1281, %mul3A_1295 : i32
      %add3A_1297 = arith.constant 1 : i32
      %add3A_1298 = arith.addi %mul3A_1296, %add3A_1297 : i32
      %mul3A_1299 = arith.constant 128 : i32
      %mul3A_1300 = arith.muli %add3A_1298, %mul3A_1299 : i32
      %add3A_1301 = arith.constant 64 : i32
      %add3A_1302 = arith.addi %mul3A_1300, %add3A_1301 : i32
      %get3A_1303 = arith.index_cast %add3A_1302 : i32 to index
      %get3A_1304 = tpu.vector_load %arg8[%get3A_1303] {strides = array<i32>} : memref<12288xf32, #tpu.memory_space<vmem>>, vector<16xf32>,
      %get3A_1305 = vector.shape_cast %get3A_1304 : vector<16xf32> to vector<16xf32>
      %add3A_1306 = arith.addf %add3A_1294, %get3A_1305 : vector<16xf32>
      %mul3A_1307 = arith.constant 4 : i32
      %mul3A_1308 = arith.muli %scan3A_1281, %mul3A_1307 : i32
      %add3A_1309 = arith.constant 2 : i32
      %add3A_1310 = arith.addi %mul3A_1308, %add3A_1309 : i32
      %mul3A_1311 = arith.constant 128 : i32
      %mul3A_1312 = arith.muli %add3A_1310, %mul3A_1311 : i32
      %add3A_1313 = arith.constant 64 : i32
      %add3A_1314 = arith.addi %mul3A_1312, %add3A_1313 : i32
      %get3A_1315 = arith.index_cast %add3A_1314 : i32 to index
      %get3A_1316 = tpu.vector_load %arg8[%get3A_1315] {strides = array<i32>} : memref<12288xf32, #tpu.memory_space<vmem>>, vector<16xf32>,
      %get3A_1317 = vector.shape_cast %get3A_1316 : vector<16xf32> to vector<16xf32>
      %add3A_1318 = arith.addf %add3A_1306, %get3A_1317 : vector<16xf32>
      %mul3A_1319 = arith.constant 4 : i32
      %mul3A_1320 = arith.muli %scan3A_1281, %mul3A_1319 : i32
      %add3A_1321 = arith.constant 3 : i32
      %add3A_1322 = arith.addi %mul3A_1320, %add3A_1321 : i32
      %mul3A_1323 = arith.constant 128 : i32
      %mul3A_1324 = arith.muli %add3A_1322, %mul3A_1323 : i32
      %add3A_1325 = arith.constant 64 : i32
      %add3A_1326 = arith.addi %mul3A_1324, %add3A_1325 : i32
      %get3A_1327 = arith.index_cast %add3A_1326 : i32 to index
      %get3A_1328 = tpu.vector_load %arg8[%get3A_1327] {strides = array<i32>} : memref<12288xf32, #tpu.memory_space<vmem>>, vector<16xf32>,
      %get3A_1329 = vector.shape_cast %get3A_1328 : vector<16xf32> to vector<16xf32>
      %add3A_1330 = arith.addf %add3A_1318, %get3A_1329 : vector<16xf32>
      scf.yield %add3A_1330 : vector<16xf32>
    }
    %scan3A_524 = arith.constant 24 : i32
    %scan3A_525 = arith.constant 0 : i32
    %scan3A_526 = arith.constant 26 : i32
    %scan3A_527 = arith.addi %scan3A_525, %scan3A_526 : i32
    %scan3A_528 = arith.constant 1 : i32
    %scan3A_529 = scf.for %scan3A_1281 = %scan3A_525 to %scan3A_527 step %scan3A_528 iter_args(%scan3A_1282 = %scan3A_523) -> (vector<16xf32>)  : i32 {
      %mul3A_1283 = arith.constant 4 : i32
      %mul3A_1284 = arith.muli %scan3A_1281, %mul3A_1283 : i32
      %add3A_1285 = arith.constant 0 : i32
      %add3A_1286 = arith.addi %mul3A_1284, %add3A_1285 : i32
      %mul3A_1287 = arith.constant 128 : i32
      %mul3A_1288 = arith.muli %add3A_1286, %mul3A_1287 : i32
      %add3A_1289 = arith.constant 64 : i32
      %add3A_1290 = arith.addi %mul3A_1288, %add3A_1289 : i32
      %get3A_1291 = arith.index_cast %add3A_1290 : i32 to index
      %get3A_1292 = tpu.vector_load %arg9[%get3A_1291] {strides = array<i32>} : memref<13312xf32, #tpu.memory_space<vmem>>, vector<16xf32>,
      %get3A_1293 = vector.shape_cast %get3A_1292 : vector<16xf32> to vector<16xf32>
      %add3A_1294 = arith.addf %scan3A_1282, %get3A_1293 : vector<16xf32>
      %mul3A_1295 = arith.constant 4 : i32
      %mul3A_1296 = arith.muli %scan3A_1281, %mul3A_1295 : i32
      %add3A_1297 = arith.constant 1 : i32
      %add3A_1298 = arith.addi %mul3A_1296, %add3A_1297 : i32
      %mul3A_1299 = arith.constant 128 : i32
      %mul3A_1300 = arith.muli %add3A_1298, %mul3A_1299 : i32
      %add3A_1301 = arith.constant 64 : i32
      %add3A_1302 = arith.addi %mul3A_1300, %add3A_1301 : i32
      %get3A_1303 = arith.index_cast %add3A_1302 : i32 to index
      %get3A_1304 = tpu.vector_load %arg9[%get3A_1303] {strides = array<i32>} : memref<13312xf32, #tpu.memory_space<vmem>>, vector<16xf32>,
      %get3A_1305 = vector.shape_cast %get3A_1304 : vector<16xf32> to vector<16xf32>
      %add3A_1306 = arith.addf %add3A_1294, %get3A_1305 : vector<16xf32>
      %mul3A_1307 = arith.constant 4 : i32
      %mul3A_1308 = arith.muli %scan3A_1281, %mul3A_1307 : i32
      %add3A_1309 = arith.constant 2 : i32
      %add3A_1310 = arith.addi %mul3A_1308, %add3A_1309 : i32
      %mul3A_1311 = arith.constant 128 : i32
      %mul3A_1312 = arith.muli %add3A_1310, %mul3A_1311 : i32
      %add3A_1313 = arith.constant 64 : i32
      %add3A_1314 = arith.addi %mul3A_1312, %add3A_1313 : i32
      %get3A_1315 = arith.index_cast %add3A_1314 : i32 to index
      %get3A_1316 = tpu.vector_load %arg9[%get3A_1315] {strides = array<i32>} : memref<13312xf32, #tpu.memory_space<vmem>>, vector<16xf32>,
      %get3A_1317 = vector.shape_cast %get3A_1316 : vector<16xf32> to vector<16xf32>
      %add3A_1318 = arith.addf %add3A_1306, %get3A_1317 : vector<16xf32>
      %mul3A_1319 = arith.constant 4 : i32
      %mul3A_1320 = arith.muli %scan3A_1281, %mul3A_1319 : i32
      %add3A_1321 = arith.constant 3 : i32
      %add3A_1322 = arith.addi %mul3A_1320, %add3A_1321 : i32
      %mul3A_1323 = arith.constant 128 : i32
      %mul3A_1324 = arith.muli %add3A_1322, %mul3A_1323 : i32
      %add3A_1325 = arith.constant 64 : i32
      %add3A_1326 = arith.addi %mul3A_1324, %add3A_1325 : i32
      %get3A_1327 = arith.index_cast %add3A_1326 : i32 to index
      %get3A_1328 = tpu.vector_load %arg9[%get3A_1327] {strides = array<i32>} : memref<13312xf32, #tpu.memory_space<vmem>>, vector<16xf32>,
      %get3A_1329 = vector.shape_cast %get3A_1328 : vector<16xf32> to vector<16xf32>
      %add3A_1330 = arith.addf %add3A_1318, %get3A_1329 : vector<16xf32>
      scf.yield %add3A_1330 : vector<16xf32>
    }
    %scan3A_530 = arith.constant 26 : i32
    %get3A_531 = arith.constant 64 : index
    %get3A_532 = tpu.vector_load %arg8[%get3A_531] {strides = array<i32>} : memref<12288xf32, #tpu.memory_space<vmem>>, vector<16xf32>,
    %get3A_533 = vector.shape_cast %get3A_532 : vector<16xf32> to vector<16xf32>
    %get3A_534 = arith.constant 13248 : index
    %get3A_535 = tpu.vector_load %arg9[%get3A_534] {strides = array<i32>} : memref<13312xf32, #tpu.memory_space<vmem>>, vector<16xf32>,
    %get3A_536 = vector.shape_cast %get3A_535 : vector<16xf32> to vector<16xf32>
    %mul3A_537 = arith.constant 3.000000e+00 : f32
    %mul3A_538 = vector.broadcast %mul3A_537 : f32 to vector<16xf32>
    %mul3A_539 = arith.mulf %mul3A_538, %scan3A_529 : vector<16xf32>
    %sub3A_540 = arith.subf %mul3A_539, %get3A_533 : vector<16xf32>
    %sub3A_541 = arith.subf %sub3A_540, %get3A_536 : vector<16xf32>
    %mul3A_542 = arith.constant 0.00250626565 : f32
    %mul3A_543 = vector.broadcast %mul3A_542 : f32 to vector<16xf32>
    %mul3A_544 = arith.mulf %sub3A_541, %mul3A_543 : vector<16xf32>
    %add3A_545 = arith.addf %mul3A_544, %get3A_2 : vector<16xf32>
    %swap3A_546 = arith.constant 64 : index
    %swap3A_547 = tpu.vector_load %arg10[%swap3A_546] {strides = array<i32>} : memref<128xf32, #tpu.memory_space<vmem>>, vector<16xf32>,
    %swap3A_548 = vector.shape_cast %swap3A_547 : vector<16xf32> to vector<16xf32>
    %swap3A_549 = vector.shape_cast %add3A_545 : vector<16xf32> to vector<16xf32>
    tpu.vector_store %arg10[%swap3A_546], %swap3A_549 {strides = array<i32>} : memref<128xf32, #tpu.memory_space<vmem>>, vector<16xf32>,
    %broadcast_in_dim3A_550 = arith.constant 0.000000e+00 : f32
    %broadcast_in_dim3A_551 = vector.broadcast %broadcast_in_dim3A_550 : f32 to vector<16xf32>
    %scan3A_552 = arith.constant 0 : i32
    %scan3A_553 = arith.constant 24 : i32
    %scan3A_554 = arith.addi %scan3A_552, %scan3A_553 : i32
    %scan3A_555 = arith.constant 1 : i32
    %scan3A_556 = scf.for %scan3A_1281 = %scan3A_552 to %scan3A_554 step %scan3A_555 iter_args(%scan3A_1282 = %broadcast_in_dim3A_551) -> (vector<16xf32>)  : i32 {
      %mul3A_1283 = arith.constant 4 : i32
      %mul3A_1284 = arith.muli %scan3A_1281, %mul3A_1283 : i32
      %add3A_1285 = arith.constant 0 : i32
      %add3A_1286 = arith.addi %mul3A_1284, %add3A_1285 : i32
      %mul3A_1287 = arith.constant 128 : i32
      %mul3A_1288 = arith.muli %add3A_1286, %mul3A_1287 : i32
      %add3A_1289 = arith.constant 80 : i32
      %add3A_1290 = arith.addi %mul3A_1288, %add3A_1289 : i32
      %get3A_1291 = arith.index_cast %add3A_1290 : i32 to index
      %get3A_1292 = tpu.vector_load %arg8[%get3A_1291] {strides = array<i32>} : memref<12288xf32, #tpu.memory_space<vmem>>, vector<16xf32>,
      %get3A_1293 = vector.shape_cast %get3A_1292 : vector<16xf32> to vector<16xf32>
      %add3A_1294 = arith.addf %scan3A_1282, %get3A_1293 : vector<16xf32>
      %mul3A_1295 = arith.constant 4 : i32
      %mul3A_1296 = arith.muli %scan3A_1281, %mul3A_1295 : i32
      %add3A_1297 = arith.constant 1 : i32
      %add3A_1298 = arith.addi %mul3A_1296, %add3A_1297 : i32
      %mul3A_1299 = arith.constant 128 : i32
      %mul3A_1300 = arith.muli %add3A_1298, %mul3A_1299 : i32
      %add3A_1301 = arith.constant 80 : i32
      %add3A_1302 = arith.addi %mul3A_1300, %add3A_1301 : i32
      %get3A_1303 = arith.index_cast %add3A_1302 : i32 to index
      %get3A_1304 = tpu.vector_load %arg8[%get3A_1303] {strides = array<i32>} : memref<12288xf32, #tpu.memory_space<vmem>>, vector<16xf32>,
      %get3A_1305 = vector.shape_cast %get3A_1304 : vector<16xf32> to vector<16xf32>
      %add3A_1306 = arith.addf %add3A_1294, %get3A_1305 : vector<16xf32>
      %mul3A_1307 = arith.constant 4 : i32
      %mul3A_1308 = arith.muli %scan3A_1281, %mul3A_1307 : i32
      %add3A_1309 = arith.constant 2 : i32
      %add3A_1310 = arith.addi %mul3A_1308, %add3A_1309 : i32
      %mul3A_1311 = arith.constant 128 : i32
      %mul3A_1312 = arith.muli %add3A_1310, %mul3A_1311 : i32
      %add3A_1313 = arith.constant 80 : i32
      %add3A_1314 = arith.addi %mul3A_1312, %add3A_1313 : i32
      %get3A_1315 = arith.index_cast %add3A_1314 : i32 to index
      %get3A_1316 = tpu.vector_load %arg8[%get3A_1315] {strides = array<i32>} : memref<12288xf32, #tpu.memory_space<vmem>>, vector<16xf32>,
      %get3A_1317 = vector.shape_cast %get3A_1316 : vector<16xf32> to vector<16xf32>
      %add3A_1318 = arith.addf %add3A_1306, %get3A_1317 : vector<16xf32>
      %mul3A_1319 = arith.constant 4 : i32
      %mul3A_1320 = arith.muli %scan3A_1281, %mul3A_1319 : i32
      %add3A_1321 = arith.constant 3 : i32
      %add3A_1322 = arith.addi %mul3A_1320, %add3A_1321 : i32
      %mul3A_1323 = arith.constant 128 : i32
      %mul3A_1324 = arith.muli %add3A_1322, %mul3A_1323 : i32
      %add3A_1325 = arith.constant 80 : i32
      %add3A_1326 = arith.addi %mul3A_1324, %add3A_1325 : i32
      %get3A_1327 = arith.index_cast %add3A_1326 : i32 to index
      %get3A_1328 = tpu.vector_load %arg8[%get3A_1327] {strides = array<i32>} : memref<12288xf32, #tpu.memory_space<vmem>>, vector<16xf32>,
      %get3A_1329 = vector.shape_cast %get3A_1328 : vector<16xf32> to vector<16xf32>
      %add3A_1330 = arith.addf %add3A_1318, %get3A_1329 : vector<16xf32>
      scf.yield %add3A_1330 : vector<16xf32>
    }
    %scan3A_557 = arith.constant 24 : i32
    %scan3A_558 = arith.constant 0 : i32
    %scan3A_559 = arith.constant 26 : i32
    %scan3A_560 = arith.addi %scan3A_558, %scan3A_559 : i32
    %scan3A_561 = arith.constant 1 : i32
    %scan3A_562 = scf.for %scan3A_1281 = %scan3A_558 to %scan3A_560 step %scan3A_561 iter_args(%scan3A_1282 = %scan3A_556) -> (vector<16xf32>)  : i32 {
      %mul3A_1283 = arith.constant 4 : i32
      %mul3A_1284 = arith.muli %scan3A_1281, %mul3A_1283 : i32
      %add3A_1285 = arith.constant 0 : i32
      %add3A_1286 = arith.addi %mul3A_1284, %add3A_1285 : i32
      %mul3A_1287 = arith.constant 128 : i32
      %mul3A_1288 = arith.muli %add3A_1286, %mul3A_1287 : i32
      %add3A_1289 = arith.constant 80 : i32
      %add3A_1290 = arith.addi %mul3A_1288, %add3A_1289 : i32
      %get3A_1291 = arith.index_cast %add3A_1290 : i32 to index
      %get3A_1292 = tpu.vector_load %arg9[%get3A_1291] {strides = array<i32>} : memref<13312xf32, #tpu.memory_space<vmem>>, vector<16xf32>,
      %get3A_1293 = vector.shape_cast %get3A_1292 : vector<16xf32> to vector<16xf32>
      %add3A_1294 = arith.addf %scan3A_1282, %get3A_1293 : vector<16xf32>
      %mul3A_1295 = arith.constant 4 : i32
      %mul3A_1296 = arith.muli %scan3A_1281, %mul3A_1295 : i32
      %add3A_1297 = arith.constant 1 : i32
      %add3A_1298 = arith.addi %mul3A_1296, %add3A_1297 : i32
      %mul3A_1299 = arith.constant 128 : i32
      %mul3A_1300 = arith.muli %add3A_1298, %mul3A_1299 : i32
      %add3A_1301 = arith.constant 80 : i32
      %add3A_1302 = arith.addi %mul3A_1300, %add3A_1301 : i32
      %get3A_1303 = arith.index_cast %add3A_1302 : i32 to index
      %get3A_1304 = tpu.vector_load %arg9[%get3A_1303] {strides = array<i32>} : memref<13312xf32, #tpu.memory_space<vmem>>, vector<16xf32>,
      %get3A_1305 = vector.shape_cast %get3A_1304 : vector<16xf32> to vector<16xf32>
      %add3A_1306 = arith.addf %add3A_1294, %get3A_1305 : vector<16xf32>
      %mul3A_1307 = arith.constant 4 : i32
      %mul3A_1308 = arith.muli %scan3A_1281, %mul3A_1307 : i32
      %add3A_1309 = arith.constant 2 : i32
      %add3A_1310 = arith.addi %mul3A_1308, %add3A_1309 : i32
      %mul3A_1311 = arith.constant 128 : i32
      %mul3A_1312 = arith.muli %add3A_1310, %mul3A_1311 : i32
      %add3A_1313 = arith.constant 80 : i32
      %add3A_1314 = arith.addi %mul3A_1312, %add3A_1313 : i32
      %get3A_1315 = arith.index_cast %add3A_1314 : i32 to index
      %get3A_1316 = tpu.vector_load %arg9[%get3A_1315] {strides = array<i32>} : memref<13312xf32, #tpu.memory_space<vmem>>, vector<16xf32>,
      %get3A_1317 = vector.shape_cast %get3A_1316 : vector<16xf32> to vector<16xf32>
      %add3A_1318 = arith.addf %add3A_1306, %get3A_1317 : vector<16xf32>
      %mul3A_1319 = arith.constant 4 : i32
      %mul3A_1320 = arith.muli %scan3A_1281, %mul3A_1319 : i32
      %add3A_1321 = arith.constant 3 : i32
      %add3A_1322 = arith.addi %mul3A_1320, %add3A_1321 : i32
      %mul3A_1323 = arith.constant 128 : i32
      %mul3A_1324 = arith.muli %add3A_1322, %mul3A_1323 : i32
      %add3A_1325 = arith.constant 80 : i32
      %add3A_1326 = arith.addi %mul3A_1324, %add3A_1325 : i32
      %get3A_1327 = arith.index_cast %add3A_1326 : i32 to index
      %get3A_1328 = tpu.vector_load %arg9[%get3A_1327] {strides = array<i32>} : memref<13312xf32, #tpu.memory_space<vmem>>, vector<16xf32>,
      %get3A_1329 = vector.shape_cast %get3A_1328 : vector<16xf32> to vector<16xf32>
      %add3A_1330 = arith.addf %add3A_1318, %get3A_1329 : vector<16xf32>
      scf.yield %add3A_1330 : vector<16xf32>
    }
    %scan3A_563 = arith.constant 26 : i32
    %get3A_564 = arith.constant 80 : index
    %get3A_565 = tpu.vector_load %arg8[%get3A_564] {strides = array<i32>} : memref<12288xf32, #tpu.memory_space<vmem>>, vector<16xf32>,
    %get3A_566 = vector.shape_cast %get3A_565 : vector<16xf32> to vector<16xf32>
    %get3A_567 = arith.constant 13264 : index
    %get3A_568 = tpu.vector_load %arg9[%get3A_567] {strides = array<i32>} : memref<13312xf32, #tpu.memory_space<vmem>>, vector<16xf32>,
    %get3A_569 = vector.shape_cast %get3A_568 : vector<16xf32> to vector<16xf32>
    %mul3A_570 = arith.constant 3.000000e+00 : f32
    %mul3A_571 = vector.broadcast %mul3A_570 : f32 to vector<16xf32>
    %mul3A_572 = arith.mulf %mul3A_571, %scan3A_562 : vector<16xf32>
    %sub3A_573 = arith.subf %mul3A_572, %get3A_566 : vector<16xf32>
    %sub3A_574 = arith.subf %sub3A_573, %get3A_569 : vector<16xf32>
    %mul3A_575 = arith.constant 0.00250626565 : f32
    %mul3A_576 = vector.broadcast %mul3A_575 : f32 to vector<16xf32>
    %mul3A_577 = arith.mulf %sub3A_574, %mul3A_576 : vector<16xf32>
    %add3A_578 = arith.addf %mul3A_577, %get3A_2 : vector<16xf32>
    %swap3A_579 = arith.constant 80 : index
    %swap3A_580 = tpu.vector_load %arg10[%swap3A_579] {strides = array<i32>} : memref<128xf32, #tpu.memory_space<vmem>>, vector<16xf32>,
    %swap3A_581 = vector.shape_cast %swap3A_580 : vector<16xf32> to vector<16xf32>
    %swap3A_582 = vector.shape_cast %add3A_578 : vector<16xf32> to vector<16xf32>
    tpu.vector_store %arg10[%swap3A_579], %swap3A_582 {strides = array<i32>} : memref<128xf32, #tpu.memory_space<vmem>>, vector<16xf32>,
    %broadcast_in_dim3A_583 = arith.constant 0.000000e+00 : f32
    %broadcast_in_dim3A_584 = vector.broadcast %broadcast_in_dim3A_583 : f32 to vector<16xf32>
    %scan3A_585 = arith.constant 0 : i32
    %scan3A_586 = arith.constant 24 : i32
    %scan3A_587 = arith.addi %scan3A_585, %scan3A_586 : i32
    %scan3A_588 = arith.constant 1 : i32
    %scan3A_589 = scf.for %scan3A_1281 = %scan3A_585 to %scan3A_587 step %scan3A_588 iter_args(%scan3A_1282 = %broadcast_in_dim3A_584) -> (vector<16xf32>)  : i32 {
      %mul3A_1283 = arith.constant 4 : i32
      %mul3A_1284 = arith.muli %scan3A_1281, %mul3A_1283 : i32
      %add3A_1285 = arith.constant 0 : i32
      %add3A_1286 = arith.addi %mul3A_1284, %add3A_1285 : i32
      %mul3A_1287 = arith.constant 128 : i32
      %mul3A_1288 = arith.muli %add3A_1286, %mul3A_1287 : i32
      %add3A_1289 = arith.constant 96 : i32
      %add3A_1290 = arith.addi %mul3A_1288, %add3A_1289 : i32
      %get3A_1291 = arith.index_cast %add3A_1290 : i32 to index
      %get3A_1292 = tpu.vector_load %arg8[%get3A_1291] {strides = array<i32>} : memref<12288xf32, #tpu.memory_space<vmem>>, vector<16xf32>,
      %get3A_1293 = vector.shape_cast %get3A_1292 : vector<16xf32> to vector<16xf32>
      %add3A_1294 = arith.addf %scan3A_1282, %get3A_1293 : vector<16xf32>
      %mul3A_1295 = arith.constant 4 : i32
      %mul3A_1296 = arith.muli %scan3A_1281, %mul3A_1295 : i32
      %add3A_1297 = arith.constant 1 : i32
      %add3A_1298 = arith.addi %mul3A_1296, %add3A_1297 : i32
      %mul3A_1299 = arith.constant 128 : i32
      %mul3A_1300 = arith.muli %add3A_1298, %mul3A_1299 : i32
      %add3A_1301 = arith.constant 96 : i32
      %add3A_1302 = arith.addi %mul3A_1300, %add3A_1301 : i32
      %get3A_1303 = arith.index_cast %add3A_1302 : i32 to index
      %get3A_1304 = tpu.vector_load %arg8[%get3A_1303] {strides = array<i32>} : memref<12288xf32, #tpu.memory_space<vmem>>, vector<16xf32>,
      %get3A_1305 = vector.shape_cast %get3A_1304 : vector<16xf32> to vector<16xf32>
      %add3A_1306 = arith.addf %add3A_1294, %get3A_1305 : vector<16xf32>
      %mul3A_1307 = arith.constant 4 : i32
      %mul3A_1308 = arith.muli %scan3A_1281, %mul3A_1307 : i32
      %add3A_1309 = arith.constant 2 : i32
      %add3A_1310 = arith.addi %mul3A_1308, %add3A_1309 : i32
      %mul3A_1311 = arith.constant 128 : i32
      %mul3A_1312 = arith.muli %add3A_1310, %mul3A_1311 : i32
      %add3A_1313 = arith.constant 96 : i32
      %add3A_1314 = arith.addi %mul3A_1312, %add3A_1313 : i32
      %get3A_1315 = arith.index_cast %add3A_1314 : i32 to index
      %get3A_1316 = tpu.vector_load %arg8[%get3A_1315] {strides = array<i32>} : memref<12288xf32, #tpu.memory_space<vmem>>, vector<16xf32>,
      %get3A_1317 = vector.shape_cast %get3A_1316 : vector<16xf32> to vector<16xf32>
      %add3A_1318 = arith.addf %add3A_1306, %get3A_1317 : vector<16xf32>
      %mul3A_1319 = arith.constant 4 : i32
      %mul3A_1320 = arith.muli %scan3A_1281, %mul3A_1319 : i32
      %add3A_1321 = arith.constant 3 : i32
      %add3A_1322 = arith.addi %mul3A_1320, %add3A_1321 : i32
      %mul3A_1323 = arith.constant 128 : i32
      %mul3A_1324 = arith.muli %add3A_1322, %mul3A_1323 : i32
      %add3A_1325 = arith.constant 96 : i32
      %add3A_1326 = arith.addi %mul3A_1324, %add3A_1325 : i32
      %get3A_1327 = arith.index_cast %add3A_1326 : i32 to index
      %get3A_1328 = tpu.vector_load %arg8[%get3A_1327] {strides = array<i32>} : memref<12288xf32, #tpu.memory_space<vmem>>, vector<16xf32>,
      %get3A_1329 = vector.shape_cast %get3A_1328 : vector<16xf32> to vector<16xf32>
      %add3A_1330 = arith.addf %add3A_1318, %get3A_1329 : vector<16xf32>
      scf.yield %add3A_1330 : vector<16xf32>
    }
    %scan3A_590 = arith.constant 24 : i32
    %scan3A_591 = arith.constant 0 : i32
    %scan3A_592 = arith.constant 26 : i32
    %scan3A_593 = arith.addi %scan3A_591, %scan3A_592 : i32
    %scan3A_594 = arith.constant 1 : i32
    %scan3A_595 = scf.for %scan3A_1281 = %scan3A_591 to %scan3A_593 step %scan3A_594 iter_args(%scan3A_1282 = %scan3A_589) -> (vector<16xf32>)  : i32 {
      %mul3A_1283 = arith.constant 4 : i32
      %mul3A_1284 = arith.muli %scan3A_1281, %mul3A_1283 : i32
      %add3A_1285 = arith.constant 0 : i32
      %add3A_1286 = arith.addi %mul3A_1284, %add3A_1285 : i32
      %mul3A_1287 = arith.constant 128 : i32
      %mul3A_1288 = arith.muli %add3A_1286, %mul3A_1287 : i32
      %add3A_1289 = arith.constant 96 : i32
      %add3A_1290 = arith.addi %mul3A_1288, %add3A_1289 : i32
      %get3A_1291 = arith.index_cast %add3A_1290 : i32 to index
      %get3A_1292 = tpu.vector_load %arg9[%get3A_1291] {strides = array<i32>} : memref<13312xf32, #tpu.memory_space<vmem>>, vector<16xf32>,
      %get3A_1293 = vector.shape_cast %get3A_1292 : vector<16xf32> to vector<16xf32>
      %add3A_1294 = arith.addf %scan3A_1282, %get3A_1293 : vector<16xf32>
      %mul3A_1295 = arith.constant 4 : i32
      %mul3A_1296 = arith.muli %scan3A_1281, %mul3A_1295 : i32
      %add3A_1297 = arith.constant 1 : i32
      %add3A_1298 = arith.addi %mul3A_1296, %add3A_1297 : i32
      %mul3A_1299 = arith.constant 128 : i32
      %mul3A_1300 = arith.muli %add3A_1298, %mul3A_1299 : i32
      %add3A_1301 = arith.constant 96 : i32
      %add3A_1302 = arith.addi %mul3A_1300, %add3A_1301 : i32
      %get3A_1303 = arith.index_cast %add3A_1302 : i32 to index
      %get3A_1304 = tpu.vector_load %arg9[%get3A_1303] {strides = array<i32>} : memref<13312xf32, #tpu.memory_space<vmem>>, vector<16xf32>,
      %get3A_1305 = vector.shape_cast %get3A_1304 : vector<16xf32> to vector<16xf32>
      %add3A_1306 = arith.addf %add3A_1294, %get3A_1305 : vector<16xf32>
      %mul3A_1307 = arith.constant 4 : i32
      %mul3A_1308 = arith.muli %scan3A_1281, %mul3A_1307 : i32
      %add3A_1309 = arith.constant 2 : i32
      %add3A_1310 = arith.addi %mul3A_1308, %add3A_1309 : i32
      %mul3A_1311 = arith.constant 128 : i32
      %mul3A_1312 = arith.muli %add3A_1310, %mul3A_1311 : i32
      %add3A_1313 = arith.constant 96 : i32
      %add3A_1314 = arith.addi %mul3A_1312, %add3A_1313 : i32
      %get3A_1315 = arith.index_cast %add3A_1314 : i32 to index
      %get3A_1316 = tpu.vector_load %arg9[%get3A_1315] {strides = array<i32>} : memref<13312xf32, #tpu.memory_space<vmem>>, vector<16xf32>,
      %get3A_1317 = vector.shape_cast %get3A_1316 : vector<16xf32> to vector<16xf32>
      %add3A_1318 = arith.addf %add3A_1306, %get3A_1317 : vector<16xf32>
      %mul3A_1319 = arith.constant 4 : i32
      %mul3A_1320 = arith.muli %scan3A_1281, %mul3A_1319 : i32
      %add3A_1321 = arith.constant 3 : i32
      %add3A_1322 = arith.addi %mul3A_1320, %add3A_1321 : i32
      %mul3A_1323 = arith.constant 128 : i32
      %mul3A_1324 = arith.muli %add3A_1322, %mul3A_1323 : i32
      %add3A_1325 = arith.constant 96 : i32
      %add3A_1326 = arith.addi %mul3A_1324, %add3A_1325 : i32
      %get3A_1327 = arith.index_cast %add3A_1326 : i32 to index
      %get3A_1328 = tpu.vector_load %arg9[%get3A_1327] {strides = array<i32>} : memref<13312xf32, #tpu.memory_space<vmem>>, vector<16xf32>,
      %get3A_1329 = vector.shape_cast %get3A_1328 : vector<16xf32> to vector<16xf32>
      %add3A_1330 = arith.addf %add3A_1318, %get3A_1329 : vector<16xf32>
      scf.yield %add3A_1330 : vector<16xf32>
    }
    %scan3A_596 = arith.constant 26 : i32
    %get3A_597 = arith.constant 96 : index
    %get3A_598 = tpu.vector_load %arg8[%get3A_597] {strides = array<i32>} : memref<12288xf32, #tpu.memory_space<vmem>>, vector<16xf32>,
    %get3A_599 = vector.shape_cast %get3A_598 : vector<16xf32> to vector<16xf32>
    %get3A_600 = arith.constant 13280 : index
    %get3A_601 = tpu.vector_load %arg9[%get3A_600] {strides = array<i32>} : memref<13312xf32, #tpu.memory_space<vmem>>, vector<16xf32>,
    %get3A_602 = vector.shape_cast %get3A_601 : vector<16xf32> to vector<16xf32>
    %mul3A_603 = arith.constant 3.000000e+00 : f32
    %mul3A_604 = vector.broadcast %mul3A_603 : f32 to vector<16xf32>
    %mul3A_605 = arith.mulf %mul3A_604, %scan3A_595 : vector<16xf32>
    %sub3A_606 = arith.subf %mul3A_605, %get3A_599 : vector<16xf32>
    %sub3A_607 = arith.subf %sub3A_606, %get3A_602 : vector<16xf32>
    %mul3A_608 = arith.constant 0.00250626565 : f32
    %mul3A_609 = vector.broadcast %mul3A_608 : f32 to vector<16xf32>
    %mul3A_610 = arith.mulf %sub3A_607, %mul3A_609 : vector<16xf32>
    %add3A_611 = arith.addf %mul3A_610, %get3A_2 : vector<16xf32>
    %swap3A_612 = arith.constant 96 : index
    %swap3A_613 = tpu.vector_load %arg10[%swap3A_612] {strides = array<i32>} : memref<128xf32, #tpu.memory_space<vmem>>, vector<16xf32>,
    %swap3A_614 = vector.shape_cast %swap3A_613 : vector<16xf32> to vector<16xf32>
    %swap3A_615 = vector.shape_cast %add3A_611 : vector<16xf32> to vector<16xf32>
    tpu.vector_store %arg10[%swap3A_612], %swap3A_615 {strides = array<i32>} : memref<128xf32, #tpu.memory_space<vmem>>, vector<16xf32>,
    %broadcast_in_dim3A_616 = arith.constant 0.000000e+00 : f32
    %broadcast_in_dim3A_617 = vector.broadcast %broadcast_in_dim3A_616 : f32 to vector<16xf32>
    %scan3A_618 = arith.constant 0 : i32
    %scan3A_619 = arith.constant 24 : i32
    %scan3A_620 = arith.addi %scan3A_618, %scan3A_619 : i32
    %scan3A_621 = arith.constant 1 : i32
    %scan3A_622 = scf.for %scan3A_1281 = %scan3A_618 to %scan3A_620 step %scan3A_621 iter_args(%scan3A_1282 = %broadcast_in_dim3A_617) -> (vector<16xf32>)  : i32 {
      %mul3A_1283 = arith.constant 4 : i32
      %mul3A_1284 = arith.muli %scan3A_1281, %mul3A_1283 : i32
      %add3A_1285 = arith.constant 0 : i32
      %add3A_1286 = arith.addi %mul3A_1284, %add3A_1285 : i32
      %mul3A_1287 = arith.constant 128 : i32
      %mul3A_1288 = arith.muli %add3A_1286, %mul3A_1287 : i32
      %add3A_1289 = arith.constant 112 : i32
      %add3A_1290 = arith.addi %mul3A_1288, %add3A_1289 : i32
      %get3A_1291 = arith.index_cast %add3A_1290 : i32 to index
      %get3A_1292 = tpu.vector_load %arg8[%get3A_1291] {strides = array<i32>} : memref<12288xf32, #tpu.memory_space<vmem>>, vector<16xf32>,
      %get3A_1293 = vector.shape_cast %get3A_1292 : vector<16xf32> to vector<16xf32>
      %add3A_1294 = arith.addf %scan3A_1282, %get3A_1293 : vector<16xf32>
      %mul3A_1295 = arith.constant 4 : i32
      %mul3A_1296 = arith.muli %scan3A_1281, %mul3A_1295 : i32
      %add3A_1297 = arith.constant 1 : i32
      %add3A_1298 = arith.addi %mul3A_1296, %add3A_1297 : i32
      %mul3A_1299 = arith.constant 128 : i32
      %mul3A_1300 = arith.muli %add3A_1298, %mul3A_1299 : i32
      %add3A_1301 = arith.constant 112 : i32
      %add3A_1302 = arith.addi %mul3A_1300, %add3A_1301 : i32
      %get3A_1303 = arith.index_cast %add3A_1302 : i32 to index
      %get3A_1304 = tpu.vector_load %arg8[%get3A_1303] {strides = array<i32>} : memref<12288xf32, #tpu.memory_space<vmem>>, vector<16xf32>,
      %get3A_1305 = vector.shape_cast %get3A_1304 : vector<16xf32> to vector<16xf32>
      %add3A_1306 = arith.addf %add3A_1294, %get3A_1305 : vector<16xf32>
      %mul3A_1307 = arith.constant 4 : i32
      %mul3A_1308 = arith.muli %scan3A_1281, %mul3A_1307 : i32
      %add3A_1309 = arith.constant 2 : i32
      %add3A_1310 = arith.addi %mul3A_1308, %add3A_1309 : i32
      %mul3A_1311 = arith.constant 128 : i32
      %mul3A_1312 = arith.muli %add3A_1310, %mul3A_1311 : i32
      %add3A_1313 = arith.constant 112 : i32
      %add3A_1314 = arith.addi %mul3A_1312, %add3A_1313 : i32
      %get3A_1315 = arith.index_cast %add3A_1314 : i32 to index
      %get3A_1316 = tpu.vector_load %arg8[%get3A_1315] {strides = array<i32>} : memref<12288xf32, #tpu.memory_space<vmem>>, vector<16xf32>,
      %get3A_1317 = vector.shape_cast %get3A_1316 : vector<16xf32> to vector<16xf32>
      %add3A_1318 = arith.addf %add3A_1306, %get3A_1317 : vector<16xf32>
      %mul3A_1319 = arith.constant 4 : i32
      %mul3A_1320 = arith.muli %scan3A_1281, %mul3A_1319 : i32
      %add3A_1321 = arith.constant 3 : i32
      %add3A_1322 = arith.addi %mul3A_1320, %add3A_1321 : i32
      %mul3A_1323 = arith.constant 128 : i32
      %mul3A_1324 = arith.muli %add3A_1322, %mul3A_1323 : i32
      %add3A_1325 = arith.constant 112 : i32
      %add3A_1326 = arith.addi %mul3A_1324, %add3A_1325 : i32
      %get3A_1327 = arith.index_cast %add3A_1326 : i32 to index
      %get3A_1328 = tpu.vector_load %arg8[%get3A_1327] {strides = array<i32>} : memref<12288xf32, #tpu.memory_space<vmem>>, vector<16xf32>,
      %get3A_1329 = vector.shape_cast %get3A_1328 : vector<16xf32> to vector<16xf32>
      %add3A_1330 = arith.addf %add3A_1318, %get3A_1329 : vector<16xf32>
      scf.yield %add3A_1330 : vector<16xf32>
    }
    %scan3A_623 = arith.constant 24 : i32
    %scan3A_624 = arith.constant 0 : i32
    %scan3A_625 = arith.constant 26 : i32
    %scan3A_626 = arith.addi %scan3A_624, %scan3A_625 : i32
    %scan3A_627 = arith.constant 1 : i32
    %scan3A_628 = scf.for %scan3A_1281 = %scan3A_624 to %scan3A_626 step %scan3A_627 iter_args(%scan3A_1282 = %scan3A_622) -> (vector<16xf32>)  : i32 {
      %mul3A_1283 = arith.constant 4 : i32
      %mul3A_1284 = arith.muli %scan3A_1281, %mul3A_1283 : i32
      %add3A_1285 = arith.constant 0 : i32
      %add3A_1286 = arith.addi %mul3A_1284, %add3A_1285 : i32
      %mul3A_1287 = arith.constant 128 : i32
      %mul3A_1288 = arith.muli %add3A_1286, %mul3A_1287 : i32
      %add3A_1289 = arith.constant 112 : i32
      %add3A_1290 = arith.addi %mul3A_1288, %add3A_1289 : i32
      %get3A_1291 = arith.index_cast %add3A_1290 : i32 to index
      %get3A_1292 = tpu.vector_load %arg9[%get3A_1291] {strides = array<i32>} : memref<13312xf32, #tpu.memory_space<vmem>>, vector<16xf32>,
      %get3A_1293 = vector.shape_cast %get3A_1292 : vector<16xf32> to vector<16xf32>
      %add3A_1294 = arith.addf %scan3A_1282, %get3A_1293 : vector<16xf32>
      %mul3A_1295 = arith.constant 4 : i32
      %mul3A_1296 = arith.muli %scan3A_1281, %mul3A_1295 : i32
      %add3A_1297 = arith.constant 1 : i32
      %add3A_1298 = arith.addi %mul3A_1296, %add3A_1297 : i32
      %mul3A_1299 = arith.constant 128 : i32
      %mul3A_1300 = arith.muli %add3A_1298, %mul3A_1299 : i32
      %add3A_1301 = arith.constant 112 : i32
      %add3A_1302 = arith.addi %mul3A_1300, %add3A_1301 : i32
      %get3A_1303 = arith.index_cast %add3A_1302 : i32 to index
      %get3A_1304 = tpu.vector_load %arg9[%get3A_1303] {strides = array<i32>} : memref<13312xf32, #tpu.memory_space<vmem>>, vector<16xf32>,
      %get3A_1305 = vector.shape_cast %get3A_1304 : vector<16xf32> to vector<16xf32>
      %add3A_1306 = arith.addf %add3A_1294, %get3A_1305 : vector<16xf32>
      %mul3A_1307 = arith.constant 4 : i32
      %mul3A_1308 = arith.muli %scan3A_1281, %mul3A_1307 : i32
      %add3A_1309 = arith.constant 2 : i32
      %add3A_1310 = arith.addi %mul3A_1308, %add3A_1309 : i32
      %mul3A_1311 = arith.constant 128 : i32
      %mul3A_1312 = arith.muli %add3A_1310, %mul3A_1311 : i32
      %add3A_1313 = arith.constant 112 : i32
      %add3A_1314 = arith.addi %mul3A_1312, %add3A_1313 : i32
      %get3A_1315 = arith.index_cast %add3A_1314 : i32 to index
      %get3A_1316 = tpu.vector_load %arg9[%get3A_1315] {strides = array<i32>} : memref<13312xf32, #tpu.memory_space<vmem>>, vector<16xf32>,
      %get3A_1317 = vector.shape_cast %get3A_1316 : vector<16xf32> to vector<16xf32>
      %add3A_1318 = arith.addf %add3A_1306, %get3A_1317 : vector<16xf32>
      %mul3A_1319 = arith.constant 4 : i32
      %mul3A_1320 = arith.muli %scan3A_1281, %mul3A_1319 : i32
      %add3A_1321 = arith.constant 3 : i32
      %add3A_1322 = arith.addi %mul3A_1320, %add3A_1321 : i32
      %mul3A_1323 = arith.constant 128 : i32
      %mul3A_1324 = arith.muli %add3A_1322, %mul3A_1323 : i32
      %add3A_1325 = arith.constant 112 : i32
      %add3A_1326 = arith.addi %mul3A_1324, %add3A_1325 : i32
      %get3A_1327 = arith.index_cast %add3A_1326 : i32 to index
      %get3A_1328 = tpu.vector_load %arg9[%get3A_1327] {strides = array<i32>} : memref<13312xf32, #tpu.memory_space<vmem>>, vector<16xf32>,
      %get3A_1329 = vector.shape_cast %get3A_1328 : vector<16xf32> to vector<16xf32>
      %add3A_1330 = arith.addf %add3A_1318, %get3A_1329 : vector<16xf32>
      scf.yield %add3A_1330 : vector<16xf32>
    }
    %scan3A_629 = arith.constant 26 : i32
    %get3A_630 = arith.constant 112 : index
    %get3A_631 = tpu.vector_load %arg8[%get3A_630] {strides = array<i32>} : memref<12288xf32, #tpu.memory_space<vmem>>, vector<16xf32>,
    %get3A_632 = vector.shape_cast %get3A_631 : vector<16xf32> to vector<16xf32>
    %get3A_633 = arith.constant 13296 : index
    %get3A_634 = tpu.vector_load %arg9[%get3A_633] {strides = array<i32>} : memref<13312xf32, #tpu.memory_space<vmem>>, vector<16xf32>,
    %get3A_635 = vector.shape_cast %get3A_634 : vector<16xf32> to vector<16xf32>
    %mul3A_636 = arith.constant 3.000000e+00 : f32
    %mul3A_637 = vector.broadcast %mul3A_636 : f32 to vector<16xf32>
    %mul3A_638 = arith.mulf %mul3A_637, %scan3A_628 : vector<16xf32>
    %sub3A_639 = arith.subf %mul3A_638, %get3A_632 : vector<16xf32>
    %sub3A_640 = arith.subf %sub3A_639, %get3A_635 : vector<16xf32>
    %mul3A_641 = arith.constant 0.00250626565 : f32
    %mul3A_642 = vector.broadcast %mul3A_641 : f32 to vector<16xf32>
    %mul3A_643 = arith.mulf %sub3A_640, %mul3A_642 : vector<16xf32>
    %add3A_644 = arith.addf %mul3A_643, %get3A_2 : vector<16xf32>
    %swap3A_645 = arith.constant 112 : index
    %swap3A_646 = tpu.vector_load %arg10[%swap3A_645] {strides = array<i32>} : memref<128xf32, #tpu.memory_space<vmem>>, vector<16xf32>,
    %swap3A_647 = vector.shape_cast %swap3A_646 : vector<16xf32> to vector<16xf32>
    %swap3A_648 = vector.shape_cast %add3A_644 : vector<16xf32> to vector<16xf32>
    tpu.vector_store %arg10[%swap3A_645], %swap3A_648 {strides = array<i32>} : memref<128xf32, #tpu.memory_space<vmem>>, vector<16xf32>,
    %mul3A_649 = arith.constant 4 : i32
    %mul3A_650 = arith.muli %add3A, %mul3A_649 : i32
    %add3A_651 = arith.constant 1 : i32
    %add3A_652 = arith.addi %mul3A_650, %add3A_651 : i32
    %mul3A_653 = arith.constant 128 : i32
    %mul3A_654 = arith.muli %add3A_652, %mul3A_653 : i32
    "tpu.region"() ({
      %run_scoped3A = tpu.sem_alloc : memref<!tpu.dma_semaphore, #tpu.memory_space<semaphore_mem>>
      %dma_start3A_1281 = tpu.memref_slice %arg5[%mul3A_654] : memref<16384xf32, #tpu.memory_space<hbm>> -> memref<128xf32, #tpu.memory_space<hbm>>
      %dma_start3A_1282 = tpu.memref_slice %arg5[%mul3A_654] : memref<16384xf32, #tpu.memory_space<hbm>> -> memref<128xf32, #tpu.memory_space<hbm>>
      tpu.enqueue_dma source(%arg10 : memref<128xf32, #tpu.memory_space<vmem>>) target(%dma_start3A_1282 : memref<128xf32, #tpu.memory_space<hbm>>) target_semaphore(%run_scoped3A : memref<!tpu.dma_semaphore, #tpu.memory_space<semaphore_mem>>)
      %dma_wait3A_1283 = tpu.memref_slice %arg5[%mul3A_654] : memref<16384xf32, #tpu.memory_space<hbm>> -> memref<128xf32, #tpu.memory_space<hbm>>
      %dma_wait3A_1284 = tpu.memref_slice %arg5[%mul3A_654] : memref<16384xf32, #tpu.memory_space<hbm>> -> memref<128xf32, #tpu.memory_space<hbm>>
      tpu.wait_dma2 semaphore(%run_scoped3A : memref<!tpu.dma_semaphore, #tpu.memory_space<semaphore_mem>>) src(%arg10 : memref<128xf32, #tpu.memory_space<vmem>>) dst(%dma_wait3A_1284 : memref<128xf32, #tpu.memory_space<hbm>>)
      tpu.yield
    }) : () -> ()
    %dma_wait3A_655 = arith.constant 0 : i32
    %dma_wait3A_656 = tpu.memref_slice %arg2[%dma_wait3A_655, %mul3A_376] : memref<200x16384xi32, #tpu.memory_space<hbm>> -> memref<96x128xi32, #tpu.memory_space<hbm>>
    %dma_wait3A_657 = arith.constant 0 : i32
    %dma_wait3A_658 = tpu.memref_slice %arg2[%dma_wait3A_657, %mul3A_376] : memref<200x16384xi32, #tpu.memory_space<hbm>> -> memref<96x128xi32, #tpu.memory_space<hbm>>
    tpu.wait_dma2 semaphore(%arg15 : memref<!tpu.dma_semaphore, #tpu.memory_space<semaphore_mem>>) src(%dma_wait3A_658 : memref<96x128xi32, #tpu.memory_space<hbm>>) dst(%arg6 : memref<96x128xi32, #tpu.memory_space<vmem>>)
    %dma_wait3A_659 = arith.constant 96 : i32
    %dma_wait3A_660 = tpu.memref_slice %arg2[%dma_wait3A_659, %mul3A_376] : memref<200x16384xi32, #tpu.memory_space<hbm>> -> memref<104x128xi32, #tpu.memory_space<hbm>>
    %dma_wait3A_661 = arith.constant 96 : i32
    %dma_wait3A_662 = tpu.memref_slice %arg2[%dma_wait3A_661, %mul3A_376] : memref<200x16384xi32, #tpu.memory_space<hbm>> -> memref<104x128xi32, #tpu.memory_space<hbm>>
    tpu.wait_dma2 semaphore(%arg15 : memref<!tpu.dma_semaphore, #tpu.memory_space<semaphore_mem>>) src(%dma_wait3A_662 : memref<104x128xi32, #tpu.memory_space<hbm>>) dst(%arg7 : memref<104x128xi32, #tpu.memory_space<vmem>>)
    %dma_start3A_663 = arith.constant 0 : i32
    %dma_start3A_664 = tpu.memref_reshape %arg6 : memref<96x128xi32, #tpu.memory_space<vmem>> -> memref<1x12288xi32, #tpu.memory_space<vmem>>
    %dma_start3A_665 = arith.constant 0 : i32
    %dma_start3A_666 = tpu.memref_slice %dma_start3A_664[%dma_start3A_663, %dma_start3A_665] : memref<1x12288xi32, #tpu.memory_space<vmem>> -> memref<1x12288xi32, #tpu.memory_space<vmem>>
    %dma_start3A_667 = tpu.memref_squeeze %dma_start3A_666 : memref<1x12288xi32, #tpu.memory_space<vmem>> -> memref<12288xi32, #tpu.memory_space<vmem>>
    %dma_start3A_668 = arith.constant 0 : i32
    %dma_start3A_669 = tpu.memref_slice %arg12[%dma_start3A_668] : memref<1048576xf32, #tpu.memory_space<vmem_shared>> -> memref<1048576xf32, #tpu.memory_space<vmem_shared>>
    tpu.enqueue_indirect_dma source(%dma_start3A_669 : memref<1048576xf32, #tpu.memory_space<vmem_shared>>) target(%arg8 : memref<12288xf32, #tpu.memory_space<vmem>>) offsets(%dma_start3A_667 : memref<12288xi32, #tpu.memory_space<vmem>>) semaphore(%arg13 : memref<!tpu.dma_semaphore, #tpu.memory_space<semaphore_mem>>)
    %dma_start3A_670 = arith.constant 0 : i32
    %dma_start3A_671 = tpu.memref_reshape %arg7 : memref<104x128xi32, #tpu.memory_space<vmem>> -> memref<1x13312xi32, #tpu.memory_space<vmem>>
    %dma_start3A_672 = arith.constant 0 : i32
    %dma_start3A_673 = tpu.memref_slice %dma_start3A_671[%dma_start3A_670, %dma_start3A_672] : memref<1x13312xi32, #tpu.memory_space<vmem>> -> memref<1x13312xi32, #tpu.memory_space<vmem>>
    %dma_start3A_674 = tpu.memref_squeeze %dma_start3A_673 : memref<1x13312xi32, #tpu.memory_space<vmem>> -> memref<13312xi32, #tpu.memory_space<vmem>>
    %dma_start3A_675 = arith.constant 0 : i32
    %dma_start3A_676 = tpu.memref_slice %arg12[%dma_start3A_675] : memref<1048576xf32, #tpu.memory_space<vmem_shared>> -> memref<1048576xf32, #tpu.memory_space<vmem_shared>>
    tpu.enqueue_indirect_dma source(%dma_start3A_676 : memref<1048576xf32, #tpu.memory_space<vmem_shared>>) target(%arg9 : memref<13312xf32, #tpu.memory_space<vmem>>) offsets(%dma_start3A_674 : memref<13312xi32, #tpu.memory_space<vmem>>) semaphore(%arg14 : memref<!tpu.dma_semaphore, #tpu.memory_space<semaphore_mem>>)
    %dma_wait3A_677 = arith.constant 0 : i32
    %dma_wait3A_678 = tpu.memref_reshape %arg6 : memref<96x128xi32, #tpu.memory_space<vmem>> -> memref<1x12288xi32, #tpu.memory_space<vmem>>
    %dma_wait3A_679 = arith.constant 0 : i32
    %dma_wait3A_680 = tpu.memref_slice %dma_wait3A_678[%dma_wait3A_677, %dma_wait3A_679] : memref<1x12288xi32, #tpu.memory_space<vmem>> -> memref<1x12288xi32, #tpu.memory_space<vmem>>
    %dma_wait3A_681 = tpu.memref_squeeze %dma_wait3A_680 : memref<1x12288xi32, #tpu.memory_space<vmem>> -> memref<12288xi32, #tpu.memory_space<vmem>>
    %dma_wait3A_682 = arith.constant 0 : i32
    %dma_wait3A_683 = tpu.memref_slice %arg12[%dma_wait3A_682] : memref<1048576xf32, #tpu.memory_space<vmem_shared>> -> memref<1048576xf32, #tpu.memory_space<vmem_shared>>
    tpu.wait_indirect_dma semaphore(%arg13 : memref<!tpu.dma_semaphore, #tpu.memory_space<semaphore_mem>>) src(%dma_wait3A_683 : memref<1048576xf32, #tpu.memory_space<vmem_shared>>) dst(%arg8 : memref<12288xf32, #tpu.memory_space<vmem>>)
    %dma_wait3A_684 = arith.constant 0 : i32
    %dma_wait3A_685 = tpu.memref_reshape %arg7 : memref<104x128xi32, #tpu.memory_space<vmem>> -> memref<1x13312xi32, #tpu.memory_space<vmem>>
    %dma_wait3A_686 = arith.constant 0 : i32
    %dma_wait3A_687 = tpu.memref_slice %dma_wait3A_685[%dma_wait3A_684, %dma_wait3A_686] : memref<1x13312xi32, #tpu.memory_space<vmem>> -> memref<1x13312xi32, #tpu.memory_space<vmem>>
    %dma_wait3A_688 = tpu.memref_squeeze %dma_wait3A_687 : memref<1x13312xi32, #tpu.memory_space<vmem>> -> memref<13312xi32, #tpu.memory_space<vmem>>
    %dma_wait3A_689 = arith.constant 0 : i32
    %dma_wait3A_690 = tpu.memref_slice %arg12[%dma_wait3A_689] : memref<1048576xf32, #tpu.memory_space<vmem_shared>> -> memref<1048576xf32, #tpu.memory_space<vmem_shared>>
    tpu.wait_indirect_dma semaphore(%arg14 : memref<!tpu.dma_semaphore, #tpu.memory_space<semaphore_mem>>) src(%dma_wait3A_690 : memref<1048576xf32, #tpu.memory_space<vmem_shared>>) dst(%arg9 : memref<13312xf32, #tpu.memory_space<vmem>>)
    %mul3A_691 = arith.constant 4 : i32
    %mul3A_692 = arith.muli %add3A, %mul3A_691 : i32
    %add3A_693 = arith.constant 3 : i32
    %add3A_694 = arith.addi %mul3A_692, %add3A_693 : i32
    %mul3A_695 = arith.constant 128 : i32
    %mul3A_696 = arith.muli %add3A_694, %mul3A_695 : i32
    %dma_start3A_697 = arith.constant 0 : i32
    %dma_start3A_698 = tpu.memref_slice %arg2[%dma_start3A_697, %mul3A_696] : memref<200x16384xi32, #tpu.memory_space<hbm>> -> memref<96x128xi32, #tpu.memory_space<hbm>>
    %dma_start3A_699 = arith.constant 0 : i32
    %dma_start3A_700 = tpu.memref_slice %arg2[%dma_start3A_699, %mul3A_696] : memref<200x16384xi32, #tpu.memory_space<hbm>> -> memref<96x128xi32, #tpu.memory_space<hbm>>
    tpu.enqueue_dma source(%dma_start3A_700 : memref<96x128xi32, #tpu.memory_space<hbm>>) target(%arg6 : memref<96x128xi32, #tpu.memory_space<vmem>>) target_semaphore(%arg15 : memref<!tpu.dma_semaphore, #tpu.memory_space<semaphore_mem>>)
    %dma_start3A_701 = arith.constant 96 : i32
    %dma_start3A_702 = tpu.memref_slice %arg2[%dma_start3A_701, %mul3A_696] : memref<200x16384xi32, #tpu.memory_space<hbm>> -> memref<104x128xi32, #tpu.memory_space<hbm>>
    %dma_start3A_703 = arith.constant 96 : i32
    %dma_start3A_704 = tpu.memref_slice %arg2[%dma_start3A_703, %mul3A_696] : memref<200x16384xi32, #tpu.memory_space<hbm>> -> memref<104x128xi32, #tpu.memory_space<hbm>>
    tpu.enqueue_dma source(%dma_start3A_704 : memref<104x128xi32, #tpu.memory_space<hbm>>) target(%arg7 : memref<104x128xi32, #tpu.memory_space<vmem>>) target_semaphore(%arg15 : memref<!tpu.dma_semaphore, #tpu.memory_space<semaphore_mem>>)
    %broadcast_in_dim3A_705 = arith.constant 0.000000e+00 : f32
    %broadcast_in_dim3A_706 = vector.broadcast %broadcast_in_dim3A_705 : f32 to vector<16xf32>
    %scan3A_707 = arith.constant 0 : i32
    %scan3A_708 = arith.constant 24 : i32
    %scan3A_709 = arith.addi %scan3A_707, %scan3A_708 : i32
    %scan3A_710 = arith.constant 1 : i32
    %scan3A_711 = scf.for %scan3A_1281 = %scan3A_707 to %scan3A_709 step %scan3A_710 iter_args(%scan3A_1282 = %broadcast_in_dim3A_706) -> (vector<16xf32>)  : i32 {
      %mul3A_1283 = arith.constant 4 : i32
      %mul3A_1284 = arith.muli %scan3A_1281, %mul3A_1283 : i32
      %add3A_1285 = arith.constant 0 : i32
      %add3A_1286 = arith.addi %mul3A_1284, %add3A_1285 : i32
      %mul3A_1287 = arith.constant 128 : i32
      %mul3A_1288 = arith.muli %add3A_1286, %mul3A_1287 : i32
      %add3A_1289 = arith.constant 0 : i32
      %add3A_1290 = arith.addi %mul3A_1288, %add3A_1289 : i32
      %get3A_1291 = arith.index_cast %add3A_1290 : i32 to index
      %get3A_1292 = tpu.vector_load %arg8[%get3A_1291] {strides = array<i32>} : memref<12288xf32, #tpu.memory_space<vmem>>, vector<16xf32>,
      %get3A_1293 = vector.shape_cast %get3A_1292 : vector<16xf32> to vector<16xf32>
      %add3A_1294 = arith.addf %scan3A_1282, %get3A_1293 : vector<16xf32>
      %mul3A_1295 = arith.constant 4 : i32
      %mul3A_1296 = arith.muli %scan3A_1281, %mul3A_1295 : i32
      %add3A_1297 = arith.constant 1 : i32
      %add3A_1298 = arith.addi %mul3A_1296, %add3A_1297 : i32
      %mul3A_1299 = arith.constant 128 : i32
      %mul3A_1300 = arith.muli %add3A_1298, %mul3A_1299 : i32
      %add3A_1301 = arith.constant 0 : i32
      %add3A_1302 = arith.addi %mul3A_1300, %add3A_1301 : i32
      %get3A_1303 = arith.index_cast %add3A_1302 : i32 to index
      %get3A_1304 = tpu.vector_load %arg8[%get3A_1303] {strides = array<i32>} : memref<12288xf32, #tpu.memory_space<vmem>>, vector<16xf32>,
      %get3A_1305 = vector.shape_cast %get3A_1304 : vector<16xf32> to vector<16xf32>
      %add3A_1306 = arith.addf %add3A_1294, %get3A_1305 : vector<16xf32>
      %mul3A_1307 = arith.constant 4 : i32
      %mul3A_1308 = arith.muli %scan3A_1281, %mul3A_1307 : i32
      %add3A_1309 = arith.constant 2 : i32
      %add3A_1310 = arith.addi %mul3A_1308, %add3A_1309 : i32
      %mul3A_1311 = arith.constant 128 : i32
      %mul3A_1312 = arith.muli %add3A_1310, %mul3A_1311 : i32
      %add3A_1313 = arith.constant 0 : i32
      %add3A_1314 = arith.addi %mul3A_1312, %add3A_1313 : i32
      %get3A_1315 = arith.index_cast %add3A_1314 : i32 to index
      %get3A_1316 = tpu.vector_load %arg8[%get3A_1315] {strides = array<i32>} : memref<12288xf32, #tpu.memory_space<vmem>>, vector<16xf32>,
      %get3A_1317 = vector.shape_cast %get3A_1316 : vector<16xf32> to vector<16xf32>
      %add3A_1318 = arith.addf %add3A_1306, %get3A_1317 : vector<16xf32>
      %mul3A_1319 = arith.constant 4 : i32
      %mul3A_1320 = arith.muli %scan3A_1281, %mul3A_1319 : i32
      %add3A_1321 = arith.constant 3 : i32
      %add3A_1322 = arith.addi %mul3A_1320, %add3A_1321 : i32
      %mul3A_1323 = arith.constant 128 : i32
      %mul3A_1324 = arith.muli %add3A_1322, %mul3A_1323 : i32
      %add3A_1325 = arith.constant 0 : i32
      %add3A_1326 = arith.addi %mul3A_1324, %add3A_1325 : i32
      %get3A_1327 = arith.index_cast %add3A_1326 : i32 to index
      %get3A_1328 = tpu.vector_load %arg8[%get3A_1327] {strides = array<i32>} : memref<12288xf32, #tpu.memory_space<vmem>>, vector<16xf32>,
      %get3A_1329 = vector.shape_cast %get3A_1328 : vector<16xf32> to vector<16xf32>
      %add3A_1330 = arith.addf %add3A_1318, %get3A_1329 : vector<16xf32>
      scf.yield %add3A_1330 : vector<16xf32>
    }
    %scan3A_712 = arith.constant 24 : i32
    %scan3A_713 = arith.constant 0 : i32
    %scan3A_714 = arith.constant 26 : i32
    %scan3A_715 = arith.addi %scan3A_713, %scan3A_714 : i32
    %scan3A_716 = arith.constant 1 : i32
    %scan3A_717 = scf.for %scan3A_1281 = %scan3A_713 to %scan3A_715 step %scan3A_716 iter_args(%scan3A_1282 = %scan3A_711) -> (vector<16xf32>)  : i32 {
      %mul3A_1283 = arith.constant 4 : i32
      %mul3A_1284 = arith.muli %scan3A_1281, %mul3A_1283 : i32
      %add3A_1285 = arith.constant 0 : i32
      %add3A_1286 = arith.addi %mul3A_1284, %add3A_1285 : i32
      %mul3A_1287 = arith.constant 128 : i32
      %mul3A_1288 = arith.muli %add3A_1286, %mul3A_1287 : i32
      %add3A_1289 = arith.constant 0 : i32
      %add3A_1290 = arith.addi %mul3A_1288, %add3A_1289 : i32
      %get3A_1291 = arith.index_cast %add3A_1290 : i32 to index
      %get3A_1292 = tpu.vector_load %arg9[%get3A_1291] {strides = array<i32>} : memref<13312xf32, #tpu.memory_space<vmem>>, vector<16xf32>,
      %get3A_1293 = vector.shape_cast %get3A_1292 : vector<16xf32> to vector<16xf32>
      %add3A_1294 = arith.addf %scan3A_1282, %get3A_1293 : vector<16xf32>
      %mul3A_1295 = arith.constant 4 : i32
      %mul3A_1296 = arith.muli %scan3A_1281, %mul3A_1295 : i32
      %add3A_1297 = arith.constant 1 : i32
      %add3A_1298 = arith.addi %mul3A_1296, %add3A_1297 : i32
      %mul3A_1299 = arith.constant 128 : i32
      %mul3A_1300 = arith.muli %add3A_1298, %mul3A_1299 : i32
      %add3A_1301 = arith.constant 0 : i32
      %add3A_1302 = arith.addi %mul3A_1300, %add3A_1301 : i32
      %get3A_1303 = arith.index_cast %add3A_1302 : i32 to index
      %get3A_1304 = tpu.vector_load %arg9[%get3A_1303] {strides = array<i32>} : memref<13312xf32, #tpu.memory_space<vmem>>, vector<16xf32>,
      %get3A_1305 = vector.shape_cast %get3A_1304 : vector<16xf32> to vector<16xf32>
      %add3A_1306 = arith.addf %add3A_1294, %get3A_1305 : vector<16xf32>
      %mul3A_1307 = arith.constant 4 : i32
      %mul3A_1308 = arith.muli %scan3A_1281, %mul3A_1307 : i32
      %add3A_1309 = arith.constant 2 : i32
      %add3A_1310 = arith.addi %mul3A_1308, %add3A_1309 : i32
      %mul3A_1311 = arith.constant 128 : i32
      %mul3A_1312 = arith.muli %add3A_1310, %mul3A_1311 : i32
      %add3A_1313 = arith.constant 0 : i32
      %add3A_1314 = arith.addi %mul3A_1312, %add3A_1313 : i32
      %get3A_1315 = arith.index_cast %add3A_1314 : i32 to index
      %get3A_1316 = tpu.vector_load %arg9[%get3A_1315] {strides = array<i32>} : memref<13312xf32, #tpu.memory_space<vmem>>, vector<16xf32>,
      %get3A_1317 = vector.shape_cast %get3A_1316 : vector<16xf32> to vector<16xf32>
      %add3A_1318 = arith.addf %add3A_1306, %get3A_1317 : vector<16xf32>
      %mul3A_1319 = arith.constant 4 : i32
      %mul3A_1320 = arith.muli %scan3A_1281, %mul3A_1319 : i32
      %add3A_1321 = arith.constant 3 : i32
      %add3A_1322 = arith.addi %mul3A_1320, %add3A_1321 : i32
      %mul3A_1323 = arith.constant 128 : i32
      %mul3A_1324 = arith.muli %add3A_1322, %mul3A_1323 : i32
      %add3A_1325 = arith.constant 0 : i32
      %add3A_1326 = arith.addi %mul3A_1324, %add3A_1325 : i32
      %get3A_1327 = arith.index_cast %add3A_1326 : i32 to index
      %get3A_1328 = tpu.vector_load %arg9[%get3A_1327] {strides = array<i32>} : memref<13312xf32, #tpu.memory_space<vmem>>, vector<16xf32>,
      %get3A_1329 = vector.shape_cast %get3A_1328 : vector<16xf32> to vector<16xf32>
      %add3A_1330 = arith.addf %add3A_1318, %get3A_1329 : vector<16xf32>
      scf.yield %add3A_1330 : vector<16xf32>
    }
    %scan3A_718 = arith.constant 26 : i32
    %get3A_719 = arith.constant 0 : index
    %get3A_720 = tpu.vector_load %arg8[%get3A_719] {strides = array<i32>} : memref<12288xf32, #tpu.memory_space<vmem>>, vector<16xf32>,
    %get3A_721 = vector.shape_cast %get3A_720 : vector<16xf32> to vector<16xf32>
    %get3A_722 = arith.constant 13184 : index
    %get3A_723 = tpu.vector_load %arg9[%get3A_722] {strides = array<i32>} : memref<13312xf32, #tpu.memory_space<vmem>>, vector<16xf32>,
    %get3A_724 = vector.shape_cast %get3A_723 : vector<16xf32> to vector<16xf32>
    %mul3A_725 = arith.constant 3.000000e+00 : f32
    %mul3A_726 = vector.broadcast %mul3A_725 : f32 to vector<16xf32>
    %mul3A_727 = arith.mulf %mul3A_726, %scan3A_717 : vector<16xf32>
    %sub3A_728 = arith.subf %mul3A_727, %get3A_721 : vector<16xf32>
    %sub3A_729 = arith.subf %sub3A_728, %get3A_724 : vector<16xf32>
    %mul3A_730 = arith.constant 0.00250626565 : f32
    %mul3A_731 = vector.broadcast %mul3A_730 : f32 to vector<16xf32>
    %mul3A_732 = arith.mulf %sub3A_729, %mul3A_731 : vector<16xf32>
    %add3A_733 = arith.addf %mul3A_732, %get3A_2 : vector<16xf32>
    %swap3A_734 = arith.constant 0 : index
    %swap3A_735 = tpu.vector_load %arg10[%swap3A_734] {strides = array<i32>} : memref<128xf32, #tpu.memory_space<vmem>>, vector<16xf32>,
    %swap3A_736 = vector.shape_cast %swap3A_735 : vector<16xf32> to vector<16xf32>
    %swap3A_737 = vector.shape_cast %add3A_733 : vector<16xf32> to vector<16xf32>
    tpu.vector_store %arg10[%swap3A_734], %swap3A_737 {strides = array<i32>} : memref<128xf32, #tpu.memory_space<vmem>>, vector<16xf32>,
    %broadcast_in_dim3A_738 = arith.constant 0.000000e+00 : f32
    %broadcast_in_dim3A_739 = vector.broadcast %broadcast_in_dim3A_738 : f32 to vector<16xf32>
    %scan3A_740 = arith.constant 0 : i32
    %scan3A_741 = arith.constant 24 : i32
    %scan3A_742 = arith.addi %scan3A_740, %scan3A_741 : i32
    %scan3A_743 = arith.constant 1 : i32
    %scan3A_744 = scf.for %scan3A_1281 = %scan3A_740 to %scan3A_742 step %scan3A_743 iter_args(%scan3A_1282 = %broadcast_in_dim3A_739) -> (vector<16xf32>)  : i32 {
      %mul3A_1283 = arith.constant 4 : i32
      %mul3A_1284 = arith.muli %scan3A_1281, %mul3A_1283 : i32
      %add3A_1285 = arith.constant 0 : i32
      %add3A_1286 = arith.addi %mul3A_1284, %add3A_1285 : i32
      %mul3A_1287 = arith.constant 128 : i32
      %mul3A_1288 = arith.muli %add3A_1286, %mul3A_1287 : i32
      %add3A_1289 = arith.constant 16 : i32
      %add3A_1290 = arith.addi %mul3A_1288, %add3A_1289 : i32
      %get3A_1291 = arith.index_cast %add3A_1290 : i32 to index
      %get3A_1292 = tpu.vector_load %arg8[%get3A_1291] {strides = array<i32>} : memref<12288xf32, #tpu.memory_space<vmem>>, vector<16xf32>,
      %get3A_1293 = vector.shape_cast %get3A_1292 : vector<16xf32> to vector<16xf32>
      %add3A_1294 = arith.addf %scan3A_1282, %get3A_1293 : vector<16xf32>
      %mul3A_1295 = arith.constant 4 : i32
      %mul3A_1296 = arith.muli %scan3A_1281, %mul3A_1295 : i32
      %add3A_1297 = arith.constant 1 : i32
      %add3A_1298 = arith.addi %mul3A_1296, %add3A_1297 : i32
      %mul3A_1299 = arith.constant 128 : i32
      %mul3A_1300 = arith.muli %add3A_1298, %mul3A_1299 : i32
      %add3A_1301 = arith.constant 16 : i32
      %add3A_1302 = arith.addi %mul3A_1300, %add3A_1301 : i32
      %get3A_1303 = arith.index_cast %add3A_1302 : i32 to index
      %get3A_1304 = tpu.vector_load %arg8[%get3A_1303] {strides = array<i32>} : memref<12288xf32, #tpu.memory_space<vmem>>, vector<16xf32>,
      %get3A_1305 = vector.shape_cast %get3A_1304 : vector<16xf32> to vector<16xf32>
      %add3A_1306 = arith.addf %add3A_1294, %get3A_1305 : vector<16xf32>
      %mul3A_1307 = arith.constant 4 : i32
      %mul3A_1308 = arith.muli %scan3A_1281, %mul3A_1307 : i32
      %add3A_1309 = arith.constant 2 : i32
      %add3A_1310 = arith.addi %mul3A_1308, %add3A_1309 : i32
      %mul3A_1311 = arith.constant 128 : i32
      %mul3A_1312 = arith.muli %add3A_1310, %mul3A_1311 : i32
      %add3A_1313 = arith.constant 16 : i32
      %add3A_1314 = arith.addi %mul3A_1312, %add3A_1313 : i32
      %get3A_1315 = arith.index_cast %add3A_1314 : i32 to index
      %get3A_1316 = tpu.vector_load %arg8[%get3A_1315] {strides = array<i32>} : memref<12288xf32, #tpu.memory_space<vmem>>, vector<16xf32>,
      %get3A_1317 = vector.shape_cast %get3A_1316 : vector<16xf32> to vector<16xf32>
      %add3A_1318 = arith.addf %add3A_1306, %get3A_1317 : vector<16xf32>
      %mul3A_1319 = arith.constant 4 : i32
      %mul3A_1320 = arith.muli %scan3A_1281, %mul3A_1319 : i32
      %add3A_1321 = arith.constant 3 : i32
      %add3A_1322 = arith.addi %mul3A_1320, %add3A_1321 : i32
      %mul3A_1323 = arith.constant 128 : i32
      %mul3A_1324 = arith.muli %add3A_1322, %mul3A_1323 : i32
      %add3A_1325 = arith.constant 16 : i32
      %add3A_1326 = arith.addi %mul3A_1324, %add3A_1325 : i32
      %get3A_1327 = arith.index_cast %add3A_1326 : i32 to index
      %get3A_1328 = tpu.vector_load %arg8[%get3A_1327] {strides = array<i32>} : memref<12288xf32, #tpu.memory_space<vmem>>, vector<16xf32>,
      %get3A_1329 = vector.shape_cast %get3A_1328 : vector<16xf32> to vector<16xf32>
      %add3A_1330 = arith.addf %add3A_1318, %get3A_1329 : vector<16xf32>
      scf.yield %add3A_1330 : vector<16xf32>
    }
    %scan3A_745 = arith.constant 24 : i32
    %scan3A_746 = arith.constant 0 : i32
    %scan3A_747 = arith.constant 26 : i32
    %scan3A_748 = arith.addi %scan3A_746, %scan3A_747 : i32
    %scan3A_749 = arith.constant 1 : i32
    %scan3A_750 = scf.for %scan3A_1281 = %scan3A_746 to %scan3A_748 step %scan3A_749 iter_args(%scan3A_1282 = %scan3A_744) -> (vector<16xf32>)  : i32 {
      %mul3A_1283 = arith.constant 4 : i32
      %mul3A_1284 = arith.muli %scan3A_1281, %mul3A_1283 : i32
      %add3A_1285 = arith.constant 0 : i32
      %add3A_1286 = arith.addi %mul3A_1284, %add3A_1285 : i32
      %mul3A_1287 = arith.constant 128 : i32
      %mul3A_1288 = arith.muli %add3A_1286, %mul3A_1287 : i32
      %add3A_1289 = arith.constant 16 : i32
      %add3A_1290 = arith.addi %mul3A_1288, %add3A_1289 : i32
      %get3A_1291 = arith.index_cast %add3A_1290 : i32 to index
      %get3A_1292 = tpu.vector_load %arg9[%get3A_1291] {strides = array<i32>} : memref<13312xf32, #tpu.memory_space<vmem>>, vector<16xf32>,
      %get3A_1293 = vector.shape_cast %get3A_1292 : vector<16xf32> to vector<16xf32>
      %add3A_1294 = arith.addf %scan3A_1282, %get3A_1293 : vector<16xf32>
      %mul3A_1295 = arith.constant 4 : i32
      %mul3A_1296 = arith.muli %scan3A_1281, %mul3A_1295 : i32
      %add3A_1297 = arith.constant 1 : i32
      %add3A_1298 = arith.addi %mul3A_1296, %add3A_1297 : i32
      %mul3A_1299 = arith.constant 128 : i32
      %mul3A_1300 = arith.muli %add3A_1298, %mul3A_1299 : i32
      %add3A_1301 = arith.constant 16 : i32
      %add3A_1302 = arith.addi %mul3A_1300, %add3A_1301 : i32
      %get3A_1303 = arith.index_cast %add3A_1302 : i32 to index
      %get3A_1304 = tpu.vector_load %arg9[%get3A_1303] {strides = array<i32>} : memref<13312xf32, #tpu.memory_space<vmem>>, vector<16xf32>,
      %get3A_1305 = vector.shape_cast %get3A_1304 : vector<16xf32> to vector<16xf32>
      %add3A_1306 = arith.addf %add3A_1294, %get3A_1305 : vector<16xf32>
      %mul3A_1307 = arith.constant 4 : i32
      %mul3A_1308 = arith.muli %scan3A_1281, %mul3A_1307 : i32
      %add3A_1309 = arith.constant 2 : i32
      %add3A_1310 = arith.addi %mul3A_1308, %add3A_1309 : i32
      %mul3A_1311 = arith.constant 128 : i32
      %mul3A_1312 = arith.muli %add3A_1310, %mul3A_1311 : i32
      %add3A_1313 = arith.constant 16 : i32
      %add3A_1314 = arith.addi %mul3A_1312, %add3A_1313 : i32
      %get3A_1315 = arith.index_cast %add3A_1314 : i32 to index
      %get3A_1316 = tpu.vector_load %arg9[%get3A_1315] {strides = array<i32>} : memref<13312xf32, #tpu.memory_space<vmem>>, vector<16xf32>,
      %get3A_1317 = vector.shape_cast %get3A_1316 : vector<16xf32> to vector<16xf32>
      %add3A_1318 = arith.addf %add3A_1306, %get3A_1317 : vector<16xf32>
      %mul3A_1319 = arith.constant 4 : i32
      %mul3A_1320 = arith.muli %scan3A_1281, %mul3A_1319 : i32
      %add3A_1321 = arith.constant 3 : i32
      %add3A_1322 = arith.addi %mul3A_1320, %add3A_1321 : i32
      %mul3A_1323 = arith.constant 128 : i32
      %mul3A_1324 = arith.muli %add3A_1322, %mul3A_1323 : i32
      %add3A_1325 = arith.constant 16 : i32
      %add3A_1326 = arith.addi %mul3A_1324, %add3A_1325 : i32
      %get3A_1327 = arith.index_cast %add3A_1326 : i32 to index
      %get3A_1328 = tpu.vector_load %arg9[%get3A_1327] {strides = array<i32>} : memref<13312xf32, #tpu.memory_space<vmem>>, vector<16xf32>,
      %get3A_1329 = vector.shape_cast %get3A_1328 : vector<16xf32> to vector<16xf32>
      %add3A_1330 = arith.addf %add3A_1318, %get3A_1329 : vector<16xf32>
      scf.yield %add3A_1330 : vector<16xf32>
    }
    %scan3A_751 = arith.constant 26 : i32
    %get3A_752 = arith.constant 16 : index
    %get3A_753 = tpu.vector_load %arg8[%get3A_752] {strides = array<i32>} : memref<12288xf32, #tpu.memory_space<vmem>>, vector<16xf32>,
    %get3A_754 = vector.shape_cast %get3A_753 : vector<16xf32> to vector<16xf32>
    %get3A_755 = arith.constant 13200 : index
    %get3A_756 = tpu.vector_load %arg9[%get3A_755] {strides = array<i32>} : memref<13312xf32, #tpu.memory_space<vmem>>, vector<16xf32>,
    %get3A_757 = vector.shape_cast %get3A_756 : vector<16xf32> to vector<16xf32>
    %mul3A_758 = arith.constant 3.000000e+00 : f32
    %mul3A_759 = vector.broadcast %mul3A_758 : f32 to vector<16xf32>
    %mul3A_760 = arith.mulf %mul3A_759, %scan3A_750 : vector<16xf32>
    %sub3A_761 = arith.subf %mul3A_760, %get3A_754 : vector<16xf32>
    %sub3A_762 = arith.subf %sub3A_761, %get3A_757 : vector<16xf32>
    %mul3A_763 = arith.constant 0.00250626565 : f32
    %mul3A_764 = vector.broadcast %mul3A_763 : f32 to vector<16xf32>
    %mul3A_765 = arith.mulf %sub3A_762, %mul3A_764 : vector<16xf32>
    %add3A_766 = arith.addf %mul3A_765, %get3A_2 : vector<16xf32>
    %swap3A_767 = arith.constant 16 : index
    %swap3A_768 = tpu.vector_load %arg10[%swap3A_767] {strides = array<i32>} : memref<128xf32, #tpu.memory_space<vmem>>, vector<16xf32>,
    %swap3A_769 = vector.shape_cast %swap3A_768 : vector<16xf32> to vector<16xf32>
    %swap3A_770 = vector.shape_cast %add3A_766 : vector<16xf32> to vector<16xf32>
    tpu.vector_store %arg10[%swap3A_767], %swap3A_770 {strides = array<i32>} : memref<128xf32, #tpu.memory_space<vmem>>, vector<16xf32>,
    %broadcast_in_dim3A_771 = arith.constant 0.000000e+00 : f32
    %broadcast_in_dim3A_772 = vector.broadcast %broadcast_in_dim3A_771 : f32 to vector<16xf32>
    %scan3A_773 = arith.constant 0 : i32
    %scan3A_774 = arith.constant 24 : i32
    %scan3A_775 = arith.addi %scan3A_773, %scan3A_774 : i32
    %scan3A_776 = arith.constant 1 : i32
    %scan3A_777 = scf.for %scan3A_1281 = %scan3A_773 to %scan3A_775 step %scan3A_776 iter_args(%scan3A_1282 = %broadcast_in_dim3A_772) -> (vector<16xf32>)  : i32 {
      %mul3A_1283 = arith.constant 4 : i32
      %mul3A_1284 = arith.muli %scan3A_1281, %mul3A_1283 : i32
      %add3A_1285 = arith.constant 0 : i32
      %add3A_1286 = arith.addi %mul3A_1284, %add3A_1285 : i32
      %mul3A_1287 = arith.constant 128 : i32
      %mul3A_1288 = arith.muli %add3A_1286, %mul3A_1287 : i32
      %add3A_1289 = arith.constant 32 : i32
      %add3A_1290 = arith.addi %mul3A_1288, %add3A_1289 : i32
      %get3A_1291 = arith.index_cast %add3A_1290 : i32 to index
      %get3A_1292 = tpu.vector_load %arg8[%get3A_1291] {strides = array<i32>} : memref<12288xf32, #tpu.memory_space<vmem>>, vector<16xf32>,
      %get3A_1293 = vector.shape_cast %get3A_1292 : vector<16xf32> to vector<16xf32>
      %add3A_1294 = arith.addf %scan3A_1282, %get3A_1293 : vector<16xf32>
      %mul3A_1295 = arith.constant 4 : i32
      %mul3A_1296 = arith.muli %scan3A_1281, %mul3A_1295 : i32
      %add3A_1297 = arith.constant 1 : i32
      %add3A_1298 = arith.addi %mul3A_1296, %add3A_1297 : i32
      %mul3A_1299 = arith.constant 128 : i32
      %mul3A_1300 = arith.muli %add3A_1298, %mul3A_1299 : i32
      %add3A_1301 = arith.constant 32 : i32
      %add3A_1302 = arith.addi %mul3A_1300, %add3A_1301 : i32
      %get3A_1303 = arith.index_cast %add3A_1302 : i32 to index
      %get3A_1304 = tpu.vector_load %arg8[%get3A_1303] {strides = array<i32>} : memref<12288xf32, #tpu.memory_space<vmem>>, vector<16xf32>,
      %get3A_1305 = vector.shape_cast %get3A_1304 : vector<16xf32> to vector<16xf32>
      %add3A_1306 = arith.addf %add3A_1294, %get3A_1305 : vector<16xf32>
      %mul3A_1307 = arith.constant 4 : i32
      %mul3A_1308 = arith.muli %scan3A_1281, %mul3A_1307 : i32
      %add3A_1309 = arith.constant 2 : i32
      %add3A_1310 = arith.addi %mul3A_1308, %add3A_1309 : i32
      %mul3A_1311 = arith.constant 128 : i32
      %mul3A_1312 = arith.muli %add3A_1310, %mul3A_1311 : i32
      %add3A_1313 = arith.constant 32 : i32
      %add3A_1314 = arith.addi %mul3A_1312, %add3A_1313 : i32
      %get3A_1315 = arith.index_cast %add3A_1314 : i32 to index
      %get3A_1316 = tpu.vector_load %arg8[%get3A_1315] {strides = array<i32>} : memref<12288xf32, #tpu.memory_space<vmem>>, vector<16xf32>,
      %get3A_1317 = vector.shape_cast %get3A_1316 : vector<16xf32> to vector<16xf32>
      %add3A_1318 = arith.addf %add3A_1306, %get3A_1317 : vector<16xf32>
      %mul3A_1319 = arith.constant 4 : i32
      %mul3A_1320 = arith.muli %scan3A_1281, %mul3A_1319 : i32
      %add3A_1321 = arith.constant 3 : i32
      %add3A_1322 = arith.addi %mul3A_1320, %add3A_1321 : i32
      %mul3A_1323 = arith.constant 128 : i32
      %mul3A_1324 = arith.muli %add3A_1322, %mul3A_1323 : i32
      %add3A_1325 = arith.constant 32 : i32
      %add3A_1326 = arith.addi %mul3A_1324, %add3A_1325 : i32
      %get3A_1327 = arith.index_cast %add3A_1326 : i32 to index
      %get3A_1328 = tpu.vector_load %arg8[%get3A_1327] {strides = array<i32>} : memref<12288xf32, #tpu.memory_space<vmem>>, vector<16xf32>,
      %get3A_1329 = vector.shape_cast %get3A_1328 : vector<16xf32> to vector<16xf32>
      %add3A_1330 = arith.addf %add3A_1318, %get3A_1329 : vector<16xf32>
      scf.yield %add3A_1330 : vector<16xf32>
    }
    %scan3A_778 = arith.constant 24 : i32
    %scan3A_779 = arith.constant 0 : i32
    %scan3A_780 = arith.constant 26 : i32
    %scan3A_781 = arith.addi %scan3A_779, %scan3A_780 : i32
    %scan3A_782 = arith.constant 1 : i32
    %scan3A_783 = scf.for %scan3A_1281 = %scan3A_779 to %scan3A_781 step %scan3A_782 iter_args(%scan3A_1282 = %scan3A_777) -> (vector<16xf32>)  : i32 {
      %mul3A_1283 = arith.constant 4 : i32
      %mul3A_1284 = arith.muli %scan3A_1281, %mul3A_1283 : i32
      %add3A_1285 = arith.constant 0 : i32
      %add3A_1286 = arith.addi %mul3A_1284, %add3A_1285 : i32
      %mul3A_1287 = arith.constant 128 : i32
      %mul3A_1288 = arith.muli %add3A_1286, %mul3A_1287 : i32
      %add3A_1289 = arith.constant 32 : i32
      %add3A_1290 = arith.addi %mul3A_1288, %add3A_1289 : i32
      %get3A_1291 = arith.index_cast %add3A_1290 : i32 to index
      %get3A_1292 = tpu.vector_load %arg9[%get3A_1291] {strides = array<i32>} : memref<13312xf32, #tpu.memory_space<vmem>>, vector<16xf32>,
      %get3A_1293 = vector.shape_cast %get3A_1292 : vector<16xf32> to vector<16xf32>
      %add3A_1294 = arith.addf %scan3A_1282, %get3A_1293 : vector<16xf32>
      %mul3A_1295 = arith.constant 4 : i32
      %mul3A_1296 = arith.muli %scan3A_1281, %mul3A_1295 : i32
      %add3A_1297 = arith.constant 1 : i32
      %add3A_1298 = arith.addi %mul3A_1296, %add3A_1297 : i32
      %mul3A_1299 = arith.constant 128 : i32
      %mul3A_1300 = arith.muli %add3A_1298, %mul3A_1299 : i32
      %add3A_1301 = arith.constant 32 : i32
      %add3A_1302 = arith.addi %mul3A_1300, %add3A_1301 : i32
      %get3A_1303 = arith.index_cast %add3A_1302 : i32 to index
      %get3A_1304 = tpu.vector_load %arg9[%get3A_1303] {strides = array<i32>} : memref<13312xf32, #tpu.memory_space<vmem>>, vector<16xf32>,
      %get3A_1305 = vector.shape_cast %get3A_1304 : vector<16xf32> to vector<16xf32>
      %add3A_1306 = arith.addf %add3A_1294, %get3A_1305 : vector<16xf32>
      %mul3A_1307 = arith.constant 4 : i32
      %mul3A_1308 = arith.muli %scan3A_1281, %mul3A_1307 : i32
      %add3A_1309 = arith.constant 2 : i32
      %add3A_1310 = arith.addi %mul3A_1308, %add3A_1309 : i32
      %mul3A_1311 = arith.constant 128 : i32
      %mul3A_1312 = arith.muli %add3A_1310, %mul3A_1311 : i32
      %add3A_1313 = arith.constant 32 : i32
      %add3A_1314 = arith.addi %mul3A_1312, %add3A_1313 : i32
      %get3A_1315 = arith.index_cast %add3A_1314 : i32 to index
      %get3A_1316 = tpu.vector_load %arg9[%get3A_1315] {strides = array<i32>} : memref<13312xf32, #tpu.memory_space<vmem>>, vector<16xf32>,
      %get3A_1317 = vector.shape_cast %get3A_1316 : vector<16xf32> to vector<16xf32>
      %add3A_1318 = arith.addf %add3A_1306, %get3A_1317 : vector<16xf32>
      %mul3A_1319 = arith.constant 4 : i32
      %mul3A_1320 = arith.muli %scan3A_1281, %mul3A_1319 : i32
      %add3A_1321 = arith.constant 3 : i32
      %add3A_1322 = arith.addi %mul3A_1320, %add3A_1321 : i32
      %mul3A_1323 = arith.constant 128 : i32
      %mul3A_1324 = arith.muli %add3A_1322, %mul3A_1323 : i32
      %add3A_1325 = arith.constant 32 : i32
      %add3A_1326 = arith.addi %mul3A_1324, %add3A_1325 : i32
      %get3A_1327 = arith.index_cast %add3A_1326 : i32 to index
      %get3A_1328 = tpu.vector_load %arg9[%get3A_1327] {strides = array<i32>} : memref<13312xf32, #tpu.memory_space<vmem>>, vector<16xf32>,
      %get3A_1329 = vector.shape_cast %get3A_1328 : vector<16xf32> to vector<16xf32>
      %add3A_1330 = arith.addf %add3A_1318, %get3A_1329 : vector<16xf32>
      scf.yield %add3A_1330 : vector<16xf32>
    }
    %scan3A_784 = arith.constant 26 : i32
    %get3A_785 = arith.constant 32 : index
    %get3A_786 = tpu.vector_load %arg8[%get3A_785] {strides = array<i32>} : memref<12288xf32, #tpu.memory_space<vmem>>, vector<16xf32>,
    %get3A_787 = vector.shape_cast %get3A_786 : vector<16xf32> to vector<16xf32>
    %get3A_788 = arith.constant 13216 : index
    %get3A_789 = tpu.vector_load %arg9[%get3A_788] {strides = array<i32>} : memref<13312xf32, #tpu.memory_space<vmem>>, vector<16xf32>,
    %get3A_790 = vector.shape_cast %get3A_789 : vector<16xf32> to vector<16xf32>
    %mul3A_791 = arith.constant 3.000000e+00 : f32
    %mul3A_792 = vector.broadcast %mul3A_791 : f32 to vector<16xf32>
    %mul3A_793 = arith.mulf %mul3A_792, %scan3A_783 : vector<16xf32>
    %sub3A_794 = arith.subf %mul3A_793, %get3A_787 : vector<16xf32>
    %sub3A_795 = arith.subf %sub3A_794, %get3A_790 : vector<16xf32>
    %mul3A_796 = arith.constant 0.00250626565 : f32
    %mul3A_797 = vector.broadcast %mul3A_796 : f32 to vector<16xf32>
    %mul3A_798 = arith.mulf %sub3A_795, %mul3A_797 : vector<16xf32>
    %add3A_799 = arith.addf %mul3A_798, %get3A_2 : vector<16xf32>
    %swap3A_800 = arith.constant 32 : index
    %swap3A_801 = tpu.vector_load %arg10[%swap3A_800] {strides = array<i32>} : memref<128xf32, #tpu.memory_space<vmem>>, vector<16xf32>,
    %swap3A_802 = vector.shape_cast %swap3A_801 : vector<16xf32> to vector<16xf32>
    %swap3A_803 = vector.shape_cast %add3A_799 : vector<16xf32> to vector<16xf32>
    tpu.vector_store %arg10[%swap3A_800], %swap3A_803 {strides = array<i32>} : memref<128xf32, #tpu.memory_space<vmem>>, vector<16xf32>,
    %broadcast_in_dim3A_804 = arith.constant 0.000000e+00 : f32
    %broadcast_in_dim3A_805 = vector.broadcast %broadcast_in_dim3A_804 : f32 to vector<16xf32>
    %scan3A_806 = arith.constant 0 : i32
    %scan3A_807 = arith.constant 24 : i32
    %scan3A_808 = arith.addi %scan3A_806, %scan3A_807 : i32
    %scan3A_809 = arith.constant 1 : i32
    %scan3A_810 = scf.for %scan3A_1281 = %scan3A_806 to %scan3A_808 step %scan3A_809 iter_args(%scan3A_1282 = %broadcast_in_dim3A_805) -> (vector<16xf32>)  : i32 {
      %mul3A_1283 = arith.constant 4 : i32
      %mul3A_1284 = arith.muli %scan3A_1281, %mul3A_1283 : i32
      %add3A_1285 = arith.constant 0 : i32
      %add3A_1286 = arith.addi %mul3A_1284, %add3A_1285 : i32
      %mul3A_1287 = arith.constant 128 : i32
      %mul3A_1288 = arith.muli %add3A_1286, %mul3A_1287 : i32
      %add3A_1289 = arith.constant 48 : i32
      %add3A_1290 = arith.addi %mul3A_1288, %add3A_1289 : i32
      %get3A_1291 = arith.index_cast %add3A_1290 : i32 to index
      %get3A_1292 = tpu.vector_load %arg8[%get3A_1291] {strides = array<i32>} : memref<12288xf32, #tpu.memory_space<vmem>>, vector<16xf32>,
      %get3A_1293 = vector.shape_cast %get3A_1292 : vector<16xf32> to vector<16xf32>
      %add3A_1294 = arith.addf %scan3A_1282, %get3A_1293 : vector<16xf32>
      %mul3A_1295 = arith.constant 4 : i32
      %mul3A_1296 = arith.muli %scan3A_1281, %mul3A_1295 : i32
      %add3A_1297 = arith.constant 1 : i32
      %add3A_1298 = arith.addi %mul3A_1296, %add3A_1297 : i32
      %mul3A_1299 = arith.constant 128 : i32
      %mul3A_1300 = arith.muli %add3A_1298, %mul3A_1299 : i32
      %add3A_1301 = arith.constant 48 : i32
      %add3A_1302 = arith.addi %mul3A_1300, %add3A_1301 : i32
      %get3A_1303 = arith.index_cast %add3A_1302 : i32 to index
      %get3A_1304 = tpu.vector_load %arg8[%get3A_1303] {strides = array<i32>} : memref<12288xf32, #tpu.memory_space<vmem>>, vector<16xf32>,
      %get3A_1305 = vector.shape_cast %get3A_1304 : vector<16xf32> to vector<16xf32>
      %add3A_1306 = arith.addf %add3A_1294, %get3A_1305 : vector<16xf32>
      %mul3A_1307 = arith.constant 4 : i32
      %mul3A_1308 = arith.muli %scan3A_1281, %mul3A_1307 : i32
      %add3A_1309 = arith.constant 2 : i32
      %add3A_1310 = arith.addi %mul3A_1308, %add3A_1309 : i32
      %mul3A_1311 = arith.constant 128 : i32
      %mul3A_1312 = arith.muli %add3A_1310, %mul3A_1311 : i32
      %add3A_1313 = arith.constant 48 : i32
      %add3A_1314 = arith.addi %mul3A_1312, %add3A_1313 : i32
      %get3A_1315 = arith.index_cast %add3A_1314 : i32 to index
      %get3A_1316 = tpu.vector_load %arg8[%get3A_1315] {strides = array<i32>} : memref<12288xf32, #tpu.memory_space<vmem>>, vector<16xf32>,
      %get3A_1317 = vector.shape_cast %get3A_1316 : vector<16xf32> to vector<16xf32>
      %add3A_1318 = arith.addf %add3A_1306, %get3A_1317 : vector<16xf32>
      %mul3A_1319 = arith.constant 4 : i32
      %mul3A_1320 = arith.muli %scan3A_1281, %mul3A_1319 : i32
      %add3A_1321 = arith.constant 3 : i32
      %add3A_1322 = arith.addi %mul3A_1320, %add3A_1321 : i32
      %mul3A_1323 = arith.constant 128 : i32
      %mul3A_1324 = arith.muli %add3A_1322, %mul3A_1323 : i32
      %add3A_1325 = arith.constant 48 : i32
      %add3A_1326 = arith.addi %mul3A_1324, %add3A_1325 : i32
      %get3A_1327 = arith.index_cast %add3A_1326 : i32 to index
      %get3A_1328 = tpu.vector_load %arg8[%get3A_1327] {strides = array<i32>} : memref<12288xf32, #tpu.memory_space<vmem>>, vector<16xf32>,
      %get3A_1329 = vector.shape_cast %get3A_1328 : vector<16xf32> to vector<16xf32>
      %add3A_1330 = arith.addf %add3A_1318, %get3A_1329 : vector<16xf32>
      scf.yield %add3A_1330 : vector<16xf32>
    }
    %scan3A_811 = arith.constant 24 : i32
    %scan3A_812 = arith.constant 0 : i32
    %scan3A_813 = arith.constant 26 : i32
    %scan3A_814 = arith.addi %scan3A_812, %scan3A_813 : i32
    %scan3A_815 = arith.constant 1 : i32
    %scan3A_816 = scf.for %scan3A_1281 = %scan3A_812 to %scan3A_814 step %scan3A_815 iter_args(%scan3A_1282 = %scan3A_810) -> (vector<16xf32>)  : i32 {
      %mul3A_1283 = arith.constant 4 : i32
      %mul3A_1284 = arith.muli %scan3A_1281, %mul3A_1283 : i32
      %add3A_1285 = arith.constant 0 : i32
      %add3A_1286 = arith.addi %mul3A_1284, %add3A_1285 : i32
      %mul3A_1287 = arith.constant 128 : i32
      %mul3A_1288 = arith.muli %add3A_1286, %mul3A_1287 : i32
      %add3A_1289 = arith.constant 48 : i32
      %add3A_1290 = arith.addi %mul3A_1288, %add3A_1289 : i32
      %get3A_1291 = arith.index_cast %add3A_1290 : i32 to index
      %get3A_1292 = tpu.vector_load %arg9[%get3A_1291] {strides = array<i32>} : memref<13312xf32, #tpu.memory_space<vmem>>, vector<16xf32>,
      %get3A_1293 = vector.shape_cast %get3A_1292 : vector<16xf32> to vector<16xf32>
      %add3A_1294 = arith.addf %scan3A_1282, %get3A_1293 : vector<16xf32>
      %mul3A_1295 = arith.constant 4 : i32
      %mul3A_1296 = arith.muli %scan3A_1281, %mul3A_1295 : i32
      %add3A_1297 = arith.constant 1 : i32
      %add3A_1298 = arith.addi %mul3A_1296, %add3A_1297 : i32
      %mul3A_1299 = arith.constant 128 : i32
      %mul3A_1300 = arith.muli %add3A_1298, %mul3A_1299 : i32
      %add3A_1301 = arith.constant 48 : i32
      %add3A_1302 = arith.addi %mul3A_1300, %add3A_1301 : i32
      %get3A_1303 = arith.index_cast %add3A_1302 : i32 to index
      %get3A_1304 = tpu.vector_load %arg9[%get3A_1303] {strides = array<i32>} : memref<13312xf32, #tpu.memory_space<vmem>>, vector<16xf32>,
      %get3A_1305 = vector.shape_cast %get3A_1304 : vector<16xf32> to vector<16xf32>
      %add3A_1306 = arith.addf %add3A_1294, %get3A_1305 : vector<16xf32>
      %mul3A_1307 = arith.constant 4 : i32
      %mul3A_1308 = arith.muli %scan3A_1281, %mul3A_1307 : i32
      %add3A_1309 = arith.constant 2 : i32
      %add3A_1310 = arith.addi %mul3A_1308, %add3A_1309 : i32
      %mul3A_1311 = arith.constant 128 : i32
      %mul3A_1312 = arith.muli %add3A_1310, %mul3A_1311 : i32
      %add3A_1313 = arith.constant 48 : i32
      %add3A_1314 = arith.addi %mul3A_1312, %add3A_1313 : i32
      %get3A_1315 = arith.index_cast %add3A_1314 : i32 to index
      %get3A_1316 = tpu.vector_load %arg9[%get3A_1315] {strides = array<i32>} : memref<13312xf32, #tpu.memory_space<vmem>>, vector<16xf32>,
      %get3A_1317 = vector.shape_cast %get3A_1316 : vector<16xf32> to vector<16xf32>
      %add3A_1318 = arith.addf %add3A_1306, %get3A_1317 : vector<16xf32>
      %mul3A_1319 = arith.constant 4 : i32
      %mul3A_1320 = arith.muli %scan3A_1281, %mul3A_1319 : i32
      %add3A_1321 = arith.constant 3 : i32
      %add3A_1322 = arith.addi %mul3A_1320, %add3A_1321 : i32
      %mul3A_1323 = arith.constant 128 : i32
      %mul3A_1324 = arith.muli %add3A_1322, %mul3A_1323 : i32
      %add3A_1325 = arith.constant 48 : i32
      %add3A_1326 = arith.addi %mul3A_1324, %add3A_1325 : i32
      %get3A_1327 = arith.index_cast %add3A_1326 : i32 to index
      %get3A_1328 = tpu.vector_load %arg9[%get3A_1327] {strides = array<i32>} : memref<13312xf32, #tpu.memory_space<vmem>>, vector<16xf32>,
      %get3A_1329 = vector.shape_cast %get3A_1328 : vector<16xf32> to vector<16xf32>
      %add3A_1330 = arith.addf %add3A_1318, %get3A_1329 : vector<16xf32>
      scf.yield %add3A_1330 : vector<16xf32>
    }
    %scan3A_817 = arith.constant 26 : i32
    %get3A_818 = arith.constant 48 : index
    %get3A_819 = tpu.vector_load %arg8[%get3A_818] {strides = array<i32>} : memref<12288xf32, #tpu.memory_space<vmem>>, vector<16xf32>,
    %get3A_820 = vector.shape_cast %get3A_819 : vector<16xf32> to vector<16xf32>
    %get3A_821 = arith.constant 13232 : index
    %get3A_822 = tpu.vector_load %arg9[%get3A_821] {strides = array<i32>} : memref<13312xf32, #tpu.memory_space<vmem>>, vector<16xf32>,
    %get3A_823 = vector.shape_cast %get3A_822 : vector<16xf32> to vector<16xf32>
    %mul3A_824 = arith.constant 3.000000e+00 : f32
    %mul3A_825 = vector.broadcast %mul3A_824 : f32 to vector<16xf32>
    %mul3A_826 = arith.mulf %mul3A_825, %scan3A_816 : vector<16xf32>
    %sub3A_827 = arith.subf %mul3A_826, %get3A_820 : vector<16xf32>
    %sub3A_828 = arith.subf %sub3A_827, %get3A_823 : vector<16xf32>
    %mul3A_829 = arith.constant 0.00250626565 : f32
    %mul3A_830 = vector.broadcast %mul3A_829 : f32 to vector<16xf32>
    %mul3A_831 = arith.mulf %sub3A_828, %mul3A_830 : vector<16xf32>
    %add3A_832 = arith.addf %mul3A_831, %get3A_2 : vector<16xf32>
    %swap3A_833 = arith.constant 48 : index
    %swap3A_834 = tpu.vector_load %arg10[%swap3A_833] {strides = array<i32>} : memref<128xf32, #tpu.memory_space<vmem>>, vector<16xf32>,
    %swap3A_835 = vector.shape_cast %swap3A_834 : vector<16xf32> to vector<16xf32>
    %swap3A_836 = vector.shape_cast %add3A_832 : vector<16xf32> to vector<16xf32>
    tpu.vector_store %arg10[%swap3A_833], %swap3A_836 {strides = array<i32>} : memref<128xf32, #tpu.memory_space<vmem>>, vector<16xf32>,
    %broadcast_in_dim3A_837 = arith.constant 0.000000e+00 : f32
    %broadcast_in_dim3A_838 = vector.broadcast %broadcast_in_dim3A_837 : f32 to vector<16xf32>
    %scan3A_839 = arith.constant 0 : i32
    %scan3A_840 = arith.constant 24 : i32
    %scan3A_841 = arith.addi %scan3A_839, %scan3A_840 : i32
    %scan3A_842 = arith.constant 1 : i32
    %scan3A_843 = scf.for %scan3A_1281 = %scan3A_839 to %scan3A_841 step %scan3A_842 iter_args(%scan3A_1282 = %broadcast_in_dim3A_838) -> (vector<16xf32>)  : i32 {
      %mul3A_1283 = arith.constant 4 : i32
      %mul3A_1284 = arith.muli %scan3A_1281, %mul3A_1283 : i32
      %add3A_1285 = arith.constant 0 : i32
      %add3A_1286 = arith.addi %mul3A_1284, %add3A_1285 : i32
      %mul3A_1287 = arith.constant 128 : i32
      %mul3A_1288 = arith.muli %add3A_1286, %mul3A_1287 : i32
      %add3A_1289 = arith.constant 64 : i32
      %add3A_1290 = arith.addi %mul3A_1288, %add3A_1289 : i32
      %get3A_1291 = arith.index_cast %add3A_1290 : i32 to index
      %get3A_1292 = tpu.vector_load %arg8[%get3A_1291] {strides = array<i32>} : memref<12288xf32, #tpu.memory_space<vmem>>, vector<16xf32>,
      %get3A_1293 = vector.shape_cast %get3A_1292 : vector<16xf32> to vector<16xf32>
      %add3A_1294 = arith.addf %scan3A_1282, %get3A_1293 : vector<16xf32>
      %mul3A_1295 = arith.constant 4 : i32
      %mul3A_1296 = arith.muli %scan3A_1281, %mul3A_1295 : i32
      %add3A_1297 = arith.constant 1 : i32
      %add3A_1298 = arith.addi %mul3A_1296, %add3A_1297 : i32
      %mul3A_1299 = arith.constant 128 : i32
      %mul3A_1300 = arith.muli %add3A_1298, %mul3A_1299 : i32
      %add3A_1301 = arith.constant 64 : i32
      %add3A_1302 = arith.addi %mul3A_1300, %add3A_1301 : i32
      %get3A_1303 = arith.index_cast %add3A_1302 : i32 to index
      %get3A_1304 = tpu.vector_load %arg8[%get3A_1303] {strides = array<i32>} : memref<12288xf32, #tpu.memory_space<vmem>>, vector<16xf32>,
      %get3A_1305 = vector.shape_cast %get3A_1304 : vector<16xf32> to vector<16xf32>
      %add3A_1306 = arith.addf %add3A_1294, %get3A_1305 : vector<16xf32>
      %mul3A_1307 = arith.constant 4 : i32
      %mul3A_1308 = arith.muli %scan3A_1281, %mul3A_1307 : i32
      %add3A_1309 = arith.constant 2 : i32
      %add3A_1310 = arith.addi %mul3A_1308, %add3A_1309 : i32
      %mul3A_1311 = arith.constant 128 : i32
      %mul3A_1312 = arith.muli %add3A_1310, %mul3A_1311 : i32
      %add3A_1313 = arith.constant 64 : i32
      %add3A_1314 = arith.addi %mul3A_1312, %add3A_1313 : i32
      %get3A_1315 = arith.index_cast %add3A_1314 : i32 to index
      %get3A_1316 = tpu.vector_load %arg8[%get3A_1315] {strides = array<i32>} : memref<12288xf32, #tpu.memory_space<vmem>>, vector<16xf32>,
      %get3A_1317 = vector.shape_cast %get3A_1316 : vector<16xf32> to vector<16xf32>
      %add3A_1318 = arith.addf %add3A_1306, %get3A_1317 : vector<16xf32>
      %mul3A_1319 = arith.constant 4 : i32
      %mul3A_1320 = arith.muli %scan3A_1281, %mul3A_1319 : i32
      %add3A_1321 = arith.constant 3 : i32
      %add3A_1322 = arith.addi %mul3A_1320, %add3A_1321 : i32
      %mul3A_1323 = arith.constant 128 : i32
      %mul3A_1324 = arith.muli %add3A_1322, %mul3A_1323 : i32
      %add3A_1325 = arith.constant 64 : i32
      %add3A_1326 = arith.addi %mul3A_1324, %add3A_1325 : i32
      %get3A_1327 = arith.index_cast %add3A_1326 : i32 to index
      %get3A_1328 = tpu.vector_load %arg8[%get3A_1327] {strides = array<i32>} : memref<12288xf32, #tpu.memory_space<vmem>>, vector<16xf32>,
      %get3A_1329 = vector.shape_cast %get3A_1328 : vector<16xf32> to vector<16xf32>
      %add3A_1330 = arith.addf %add3A_1318, %get3A_1329 : vector<16xf32>
      scf.yield %add3A_1330 : vector<16xf32>
    }
    %scan3A_844 = arith.constant 24 : i32
    %scan3A_845 = arith.constant 0 : i32
    %scan3A_846 = arith.constant 26 : i32
    %scan3A_847 = arith.addi %scan3A_845, %scan3A_846 : i32
    %scan3A_848 = arith.constant 1 : i32
    %scan3A_849 = scf.for %scan3A_1281 = %scan3A_845 to %scan3A_847 step %scan3A_848 iter_args(%scan3A_1282 = %scan3A_843) -> (vector<16xf32>)  : i32 {
      %mul3A_1283 = arith.constant 4 : i32
      %mul3A_1284 = arith.muli %scan3A_1281, %mul3A_1283 : i32
      %add3A_1285 = arith.constant 0 : i32
      %add3A_1286 = arith.addi %mul3A_1284, %add3A_1285 : i32
      %mul3A_1287 = arith.constant 128 : i32
      %mul3A_1288 = arith.muli %add3A_1286, %mul3A_1287 : i32
      %add3A_1289 = arith.constant 64 : i32
      %add3A_1290 = arith.addi %mul3A_1288, %add3A_1289 : i32
      %get3A_1291 = arith.index_cast %add3A_1290 : i32 to index
      %get3A_1292 = tpu.vector_load %arg9[%get3A_1291] {strides = array<i32>} : memref<13312xf32, #tpu.memory_space<vmem>>, vector<16xf32>,
      %get3A_1293 = vector.shape_cast %get3A_1292 : vector<16xf32> to vector<16xf32>
      %add3A_1294 = arith.addf %scan3A_1282, %get3A_1293 : vector<16xf32>
      %mul3A_1295 = arith.constant 4 : i32
      %mul3A_1296 = arith.muli %scan3A_1281, %mul3A_1295 : i32
      %add3A_1297 = arith.constant 1 : i32
      %add3A_1298 = arith.addi %mul3A_1296, %add3A_1297 : i32
      %mul3A_1299 = arith.constant 128 : i32
      %mul3A_1300 = arith.muli %add3A_1298, %mul3A_1299 : i32
      %add3A_1301 = arith.constant 64 : i32
      %add3A_1302 = arith.addi %mul3A_1300, %add3A_1301 : i32
      %get3A_1303 = arith.index_cast %add3A_1302 : i32 to index
      %get3A_1304 = tpu.vector_load %arg9[%get3A_1303] {strides = array<i32>} : memref<13312xf32, #tpu.memory_space<vmem>>, vector<16xf32>,
      %get3A_1305 = vector.shape_cast %get3A_1304 : vector<16xf32> to vector<16xf32>
      %add3A_1306 = arith.addf %add3A_1294, %get3A_1305 : vector<16xf32>
      %mul3A_1307 = arith.constant 4 : i32
      %mul3A_1308 = arith.muli %scan3A_1281, %mul3A_1307 : i32
      %add3A_1309 = arith.constant 2 : i32
      %add3A_1310 = arith.addi %mul3A_1308, %add3A_1309 : i32
      %mul3A_1311 = arith.constant 128 : i32
      %mul3A_1312 = arith.muli %add3A_1310, %mul3A_1311 : i32
      %add3A_1313 = arith.constant 64 : i32
      %add3A_1314 = arith.addi %mul3A_1312, %add3A_1313 : i32
      %get3A_1315 = arith.index_cast %add3A_1314 : i32 to index
      %get3A_1316 = tpu.vector_load %arg9[%get3A_1315] {strides = array<i32>} : memref<13312xf32, #tpu.memory_space<vmem>>, vector<16xf32>,
      %get3A_1317 = vector.shape_cast %get3A_1316 : vector<16xf32> to vector<16xf32>
      %add3A_1318 = arith.addf %add3A_1306, %get3A_1317 : vector<16xf32>
      %mul3A_1319 = arith.constant 4 : i32
      %mul3A_1320 = arith.muli %scan3A_1281, %mul3A_1319 : i32
      %add3A_1321 = arith.constant 3 : i32
      %add3A_1322 = arith.addi %mul3A_1320, %add3A_1321 : i32
      %mul3A_1323 = arith.constant 128 : i32
      %mul3A_1324 = arith.muli %add3A_1322, %mul3A_1323 : i32
      %add3A_1325 = arith.constant 64 : i32
      %add3A_1326 = arith.addi %mul3A_1324, %add3A_1325 : i32
      %get3A_1327 = arith.index_cast %add3A_1326 : i32 to index
      %get3A_1328 = tpu.vector_load %arg9[%get3A_1327] {strides = array<i32>} : memref<13312xf32, #tpu.memory_space<vmem>>, vector<16xf32>,
      %get3A_1329 = vector.shape_cast %get3A_1328 : vector<16xf32> to vector<16xf32>
      %add3A_1330 = arith.addf %add3A_1318, %get3A_1329 : vector<16xf32>
      scf.yield %add3A_1330 : vector<16xf32>
    }
    %scan3A_850 = arith.constant 26 : i32
    %get3A_851 = arith.constant 64 : index
    %get3A_852 = tpu.vector_load %arg8[%get3A_851] {strides = array<i32>} : memref<12288xf32, #tpu.memory_space<vmem>>, vector<16xf32>,
    %get3A_853 = vector.shape_cast %get3A_852 : vector<16xf32> to vector<16xf32>
    %get3A_854 = arith.constant 13248 : index
    %get3A_855 = tpu.vector_load %arg9[%get3A_854] {strides = array<i32>} : memref<13312xf32, #tpu.memory_space<vmem>>, vector<16xf32>,
    %get3A_856 = vector.shape_cast %get3A_855 : vector<16xf32> to vector<16xf32>
    %mul3A_857 = arith.constant 3.000000e+00 : f32
    %mul3A_858 = vector.broadcast %mul3A_857 : f32 to vector<16xf32>
    %mul3A_859 = arith.mulf %mul3A_858, %scan3A_849 : vector<16xf32>
    %sub3A_860 = arith.subf %mul3A_859, %get3A_853 : vector<16xf32>
    %sub3A_861 = arith.subf %sub3A_860, %get3A_856 : vector<16xf32>
    %mul3A_862 = arith.constant 0.00250626565 : f32
    %mul3A_863 = vector.broadcast %mul3A_862 : f32 to vector<16xf32>
    %mul3A_864 = arith.mulf %sub3A_861, %mul3A_863 : vector<16xf32>
    %add3A_865 = arith.addf %mul3A_864, %get3A_2 : vector<16xf32>
    %swap3A_866 = arith.constant 64 : index
    %swap3A_867 = tpu.vector_load %arg10[%swap3A_866] {strides = array<i32>} : memref<128xf32, #tpu.memory_space<vmem>>, vector<16xf32>,
    %swap3A_868 = vector.shape_cast %swap3A_867 : vector<16xf32> to vector<16xf32>
    %swap3A_869 = vector.shape_cast %add3A_865 : vector<16xf32> to vector<16xf32>
    tpu.vector_store %arg10[%swap3A_866], %swap3A_869 {strides = array<i32>} : memref<128xf32, #tpu.memory_space<vmem>>, vector<16xf32>,
    %broadcast_in_dim3A_870 = arith.constant 0.000000e+00 : f32
    %broadcast_in_dim3A_871 = vector.broadcast %broadcast_in_dim3A_870 : f32 to vector<16xf32>
    %scan3A_872 = arith.constant 0 : i32
    %scan3A_873 = arith.constant 24 : i32
    %scan3A_874 = arith.addi %scan3A_872, %scan3A_873 : i32
    %scan3A_875 = arith.constant 1 : i32
    %scan3A_876 = scf.for %scan3A_1281 = %scan3A_872 to %scan3A_874 step %scan3A_875 iter_args(%scan3A_1282 = %broadcast_in_dim3A_871) -> (vector<16xf32>)  : i32 {
      %mul3A_1283 = arith.constant 4 : i32
      %mul3A_1284 = arith.muli %scan3A_1281, %mul3A_1283 : i32
      %add3A_1285 = arith.constant 0 : i32
      %add3A_1286 = arith.addi %mul3A_1284, %add3A_1285 : i32
      %mul3A_1287 = arith.constant 128 : i32
      %mul3A_1288 = arith.muli %add3A_1286, %mul3A_1287 : i32
      %add3A_1289 = arith.constant 80 : i32
      %add3A_1290 = arith.addi %mul3A_1288, %add3A_1289 : i32
      %get3A_1291 = arith.index_cast %add3A_1290 : i32 to index
      %get3A_1292 = tpu.vector_load %arg8[%get3A_1291] {strides = array<i32>} : memref<12288xf32, #tpu.memory_space<vmem>>, vector<16xf32>,
      %get3A_1293 = vector.shape_cast %get3A_1292 : vector<16xf32> to vector<16xf32>
      %add3A_1294 = arith.addf %scan3A_1282, %get3A_1293 : vector<16xf32>
      %mul3A_1295 = arith.constant 4 : i32
      %mul3A_1296 = arith.muli %scan3A_1281, %mul3A_1295 : i32
      %add3A_1297 = arith.constant 1 : i32
      %add3A_1298 = arith.addi %mul3A_1296, %add3A_1297 : i32
      %mul3A_1299 = arith.constant 128 : i32
      %mul3A_1300 = arith.muli %add3A_1298, %mul3A_1299 : i32
      %add3A_1301 = arith.constant 80 : i32
      %add3A_1302 = arith.addi %mul3A_1300, %add3A_1301 : i32
      %get3A_1303 = arith.index_cast %add3A_1302 : i32 to index
      %get3A_1304 = tpu.vector_load %arg8[%get3A_1303] {strides = array<i32>} : memref<12288xf32, #tpu.memory_space<vmem>>, vector<16xf32>,
      %get3A_1305 = vector.shape_cast %get3A_1304 : vector<16xf32> to vector<16xf32>
      %add3A_1306 = arith.addf %add3A_1294, %get3A_1305 : vector<16xf32>
      %mul3A_1307 = arith.constant 4 : i32
      %mul3A_1308 = arith.muli %scan3A_1281, %mul3A_1307 : i32
      %add3A_1309 = arith.constant 2 : i32
      %add3A_1310 = arith.addi %mul3A_1308, %add3A_1309 : i32
      %mul3A_1311 = arith.constant 128 : i32
      %mul3A_1312 = arith.muli %add3A_1310, %mul3A_1311 : i32
      %add3A_1313 = arith.constant 80 : i32
      %add3A_1314 = arith.addi %mul3A_1312, %add3A_1313 : i32
      %get3A_1315 = arith.index_cast %add3A_1314 : i32 to index
      %get3A_1316 = tpu.vector_load %arg8[%get3A_1315] {strides = array<i32>} : memref<12288xf32, #tpu.memory_space<vmem>>, vector<16xf32>,
      %get3A_1317 = vector.shape_cast %get3A_1316 : vector<16xf32> to vector<16xf32>
      %add3A_1318 = arith.addf %add3A_1306, %get3A_1317 : vector<16xf32>
      %mul3A_1319 = arith.constant 4 : i32
      %mul3A_1320 = arith.muli %scan3A_1281, %mul3A_1319 : i32
      %add3A_1321 = arith.constant 3 : i32
      %add3A_1322 = arith.addi %mul3A_1320, %add3A_1321 : i32
      %mul3A_1323 = arith.constant 128 : i32
      %mul3A_1324 = arith.muli %add3A_1322, %mul3A_1323 : i32
      %add3A_1325 = arith.constant 80 : i32
      %add3A_1326 = arith.addi %mul3A_1324, %add3A_1325 : i32
      %get3A_1327 = arith.index_cast %add3A_1326 : i32 to index
      %get3A_1328 = tpu.vector_load %arg8[%get3A_1327] {strides = array<i32>} : memref<12288xf32, #tpu.memory_space<vmem>>, vector<16xf32>,
      %get3A_1329 = vector.shape_cast %get3A_1328 : vector<16xf32> to vector<16xf32>
      %add3A_1330 = arith.addf %add3A_1318, %get3A_1329 : vector<16xf32>
      scf.yield %add3A_1330 : vector<16xf32>
    }
    %scan3A_877 = arith.constant 24 : i32
    %scan3A_878 = arith.constant 0 : i32
    %scan3A_879 = arith.constant 26 : i32
    %scan3A_880 = arith.addi %scan3A_878, %scan3A_879 : i32
    %scan3A_881 = arith.constant 1 : i32
    %scan3A_882 = scf.for %scan3A_1281 = %scan3A_878 to %scan3A_880 step %scan3A_881 iter_args(%scan3A_1282 = %scan3A_876) -> (vector<16xf32>)  : i32 {
      %mul3A_1283 = arith.constant 4 : i32
      %mul3A_1284 = arith.muli %scan3A_1281, %mul3A_1283 : i32
      %add3A_1285 = arith.constant 0 : i32
      %add3A_1286 = arith.addi %mul3A_1284, %add3A_1285 : i32
      %mul3A_1287 = arith.constant 128 : i32
      %mul3A_1288 = arith.muli %add3A_1286, %mul3A_1287 : i32
      %add3A_1289 = arith.constant 80 : i32
      %add3A_1290 = arith.addi %mul3A_1288, %add3A_1289 : i32
      %get3A_1291 = arith.index_cast %add3A_1290 : i32 to index
      %get3A_1292 = tpu.vector_load %arg9[%get3A_1291] {strides = array<i32>} : memref<13312xf32, #tpu.memory_space<vmem>>, vector<16xf32>,
      %get3A_1293 = vector.shape_cast %get3A_1292 : vector<16xf32> to vector<16xf32>
      %add3A_1294 = arith.addf %scan3A_1282, %get3A_1293 : vector<16xf32>
      %mul3A_1295 = arith.constant 4 : i32
      %mul3A_1296 = arith.muli %scan3A_1281, %mul3A_1295 : i32
      %add3A_1297 = arith.constant 1 : i32
      %add3A_1298 = arith.addi %mul3A_1296, %add3A_1297 : i32
      %mul3A_1299 = arith.constant 128 : i32
      %mul3A_1300 = arith.muli %add3A_1298, %mul3A_1299 : i32
      %add3A_1301 = arith.constant 80 : i32
      %add3A_1302 = arith.addi %mul3A_1300, %add3A_1301 : i32
      %get3A_1303 = arith.index_cast %add3A_1302 : i32 to index
      %get3A_1304 = tpu.vector_load %arg9[%get3A_1303] {strides = array<i32>} : memref<13312xf32, #tpu.memory_space<vmem>>, vector<16xf32>,
      %get3A_1305 = vector.shape_cast %get3A_1304 : vector<16xf32> to vector<16xf32>
      %add3A_1306 = arith.addf %add3A_1294, %get3A_1305 : vector<16xf32>
      %mul3A_1307 = arith.constant 4 : i32
      %mul3A_1308 = arith.muli %scan3A_1281, %mul3A_1307 : i32
      %add3A_1309 = arith.constant 2 : i32
      %add3A_1310 = arith.addi %mul3A_1308, %add3A_1309 : i32
      %mul3A_1311 = arith.constant 128 : i32
      %mul3A_1312 = arith.muli %add3A_1310, %mul3A_1311 : i32
      %add3A_1313 = arith.constant 80 : i32
      %add3A_1314 = arith.addi %mul3A_1312, %add3A_1313 : i32
      %get3A_1315 = arith.index_cast %add3A_1314 : i32 to index
      %get3A_1316 = tpu.vector_load %arg9[%get3A_1315] {strides = array<i32>} : memref<13312xf32, #tpu.memory_space<vmem>>, vector<16xf32>,
      %get3A_1317 = vector.shape_cast %get3A_1316 : vector<16xf32> to vector<16xf32>
      %add3A_1318 = arith.addf %add3A_1306, %get3A_1317 : vector<16xf32>
      %mul3A_1319 = arith.constant 4 : i32
      %mul3A_1320 = arith.muli %scan3A_1281, %mul3A_1319 : i32
      %add3A_1321 = arith.constant 3 : i32
      %add3A_1322 = arith.addi %mul3A_1320, %add3A_1321 : i32
      %mul3A_1323 = arith.constant 128 : i32
      %mul3A_1324 = arith.muli %add3A_1322, %mul3A_1323 : i32
      %add3A_1325 = arith.constant 80 : i32
      %add3A_1326 = arith.addi %mul3A_1324, %add3A_1325 : i32
      %get3A_1327 = arith.index_cast %add3A_1326 : i32 to index
      %get3A_1328 = tpu.vector_load %arg9[%get3A_1327] {strides = array<i32>} : memref<13312xf32, #tpu.memory_space<vmem>>, vector<16xf32>,
      %get3A_1329 = vector.shape_cast %get3A_1328 : vector<16xf32> to vector<16xf32>
      %add3A_1330 = arith.addf %add3A_1318, %get3A_1329 : vector<16xf32>
      scf.yield %add3A_1330 : vector<16xf32>
    }
    %scan3A_883 = arith.constant 26 : i32
    %get3A_884 = arith.constant 80 : index
    %get3A_885 = tpu.vector_load %arg8[%get3A_884] {strides = array<i32>} : memref<12288xf32, #tpu.memory_space<vmem>>, vector<16xf32>,
    %get3A_886 = vector.shape_cast %get3A_885 : vector<16xf32> to vector<16xf32>
    %get3A_887 = arith.constant 13264 : index
    %get3A_888 = tpu.vector_load %arg9[%get3A_887] {strides = array<i32>} : memref<13312xf32, #tpu.memory_space<vmem>>, vector<16xf32>,
    %get3A_889 = vector.shape_cast %get3A_888 : vector<16xf32> to vector<16xf32>
    %mul3A_890 = arith.constant 3.000000e+00 : f32
    %mul3A_891 = vector.broadcast %mul3A_890 : f32 to vector<16xf32>
    %mul3A_892 = arith.mulf %mul3A_891, %scan3A_882 : vector<16xf32>
    %sub3A_893 = arith.subf %mul3A_892, %get3A_886 : vector<16xf32>
    %sub3A_894 = arith.subf %sub3A_893, %get3A_889 : vector<16xf32>
    %mul3A_895 = arith.constant 0.00250626565 : f32
    %mul3A_896 = vector.broadcast %mul3A_895 : f32 to vector<16xf32>
    %mul3A_897 = arith.mulf %sub3A_894, %mul3A_896 : vector<16xf32>
    %add3A_898 = arith.addf %mul3A_897, %get3A_2 : vector<16xf32>
    %swap3A_899 = arith.constant 80 : index
    %swap3A_900 = tpu.vector_load %arg10[%swap3A_899] {strides = array<i32>} : memref<128xf32, #tpu.memory_space<vmem>>, vector<16xf32>,
    %swap3A_901 = vector.shape_cast %swap3A_900 : vector<16xf32> to vector<16xf32>
    %swap3A_902 = vector.shape_cast %add3A_898 : vector<16xf32> to vector<16xf32>
    tpu.vector_store %arg10[%swap3A_899], %swap3A_902 {strides = array<i32>} : memref<128xf32, #tpu.memory_space<vmem>>, vector<16xf32>,
    %broadcast_in_dim3A_903 = arith.constant 0.000000e+00 : f32
    %broadcast_in_dim3A_904 = vector.broadcast %broadcast_in_dim3A_903 : f32 to vector<16xf32>
    %scan3A_905 = arith.constant 0 : i32
    %scan3A_906 = arith.constant 24 : i32
    %scan3A_907 = arith.addi %scan3A_905, %scan3A_906 : i32
    %scan3A_908 = arith.constant 1 : i32
    %scan3A_909 = scf.for %scan3A_1281 = %scan3A_905 to %scan3A_907 step %scan3A_908 iter_args(%scan3A_1282 = %broadcast_in_dim3A_904) -> (vector<16xf32>)  : i32 {
      %mul3A_1283 = arith.constant 4 : i32
      %mul3A_1284 = arith.muli %scan3A_1281, %mul3A_1283 : i32
      %add3A_1285 = arith.constant 0 : i32
      %add3A_1286 = arith.addi %mul3A_1284, %add3A_1285 : i32
      %mul3A_1287 = arith.constant 128 : i32
      %mul3A_1288 = arith.muli %add3A_1286, %mul3A_1287 : i32
      %add3A_1289 = arith.constant 96 : i32
      %add3A_1290 = arith.addi %mul3A_1288, %add3A_1289 : i32
      %get3A_1291 = arith.index_cast %add3A_1290 : i32 to index
      %get3A_1292 = tpu.vector_load %arg8[%get3A_1291] {strides = array<i32>} : memref<12288xf32, #tpu.memory_space<vmem>>, vector<16xf32>,
      %get3A_1293 = vector.shape_cast %get3A_1292 : vector<16xf32> to vector<16xf32>
      %add3A_1294 = arith.addf %scan3A_1282, %get3A_1293 : vector<16xf32>
      %mul3A_1295 = arith.constant 4 : i32
      %mul3A_1296 = arith.muli %scan3A_1281, %mul3A_1295 : i32
      %add3A_1297 = arith.constant 1 : i32
      %add3A_1298 = arith.addi %mul3A_1296, %add3A_1297 : i32
      %mul3A_1299 = arith.constant 128 : i32
      %mul3A_1300 = arith.muli %add3A_1298, %mul3A_1299 : i32
      %add3A_1301 = arith.constant 96 : i32
      %add3A_1302 = arith.addi %mul3A_1300, %add3A_1301 : i32
      %get3A_1303 = arith.index_cast %add3A_1302 : i32 to index
      %get3A_1304 = tpu.vector_load %arg8[%get3A_1303] {strides = array<i32>} : memref<12288xf32, #tpu.memory_space<vmem>>, vector<16xf32>,
      %get3A_1305 = vector.shape_cast %get3A_1304 : vector<16xf32> to vector<16xf32>
      %add3A_1306 = arith.addf %add3A_1294, %get3A_1305 : vector<16xf32>
      %mul3A_1307 = arith.constant 4 : i32
      %mul3A_1308 = arith.muli %scan3A_1281, %mul3A_1307 : i32
      %add3A_1309 = arith.constant 2 : i32
      %add3A_1310 = arith.addi %mul3A_1308, %add3A_1309 : i32
      %mul3A_1311 = arith.constant 128 : i32
      %mul3A_1312 = arith.muli %add3A_1310, %mul3A_1311 : i32
      %add3A_1313 = arith.constant 96 : i32
      %add3A_1314 = arith.addi %mul3A_1312, %add3A_1313 : i32
      %get3A_1315 = arith.index_cast %add3A_1314 : i32 to index
      %get3A_1316 = tpu.vector_load %arg8[%get3A_1315] {strides = array<i32>} : memref<12288xf32, #tpu.memory_space<vmem>>, vector<16xf32>,
      %get3A_1317 = vector.shape_cast %get3A_1316 : vector<16xf32> to vector<16xf32>
      %add3A_1318 = arith.addf %add3A_1306, %get3A_1317 : vector<16xf32>
      %mul3A_1319 = arith.constant 4 : i32
      %mul3A_1320 = arith.muli %scan3A_1281, %mul3A_1319 : i32
      %add3A_1321 = arith.constant 3 : i32
      %add3A_1322 = arith.addi %mul3A_1320, %add3A_1321 : i32
      %mul3A_1323 = arith.constant 128 : i32
      %mul3A_1324 = arith.muli %add3A_1322, %mul3A_1323 : i32
      %add3A_1325 = arith.constant 96 : i32
      %add3A_1326 = arith.addi %mul3A_1324, %add3A_1325 : i32
      %get3A_1327 = arith.index_cast %add3A_1326 : i32 to index
      %get3A_1328 = tpu.vector_load %arg8[%get3A_1327] {strides = array<i32>} : memref<12288xf32, #tpu.memory_space<vmem>>, vector<16xf32>,
      %get3A_1329 = vector.shape_cast %get3A_1328 : vector<16xf32> to vector<16xf32>
      %add3A_1330 = arith.addf %add3A_1318, %get3A_1329 : vector<16xf32>
      scf.yield %add3A_1330 : vector<16xf32>
    }
    %scan3A_910 = arith.constant 24 : i32
    %scan3A_911 = arith.constant 0 : i32
    %scan3A_912 = arith.constant 26 : i32
    %scan3A_913 = arith.addi %scan3A_911, %scan3A_912 : i32
    %scan3A_914 = arith.constant 1 : i32
    %scan3A_915 = scf.for %scan3A_1281 = %scan3A_911 to %scan3A_913 step %scan3A_914 iter_args(%scan3A_1282 = %scan3A_909) -> (vector<16xf32>)  : i32 {
      %mul3A_1283 = arith.constant 4 : i32
      %mul3A_1284 = arith.muli %scan3A_1281, %mul3A_1283 : i32
      %add3A_1285 = arith.constant 0 : i32
      %add3A_1286 = arith.addi %mul3A_1284, %add3A_1285 : i32
      %mul3A_1287 = arith.constant 128 : i32
      %mul3A_1288 = arith.muli %add3A_1286, %mul3A_1287 : i32
      %add3A_1289 = arith.constant 96 : i32
      %add3A_1290 = arith.addi %mul3A_1288, %add3A_1289 : i32
      %get3A_1291 = arith.index_cast %add3A_1290 : i32 to index
      %get3A_1292 = tpu.vector_load %arg9[%get3A_1291] {strides = array<i32>} : memref<13312xf32, #tpu.memory_space<vmem>>, vector<16xf32>,
      %get3A_1293 = vector.shape_cast %get3A_1292 : vector<16xf32> to vector<16xf32>
      %add3A_1294 = arith.addf %scan3A_1282, %get3A_1293 : vector<16xf32>
      %mul3A_1295 = arith.constant 4 : i32
      %mul3A_1296 = arith.muli %scan3A_1281, %mul3A_1295 : i32
      %add3A_1297 = arith.constant 1 : i32
      %add3A_1298 = arith.addi %mul3A_1296, %add3A_1297 : i32
      %mul3A_1299 = arith.constant 128 : i32
      %mul3A_1300 = arith.muli %add3A_1298, %mul3A_1299 : i32
      %add3A_1301 = arith.constant 96 : i32
      %add3A_1302 = arith.addi %mul3A_1300, %add3A_1301 : i32
      %get3A_1303 = arith.index_cast %add3A_1302 : i32 to index
      %get3A_1304 = tpu.vector_load %arg9[%get3A_1303] {strides = array<i32>} : memref<13312xf32, #tpu.memory_space<vmem>>, vector<16xf32>,
      %get3A_1305 = vector.shape_cast %get3A_1304 : vector<16xf32> to vector<16xf32>
      %add3A_1306 = arith.addf %add3A_1294, %get3A_1305 : vector<16xf32>
      %mul3A_1307 = arith.constant 4 : i32
      %mul3A_1308 = arith.muli %scan3A_1281, %mul3A_1307 : i32
      %add3A_1309 = arith.constant 2 : i32
      %add3A_1310 = arith.addi %mul3A_1308, %add3A_1309 : i32
      %mul3A_1311 = arith.constant 128 : i32
      %mul3A_1312 = arith.muli %add3A_1310, %mul3A_1311 : i32
      %add3A_1313 = arith.constant 96 : i32
      %add3A_1314 = arith.addi %mul3A_1312, %add3A_1313 : i32
      %get3A_1315 = arith.index_cast %add3A_1314 : i32 to index
      %get3A_1316 = tpu.vector_load %arg9[%get3A_1315] {strides = array<i32>} : memref<13312xf32, #tpu.memory_space<vmem>>, vector<16xf32>,
      %get3A_1317 = vector.shape_cast %get3A_1316 : vector<16xf32> to vector<16xf32>
      %add3A_1318 = arith.addf %add3A_1306, %get3A_1317 : vector<16xf32>
      %mul3A_1319 = arith.constant 4 : i32
      %mul3A_1320 = arith.muli %scan3A_1281, %mul3A_1319 : i32
      %add3A_1321 = arith.constant 3 : i32
      %add3A_1322 = arith.addi %mul3A_1320, %add3A_1321 : i32
      %mul3A_1323 = arith.constant 128 : i32
      %mul3A_1324 = arith.muli %add3A_1322, %mul3A_1323 : i32
      %add3A_1325 = arith.constant 96 : i32
      %add3A_1326 = arith.addi %mul3A_1324, %add3A_1325 : i32
      %get3A_1327 = arith.index_cast %add3A_1326 : i32 to index
      %get3A_1328 = tpu.vector_load %arg9[%get3A_1327] {strides = array<i32>} : memref<13312xf32, #tpu.memory_space<vmem>>, vector<16xf32>,
      %get3A_1329 = vector.shape_cast %get3A_1328 : vector<16xf32> to vector<16xf32>
      %add3A_1330 = arith.addf %add3A_1318, %get3A_1329 : vector<16xf32>
      scf.yield %add3A_1330 : vector<16xf32>
    }
    %scan3A_916 = arith.constant 26 : i32
    %get3A_917 = arith.constant 96 : index
    %get3A_918 = tpu.vector_load %arg8[%get3A_917] {strides = array<i32>} : memref<12288xf32, #tpu.memory_space<vmem>>, vector<16xf32>,
    %get3A_919 = vector.shape_cast %get3A_918 : vector<16xf32> to vector<16xf32>
    %get3A_920 = arith.constant 13280 : index
    %get3A_921 = tpu.vector_load %arg9[%get3A_920] {strides = array<i32>} : memref<13312xf32, #tpu.memory_space<vmem>>, vector<16xf32>,
    %get3A_922 = vector.shape_cast %get3A_921 : vector<16xf32> to vector<16xf32>
    %mul3A_923 = arith.constant 3.000000e+00 : f32
    %mul3A_924 = vector.broadcast %mul3A_923 : f32 to vector<16xf32>
    %mul3A_925 = arith.mulf %mul3A_924, %scan3A_915 : vector<16xf32>
    %sub3A_926 = arith.subf %mul3A_925, %get3A_919 : vector<16xf32>
    %sub3A_927 = arith.subf %sub3A_926, %get3A_922 : vector<16xf32>
    %mul3A_928 = arith.constant 0.00250626565 : f32
    %mul3A_929 = vector.broadcast %mul3A_928 : f32 to vector<16xf32>
    %mul3A_930 = arith.mulf %sub3A_927, %mul3A_929 : vector<16xf32>
    %add3A_931 = arith.addf %mul3A_930, %get3A_2 : vector<16xf32>
    %swap3A_932 = arith.constant 96 : index
    %swap3A_933 = tpu.vector_load %arg10[%swap3A_932] {strides = array<i32>} : memref<128xf32, #tpu.memory_space<vmem>>, vector<16xf32>,
    %swap3A_934 = vector.shape_cast %swap3A_933 : vector<16xf32> to vector<16xf32>
    %swap3A_935 = vector.shape_cast %add3A_931 : vector<16xf32> to vector<16xf32>
    tpu.vector_store %arg10[%swap3A_932], %swap3A_935 {strides = array<i32>} : memref<128xf32, #tpu.memory_space<vmem>>, vector<16xf32>,
    %broadcast_in_dim3A_936 = arith.constant 0.000000e+00 : f32
    %broadcast_in_dim3A_937 = vector.broadcast %broadcast_in_dim3A_936 : f32 to vector<16xf32>
    %scan3A_938 = arith.constant 0 : i32
    %scan3A_939 = arith.constant 24 : i32
    %scan3A_940 = arith.addi %scan3A_938, %scan3A_939 : i32
    %scan3A_941 = arith.constant 1 : i32
    %scan3A_942 = scf.for %scan3A_1281 = %scan3A_938 to %scan3A_940 step %scan3A_941 iter_args(%scan3A_1282 = %broadcast_in_dim3A_937) -> (vector<16xf32>)  : i32 {
      %mul3A_1283 = arith.constant 4 : i32
      %mul3A_1284 = arith.muli %scan3A_1281, %mul3A_1283 : i32
      %add3A_1285 = arith.constant 0 : i32
      %add3A_1286 = arith.addi %mul3A_1284, %add3A_1285 : i32
      %mul3A_1287 = arith.constant 128 : i32
      %mul3A_1288 = arith.muli %add3A_1286, %mul3A_1287 : i32
      %add3A_1289 = arith.constant 112 : i32
      %add3A_1290 = arith.addi %mul3A_1288, %add3A_1289 : i32
      %get3A_1291 = arith.index_cast %add3A_1290 : i32 to index
      %get3A_1292 = tpu.vector_load %arg8[%get3A_1291] {strides = array<i32>} : memref<12288xf32, #tpu.memory_space<vmem>>, vector<16xf32>,
      %get3A_1293 = vector.shape_cast %get3A_1292 : vector<16xf32> to vector<16xf32>
      %add3A_1294 = arith.addf %scan3A_1282, %get3A_1293 : vector<16xf32>
      %mul3A_1295 = arith.constant 4 : i32
      %mul3A_1296 = arith.muli %scan3A_1281, %mul3A_1295 : i32
      %add3A_1297 = arith.constant 1 : i32
      %add3A_1298 = arith.addi %mul3A_1296, %add3A_1297 : i32
      %mul3A_1299 = arith.constant 128 : i32
      %mul3A_1300 = arith.muli %add3A_1298, %mul3A_1299 : i32
      %add3A_1301 = arith.constant 112 : i32
      %add3A_1302 = arith.addi %mul3A_1300, %add3A_1301 : i32
      %get3A_1303 = arith.index_cast %add3A_1302 : i32 to index
      %get3A_1304 = tpu.vector_load %arg8[%get3A_1303] {strides = array<i32>} : memref<12288xf32, #tpu.memory_space<vmem>>, vector<16xf32>,
      %get3A_1305 = vector.shape_cast %get3A_1304 : vector<16xf32> to vector<16xf32>
      %add3A_1306 = arith.addf %add3A_1294, %get3A_1305 : vector<16xf32>
      %mul3A_1307 = arith.constant 4 : i32
      %mul3A_1308 = arith.muli %scan3A_1281, %mul3A_1307 : i32
      %add3A_1309 = arith.constant 2 : i32
      %add3A_1310 = arith.addi %mul3A_1308, %add3A_1309 : i32
      %mul3A_1311 = arith.constant 128 : i32
      %mul3A_1312 = arith.muli %add3A_1310, %mul3A_1311 : i32
      %add3A_1313 = arith.constant 112 : i32
      %add3A_1314 = arith.addi %mul3A_1312, %add3A_1313 : i32
      %get3A_1315 = arith.index_cast %add3A_1314 : i32 to index
      %get3A_1316 = tpu.vector_load %arg8[%get3A_1315] {strides = array<i32>} : memref<12288xf32, #tpu.memory_space<vmem>>, vector<16xf32>,
      %get3A_1317 = vector.shape_cast %get3A_1316 : vector<16xf32> to vector<16xf32>
      %add3A_1318 = arith.addf %add3A_1306, %get3A_1317 : vector<16xf32>
      %mul3A_1319 = arith.constant 4 : i32
      %mul3A_1320 = arith.muli %scan3A_1281, %mul3A_1319 : i32
      %add3A_1321 = arith.constant 3 : i32
      %add3A_1322 = arith.addi %mul3A_1320, %add3A_1321 : i32
      %mul3A_1323 = arith.constant 128 : i32
      %mul3A_1324 = arith.muli %add3A_1322, %mul3A_1323 : i32
      %add3A_1325 = arith.constant 112 : i32
      %add3A_1326 = arith.addi %mul3A_1324, %add3A_1325 : i32
      %get3A_1327 = arith.index_cast %add3A_1326 : i32 to index
      %get3A_1328 = tpu.vector_load %arg8[%get3A_1327] {strides = array<i32>} : memref<12288xf32, #tpu.memory_space<vmem>>, vector<16xf32>,
      %get3A_1329 = vector.shape_cast %get3A_1328 : vector<16xf32> to vector<16xf32>
      %add3A_1330 = arith.addf %add3A_1318, %get3A_1329 : vector<16xf32>
      scf.yield %add3A_1330 : vector<16xf32>
    }
    %scan3A_943 = arith.constant 24 : i32
    %scan3A_944 = arith.constant 0 : i32
    %scan3A_945 = arith.constant 26 : i32
    %scan3A_946 = arith.addi %scan3A_944, %scan3A_945 : i32
    %scan3A_947 = arith.constant 1 : i32
    %scan3A_948 = scf.for %scan3A_1281 = %scan3A_944 to %scan3A_946 step %scan3A_947 iter_args(%scan3A_1282 = %scan3A_942) -> (vector<16xf32>)  : i32 {
      %mul3A_1283 = arith.constant 4 : i32
      %mul3A_1284 = arith.muli %scan3A_1281, %mul3A_1283 : i32
      %add3A_1285 = arith.constant 0 : i32
      %add3A_1286 = arith.addi %mul3A_1284, %add3A_1285 : i32
      %mul3A_1287 = arith.constant 128 : i32
      %mul3A_1288 = arith.muli %add3A_1286, %mul3A_1287 : i32
      %add3A_1289 = arith.constant 112 : i32
      %add3A_1290 = arith.addi %mul3A_1288, %add3A_1289 : i32
      %get3A_1291 = arith.index_cast %add3A_1290 : i32 to index
      %get3A_1292 = tpu.vector_load %arg9[%get3A_1291] {strides = array<i32>} : memref<13312xf32, #tpu.memory_space<vmem>>, vector<16xf32>,
      %get3A_1293 = vector.shape_cast %get3A_1292 : vector<16xf32> to vector<16xf32>
      %add3A_1294 = arith.addf %scan3A_1282, %get3A_1293 : vector<16xf32>
      %mul3A_1295 = arith.constant 4 : i32
      %mul3A_1296 = arith.muli %scan3A_1281, %mul3A_1295 : i32
      %add3A_1297 = arith.constant 1 : i32
      %add3A_1298 = arith.addi %mul3A_1296, %add3A_1297 : i32
      %mul3A_1299 = arith.constant 128 : i32
      %mul3A_1300 = arith.muli %add3A_1298, %mul3A_1299 : i32
      %add3A_1301 = arith.constant 112 : i32
      %add3A_1302 = arith.addi %mul3A_1300, %add3A_1301 : i32
      %get3A_1303 = arith.index_cast %add3A_1302 : i32 to index
      %get3A_1304 = tpu.vector_load %arg9[%get3A_1303] {strides = array<i32>} : memref<13312xf32, #tpu.memory_space<vmem>>, vector<16xf32>,
      %get3A_1305 = vector.shape_cast %get3A_1304 : vector<16xf32> to vector<16xf32>
      %add3A_1306 = arith.addf %add3A_1294, %get3A_1305 : vector<16xf32>
      %mul3A_1307 = arith.constant 4 : i32
      %mul3A_1308 = arith.muli %scan3A_1281, %mul3A_1307 : i32
      %add3A_1309 = arith.constant 2 : i32
      %add3A_1310 = arith.addi %mul3A_1308, %add3A_1309 : i32
      %mul3A_1311 = arith.constant 128 : i32
      %mul3A_1312 = arith.muli %add3A_1310, %mul3A_1311 : i32
      %add3A_1313 = arith.constant 112 : i32
      %add3A_1314 = arith.addi %mul3A_1312, %add3A_1313 : i32
      %get3A_1315 = arith.index_cast %add3A_1314 : i32 to index
      %get3A_1316 = tpu.vector_load %arg9[%get3A_1315] {strides = array<i32>} : memref<13312xf32, #tpu.memory_space<vmem>>, vector<16xf32>,
      %get3A_1317 = vector.shape_cast %get3A_1316 : vector<16xf32> to vector<16xf32>
      %add3A_1318 = arith.addf %add3A_1306, %get3A_1317 : vector<16xf32>
      %mul3A_1319 = arith.constant 4 : i32
      %mul3A_1320 = arith.muli %scan3A_1281, %mul3A_1319 : i32
      %add3A_1321 = arith.constant 3 : i32
      %add3A_1322 = arith.addi %mul3A_1320, %add3A_1321 : i32
      %mul3A_1323 = arith.constant 128 : i32
      %mul3A_1324 = arith.muli %add3A_1322, %mul3A_1323 : i32
      %add3A_1325 = arith.constant 112 : i32
      %add3A_1326 = arith.addi %mul3A_1324, %add3A_1325 : i32
      %get3A_1327 = arith.index_cast %add3A_1326 : i32 to index
      %get3A_1328 = tpu.vector_load %arg9[%get3A_1327] {strides = array<i32>} : memref<13312xf32, #tpu.memory_space<vmem>>, vector<16xf32>,
      %get3A_1329 = vector.shape_cast %get3A_1328 : vector<16xf32> to vector<16xf32>
      %add3A_1330 = arith.addf %add3A_1318, %get3A_1329 : vector<16xf32>
      scf.yield %add3A_1330 : vector<16xf32>
    }
    %scan3A_949 = arith.constant 26 : i32
    %get3A_950 = arith.constant 112 : index
    %get3A_951 = tpu.vector_load %arg8[%get3A_950] {strides = array<i32>} : memref<12288xf32, #tpu.memory_space<vmem>>, vector<16xf32>,
    %get3A_952 = vector.shape_cast %get3A_951 : vector<16xf32> to vector<16xf32>
    %get3A_953 = arith.constant 13296 : index
    %get3A_954 = tpu.vector_load %arg9[%get3A_953] {strides = array<i32>} : memref<13312xf32, #tpu.memory_space<vmem>>, vector<16xf32>,
    %get3A_955 = vector.shape_cast %get3A_954 : vector<16xf32> to vector<16xf32>
    %mul3A_956 = arith.constant 3.000000e+00 : f32
    %mul3A_957 = vector.broadcast %mul3A_956 : f32 to vector<16xf32>
    %mul3A_958 = arith.mulf %mul3A_957, %scan3A_948 : vector<16xf32>
    %sub3A_959 = arith.subf %mul3A_958, %get3A_952 : vector<16xf32>
    %sub3A_960 = arith.subf %sub3A_959, %get3A_955 : vector<16xf32>
    %mul3A_961 = arith.constant 0.00250626565 : f32
    %mul3A_962 = vector.broadcast %mul3A_961 : f32 to vector<16xf32>
    %mul3A_963 = arith.mulf %sub3A_960, %mul3A_962 : vector<16xf32>
    %add3A_964 = arith.addf %mul3A_963, %get3A_2 : vector<16xf32>
    %swap3A_965 = arith.constant 112 : index
    %swap3A_966 = tpu.vector_load %arg10[%swap3A_965] {strides = array<i32>} : memref<128xf32, #tpu.memory_space<vmem>>, vector<16xf32>,
    %swap3A_967 = vector.shape_cast %swap3A_966 : vector<16xf32> to vector<16xf32>
    %swap3A_968 = vector.shape_cast %add3A_964 : vector<16xf32> to vector<16xf32>
    tpu.vector_store %arg10[%swap3A_965], %swap3A_968 {strides = array<i32>} : memref<128xf32, #tpu.memory_space<vmem>>, vector<16xf32>,
    %mul3A_969 = arith.constant 4 : i32
    %mul3A_970 = arith.muli %add3A, %mul3A_969 : i32
    %add3A_971 = arith.constant 2 : i32
    %add3A_972 = arith.addi %mul3A_970, %add3A_971 : i32
    %mul3A_973 = arith.constant 128 : i32
    %mul3A_974 = arith.muli %add3A_972, %mul3A_973 : i32
    "tpu.region"() ({
      %run_scoped3A = tpu.sem_alloc : memref<!tpu.dma_semaphore, #tpu.memory_space<semaphore_mem>>
      %dma_start3A_1281 = tpu.memref_slice %arg5[%mul3A_974] : memref<16384xf32, #tpu.memory_space<hbm>> -> memref<128xf32, #tpu.memory_space<hbm>>
      %dma_start3A_1282 = tpu.memref_slice %arg5[%mul3A_974] : memref<16384xf32, #tpu.memory_space<hbm>> -> memref<128xf32, #tpu.memory_space<hbm>>
      tpu.enqueue_dma source(%arg10 : memref<128xf32, #tpu.memory_space<vmem>>) target(%dma_start3A_1282 : memref<128xf32, #tpu.memory_space<hbm>>) target_semaphore(%run_scoped3A : memref<!tpu.dma_semaphore, #tpu.memory_space<semaphore_mem>>)
      %dma_wait3A_1283 = tpu.memref_slice %arg5[%mul3A_974] : memref<16384xf32, #tpu.memory_space<hbm>> -> memref<128xf32, #tpu.memory_space<hbm>>
      %dma_wait3A_1284 = tpu.memref_slice %arg5[%mul3A_974] : memref<16384xf32, #tpu.memory_space<hbm>> -> memref<128xf32, #tpu.memory_space<hbm>>
      tpu.wait_dma2 semaphore(%run_scoped3A : memref<!tpu.dma_semaphore, #tpu.memory_space<semaphore_mem>>) src(%arg10 : memref<128xf32, #tpu.memory_space<vmem>>) dst(%dma_wait3A_1284 : memref<128xf32, #tpu.memory_space<hbm>>)
      tpu.yield
    }) : () -> ()
    %dma_wait3A_975 = arith.constant 0 : i32
    %dma_wait3A_976 = tpu.memref_slice %arg2[%dma_wait3A_975, %mul3A_696] : memref<200x16384xi32, #tpu.memory_space<hbm>> -> memref<96x128xi32, #tpu.memory_space<hbm>>
    %dma_wait3A_977 = arith.constant 0 : i32
    %dma_wait3A_978 = tpu.memref_slice %arg2[%dma_wait3A_977, %mul3A_696] : memref<200x16384xi32, #tpu.memory_space<hbm>> -> memref<96x128xi32, #tpu.memory_space<hbm>>
    tpu.wait_dma2 semaphore(%arg15 : memref<!tpu.dma_semaphore, #tpu.memory_space<semaphore_mem>>) src(%dma_wait3A_978 : memref<96x128xi32, #tpu.memory_space<hbm>>) dst(%arg6 : memref<96x128xi32, #tpu.memory_space<vmem>>)
    %dma_wait3A_979 = arith.constant 96 : i32
    %dma_wait3A_980 = tpu.memref_slice %arg2[%dma_wait3A_979, %mul3A_696] : memref<200x16384xi32, #tpu.memory_space<hbm>> -> memref<104x128xi32, #tpu.memory_space<hbm>>
    %dma_wait3A_981 = arith.constant 96 : i32
    %dma_wait3A_982 = tpu.memref_slice %arg2[%dma_wait3A_981, %mul3A_696] : memref<200x16384xi32, #tpu.memory_space<hbm>> -> memref<104x128xi32, #tpu.memory_space<hbm>>
    tpu.wait_dma2 semaphore(%arg15 : memref<!tpu.dma_semaphore, #tpu.memory_space<semaphore_mem>>) src(%dma_wait3A_982 : memref<104x128xi32, #tpu.memory_space<hbm>>) dst(%arg7 : memref<104x128xi32, #tpu.memory_space<vmem>>)
    %dma_start3A_983 = arith.constant 0 : i32
    %dma_start3A_984 = tpu.memref_reshape %arg6 : memref<96x128xi32, #tpu.memory_space<vmem>> -> memref<1x12288xi32, #tpu.memory_space<vmem>>
    %dma_start3A_985 = arith.constant 0 : i32
    %dma_start3A_986 = tpu.memref_slice %dma_start3A_984[%dma_start3A_983, %dma_start3A_985] : memref<1x12288xi32, #tpu.memory_space<vmem>> -> memref<1x12288xi32, #tpu.memory_space<vmem>>
    %dma_start3A_987 = tpu.memref_squeeze %dma_start3A_986 : memref<1x12288xi32, #tpu.memory_space<vmem>> -> memref<12288xi32, #tpu.memory_space<vmem>>
    %dma_start3A_988 = arith.constant 0 : i32
    %dma_start3A_989 = tpu.memref_slice %arg12[%dma_start3A_988] : memref<1048576xf32, #tpu.memory_space<vmem_shared>> -> memref<1048576xf32, #tpu.memory_space<vmem_shared>>
    tpu.enqueue_indirect_dma source(%dma_start3A_989 : memref<1048576xf32, #tpu.memory_space<vmem_shared>>) target(%arg8 : memref<12288xf32, #tpu.memory_space<vmem>>) offsets(%dma_start3A_987 : memref<12288xi32, #tpu.memory_space<vmem>>) semaphore(%arg13 : memref<!tpu.dma_semaphore, #tpu.memory_space<semaphore_mem>>)
    %dma_start3A_990 = arith.constant 0 : i32
    %dma_start3A_991 = tpu.memref_reshape %arg7 : memref<104x128xi32, #tpu.memory_space<vmem>> -> memref<1x13312xi32, #tpu.memory_space<vmem>>
    %dma_start3A_992 = arith.constant 0 : i32
    %dma_start3A_993 = tpu.memref_slice %dma_start3A_991[%dma_start3A_990, %dma_start3A_992] : memref<1x13312xi32, #tpu.memory_space<vmem>> -> memref<1x13312xi32, #tpu.memory_space<vmem>>
    %dma_start3A_994 = tpu.memref_squeeze %dma_start3A_993 : memref<1x13312xi32, #tpu.memory_space<vmem>> -> memref<13312xi32, #tpu.memory_space<vmem>>
    %dma_start3A_995 = arith.constant 0 : i32
    %dma_start3A_996 = tpu.memref_slice %arg12[%dma_start3A_995] : memref<1048576xf32, #tpu.memory_space<vmem_shared>> -> memref<1048576xf32, #tpu.memory_space<vmem_shared>>
    tpu.enqueue_indirect_dma source(%dma_start3A_996 : memref<1048576xf32, #tpu.memory_space<vmem_shared>>) target(%arg9 : memref<13312xf32, #tpu.memory_space<vmem>>) offsets(%dma_start3A_994 : memref<13312xi32, #tpu.memory_space<vmem>>) semaphore(%arg14 : memref<!tpu.dma_semaphore, #tpu.memory_space<semaphore_mem>>)
    %dma_wait3A_997 = arith.constant 0 : i32
    %dma_wait3A_998 = tpu.memref_reshape %arg6 : memref<96x128xi32, #tpu.memory_space<vmem>> -> memref<1x12288xi32, #tpu.memory_space<vmem>>
    %dma_wait3A_999 = arith.constant 0 : i32
    %dma_wait3A_1000 = tpu.memref_slice %dma_wait3A_998[%dma_wait3A_997, %dma_wait3A_999] : memref<1x12288xi32, #tpu.memory_space<vmem>> -> memref<1x12288xi32, #tpu.memory_space<vmem>>
    %dma_wait3A_1001 = tpu.memref_squeeze %dma_wait3A_1000 : memref<1x12288xi32, #tpu.memory_space<vmem>> -> memref<12288xi32, #tpu.memory_space<vmem>>
    %dma_wait3A_1002 = arith.constant 0 : i32
    %dma_wait3A_1003 = tpu.memref_slice %arg12[%dma_wait3A_1002] : memref<1048576xf32, #tpu.memory_space<vmem_shared>> -> memref<1048576xf32, #tpu.memory_space<vmem_shared>>
    tpu.wait_indirect_dma semaphore(%arg13 : memref<!tpu.dma_semaphore, #tpu.memory_space<semaphore_mem>>) src(%dma_wait3A_1003 : memref<1048576xf32, #tpu.memory_space<vmem_shared>>) dst(%arg8 : memref<12288xf32, #tpu.memory_space<vmem>>)
    %dma_wait3A_1004 = arith.constant 0 : i32
    %dma_wait3A_1005 = tpu.memref_reshape %arg7 : memref<104x128xi32, #tpu.memory_space<vmem>> -> memref<1x13312xi32, #tpu.memory_space<vmem>>
    %dma_wait3A_1006 = arith.constant 0 : i32
    %dma_wait3A_1007 = tpu.memref_slice %dma_wait3A_1005[%dma_wait3A_1004, %dma_wait3A_1006] : memref<1x13312xi32, #tpu.memory_space<vmem>> -> memref<1x13312xi32, #tpu.memory_space<vmem>>
    %dma_wait3A_1008 = tpu.memref_squeeze %dma_wait3A_1007 : memref<1x13312xi32, #tpu.memory_space<vmem>> -> memref<13312xi32, #tpu.memory_space<vmem>>
    %dma_wait3A_1009 = arith.constant 0 : i32
    %dma_wait3A_1010 = tpu.memref_slice %arg12[%dma_wait3A_1009] : memref<1048576xf32, #tpu.memory_space<vmem_shared>> -> memref<1048576xf32, #tpu.memory_space<vmem_shared>>
    tpu.wait_indirect_dma semaphore(%arg14 : memref<!tpu.dma_semaphore, #tpu.memory_space<semaphore_mem>>) src(%dma_wait3A_1010 : memref<1048576xf32, #tpu.memory_space<vmem_shared>>) dst(%arg9 : memref<13312xf32, #tpu.memory_space<vmem>>)
    %broadcast_in_dim3A_1011 = arith.constant 0.000000e+00 : f32
    %broadcast_in_dim3A_1012 = vector.broadcast %broadcast_in_dim3A_1011 : f32 to vector<16xf32>
    %scan3A_1013 = arith.constant 0 : i32
    %scan3A_1014 = arith.constant 24 : i32
    %scan3A_1015 = arith.addi %scan3A_1013, %scan3A_1014 : i32
    %scan3A_1016 = arith.constant 1 : i32
    %scan3A_1017 = scf.for %scan3A_1281 = %scan3A_1013 to %scan3A_1015 step %scan3A_1016 iter_args(%scan3A_1282 = %broadcast_in_dim3A_1012) -> (vector<16xf32>)  : i32 {
      %mul3A_1283 = arith.constant 4 : i32
      %mul3A_1284 = arith.muli %scan3A_1281, %mul3A_1283 : i32
      %add3A_1285 = arith.constant 0 : i32
      %add3A_1286 = arith.addi %mul3A_1284, %add3A_1285 : i32
      %mul3A_1287 = arith.constant 128 : i32
      %mul3A_1288 = arith.muli %add3A_1286, %mul3A_1287 : i32
      %add3A_1289 = arith.constant 0 : i32
      %add3A_1290 = arith.addi %mul3A_1288, %add3A_1289 : i32
      %get3A_1291 = arith.index_cast %add3A_1290 : i32 to index
      %get3A_1292 = tpu.vector_load %arg8[%get3A_1291] {strides = array<i32>} : memref<12288xf32, #tpu.memory_space<vmem>>, vector<16xf32>,
      %get3A_1293 = vector.shape_cast %get3A_1292 : vector<16xf32> to vector<16xf32>
      %add3A_1294 = arith.addf %scan3A_1282, %get3A_1293 : vector<16xf32>
      %mul3A_1295 = arith.constant 4 : i32
      %mul3A_1296 = arith.muli %scan3A_1281, %mul3A_1295 : i32
      %add3A_1297 = arith.constant 1 : i32
      %add3A_1298 = arith.addi %mul3A_1296, %add3A_1297 : i32
      %mul3A_1299 = arith.constant 128 : i32
      %mul3A_1300 = arith.muli %add3A_1298, %mul3A_1299 : i32
      %add3A_1301 = arith.constant 0 : i32
      %add3A_1302 = arith.addi %mul3A_1300, %add3A_1301 : i32
      %get3A_1303 = arith.index_cast %add3A_1302 : i32 to index
      %get3A_1304 = tpu.vector_load %arg8[%get3A_1303] {strides = array<i32>} : memref<12288xf32, #tpu.memory_space<vmem>>, vector<16xf32>,
      %get3A_1305 = vector.shape_cast %get3A_1304 : vector<16xf32> to vector<16xf32>
      %add3A_1306 = arith.addf %add3A_1294, %get3A_1305 : vector<16xf32>
      %mul3A_1307 = arith.constant 4 : i32
      %mul3A_1308 = arith.muli %scan3A_1281, %mul3A_1307 : i32
      %add3A_1309 = arith.constant 2 : i32
      %add3A_1310 = arith.addi %mul3A_1308, %add3A_1309 : i32
      %mul3A_1311 = arith.constant 128 : i32
      %mul3A_1312 = arith.muli %add3A_1310, %mul3A_1311 : i32
      %add3A_1313 = arith.constant 0 : i32
      %add3A_1314 = arith.addi %mul3A_1312, %add3A_1313 : i32
      %get3A_1315 = arith.index_cast %add3A_1314 : i32 to index
      %get3A_1316 = tpu.vector_load %arg8[%get3A_1315] {strides = array<i32>} : memref<12288xf32, #tpu.memory_space<vmem>>, vector<16xf32>,
      %get3A_1317 = vector.shape_cast %get3A_1316 : vector<16xf32> to vector<16xf32>
      %add3A_1318 = arith.addf %add3A_1306, %get3A_1317 : vector<16xf32>
      %mul3A_1319 = arith.constant 4 : i32
      %mul3A_1320 = arith.muli %scan3A_1281, %mul3A_1319 : i32
      %add3A_1321 = arith.constant 3 : i32
      %add3A_1322 = arith.addi %mul3A_1320, %add3A_1321 : i32
      %mul3A_1323 = arith.constant 128 : i32
      %mul3A_1324 = arith.muli %add3A_1322, %mul3A_1323 : i32
      %add3A_1325 = arith.constant 0 : i32
      %add3A_1326 = arith.addi %mul3A_1324, %add3A_1325 : i32
      %get3A_1327 = arith.index_cast %add3A_1326 : i32 to index
      %get3A_1328 = tpu.vector_load %arg8[%get3A_1327] {strides = array<i32>} : memref<12288xf32, #tpu.memory_space<vmem>>, vector<16xf32>,
      %get3A_1329 = vector.shape_cast %get3A_1328 : vector<16xf32> to vector<16xf32>
      %add3A_1330 = arith.addf %add3A_1318, %get3A_1329 : vector<16xf32>
      scf.yield %add3A_1330 : vector<16xf32>
    }
    %scan3A_1018 = arith.constant 24 : i32
    %scan3A_1019 = arith.constant 0 : i32
    %scan3A_1020 = arith.constant 26 : i32
    %scan3A_1021 = arith.addi %scan3A_1019, %scan3A_1020 : i32
    %scan3A_1022 = arith.constant 1 : i32
    %scan3A_1023 = scf.for %scan3A_1281 = %scan3A_1019 to %scan3A_1021 step %scan3A_1022 iter_args(%scan3A_1282 = %scan3A_1017) -> (vector<16xf32>)  : i32 {
      %mul3A_1283 = arith.constant 4 : i32
      %mul3A_1284 = arith.muli %scan3A_1281, %mul3A_1283 : i32
      %add3A_1285 = arith.constant 0 : i32
      %add3A_1286 = arith.addi %mul3A_1284, %add3A_1285 : i32
      %mul3A_1287 = arith.constant 128 : i32
      %mul3A_1288 = arith.muli %add3A_1286, %mul3A_1287 : i32
      %add3A_1289 = arith.constant 0 : i32
      %add3A_1290 = arith.addi %mul3A_1288, %add3A_1289 : i32
      %get3A_1291 = arith.index_cast %add3A_1290 : i32 to index
      %get3A_1292 = tpu.vector_load %arg9[%get3A_1291] {strides = array<i32>} : memref<13312xf32, #tpu.memory_space<vmem>>, vector<16xf32>,
      %get3A_1293 = vector.shape_cast %get3A_1292 : vector<16xf32> to vector<16xf32>
      %add3A_1294 = arith.addf %scan3A_1282, %get3A_1293 : vector<16xf32>
      %mul3A_1295 = arith.constant 4 : i32
      %mul3A_1296 = arith.muli %scan3A_1281, %mul3A_1295 : i32
      %add3A_1297 = arith.constant 1 : i32
      %add3A_1298 = arith.addi %mul3A_1296, %add3A_1297 : i32
      %mul3A_1299 = arith.constant 128 : i32
      %mul3A_1300 = arith.muli %add3A_1298, %mul3A_1299 : i32
      %add3A_1301 = arith.constant 0 : i32
      %add3A_1302 = arith.addi %mul3A_1300, %add3A_1301 : i32
      %get3A_1303 = arith.index_cast %add3A_1302 : i32 to index
      %get3A_1304 = tpu.vector_load %arg9[%get3A_1303] {strides = array<i32>} : memref<13312xf32, #tpu.memory_space<vmem>>, vector<16xf32>,
      %get3A_1305 = vector.shape_cast %get3A_1304 : vector<16xf32> to vector<16xf32>
      %add3A_1306 = arith.addf %add3A_1294, %get3A_1305 : vector<16xf32>
      %mul3A_1307 = arith.constant 4 : i32
      %mul3A_1308 = arith.muli %scan3A_1281, %mul3A_1307 : i32
      %add3A_1309 = arith.constant 2 : i32
      %add3A_1310 = arith.addi %mul3A_1308, %add3A_1309 : i32
      %mul3A_1311 = arith.constant 128 : i32
      %mul3A_1312 = arith.muli %add3A_1310, %mul3A_1311 : i32
      %add3A_1313 = arith.constant 0 : i32
      %add3A_1314 = arith.addi %mul3A_1312, %add3A_1313 : i32
      %get3A_1315 = arith.index_cast %add3A_1314 : i32 to index
      %get3A_1316 = tpu.vector_load %arg9[%get3A_1315] {strides = array<i32>} : memref<13312xf32, #tpu.memory_space<vmem>>, vector<16xf32>,
      %get3A_1317 = vector.shape_cast %get3A_1316 : vector<16xf32> to vector<16xf32>
      %add3A_1318 = arith.addf %add3A_1306, %get3A_1317 : vector<16xf32>
      %mul3A_1319 = arith.constant 4 : i32
      %mul3A_1320 = arith.muli %scan3A_1281, %mul3A_1319 : i32
      %add3A_1321 = arith.constant 3 : i32
      %add3A_1322 = arith.addi %mul3A_1320, %add3A_1321 : i32
      %mul3A_1323 = arith.constant 128 : i32
      %mul3A_1324 = arith.muli %add3A_1322, %mul3A_1323 : i32
      %add3A_1325 = arith.constant 0 : i32
      %add3A_1326 = arith.addi %mul3A_1324, %add3A_1325 : i32
      %get3A_1327 = arith.index_cast %add3A_1326 : i32 to index
      %get3A_1328 = tpu.vector_load %arg9[%get3A_1327] {strides = array<i32>} : memref<13312xf32, #tpu.memory_space<vmem>>, vector<16xf32>,
      %get3A_1329 = vector.shape_cast %get3A_1328 : vector<16xf32> to vector<16xf32>
      %add3A_1330 = arith.addf %add3A_1318, %get3A_1329 : vector<16xf32>
      scf.yield %add3A_1330 : vector<16xf32>
    }
    %scan3A_1024 = arith.constant 26 : i32
    %get3A_1025 = arith.constant 0 : index
    %get3A_1026 = tpu.vector_load %arg8[%get3A_1025] {strides = array<i32>} : memref<12288xf32, #tpu.memory_space<vmem>>, vector<16xf32>,
    %get3A_1027 = vector.shape_cast %get3A_1026 : vector<16xf32> to vector<16xf32>
    %get3A_1028 = arith.constant 13184 : index
    %get3A_1029 = tpu.vector_load %arg9[%get3A_1028] {strides = array<i32>} : memref<13312xf32, #tpu.memory_space<vmem>>, vector<16xf32>,
    %get3A_1030 = vector.shape_cast %get3A_1029 : vector<16xf32> to vector<16xf32>
    %mul3A_1031 = arith.constant 3.000000e+00 : f32
    %mul3A_1032 = vector.broadcast %mul3A_1031 : f32 to vector<16xf32>
    %mul3A_1033 = arith.mulf %mul3A_1032, %scan3A_1023 : vector<16xf32>
    %sub3A_1034 = arith.subf %mul3A_1033, %get3A_1027 : vector<16xf32>
    %sub3A_1035 = arith.subf %sub3A_1034, %get3A_1030 : vector<16xf32>
    %mul3A_1036 = arith.constant 0.00250626565 : f32
    %mul3A_1037 = vector.broadcast %mul3A_1036 : f32 to vector<16xf32>
    %mul3A_1038 = arith.mulf %sub3A_1035, %mul3A_1037 : vector<16xf32>
    %add3A_1039 = arith.addf %mul3A_1038, %get3A_2 : vector<16xf32>
    %swap3A_1040 = arith.constant 0 : index
    %swap3A_1041 = tpu.vector_load %arg10[%swap3A_1040] {strides = array<i32>} : memref<128xf32, #tpu.memory_space<vmem>>, vector<16xf32>,
    %swap3A_1042 = vector.shape_cast %swap3A_1041 : vector<16xf32> to vector<16xf32>
    %swap3A_1043 = vector.shape_cast %add3A_1039 : vector<16xf32> to vector<16xf32>
    tpu.vector_store %arg10[%swap3A_1040], %swap3A_1043 {strides = array<i32>} : memref<128xf32, #tpu.memory_space<vmem>>, vector<16xf32>,
    %broadcast_in_dim3A_1044 = arith.constant 0.000000e+00 : f32
    %broadcast_in_dim3A_1045 = vector.broadcast %broadcast_in_dim3A_1044 : f32 to vector<16xf32>
    %scan3A_1046 = arith.constant 0 : i32
    %scan3A_1047 = arith.constant 24 : i32
    %scan3A_1048 = arith.addi %scan3A_1046, %scan3A_1047 : i32
    %scan3A_1049 = arith.constant 1 : i32
    %scan3A_1050 = scf.for %scan3A_1281 = %scan3A_1046 to %scan3A_1048 step %scan3A_1049 iter_args(%scan3A_1282 = %broadcast_in_dim3A_1045) -> (vector<16xf32>)  : i32 {
      %mul3A_1283 = arith.constant 4 : i32
      %mul3A_1284 = arith.muli %scan3A_1281, %mul3A_1283 : i32
      %add3A_1285 = arith.constant 0 : i32
      %add3A_1286 = arith.addi %mul3A_1284, %add3A_1285 : i32
      %mul3A_1287 = arith.constant 128 : i32
      %mul3A_1288 = arith.muli %add3A_1286, %mul3A_1287 : i32
      %add3A_1289 = arith.constant 16 : i32
      %add3A_1290 = arith.addi %mul3A_1288, %add3A_1289 : i32
      %get3A_1291 = arith.index_cast %add3A_1290 : i32 to index
      %get3A_1292 = tpu.vector_load %arg8[%get3A_1291] {strides = array<i32>} : memref<12288xf32, #tpu.memory_space<vmem>>, vector<16xf32>,
      %get3A_1293 = vector.shape_cast %get3A_1292 : vector<16xf32> to vector<16xf32>
      %add3A_1294 = arith.addf %scan3A_1282, %get3A_1293 : vector<16xf32>
      %mul3A_1295 = arith.constant 4 : i32
      %mul3A_1296 = arith.muli %scan3A_1281, %mul3A_1295 : i32
      %add3A_1297 = arith.constant 1 : i32
      %add3A_1298 = arith.addi %mul3A_1296, %add3A_1297 : i32
      %mul3A_1299 = arith.constant 128 : i32
      %mul3A_1300 = arith.muli %add3A_1298, %mul3A_1299 : i32
      %add3A_1301 = arith.constant 16 : i32
      %add3A_1302 = arith.addi %mul3A_1300, %add3A_1301 : i32
      %get3A_1303 = arith.index_cast %add3A_1302 : i32 to index
      %get3A_1304 = tpu.vector_load %arg8[%get3A_1303] {strides = array<i32>} : memref<12288xf32, #tpu.memory_space<vmem>>, vector<16xf32>,
      %get3A_1305 = vector.shape_cast %get3A_1304 : vector<16xf32> to vector<16xf32>
      %add3A_1306 = arith.addf %add3A_1294, %get3A_1305 : vector<16xf32>
      %mul3A_1307 = arith.constant 4 : i32
      %mul3A_1308 = arith.muli %scan3A_1281, %mul3A_1307 : i32
      %add3A_1309 = arith.constant 2 : i32
      %add3A_1310 = arith.addi %mul3A_1308, %add3A_1309 : i32
      %mul3A_1311 = arith.constant 128 : i32
      %mul3A_1312 = arith.muli %add3A_1310, %mul3A_1311 : i32
      %add3A_1313 = arith.constant 16 : i32
      %add3A_1314 = arith.addi %mul3A_1312, %add3A_1313 : i32
      %get3A_1315 = arith.index_cast %add3A_1314 : i32 to index
      %get3A_1316 = tpu.vector_load %arg8[%get3A_1315] {strides = array<i32>} : memref<12288xf32, #tpu.memory_space<vmem>>, vector<16xf32>,
      %get3A_1317 = vector.shape_cast %get3A_1316 : vector<16xf32> to vector<16xf32>
      %add3A_1318 = arith.addf %add3A_1306, %get3A_1317 : vector<16xf32>
      %mul3A_1319 = arith.constant 4 : i32
      %mul3A_1320 = arith.muli %scan3A_1281, %mul3A_1319 : i32
      %add3A_1321 = arith.constant 3 : i32
      %add3A_1322 = arith.addi %mul3A_1320, %add3A_1321 : i32
      %mul3A_1323 = arith.constant 128 : i32
      %mul3A_1324 = arith.muli %add3A_1322, %mul3A_1323 : i32
      %add3A_1325 = arith.constant 16 : i32
      %add3A_1326 = arith.addi %mul3A_1324, %add3A_1325 : i32
      %get3A_1327 = arith.index_cast %add3A_1326 : i32 to index
      %get3A_1328 = tpu.vector_load %arg8[%get3A_1327] {strides = array<i32>} : memref<12288xf32, #tpu.memory_space<vmem>>, vector<16xf32>,
      %get3A_1329 = vector.shape_cast %get3A_1328 : vector<16xf32> to vector<16xf32>
      %add3A_1330 = arith.addf %add3A_1318, %get3A_1329 : vector<16xf32>
      scf.yield %add3A_1330 : vector<16xf32>
    }
    %scan3A_1051 = arith.constant 24 : i32
    %scan3A_1052 = arith.constant 0 : i32
    %scan3A_1053 = arith.constant 26 : i32
    %scan3A_1054 = arith.addi %scan3A_1052, %scan3A_1053 : i32
    %scan3A_1055 = arith.constant 1 : i32
    %scan3A_1056 = scf.for %scan3A_1281 = %scan3A_1052 to %scan3A_1054 step %scan3A_1055 iter_args(%scan3A_1282 = %scan3A_1050) -> (vector<16xf32>)  : i32 {
      %mul3A_1283 = arith.constant 4 : i32
      %mul3A_1284 = arith.muli %scan3A_1281, %mul3A_1283 : i32
      %add3A_1285 = arith.constant 0 : i32
      %add3A_1286 = arith.addi %mul3A_1284, %add3A_1285 : i32
      %mul3A_1287 = arith.constant 128 : i32
      %mul3A_1288 = arith.muli %add3A_1286, %mul3A_1287 : i32
      %add3A_1289 = arith.constant 16 : i32
      %add3A_1290 = arith.addi %mul3A_1288, %add3A_1289 : i32
      %get3A_1291 = arith.index_cast %add3A_1290 : i32 to index
      %get3A_1292 = tpu.vector_load %arg9[%get3A_1291] {strides = array<i32>} : memref<13312xf32, #tpu.memory_space<vmem>>, vector<16xf32>,
      %get3A_1293 = vector.shape_cast %get3A_1292 : vector<16xf32> to vector<16xf32>
      %add3A_1294 = arith.addf %scan3A_1282, %get3A_1293 : vector<16xf32>
      %mul3A_1295 = arith.constant 4 : i32
      %mul3A_1296 = arith.muli %scan3A_1281, %mul3A_1295 : i32
      %add3A_1297 = arith.constant 1 : i32
      %add3A_1298 = arith.addi %mul3A_1296, %add3A_1297 : i32
      %mul3A_1299 = arith.constant 128 : i32
      %mul3A_1300 = arith.muli %add3A_1298, %mul3A_1299 : i32
      %add3A_1301 = arith.constant 16 : i32
      %add3A_1302 = arith.addi %mul3A_1300, %add3A_1301 : i32
      %get3A_1303 = arith.index_cast %add3A_1302 : i32 to index
      %get3A_1304 = tpu.vector_load %arg9[%get3A_1303] {strides = array<i32>} : memref<13312xf32, #tpu.memory_space<vmem>>, vector<16xf32>,
      %get3A_1305 = vector.shape_cast %get3A_1304 : vector<16xf32> to vector<16xf32>
      %add3A_1306 = arith.addf %add3A_1294, %get3A_1305 : vector<16xf32>
      %mul3A_1307 = arith.constant 4 : i32
      %mul3A_1308 = arith.muli %scan3A_1281, %mul3A_1307 : i32
      %add3A_1309 = arith.constant 2 : i32
      %add3A_1310 = arith.addi %mul3A_1308, %add3A_1309 : i32
      %mul3A_1311 = arith.constant 128 : i32
      %mul3A_1312 = arith.muli %add3A_1310, %mul3A_1311 : i32
      %add3A_1313 = arith.constant 16 : i32
      %add3A_1314 = arith.addi %mul3A_1312, %add3A_1313 : i32
      %get3A_1315 = arith.index_cast %add3A_1314 : i32 to index
      %get3A_1316 = tpu.vector_load %arg9[%get3A_1315] {strides = array<i32>} : memref<13312xf32, #tpu.memory_space<vmem>>, vector<16xf32>,
      %get3A_1317 = vector.shape_cast %get3A_1316 : vector<16xf32> to vector<16xf32>
      %add3A_1318 = arith.addf %add3A_1306, %get3A_1317 : vector<16xf32>
      %mul3A_1319 = arith.constant 4 : i32
      %mul3A_1320 = arith.muli %scan3A_1281, %mul3A_1319 : i32
      %add3A_1321 = arith.constant 3 : i32
      %add3A_1322 = arith.addi %mul3A_1320, %add3A_1321 : i32
      %mul3A_1323 = arith.constant 128 : i32
      %mul3A_1324 = arith.muli %add3A_1322, %mul3A_1323 : i32
      %add3A_1325 = arith.constant 16 : i32
      %add3A_1326 = arith.addi %mul3A_1324, %add3A_1325 : i32
      %get3A_1327 = arith.index_cast %add3A_1326 : i32 to index
      %get3A_1328 = tpu.vector_load %arg9[%get3A_1327] {strides = array<i32>} : memref<13312xf32, #tpu.memory_space<vmem>>, vector<16xf32>,
      %get3A_1329 = vector.shape_cast %get3A_1328 : vector<16xf32> to vector<16xf32>
      %add3A_1330 = arith.addf %add3A_1318, %get3A_1329 : vector<16xf32>
      scf.yield %add3A_1330 : vector<16xf32>
    }
    %scan3A_1057 = arith.constant 26 : i32
    %get3A_1058 = arith.constant 16 : index
    %get3A_1059 = tpu.vector_load %arg8[%get3A_1058] {strides = array<i32>} : memref<12288xf32, #tpu.memory_space<vmem>>, vector<16xf32>,
    %get3A_1060 = vector.shape_cast %get3A_1059 : vector<16xf32> to vector<16xf32>
    %get3A_1061 = arith.constant 13200 : index
    %get3A_1062 = tpu.vector_load %arg9[%get3A_1061] {strides = array<i32>} : memref<13312xf32, #tpu.memory_space<vmem>>, vector<16xf32>,
    %get3A_1063 = vector.shape_cast %get3A_1062 : vector<16xf32> to vector<16xf32>
    %mul3A_1064 = arith.constant 3.000000e+00 : f32
    %mul3A_1065 = vector.broadcast %mul3A_1064 : f32 to vector<16xf32>
    %mul3A_1066 = arith.mulf %mul3A_1065, %scan3A_1056 : vector<16xf32>
    %sub3A_1067 = arith.subf %mul3A_1066, %get3A_1060 : vector<16xf32>
    %sub3A_1068 = arith.subf %sub3A_1067, %get3A_1063 : vector<16xf32>
    %mul3A_1069 = arith.constant 0.00250626565 : f32
    %mul3A_1070 = vector.broadcast %mul3A_1069 : f32 to vector<16xf32>
    %mul3A_1071 = arith.mulf %sub3A_1068, %mul3A_1070 : vector<16xf32>
    %add3A_1072 = arith.addf %mul3A_1071, %get3A_2 : vector<16xf32>
    %swap3A_1073 = arith.constant 16 : index
    %swap3A_1074 = tpu.vector_load %arg10[%swap3A_1073] {strides = array<i32>} : memref<128xf32, #tpu.memory_space<vmem>>, vector<16xf32>,
    %swap3A_1075 = vector.shape_cast %swap3A_1074 : vector<16xf32> to vector<16xf32>
    %swap3A_1076 = vector.shape_cast %add3A_1072 : vector<16xf32> to vector<16xf32>
    tpu.vector_store %arg10[%swap3A_1073], %swap3A_1076 {strides = array<i32>} : memref<128xf32, #tpu.memory_space<vmem>>, vector<16xf32>,
    %broadcast_in_dim3A_1077 = arith.constant 0.000000e+00 : f32
    %broadcast_in_dim3A_1078 = vector.broadcast %broadcast_in_dim3A_1077 : f32 to vector<16xf32>
    %scan3A_1079 = arith.constant 0 : i32
    %scan3A_1080 = arith.constant 24 : i32
    %scan3A_1081 = arith.addi %scan3A_1079, %scan3A_1080 : i32
    %scan3A_1082 = arith.constant 1 : i32
    %scan3A_1083 = scf.for %scan3A_1281 = %scan3A_1079 to %scan3A_1081 step %scan3A_1082 iter_args(%scan3A_1282 = %broadcast_in_dim3A_1078) -> (vector<16xf32>)  : i32 {
      %mul3A_1283 = arith.constant 4 : i32
      %mul3A_1284 = arith.muli %scan3A_1281, %mul3A_1283 : i32
      %add3A_1285 = arith.constant 0 : i32
      %add3A_1286 = arith.addi %mul3A_1284, %add3A_1285 : i32
      %mul3A_1287 = arith.constant 128 : i32
      %mul3A_1288 = arith.muli %add3A_1286, %mul3A_1287 : i32
      %add3A_1289 = arith.constant 32 : i32
      %add3A_1290 = arith.addi %mul3A_1288, %add3A_1289 : i32
      %get3A_1291 = arith.index_cast %add3A_1290 : i32 to index
      %get3A_1292 = tpu.vector_load %arg8[%get3A_1291] {strides = array<i32>} : memref<12288xf32, #tpu.memory_space<vmem>>, vector<16xf32>,
      %get3A_1293 = vector.shape_cast %get3A_1292 : vector<16xf32> to vector<16xf32>
      %add3A_1294 = arith.addf %scan3A_1282, %get3A_1293 : vector<16xf32>
      %mul3A_1295 = arith.constant 4 : i32
      %mul3A_1296 = arith.muli %scan3A_1281, %mul3A_1295 : i32
      %add3A_1297 = arith.constant 1 : i32
      %add3A_1298 = arith.addi %mul3A_1296, %add3A_1297 : i32
      %mul3A_1299 = arith.constant 128 : i32
      %mul3A_1300 = arith.muli %add3A_1298, %mul3A_1299 : i32
      %add3A_1301 = arith.constant 32 : i32
      %add3A_1302 = arith.addi %mul3A_1300, %add3A_1301 : i32
      %get3A_1303 = arith.index_cast %add3A_1302 : i32 to index
      %get3A_1304 = tpu.vector_load %arg8[%get3A_1303] {strides = array<i32>} : memref<12288xf32, #tpu.memory_space<vmem>>, vector<16xf32>,
      %get3A_1305 = vector.shape_cast %get3A_1304 : vector<16xf32> to vector<16xf32>
      %add3A_1306 = arith.addf %add3A_1294, %get3A_1305 : vector<16xf32>
      %mul3A_1307 = arith.constant 4 : i32
      %mul3A_1308 = arith.muli %scan3A_1281, %mul3A_1307 : i32
      %add3A_1309 = arith.constant 2 : i32
      %add3A_1310 = arith.addi %mul3A_1308, %add3A_1309 : i32
      %mul3A_1311 = arith.constant 128 : i32
      %mul3A_1312 = arith.muli %add3A_1310, %mul3A_1311 : i32
      %add3A_1313 = arith.constant 32 : i32
      %add3A_1314 = arith.addi %mul3A_1312, %add3A_1313 : i32
      %get3A_1315 = arith.index_cast %add3A_1314 : i32 to index
      %get3A_1316 = tpu.vector_load %arg8[%get3A_1315] {strides = array<i32>} : memref<12288xf32, #tpu.memory_space<vmem>>, vector<16xf32>,
      %get3A_1317 = vector.shape_cast %get3A_1316 : vector<16xf32> to vector<16xf32>
      %add3A_1318 = arith.addf %add3A_1306, %get3A_1317 : vector<16xf32>
      %mul3A_1319 = arith.constant 4 : i32
      %mul3A_1320 = arith.muli %scan3A_1281, %mul3A_1319 : i32
      %add3A_1321 = arith.constant 3 : i32
      %add3A_1322 = arith.addi %mul3A_1320, %add3A_1321 : i32
      %mul3A_1323 = arith.constant 128 : i32
      %mul3A_1324 = arith.muli %add3A_1322, %mul3A_1323 : i32
      %add3A_1325 = arith.constant 32 : i32
      %add3A_1326 = arith.addi %mul3A_1324, %add3A_1325 : i32
      %get3A_1327 = arith.index_cast %add3A_1326 : i32 to index
      %get3A_1328 = tpu.vector_load %arg8[%get3A_1327] {strides = array<i32>} : memref<12288xf32, #tpu.memory_space<vmem>>, vector<16xf32>,
      %get3A_1329 = vector.shape_cast %get3A_1328 : vector<16xf32> to vector<16xf32>
      %add3A_1330 = arith.addf %add3A_1318, %get3A_1329 : vector<16xf32>
      scf.yield %add3A_1330 : vector<16xf32>
    }
    %scan3A_1084 = arith.constant 24 : i32
    %scan3A_1085 = arith.constant 0 : i32
    %scan3A_1086 = arith.constant 26 : i32
    %scan3A_1087 = arith.addi %scan3A_1085, %scan3A_1086 : i32
    %scan3A_1088 = arith.constant 1 : i32
    %scan3A_1089 = scf.for %scan3A_1281 = %scan3A_1085 to %scan3A_1087 step %scan3A_1088 iter_args(%scan3A_1282 = %scan3A_1083) -> (vector<16xf32>)  : i32 {
      %mul3A_1283 = arith.constant 4 : i32
      %mul3A_1284 = arith.muli %scan3A_1281, %mul3A_1283 : i32
      %add3A_1285 = arith.constant 0 : i32
      %add3A_1286 = arith.addi %mul3A_1284, %add3A_1285 : i32
      %mul3A_1287 = arith.constant 128 : i32
      %mul3A_1288 = arith.muli %add3A_1286, %mul3A_1287 : i32
      %add3A_1289 = arith.constant 32 : i32
      %add3A_1290 = arith.addi %mul3A_1288, %add3A_1289 : i32
      %get3A_1291 = arith.index_cast %add3A_1290 : i32 to index
      %get3A_1292 = tpu.vector_load %arg9[%get3A_1291] {strides = array<i32>} : memref<13312xf32, #tpu.memory_space<vmem>>, vector<16xf32>,
      %get3A_1293 = vector.shape_cast %get3A_1292 : vector<16xf32> to vector<16xf32>
      %add3A_1294 = arith.addf %scan3A_1282, %get3A_1293 : vector<16xf32>
      %mul3A_1295 = arith.constant 4 : i32
      %mul3A_1296 = arith.muli %scan3A_1281, %mul3A_1295 : i32
      %add3A_1297 = arith.constant 1 : i32
      %add3A_1298 = arith.addi %mul3A_1296, %add3A_1297 : i32
      %mul3A_1299 = arith.constant 128 : i32
      %mul3A_1300 = arith.muli %add3A_1298, %mul3A_1299 : i32
      %add3A_1301 = arith.constant 32 : i32
      %add3A_1302 = arith.addi %mul3A_1300, %add3A_1301 : i32
      %get3A_1303 = arith.index_cast %add3A_1302 : i32 to index
      %get3A_1304 = tpu.vector_load %arg9[%get3A_1303] {strides = array<i32>} : memref<13312xf32, #tpu.memory_space<vmem>>, vector<16xf32>,
      %get3A_1305 = vector.shape_cast %get3A_1304 : vector<16xf32> to vector<16xf32>
      %add3A_1306 = arith.addf %add3A_1294, %get3A_1305 : vector<16xf32>
      %mul3A_1307 = arith.constant 4 : i32
      %mul3A_1308 = arith.muli %scan3A_1281, %mul3A_1307 : i32
      %add3A_1309 = arith.constant 2 : i32
      %add3A_1310 = arith.addi %mul3A_1308, %add3A_1309 : i32
      %mul3A_1311 = arith.constant 128 : i32
      %mul3A_1312 = arith.muli %add3A_1310, %mul3A_1311 : i32
      %add3A_1313 = arith.constant 32 : i32
      %add3A_1314 = arith.addi %mul3A_1312, %add3A_1313 : i32
      %get3A_1315 = arith.index_cast %add3A_1314 : i32 to index
      %get3A_1316 = tpu.vector_load %arg9[%get3A_1315] {strides = array<i32>} : memref<13312xf32, #tpu.memory_space<vmem>>, vector<16xf32>,
      %get3A_1317 = vector.shape_cast %get3A_1316 : vector<16xf32> to vector<16xf32>
      %add3A_1318 = arith.addf %add3A_1306, %get3A_1317 : vector<16xf32>
      %mul3A_1319 = arith.constant 4 : i32
      %mul3A_1320 = arith.muli %scan3A_1281, %mul3A_1319 : i32
      %add3A_1321 = arith.constant 3 : i32
      %add3A_1322 = arith.addi %mul3A_1320, %add3A_1321 : i32
      %mul3A_1323 = arith.constant 128 : i32
      %mul3A_1324 = arith.muli %add3A_1322, %mul3A_1323 : i32
      %add3A_1325 = arith.constant 32 : i32
      %add3A_1326 = arith.addi %mul3A_1324, %add3A_1325 : i32
      %get3A_1327 = arith.index_cast %add3A_1326 : i32 to index
      %get3A_1328 = tpu.vector_load %arg9[%get3A_1327] {strides = array<i32>} : memref<13312xf32, #tpu.memory_space<vmem>>, vector<16xf32>,
      %get3A_1329 = vector.shape_cast %get3A_1328 : vector<16xf32> to vector<16xf32>
      %add3A_1330 = arith.addf %add3A_1318, %get3A_1329 : vector<16xf32>
      scf.yield %add3A_1330 : vector<16xf32>
    }
    %scan3A_1090 = arith.constant 26 : i32
    %get3A_1091 = arith.constant 32 : index
    %get3A_1092 = tpu.vector_load %arg8[%get3A_1091] {strides = array<i32>} : memref<12288xf32, #tpu.memory_space<vmem>>, vector<16xf32>,
    %get3A_1093 = vector.shape_cast %get3A_1092 : vector<16xf32> to vector<16xf32>
    %get3A_1094 = arith.constant 13216 : index
    %get3A_1095 = tpu.vector_load %arg9[%get3A_1094] {strides = array<i32>} : memref<13312xf32, #tpu.memory_space<vmem>>, vector<16xf32>,
    %get3A_1096 = vector.shape_cast %get3A_1095 : vector<16xf32> to vector<16xf32>
    %mul3A_1097 = arith.constant 3.000000e+00 : f32
    %mul3A_1098 = vector.broadcast %mul3A_1097 : f32 to vector<16xf32>
    %mul3A_1099 = arith.mulf %mul3A_1098, %scan3A_1089 : vector<16xf32>
    %sub3A_1100 = arith.subf %mul3A_1099, %get3A_1093 : vector<16xf32>
    %sub3A_1101 = arith.subf %sub3A_1100, %get3A_1096 : vector<16xf32>
    %mul3A_1102 = arith.constant 0.00250626565 : f32
    %mul3A_1103 = vector.broadcast %mul3A_1102 : f32 to vector<16xf32>
    %mul3A_1104 = arith.mulf %sub3A_1101, %mul3A_1103 : vector<16xf32>
    %add3A_1105 = arith.addf %mul3A_1104, %get3A_2 : vector<16xf32>
    %swap3A_1106 = arith.constant 32 : index
    %swap3A_1107 = tpu.vector_load %arg10[%swap3A_1106] {strides = array<i32>} : memref<128xf32, #tpu.memory_space<vmem>>, vector<16xf32>,
    %swap3A_1108 = vector.shape_cast %swap3A_1107 : vector<16xf32> to vector<16xf32>
    %swap3A_1109 = vector.shape_cast %add3A_1105 : vector<16xf32> to vector<16xf32>
    tpu.vector_store %arg10[%swap3A_1106], %swap3A_1109 {strides = array<i32>} : memref<128xf32, #tpu.memory_space<vmem>>, vector<16xf32>,
    %broadcast_in_dim3A_1110 = arith.constant 0.000000e+00 : f32
    %broadcast_in_dim3A_1111 = vector.broadcast %broadcast_in_dim3A_1110 : f32 to vector<16xf32>
    %scan3A_1112 = arith.constant 0 : i32
    %scan3A_1113 = arith.constant 24 : i32
    %scan3A_1114 = arith.addi %scan3A_1112, %scan3A_1113 : i32
    %scan3A_1115 = arith.constant 1 : i32
    %scan3A_1116 = scf.for %scan3A_1281 = %scan3A_1112 to %scan3A_1114 step %scan3A_1115 iter_args(%scan3A_1282 = %broadcast_in_dim3A_1111) -> (vector<16xf32>)  : i32 {
      %mul3A_1283 = arith.constant 4 : i32
      %mul3A_1284 = arith.muli %scan3A_1281, %mul3A_1283 : i32
      %add3A_1285 = arith.constant 0 : i32
      %add3A_1286 = arith.addi %mul3A_1284, %add3A_1285 : i32
      %mul3A_1287 = arith.constant 128 : i32
      %mul3A_1288 = arith.muli %add3A_1286, %mul3A_1287 : i32
      %add3A_1289 = arith.constant 48 : i32
      %add3A_1290 = arith.addi %mul3A_1288, %add3A_1289 : i32
      %get3A_1291 = arith.index_cast %add3A_1290 : i32 to index
      %get3A_1292 = tpu.vector_load %arg8[%get3A_1291] {strides = array<i32>} : memref<12288xf32, #tpu.memory_space<vmem>>, vector<16xf32>,
      %get3A_1293 = vector.shape_cast %get3A_1292 : vector<16xf32> to vector<16xf32>
      %add3A_1294 = arith.addf %scan3A_1282, %get3A_1293 : vector<16xf32>
      %mul3A_1295 = arith.constant 4 : i32
      %mul3A_1296 = arith.muli %scan3A_1281, %mul3A_1295 : i32
      %add3A_1297 = arith.constant 1 : i32
      %add3A_1298 = arith.addi %mul3A_1296, %add3A_1297 : i32
      %mul3A_1299 = arith.constant 128 : i32
      %mul3A_1300 = arith.muli %add3A_1298, %mul3A_1299 : i32
      %add3A_1301 = arith.constant 48 : i32
      %add3A_1302 = arith.addi %mul3A_1300, %add3A_1301 : i32
      %get3A_1303 = arith.index_cast %add3A_1302 : i32 to index
      %get3A_1304 = tpu.vector_load %arg8[%get3A_1303] {strides = array<i32>} : memref<12288xf32, #tpu.memory_space<vmem>>, vector<16xf32>,
      %get3A_1305 = vector.shape_cast %get3A_1304 : vector<16xf32> to vector<16xf32>
      %add3A_1306 = arith.addf %add3A_1294, %get3A_1305 : vector<16xf32>
      %mul3A_1307 = arith.constant 4 : i32
      %mul3A_1308 = arith.muli %scan3A_1281, %mul3A_1307 : i32
      %add3A_1309 = arith.constant 2 : i32
      %add3A_1310 = arith.addi %mul3A_1308, %add3A_1309 : i32
      %mul3A_1311 = arith.constant 128 : i32
      %mul3A_1312 = arith.muli %add3A_1310, %mul3A_1311 : i32
      %add3A_1313 = arith.constant 48 : i32
      %add3A_1314 = arith.addi %mul3A_1312, %add3A_1313 : i32
      %get3A_1315 = arith.index_cast %add3A_1314 : i32 to index
      %get3A_1316 = tpu.vector_load %arg8[%get3A_1315] {strides = array<i32>} : memref<12288xf32, #tpu.memory_space<vmem>>, vector<16xf32>,
      %get3A_1317 = vector.shape_cast %get3A_1316 : vector<16xf32> to vector<16xf32>
      %add3A_1318 = arith.addf %add3A_1306, %get3A_1317 : vector<16xf32>
      %mul3A_1319 = arith.constant 4 : i32
      %mul3A_1320 = arith.muli %scan3A_1281, %mul3A_1319 : i32
      %add3A_1321 = arith.constant 3 : i32
      %add3A_1322 = arith.addi %mul3A_1320, %add3A_1321 : i32
      %mul3A_1323 = arith.constant 128 : i32
      %mul3A_1324 = arith.muli %add3A_1322, %mul3A_1323 : i32
      %add3A_1325 = arith.constant 48 : i32
      %add3A_1326 = arith.addi %mul3A_1324, %add3A_1325 : i32
      %get3A_1327 = arith.index_cast %add3A_1326 : i32 to index
      %get3A_1328 = tpu.vector_load %arg8[%get3A_1327] {strides = array<i32>} : memref<12288xf32, #tpu.memory_space<vmem>>, vector<16xf32>,
      %get3A_1329 = vector.shape_cast %get3A_1328 : vector<16xf32> to vector<16xf32>
      %add3A_1330 = arith.addf %add3A_1318, %get3A_1329 : vector<16xf32>
      scf.yield %add3A_1330 : vector<16xf32>
    }
    %scan3A_1117 = arith.constant 24 : i32
    %scan3A_1118 = arith.constant 0 : i32
    %scan3A_1119 = arith.constant 26 : i32
    %scan3A_1120 = arith.addi %scan3A_1118, %scan3A_1119 : i32
    %scan3A_1121 = arith.constant 1 : i32
    %scan3A_1122 = scf.for %scan3A_1281 = %scan3A_1118 to %scan3A_1120 step %scan3A_1121 iter_args(%scan3A_1282 = %scan3A_1116) -> (vector<16xf32>)  : i32 {
      %mul3A_1283 = arith.constant 4 : i32
      %mul3A_1284 = arith.muli %scan3A_1281, %mul3A_1283 : i32
      %add3A_1285 = arith.constant 0 : i32
      %add3A_1286 = arith.addi %mul3A_1284, %add3A_1285 : i32
      %mul3A_1287 = arith.constant 128 : i32
      %mul3A_1288 = arith.muli %add3A_1286, %mul3A_1287 : i32
      %add3A_1289 = arith.constant 48 : i32
      %add3A_1290 = arith.addi %mul3A_1288, %add3A_1289 : i32
      %get3A_1291 = arith.index_cast %add3A_1290 : i32 to index
      %get3A_1292 = tpu.vector_load %arg9[%get3A_1291] {strides = array<i32>} : memref<13312xf32, #tpu.memory_space<vmem>>, vector<16xf32>,
      %get3A_1293 = vector.shape_cast %get3A_1292 : vector<16xf32> to vector<16xf32>
      %add3A_1294 = arith.addf %scan3A_1282, %get3A_1293 : vector<16xf32>
      %mul3A_1295 = arith.constant 4 : i32
      %mul3A_1296 = arith.muli %scan3A_1281, %mul3A_1295 : i32
      %add3A_1297 = arith.constant 1 : i32
      %add3A_1298 = arith.addi %mul3A_1296, %add3A_1297 : i32
      %mul3A_1299 = arith.constant 128 : i32
      %mul3A_1300 = arith.muli %add3A_1298, %mul3A_1299 : i32
      %add3A_1301 = arith.constant 48 : i32
      %add3A_1302 = arith.addi %mul3A_1300, %add3A_1301 : i32
      %get3A_1303 = arith.index_cast %add3A_1302 : i32 to index
      %get3A_1304 = tpu.vector_load %arg9[%get3A_1303] {strides = array<i32>} : memref<13312xf32, #tpu.memory_space<vmem>>, vector<16xf32>,
      %get3A_1305 = vector.shape_cast %get3A_1304 : vector<16xf32> to vector<16xf32>
      %add3A_1306 = arith.addf %add3A_1294, %get3A_1305 : vector<16xf32>
      %mul3A_1307 = arith.constant 4 : i32
      %mul3A_1308 = arith.muli %scan3A_1281, %mul3A_1307 : i32
      %add3A_1309 = arith.constant 2 : i32
      %add3A_1310 = arith.addi %mul3A_1308, %add3A_1309 : i32
      %mul3A_1311 = arith.constant 128 : i32
      %mul3A_1312 = arith.muli %add3A_1310, %mul3A_1311 : i32
      %add3A_1313 = arith.constant 48 : i32
      %add3A_1314 = arith.addi %mul3A_1312, %add3A_1313 : i32
      %get3A_1315 = arith.index_cast %add3A_1314 : i32 to index
      %get3A_1316 = tpu.vector_load %arg9[%get3A_1315] {strides = array<i32>} : memref<13312xf32, #tpu.memory_space<vmem>>, vector<16xf32>,
      %get3A_1317 = vector.shape_cast %get3A_1316 : vector<16xf32> to vector<16xf32>
      %add3A_1318 = arith.addf %add3A_1306, %get3A_1317 : vector<16xf32>
      %mul3A_1319 = arith.constant 4 : i32
      %mul3A_1320 = arith.muli %scan3A_1281, %mul3A_1319 : i32
      %add3A_1321 = arith.constant 3 : i32
      %add3A_1322 = arith.addi %mul3A_1320, %add3A_1321 : i32
      %mul3A_1323 = arith.constant 128 : i32
      %mul3A_1324 = arith.muli %add3A_1322, %mul3A_1323 : i32
      %add3A_1325 = arith.constant 48 : i32
      %add3A_1326 = arith.addi %mul3A_1324, %add3A_1325 : i32
      %get3A_1327 = arith.index_cast %add3A_1326 : i32 to index
      %get3A_1328 = tpu.vector_load %arg9[%get3A_1327] {strides = array<i32>} : memref<13312xf32, #tpu.memory_space<vmem>>, vector<16xf32>,
      %get3A_1329 = vector.shape_cast %get3A_1328 : vector<16xf32> to vector<16xf32>
      %add3A_1330 = arith.addf %add3A_1318, %get3A_1329 : vector<16xf32>
      scf.yield %add3A_1330 : vector<16xf32>
    }
    %scan3A_1123 = arith.constant 26 : i32
    %get3A_1124 = arith.constant 48 : index
    %get3A_1125 = tpu.vector_load %arg8[%get3A_1124] {strides = array<i32>} : memref<12288xf32, #tpu.memory_space<vmem>>, vector<16xf32>,
    %get3A_1126 = vector.shape_cast %get3A_1125 : vector<16xf32> to vector<16xf32>
    %get3A_1127 = arith.constant 13232 : index
    %get3A_1128 = tpu.vector_load %arg9[%get3A_1127] {strides = array<i32>} : memref<13312xf32, #tpu.memory_space<vmem>>, vector<16xf32>,
    %get3A_1129 = vector.shape_cast %get3A_1128 : vector<16xf32> to vector<16xf32>
    %mul3A_1130 = arith.constant 3.000000e+00 : f32
    %mul3A_1131 = vector.broadcast %mul3A_1130 : f32 to vector<16xf32>
    %mul3A_1132 = arith.mulf %mul3A_1131, %scan3A_1122 : vector<16xf32>
    %sub3A_1133 = arith.subf %mul3A_1132, %get3A_1126 : vector<16xf32>
    %sub3A_1134 = arith.subf %sub3A_1133, %get3A_1129 : vector<16xf32>
    %mul3A_1135 = arith.constant 0.00250626565 : f32
    %mul3A_1136 = vector.broadcast %mul3A_1135 : f32 to vector<16xf32>
    %mul3A_1137 = arith.mulf %sub3A_1134, %mul3A_1136 : vector<16xf32>
    %add3A_1138 = arith.addf %mul3A_1137, %get3A_2 : vector<16xf32>
    %swap3A_1139 = arith.constant 48 : index
    %swap3A_1140 = tpu.vector_load %arg10[%swap3A_1139] {strides = array<i32>} : memref<128xf32, #tpu.memory_space<vmem>>, vector<16xf32>,
    %swap3A_1141 = vector.shape_cast %swap3A_1140 : vector<16xf32> to vector<16xf32>
    %swap3A_1142 = vector.shape_cast %add3A_1138 : vector<16xf32> to vector<16xf32>
    tpu.vector_store %arg10[%swap3A_1139], %swap3A_1142 {strides = array<i32>} : memref<128xf32, #tpu.memory_space<vmem>>, vector<16xf32>,
    %broadcast_in_dim3A_1143 = arith.constant 0.000000e+00 : f32
    %broadcast_in_dim3A_1144 = vector.broadcast %broadcast_in_dim3A_1143 : f32 to vector<16xf32>
    %scan3A_1145 = arith.constant 0 : i32
    %scan3A_1146 = arith.constant 24 : i32
    %scan3A_1147 = arith.addi %scan3A_1145, %scan3A_1146 : i32
    %scan3A_1148 = arith.constant 1 : i32
    %scan3A_1149 = scf.for %scan3A_1281 = %scan3A_1145 to %scan3A_1147 step %scan3A_1148 iter_args(%scan3A_1282 = %broadcast_in_dim3A_1144) -> (vector<16xf32>)  : i32 {
      %mul3A_1283 = arith.constant 4 : i32
      %mul3A_1284 = arith.muli %scan3A_1281, %mul3A_1283 : i32
      %add3A_1285 = arith.constant 0 : i32
      %add3A_1286 = arith.addi %mul3A_1284, %add3A_1285 : i32
      %mul3A_1287 = arith.constant 128 : i32
      %mul3A_1288 = arith.muli %add3A_1286, %mul3A_1287 : i32
      %add3A_1289 = arith.constant 64 : i32
      %add3A_1290 = arith.addi %mul3A_1288, %add3A_1289 : i32
      %get3A_1291 = arith.index_cast %add3A_1290 : i32 to index
      %get3A_1292 = tpu.vector_load %arg8[%get3A_1291] {strides = array<i32>} : memref<12288xf32, #tpu.memory_space<vmem>>, vector<16xf32>,
      %get3A_1293 = vector.shape_cast %get3A_1292 : vector<16xf32> to vector<16xf32>
      %add3A_1294 = arith.addf %scan3A_1282, %get3A_1293 : vector<16xf32>
      %mul3A_1295 = arith.constant 4 : i32
      %mul3A_1296 = arith.muli %scan3A_1281, %mul3A_1295 : i32
      %add3A_1297 = arith.constant 1 : i32
      %add3A_1298 = arith.addi %mul3A_1296, %add3A_1297 : i32
      %mul3A_1299 = arith.constant 128 : i32
      %mul3A_1300 = arith.muli %add3A_1298, %mul3A_1299 : i32
      %add3A_1301 = arith.constant 64 : i32
      %add3A_1302 = arith.addi %mul3A_1300, %add3A_1301 : i32
      %get3A_1303 = arith.index_cast %add3A_1302 : i32 to index
      %get3A_1304 = tpu.vector_load %arg8[%get3A_1303] {strides = array<i32>} : memref<12288xf32, #tpu.memory_space<vmem>>, vector<16xf32>,
      %get3A_1305 = vector.shape_cast %get3A_1304 : vector<16xf32> to vector<16xf32>
      %add3A_1306 = arith.addf %add3A_1294, %get3A_1305 : vector<16xf32>
      %mul3A_1307 = arith.constant 4 : i32
      %mul3A_1308 = arith.muli %scan3A_1281, %mul3A_1307 : i32
      %add3A_1309 = arith.constant 2 : i32
      %add3A_1310 = arith.addi %mul3A_1308, %add3A_1309 : i32
      %mul3A_1311 = arith.constant 128 : i32
      %mul3A_1312 = arith.muli %add3A_1310, %mul3A_1311 : i32
      %add3A_1313 = arith.constant 64 : i32
      %add3A_1314 = arith.addi %mul3A_1312, %add3A_1313 : i32
      %get3A_1315 = arith.index_cast %add3A_1314 : i32 to index
      %get3A_1316 = tpu.vector_load %arg8[%get3A_1315] {strides = array<i32>} : memref<12288xf32, #tpu.memory_space<vmem>>, vector<16xf32>,
      %get3A_1317 = vector.shape_cast %get3A_1316 : vector<16xf32> to vector<16xf32>
      %add3A_1318 = arith.addf %add3A_1306, %get3A_1317 : vector<16xf32>
      %mul3A_1319 = arith.constant 4 : i32
      %mul3A_1320 = arith.muli %scan3A_1281, %mul3A_1319 : i32
      %add3A_1321 = arith.constant 3 : i32
      %add3A_1322 = arith.addi %mul3A_1320, %add3A_1321 : i32
      %mul3A_1323 = arith.constant 128 : i32
      %mul3A_1324 = arith.muli %add3A_1322, %mul3A_1323 : i32
      %add3A_1325 = arith.constant 64 : i32
      %add3A_1326 = arith.addi %mul3A_1324, %add3A_1325 : i32
      %get3A_1327 = arith.index_cast %add3A_1326 : i32 to index
      %get3A_1328 = tpu.vector_load %arg8[%get3A_1327] {strides = array<i32>} : memref<12288xf32, #tpu.memory_space<vmem>>, vector<16xf32>,
      %get3A_1329 = vector.shape_cast %get3A_1328 : vector<16xf32> to vector<16xf32>
      %add3A_1330 = arith.addf %add3A_1318, %get3A_1329 : vector<16xf32>
      scf.yield %add3A_1330 : vector<16xf32>
    }
    %scan3A_1150 = arith.constant 24 : i32
    %scan3A_1151 = arith.constant 0 : i32
    %scan3A_1152 = arith.constant 26 : i32
    %scan3A_1153 = arith.addi %scan3A_1151, %scan3A_1152 : i32
    %scan3A_1154 = arith.constant 1 : i32
    %scan3A_1155 = scf.for %scan3A_1281 = %scan3A_1151 to %scan3A_1153 step %scan3A_1154 iter_args(%scan3A_1282 = %scan3A_1149) -> (vector<16xf32>)  : i32 {
      %mul3A_1283 = arith.constant 4 : i32
      %mul3A_1284 = arith.muli %scan3A_1281, %mul3A_1283 : i32
      %add3A_1285 = arith.constant 0 : i32
      %add3A_1286 = arith.addi %mul3A_1284, %add3A_1285 : i32
      %mul3A_1287 = arith.constant 128 : i32
      %mul3A_1288 = arith.muli %add3A_1286, %mul3A_1287 : i32
      %add3A_1289 = arith.constant 64 : i32
      %add3A_1290 = arith.addi %mul3A_1288, %add3A_1289 : i32
      %get3A_1291 = arith.index_cast %add3A_1290 : i32 to index
      %get3A_1292 = tpu.vector_load %arg9[%get3A_1291] {strides = array<i32>} : memref<13312xf32, #tpu.memory_space<vmem>>, vector<16xf32>,
      %get3A_1293 = vector.shape_cast %get3A_1292 : vector<16xf32> to vector<16xf32>
      %add3A_1294 = arith.addf %scan3A_1282, %get3A_1293 : vector<16xf32>
      %mul3A_1295 = arith.constant 4 : i32
      %mul3A_1296 = arith.muli %scan3A_1281, %mul3A_1295 : i32
      %add3A_1297 = arith.constant 1 : i32
      %add3A_1298 = arith.addi %mul3A_1296, %add3A_1297 : i32
      %mul3A_1299 = arith.constant 128 : i32
      %mul3A_1300 = arith.muli %add3A_1298, %mul3A_1299 : i32
      %add3A_1301 = arith.constant 64 : i32
      %add3A_1302 = arith.addi %mul3A_1300, %add3A_1301 : i32
      %get3A_1303 = arith.index_cast %add3A_1302 : i32 to index
      %get3A_1304 = tpu.vector_load %arg9[%get3A_1303] {strides = array<i32>} : memref<13312xf32, #tpu.memory_space<vmem>>, vector<16xf32>,
      %get3A_1305 = vector.shape_cast %get3A_1304 : vector<16xf32> to vector<16xf32>
      %add3A_1306 = arith.addf %add3A_1294, %get3A_1305 : vector<16xf32>
      %mul3A_1307 = arith.constant 4 : i32
      %mul3A_1308 = arith.muli %scan3A_1281, %mul3A_1307 : i32
      %add3A_1309 = arith.constant 2 : i32
      %add3A_1310 = arith.addi %mul3A_1308, %add3A_1309 : i32
      %mul3A_1311 = arith.constant 128 : i32
      %mul3A_1312 = arith.muli %add3A_1310, %mul3A_1311 : i32
      %add3A_1313 = arith.constant 64 : i32
      %add3A_1314 = arith.addi %mul3A_1312, %add3A_1313 : i32
      %get3A_1315 = arith.index_cast %add3A_1314 : i32 to index
      %get3A_1316 = tpu.vector_load %arg9[%get3A_1315] {strides = array<i32>} : memref<13312xf32, #tpu.memory_space<vmem>>, vector<16xf32>,
      %get3A_1317 = vector.shape_cast %get3A_1316 : vector<16xf32> to vector<16xf32>
      %add3A_1318 = arith.addf %add3A_1306, %get3A_1317 : vector<16xf32>
      %mul3A_1319 = arith.constant 4 : i32
      %mul3A_1320 = arith.muli %scan3A_1281, %mul3A_1319 : i32
      %add3A_1321 = arith.constant 3 : i32
      %add3A_1322 = arith.addi %mul3A_1320, %add3A_1321 : i32
      %mul3A_1323 = arith.constant 128 : i32
      %mul3A_1324 = arith.muli %add3A_1322, %mul3A_1323 : i32
      %add3A_1325 = arith.constant 64 : i32
      %add3A_1326 = arith.addi %mul3A_1324, %add3A_1325 : i32
      %get3A_1327 = arith.index_cast %add3A_1326 : i32 to index
      %get3A_1328 = tpu.vector_load %arg9[%get3A_1327] {strides = array<i32>} : memref<13312xf32, #tpu.memory_space<vmem>>, vector<16xf32>,
      %get3A_1329 = vector.shape_cast %get3A_1328 : vector<16xf32> to vector<16xf32>
      %add3A_1330 = arith.addf %add3A_1318, %get3A_1329 : vector<16xf32>
      scf.yield %add3A_1330 : vector<16xf32>
    }
    %scan3A_1156 = arith.constant 26 : i32
    %get3A_1157 = arith.constant 64 : index
    %get3A_1158 = tpu.vector_load %arg8[%get3A_1157] {strides = array<i32>} : memref<12288xf32, #tpu.memory_space<vmem>>, vector<16xf32>,
    %get3A_1159 = vector.shape_cast %get3A_1158 : vector<16xf32> to vector<16xf32>
    %get3A_1160 = arith.constant 13248 : index
    %get3A_1161 = tpu.vector_load %arg9[%get3A_1160] {strides = array<i32>} : memref<13312xf32, #tpu.memory_space<vmem>>, vector<16xf32>,
    %get3A_1162 = vector.shape_cast %get3A_1161 : vector<16xf32> to vector<16xf32>
    %mul3A_1163 = arith.constant 3.000000e+00 : f32
    %mul3A_1164 = vector.broadcast %mul3A_1163 : f32 to vector<16xf32>
    %mul3A_1165 = arith.mulf %mul3A_1164, %scan3A_1155 : vector<16xf32>
    %sub3A_1166 = arith.subf %mul3A_1165, %get3A_1159 : vector<16xf32>
    %sub3A_1167 = arith.subf %sub3A_1166, %get3A_1162 : vector<16xf32>
    %mul3A_1168 = arith.constant 0.00250626565 : f32
    %mul3A_1169 = vector.broadcast %mul3A_1168 : f32 to vector<16xf32>
    %mul3A_1170 = arith.mulf %sub3A_1167, %mul3A_1169 : vector<16xf32>
    %add3A_1171 = arith.addf %mul3A_1170, %get3A_2 : vector<16xf32>
    %swap3A_1172 = arith.constant 64 : index
    %swap3A_1173 = tpu.vector_load %arg10[%swap3A_1172] {strides = array<i32>} : memref<128xf32, #tpu.memory_space<vmem>>, vector<16xf32>,
    %swap3A_1174 = vector.shape_cast %swap3A_1173 : vector<16xf32> to vector<16xf32>
    %swap3A_1175 = vector.shape_cast %add3A_1171 : vector<16xf32> to vector<16xf32>
    tpu.vector_store %arg10[%swap3A_1172], %swap3A_1175 {strides = array<i32>} : memref<128xf32, #tpu.memory_space<vmem>>, vector<16xf32>,
    %broadcast_in_dim3A_1176 = arith.constant 0.000000e+00 : f32
    %broadcast_in_dim3A_1177 = vector.broadcast %broadcast_in_dim3A_1176 : f32 to vector<16xf32>
    %scan3A_1178 = arith.constant 0 : i32
    %scan3A_1179 = arith.constant 24 : i32
    %scan3A_1180 = arith.addi %scan3A_1178, %scan3A_1179 : i32
    %scan3A_1181 = arith.constant 1 : i32
    %scan3A_1182 = scf.for %scan3A_1281 = %scan3A_1178 to %scan3A_1180 step %scan3A_1181 iter_args(%scan3A_1282 = %broadcast_in_dim3A_1177) -> (vector<16xf32>)  : i32 {
      %mul3A_1283 = arith.constant 4 : i32
      %mul3A_1284 = arith.muli %scan3A_1281, %mul3A_1283 : i32
      %add3A_1285 = arith.constant 0 : i32
      %add3A_1286 = arith.addi %mul3A_1284, %add3A_1285 : i32
      %mul3A_1287 = arith.constant 128 : i32
      %mul3A_1288 = arith.muli %add3A_1286, %mul3A_1287 : i32
      %add3A_1289 = arith.constant 80 : i32
      %add3A_1290 = arith.addi %mul3A_1288, %add3A_1289 : i32
      %get3A_1291 = arith.index_cast %add3A_1290 : i32 to index
      %get3A_1292 = tpu.vector_load %arg8[%get3A_1291] {strides = array<i32>} : memref<12288xf32, #tpu.memory_space<vmem>>, vector<16xf32>,
      %get3A_1293 = vector.shape_cast %get3A_1292 : vector<16xf32> to vector<16xf32>
      %add3A_1294 = arith.addf %scan3A_1282, %get3A_1293 : vector<16xf32>
      %mul3A_1295 = arith.constant 4 : i32
      %mul3A_1296 = arith.muli %scan3A_1281, %mul3A_1295 : i32
      %add3A_1297 = arith.constant 1 : i32
      %add3A_1298 = arith.addi %mul3A_1296, %add3A_1297 : i32
      %mul3A_1299 = arith.constant 128 : i32
      %mul3A_1300 = arith.muli %add3A_1298, %mul3A_1299 : i32
      %add3A_1301 = arith.constant 80 : i32
      %add3A_1302 = arith.addi %mul3A_1300, %add3A_1301 : i32
      %get3A_1303 = arith.index_cast %add3A_1302 : i32 to index
      %get3A_1304 = tpu.vector_load %arg8[%get3A_1303] {strides = array<i32>} : memref<12288xf32, #tpu.memory_space<vmem>>, vector<16xf32>,
      %get3A_1305 = vector.shape_cast %get3A_1304 : vector<16xf32> to vector<16xf32>
      %add3A_1306 = arith.addf %add3A_1294, %get3A_1305 : vector<16xf32>
      %mul3A_1307 = arith.constant 4 : i32
      %mul3A_1308 = arith.muli %scan3A_1281, %mul3A_1307 : i32
      %add3A_1309 = arith.constant 2 : i32
      %add3A_1310 = arith.addi %mul3A_1308, %add3A_1309 : i32
      %mul3A_1311 = arith.constant 128 : i32
      %mul3A_1312 = arith.muli %add3A_1310, %mul3A_1311 : i32
      %add3A_1313 = arith.constant 80 : i32
      %add3A_1314 = arith.addi %mul3A_1312, %add3A_1313 : i32
      %get3A_1315 = arith.index_cast %add3A_1314 : i32 to index
      %get3A_1316 = tpu.vector_load %arg8[%get3A_1315] {strides = array<i32>} : memref<12288xf32, #tpu.memory_space<vmem>>, vector<16xf32>,
      %get3A_1317 = vector.shape_cast %get3A_1316 : vector<16xf32> to vector<16xf32>
      %add3A_1318 = arith.addf %add3A_1306, %get3A_1317 : vector<16xf32>
      %mul3A_1319 = arith.constant 4 : i32
      %mul3A_1320 = arith.muli %scan3A_1281, %mul3A_1319 : i32
      %add3A_1321 = arith.constant 3 : i32
      %add3A_1322 = arith.addi %mul3A_1320, %add3A_1321 : i32
      %mul3A_1323 = arith.constant 128 : i32
      %mul3A_1324 = arith.muli %add3A_1322, %mul3A_1323 : i32
      %add3A_1325 = arith.constant 80 : i32
      %add3A_1326 = arith.addi %mul3A_1324, %add3A_1325 : i32
      %get3A_1327 = arith.index_cast %add3A_1326 : i32 to index
      %get3A_1328 = tpu.vector_load %arg8[%get3A_1327] {strides = array<i32>} : memref<12288xf32, #tpu.memory_space<vmem>>, vector<16xf32>,
      %get3A_1329 = vector.shape_cast %get3A_1328 : vector<16xf32> to vector<16xf32>
      %add3A_1330 = arith.addf %add3A_1318, %get3A_1329 : vector<16xf32>
      scf.yield %add3A_1330 : vector<16xf32>
    }
    %scan3A_1183 = arith.constant 24 : i32
    %scan3A_1184 = arith.constant 0 : i32
    %scan3A_1185 = arith.constant 26 : i32
    %scan3A_1186 = arith.addi %scan3A_1184, %scan3A_1185 : i32
    %scan3A_1187 = arith.constant 1 : i32
    %scan3A_1188 = scf.for %scan3A_1281 = %scan3A_1184 to %scan3A_1186 step %scan3A_1187 iter_args(%scan3A_1282 = %scan3A_1182) -> (vector<16xf32>)  : i32 {
      %mul3A_1283 = arith.constant 4 : i32
      %mul3A_1284 = arith.muli %scan3A_1281, %mul3A_1283 : i32
      %add3A_1285 = arith.constant 0 : i32
      %add3A_1286 = arith.addi %mul3A_1284, %add3A_1285 : i32
      %mul3A_1287 = arith.constant 128 : i32
      %mul3A_1288 = arith.muli %add3A_1286, %mul3A_1287 : i32
      %add3A_1289 = arith.constant 80 : i32
      %add3A_1290 = arith.addi %mul3A_1288, %add3A_1289 : i32
      %get3A_1291 = arith.index_cast %add3A_1290 : i32 to index
      %get3A_1292 = tpu.vector_load %arg9[%get3A_1291] {strides = array<i32>} : memref<13312xf32, #tpu.memory_space<vmem>>, vector<16xf32>,
      %get3A_1293 = vector.shape_cast %get3A_1292 : vector<16xf32> to vector<16xf32>
      %add3A_1294 = arith.addf %scan3A_1282, %get3A_1293 : vector<16xf32>
      %mul3A_1295 = arith.constant 4 : i32
      %mul3A_1296 = arith.muli %scan3A_1281, %mul3A_1295 : i32
      %add3A_1297 = arith.constant 1 : i32
      %add3A_1298 = arith.addi %mul3A_1296, %add3A_1297 : i32
      %mul3A_1299 = arith.constant 128 : i32
      %mul3A_1300 = arith.muli %add3A_1298, %mul3A_1299 : i32
      %add3A_1301 = arith.constant 80 : i32
      %add3A_1302 = arith.addi %mul3A_1300, %add3A_1301 : i32
      %get3A_1303 = arith.index_cast %add3A_1302 : i32 to index
      %get3A_1304 = tpu.vector_load %arg9[%get3A_1303] {strides = array<i32>} : memref<13312xf32, #tpu.memory_space<vmem>>, vector<16xf32>,
      %get3A_1305 = vector.shape_cast %get3A_1304 : vector<16xf32> to vector<16xf32>
      %add3A_1306 = arith.addf %add3A_1294, %get3A_1305 : vector<16xf32>
      %mul3A_1307 = arith.constant 4 : i32
      %mul3A_1308 = arith.muli %scan3A_1281, %mul3A_1307 : i32
      %add3A_1309 = arith.constant 2 : i32
      %add3A_1310 = arith.addi %mul3A_1308, %add3A_1309 : i32
      %mul3A_1311 = arith.constant 128 : i32
      %mul3A_1312 = arith.muli %add3A_1310, %mul3A_1311 : i32
      %add3A_1313 = arith.constant 80 : i32
      %add3A_1314 = arith.addi %mul3A_1312, %add3A_1313 : i32
      %get3A_1315 = arith.index_cast %add3A_1314 : i32 to index
      %get3A_1316 = tpu.vector_load %arg9[%get3A_1315] {strides = array<i32>} : memref<13312xf32, #tpu.memory_space<vmem>>, vector<16xf32>,
      %get3A_1317 = vector.shape_cast %get3A_1316 : vector<16xf32> to vector<16xf32>
      %add3A_1318 = arith.addf %add3A_1306, %get3A_1317 : vector<16xf32>
      %mul3A_1319 = arith.constant 4 : i32
      %mul3A_1320 = arith.muli %scan3A_1281, %mul3A_1319 : i32
      %add3A_1321 = arith.constant 3 : i32
      %add3A_1322 = arith.addi %mul3A_1320, %add3A_1321 : i32
      %mul3A_1323 = arith.constant 128 : i32
      %mul3A_1324 = arith.muli %add3A_1322, %mul3A_1323 : i32
      %add3A_1325 = arith.constant 80 : i32
      %add3A_1326 = arith.addi %mul3A_1324, %add3A_1325 : i32
      %get3A_1327 = arith.index_cast %add3A_1326 : i32 to index
      %get3A_1328 = tpu.vector_load %arg9[%get3A_1327] {strides = array<i32>} : memref<13312xf32, #tpu.memory_space<vmem>>, vector<16xf32>,
      %get3A_1329 = vector.shape_cast %get3A_1328 : vector<16xf32> to vector<16xf32>
      %add3A_1330 = arith.addf %add3A_1318, %get3A_1329 : vector<16xf32>
      scf.yield %add3A_1330 : vector<16xf32>
    }
    %scan3A_1189 = arith.constant 26 : i32
    %get3A_1190 = arith.constant 80 : index
    %get3A_1191 = tpu.vector_load %arg8[%get3A_1190] {strides = array<i32>} : memref<12288xf32, #tpu.memory_space<vmem>>, vector<16xf32>,
    %get3A_1192 = vector.shape_cast %get3A_1191 : vector<16xf32> to vector<16xf32>
    %get3A_1193 = arith.constant 13264 : index
    %get3A_1194 = tpu.vector_load %arg9[%get3A_1193] {strides = array<i32>} : memref<13312xf32, #tpu.memory_space<vmem>>, vector<16xf32>,
    %get3A_1195 = vector.shape_cast %get3A_1194 : vector<16xf32> to vector<16xf32>
    %mul3A_1196 = arith.constant 3.000000e+00 : f32
    %mul3A_1197 = vector.broadcast %mul3A_1196 : f32 to vector<16xf32>
    %mul3A_1198 = arith.mulf %mul3A_1197, %scan3A_1188 : vector<16xf32>
    %sub3A_1199 = arith.subf %mul3A_1198, %get3A_1192 : vector<16xf32>
    %sub3A_1200 = arith.subf %sub3A_1199, %get3A_1195 : vector<16xf32>
    %mul3A_1201 = arith.constant 0.00250626565 : f32
    %mul3A_1202 = vector.broadcast %mul3A_1201 : f32 to vector<16xf32>
    %mul3A_1203 = arith.mulf %sub3A_1200, %mul3A_1202 : vector<16xf32>
    %add3A_1204 = arith.addf %mul3A_1203, %get3A_2 : vector<16xf32>
    %swap3A_1205 = arith.constant 80 : index
    %swap3A_1206 = tpu.vector_load %arg10[%swap3A_1205] {strides = array<i32>} : memref<128xf32, #tpu.memory_space<vmem>>, vector<16xf32>,
    %swap3A_1207 = vector.shape_cast %swap3A_1206 : vector<16xf32> to vector<16xf32>
    %swap3A_1208 = vector.shape_cast %add3A_1204 : vector<16xf32> to vector<16xf32>
    tpu.vector_store %arg10[%swap3A_1205], %swap3A_1208 {strides = array<i32>} : memref<128xf32, #tpu.memory_space<vmem>>, vector<16xf32>,
    %broadcast_in_dim3A_1209 = arith.constant 0.000000e+00 : f32
    %broadcast_in_dim3A_1210 = vector.broadcast %broadcast_in_dim3A_1209 : f32 to vector<16xf32>
    %scan3A_1211 = arith.constant 0 : i32
    %scan3A_1212 = arith.constant 24 : i32
    %scan3A_1213 = arith.addi %scan3A_1211, %scan3A_1212 : i32
    %scan3A_1214 = arith.constant 1 : i32
    %scan3A_1215 = scf.for %scan3A_1281 = %scan3A_1211 to %scan3A_1213 step %scan3A_1214 iter_args(%scan3A_1282 = %broadcast_in_dim3A_1210) -> (vector<16xf32>)  : i32 {
      %mul3A_1283 = arith.constant 4 : i32
      %mul3A_1284 = arith.muli %scan3A_1281, %mul3A_1283 : i32
      %add3A_1285 = arith.constant 0 : i32
      %add3A_1286 = arith.addi %mul3A_1284, %add3A_1285 : i32
      %mul3A_1287 = arith.constant 128 : i32
      %mul3A_1288 = arith.muli %add3A_1286, %mul3A_1287 : i32
      %add3A_1289 = arith.constant 96 : i32
      %add3A_1290 = arith.addi %mul3A_1288, %add3A_1289 : i32
      %get3A_1291 = arith.index_cast %add3A_1290 : i32 to index
      %get3A_1292 = tpu.vector_load %arg8[%get3A_1291] {strides = array<i32>} : memref<12288xf32, #tpu.memory_space<vmem>>, vector<16xf32>,
      %get3A_1293 = vector.shape_cast %get3A_1292 : vector<16xf32> to vector<16xf32>
      %add3A_1294 = arith.addf %scan3A_1282, %get3A_1293 : vector<16xf32>
      %mul3A_1295 = arith.constant 4 : i32
      %mul3A_1296 = arith.muli %scan3A_1281, %mul3A_1295 : i32
      %add3A_1297 = arith.constant 1 : i32
      %add3A_1298 = arith.addi %mul3A_1296, %add3A_1297 : i32
      %mul3A_1299 = arith.constant 128 : i32
      %mul3A_1300 = arith.muli %add3A_1298, %mul3A_1299 : i32
      %add3A_1301 = arith.constant 96 : i32
      %add3A_1302 = arith.addi %mul3A_1300, %add3A_1301 : i32
      %get3A_1303 = arith.index_cast %add3A_1302 : i32 to index
      %get3A_1304 = tpu.vector_load %arg8[%get3A_1303] {strides = array<i32>} : memref<12288xf32, #tpu.memory_space<vmem>>, vector<16xf32>,
      %get3A_1305 = vector.shape_cast %get3A_1304 : vector<16xf32> to vector<16xf32>
      %add3A_1306 = arith.addf %add3A_1294, %get3A_1305 : vector<16xf32>
      %mul3A_1307 = arith.constant 4 : i32
      %mul3A_1308 = arith.muli %scan3A_1281, %mul3A_1307 : i32
      %add3A_1309 = arith.constant 2 : i32
      %add3A_1310 = arith.addi %mul3A_1308, %add3A_1309 : i32
      %mul3A_1311 = arith.constant 128 : i32
      %mul3A_1312 = arith.muli %add3A_1310, %mul3A_1311 : i32
      %add3A_1313 = arith.constant 96 : i32
      %add3A_1314 = arith.addi %mul3A_1312, %add3A_1313 : i32
      %get3A_1315 = arith.index_cast %add3A_1314 : i32 to index
      %get3A_1316 = tpu.vector_load %arg8[%get3A_1315] {strides = array<i32>} : memref<12288xf32, #tpu.memory_space<vmem>>, vector<16xf32>,
      %get3A_1317 = vector.shape_cast %get3A_1316 : vector<16xf32> to vector<16xf32>
      %add3A_1318 = arith.addf %add3A_1306, %get3A_1317 : vector<16xf32>
      %mul3A_1319 = arith.constant 4 : i32
      %mul3A_1320 = arith.muli %scan3A_1281, %mul3A_1319 : i32
      %add3A_1321 = arith.constant 3 : i32
      %add3A_1322 = arith.addi %mul3A_1320, %add3A_1321 : i32
      %mul3A_1323 = arith.constant 128 : i32
      %mul3A_1324 = arith.muli %add3A_1322, %mul3A_1323 : i32
      %add3A_1325 = arith.constant 96 : i32
      %add3A_1326 = arith.addi %mul3A_1324, %add3A_1325 : i32
      %get3A_1327 = arith.index_cast %add3A_1326 : i32 to index
      %get3A_1328 = tpu.vector_load %arg8[%get3A_1327] {strides = array<i32>} : memref<12288xf32, #tpu.memory_space<vmem>>, vector<16xf32>,
      %get3A_1329 = vector.shape_cast %get3A_1328 : vector<16xf32> to vector<16xf32>
      %add3A_1330 = arith.addf %add3A_1318, %get3A_1329 : vector<16xf32>
      scf.yield %add3A_1330 : vector<16xf32>
    }
    %scan3A_1216 = arith.constant 24 : i32
    %scan3A_1217 = arith.constant 0 : i32
    %scan3A_1218 = arith.constant 26 : i32
    %scan3A_1219 = arith.addi %scan3A_1217, %scan3A_1218 : i32
    %scan3A_1220 = arith.constant 1 : i32
    %scan3A_1221 = scf.for %scan3A_1281 = %scan3A_1217 to %scan3A_1219 step %scan3A_1220 iter_args(%scan3A_1282 = %scan3A_1215) -> (vector<16xf32>)  : i32 {
      %mul3A_1283 = arith.constant 4 : i32
      %mul3A_1284 = arith.muli %scan3A_1281, %mul3A_1283 : i32
      %add3A_1285 = arith.constant 0 : i32
      %add3A_1286 = arith.addi %mul3A_1284, %add3A_1285 : i32
      %mul3A_1287 = arith.constant 128 : i32
      %mul3A_1288 = arith.muli %add3A_1286, %mul3A_1287 : i32
      %add3A_1289 = arith.constant 96 : i32
      %add3A_1290 = arith.addi %mul3A_1288, %add3A_1289 : i32
      %get3A_1291 = arith.index_cast %add3A_1290 : i32 to index
      %get3A_1292 = tpu.vector_load %arg9[%get3A_1291] {strides = array<i32>} : memref<13312xf32, #tpu.memory_space<vmem>>, vector<16xf32>,
      %get3A_1293 = vector.shape_cast %get3A_1292 : vector<16xf32> to vector<16xf32>
      %add3A_1294 = arith.addf %scan3A_1282, %get3A_1293 : vector<16xf32>
      %mul3A_1295 = arith.constant 4 : i32
      %mul3A_1296 = arith.muli %scan3A_1281, %mul3A_1295 : i32
      %add3A_1297 = arith.constant 1 : i32
      %add3A_1298 = arith.addi %mul3A_1296, %add3A_1297 : i32
      %mul3A_1299 = arith.constant 128 : i32
      %mul3A_1300 = arith.muli %add3A_1298, %mul3A_1299 : i32
      %add3A_1301 = arith.constant 96 : i32
      %add3A_1302 = arith.addi %mul3A_1300, %add3A_1301 : i32
      %get3A_1303 = arith.index_cast %add3A_1302 : i32 to index
      %get3A_1304 = tpu.vector_load %arg9[%get3A_1303] {strides = array<i32>} : memref<13312xf32, #tpu.memory_space<vmem>>, vector<16xf32>,
      %get3A_1305 = vector.shape_cast %get3A_1304 : vector<16xf32> to vector<16xf32>
      %add3A_1306 = arith.addf %add3A_1294, %get3A_1305 : vector<16xf32>
      %mul3A_1307 = arith.constant 4 : i32
      %mul3A_1308 = arith.muli %scan3A_1281, %mul3A_1307 : i32
      %add3A_1309 = arith.constant 2 : i32
      %add3A_1310 = arith.addi %mul3A_1308, %add3A_1309 : i32
      %mul3A_1311 = arith.constant 128 : i32
      %mul3A_1312 = arith.muli %add3A_1310, %mul3A_1311 : i32
      %add3A_1313 = arith.constant 96 : i32
      %add3A_1314 = arith.addi %mul3A_1312, %add3A_1313 : i32
      %get3A_1315 = arith.index_cast %add3A_1314 : i32 to index
      %get3A_1316 = tpu.vector_load %arg9[%get3A_1315] {strides = array<i32>} : memref<13312xf32, #tpu.memory_space<vmem>>, vector<16xf32>,
      %get3A_1317 = vector.shape_cast %get3A_1316 : vector<16xf32> to vector<16xf32>
      %add3A_1318 = arith.addf %add3A_1306, %get3A_1317 : vector<16xf32>
      %mul3A_1319 = arith.constant 4 : i32
      %mul3A_1320 = arith.muli %scan3A_1281, %mul3A_1319 : i32
      %add3A_1321 = arith.constant 3 : i32
      %add3A_1322 = arith.addi %mul3A_1320, %add3A_1321 : i32
      %mul3A_1323 = arith.constant 128 : i32
      %mul3A_1324 = arith.muli %add3A_1322, %mul3A_1323 : i32
      %add3A_1325 = arith.constant 96 : i32
      %add3A_1326 = arith.addi %mul3A_1324, %add3A_1325 : i32
      %get3A_1327 = arith.index_cast %add3A_1326 : i32 to index
      %get3A_1328 = tpu.vector_load %arg9[%get3A_1327] {strides = array<i32>} : memref<13312xf32, #tpu.memory_space<vmem>>, vector<16xf32>,
      %get3A_1329 = vector.shape_cast %get3A_1328 : vector<16xf32> to vector<16xf32>
      %add3A_1330 = arith.addf %add3A_1318, %get3A_1329 : vector<16xf32>
      scf.yield %add3A_1330 : vector<16xf32>
    }
    %scan3A_1222 = arith.constant 26 : i32
    %get3A_1223 = arith.constant 96 : index
    %get3A_1224 = tpu.vector_load %arg8[%get3A_1223] {strides = array<i32>} : memref<12288xf32, #tpu.memory_space<vmem>>, vector<16xf32>,
    %get3A_1225 = vector.shape_cast %get3A_1224 : vector<16xf32> to vector<16xf32>
    %get3A_1226 = arith.constant 13280 : index
    %get3A_1227 = tpu.vector_load %arg9[%get3A_1226] {strides = array<i32>} : memref<13312xf32, #tpu.memory_space<vmem>>, vector<16xf32>,
    %get3A_1228 = vector.shape_cast %get3A_1227 : vector<16xf32> to vector<16xf32>
    %mul3A_1229 = arith.constant 3.000000e+00 : f32
    %mul3A_1230 = vector.broadcast %mul3A_1229 : f32 to vector<16xf32>
    %mul3A_1231 = arith.mulf %mul3A_1230, %scan3A_1221 : vector<16xf32>
    %sub3A_1232 = arith.subf %mul3A_1231, %get3A_1225 : vector<16xf32>
    %sub3A_1233 = arith.subf %sub3A_1232, %get3A_1228 : vector<16xf32>
    %mul3A_1234 = arith.constant 0.00250626565 : f32
    %mul3A_1235 = vector.broadcast %mul3A_1234 : f32 to vector<16xf32>
    %mul3A_1236 = arith.mulf %sub3A_1233, %mul3A_1235 : vector<16xf32>
    %add3A_1237 = arith.addf %mul3A_1236, %get3A_2 : vector<16xf32>
    %swap3A_1238 = arith.constant 96 : index
    %swap3A_1239 = tpu.vector_load %arg10[%swap3A_1238] {strides = array<i32>} : memref<128xf32, #tpu.memory_space<vmem>>, vector<16xf32>,
    %swap3A_1240 = vector.shape_cast %swap3A_1239 : vector<16xf32> to vector<16xf32>
    %swap3A_1241 = vector.shape_cast %add3A_1237 : vector<16xf32> to vector<16xf32>
    tpu.vector_store %arg10[%swap3A_1238], %swap3A_1241 {strides = array<i32>} : memref<128xf32, #tpu.memory_space<vmem>>, vector<16xf32>,
    %broadcast_in_dim3A_1242 = arith.constant 0.000000e+00 : f32
    %broadcast_in_dim3A_1243 = vector.broadcast %broadcast_in_dim3A_1242 : f32 to vector<16xf32>
    %scan3A_1244 = arith.constant 0 : i32
    %scan3A_1245 = arith.constant 24 : i32
    %scan3A_1246 = arith.addi %scan3A_1244, %scan3A_1245 : i32
    %scan3A_1247 = arith.constant 1 : i32
    %scan3A_1248 = scf.for %scan3A_1281 = %scan3A_1244 to %scan3A_1246 step %scan3A_1247 iter_args(%scan3A_1282 = %broadcast_in_dim3A_1243) -> (vector<16xf32>)  : i32 {
      %mul3A_1283 = arith.constant 4 : i32
      %mul3A_1284 = arith.muli %scan3A_1281, %mul3A_1283 : i32
      %add3A_1285 = arith.constant 0 : i32
      %add3A_1286 = arith.addi %mul3A_1284, %add3A_1285 : i32
      %mul3A_1287 = arith.constant 128 : i32
      %mul3A_1288 = arith.muli %add3A_1286, %mul3A_1287 : i32
      %add3A_1289 = arith.constant 112 : i32
      %add3A_1290 = arith.addi %mul3A_1288, %add3A_1289 : i32
      %get3A_1291 = arith.index_cast %add3A_1290 : i32 to index
      %get3A_1292 = tpu.vector_load %arg8[%get3A_1291] {strides = array<i32>} : memref<12288xf32, #tpu.memory_space<vmem>>, vector<16xf32>,
      %get3A_1293 = vector.shape_cast %get3A_1292 : vector<16xf32> to vector<16xf32>
      %add3A_1294 = arith.addf %scan3A_1282, %get3A_1293 : vector<16xf32>
      %mul3A_1295 = arith.constant 4 : i32
      %mul3A_1296 = arith.muli %scan3A_1281, %mul3A_1295 : i32
      %add3A_1297 = arith.constant 1 : i32
      %add3A_1298 = arith.addi %mul3A_1296, %add3A_1297 : i32
      %mul3A_1299 = arith.constant 128 : i32
      %mul3A_1300 = arith.muli %add3A_1298, %mul3A_1299 : i32
      %add3A_1301 = arith.constant 112 : i32
      %add3A_1302 = arith.addi %mul3A_1300, %add3A_1301 : i32
      %get3A_1303 = arith.index_cast %add3A_1302 : i32 to index
      %get3A_1304 = tpu.vector_load %arg8[%get3A_1303] {strides = array<i32>} : memref<12288xf32, #tpu.memory_space<vmem>>, vector<16xf32>,
      %get3A_1305 = vector.shape_cast %get3A_1304 : vector<16xf32> to vector<16xf32>
      %add3A_1306 = arith.addf %add3A_1294, %get3A_1305 : vector<16xf32>
      %mul3A_1307 = arith.constant 4 : i32
      %mul3A_1308 = arith.muli %scan3A_1281, %mul3A_1307 : i32
      %add3A_1309 = arith.constant 2 : i32
      %add3A_1310 = arith.addi %mul3A_1308, %add3A_1309 : i32
      %mul3A_1311 = arith.constant 128 : i32
      %mul3A_1312 = arith.muli %add3A_1310, %mul3A_1311 : i32
      %add3A_1313 = arith.constant 112 : i32
      %add3A_1314 = arith.addi %mul3A_1312, %add3A_1313 : i32
      %get3A_1315 = arith.index_cast %add3A_1314 : i32 to index
      %get3A_1316 = tpu.vector_load %arg8[%get3A_1315] {strides = array<i32>} : memref<12288xf32, #tpu.memory_space<vmem>>, vector<16xf32>,
      %get3A_1317 = vector.shape_cast %get3A_1316 : vector<16xf32> to vector<16xf32>
      %add3A_1318 = arith.addf %add3A_1306, %get3A_1317 : vector<16xf32>
      %mul3A_1319 = arith.constant 4 : i32
      %mul3A_1320 = arith.muli %scan3A_1281, %mul3A_1319 : i32
      %add3A_1321 = arith.constant 3 : i32
      %add3A_1322 = arith.addi %mul3A_1320, %add3A_1321 : i32
      %mul3A_1323 = arith.constant 128 : i32
      %mul3A_1324 = arith.muli %add3A_1322, %mul3A_1323 : i32
      %add3A_1325 = arith.constant 112 : i32
      %add3A_1326 = arith.addi %mul3A_1324, %add3A_1325 : i32
      %get3A_1327 = arith.index_cast %add3A_1326 : i32 to index
      %get3A_1328 = tpu.vector_load %arg8[%get3A_1327] {strides = array<i32>} : memref<12288xf32, #tpu.memory_space<vmem>>, vector<16xf32>,
      %get3A_1329 = vector.shape_cast %get3A_1328 : vector<16xf32> to vector<16xf32>
      %add3A_1330 = arith.addf %add3A_1318, %get3A_1329 : vector<16xf32>
      scf.yield %add3A_1330 : vector<16xf32>
    }
    %scan3A_1249 = arith.constant 24 : i32
    %scan3A_1250 = arith.constant 0 : i32
    %scan3A_1251 = arith.constant 26 : i32
    %scan3A_1252 = arith.addi %scan3A_1250, %scan3A_1251 : i32
    %scan3A_1253 = arith.constant 1 : i32
    %scan3A_1254 = scf.for %scan3A_1281 = %scan3A_1250 to %scan3A_1252 step %scan3A_1253 iter_args(%scan3A_1282 = %scan3A_1248) -> (vector<16xf32>)  : i32 {
      %mul3A_1283 = arith.constant 4 : i32
      %mul3A_1284 = arith.muli %scan3A_1281, %mul3A_1283 : i32
      %add3A_1285 = arith.constant 0 : i32
      %add3A_1286 = arith.addi %mul3A_1284, %add3A_1285 : i32
      %mul3A_1287 = arith.constant 128 : i32
      %mul3A_1288 = arith.muli %add3A_1286, %mul3A_1287 : i32
      %add3A_1289 = arith.constant 112 : i32
      %add3A_1290 = arith.addi %mul3A_1288, %add3A_1289 : i32
      %get3A_1291 = arith.index_cast %add3A_1290 : i32 to index
      %get3A_1292 = tpu.vector_load %arg9[%get3A_1291] {strides = array<i32>} : memref<13312xf32, #tpu.memory_space<vmem>>, vector<16xf32>,
      %get3A_1293 = vector.shape_cast %get3A_1292 : vector<16xf32> to vector<16xf32>
      %add3A_1294 = arith.addf %scan3A_1282, %get3A_1293 : vector<16xf32>
      %mul3A_1295 = arith.constant 4 : i32
      %mul3A_1296 = arith.muli %scan3A_1281, %mul3A_1295 : i32
      %add3A_1297 = arith.constant 1 : i32
      %add3A_1298 = arith.addi %mul3A_1296, %add3A_1297 : i32
      %mul3A_1299 = arith.constant 128 : i32
      %mul3A_1300 = arith.muli %add3A_1298, %mul3A_1299 : i32
      %add3A_1301 = arith.constant 112 : i32
      %add3A_1302 = arith.addi %mul3A_1300, %add3A_1301 : i32
      %get3A_1303 = arith.index_cast %add3A_1302 : i32 to index
      %get3A_1304 = tpu.vector_load %arg9[%get3A_1303] {strides = array<i32>} : memref<13312xf32, #tpu.memory_space<vmem>>, vector<16xf32>,
      %get3A_1305 = vector.shape_cast %get3A_1304 : vector<16xf32> to vector<16xf32>
      %add3A_1306 = arith.addf %add3A_1294, %get3A_1305 : vector<16xf32>
      %mul3A_1307 = arith.constant 4 : i32
      %mul3A_1308 = arith.muli %scan3A_1281, %mul3A_1307 : i32
      %add3A_1309 = arith.constant 2 : i32
      %add3A_1310 = arith.addi %mul3A_1308, %add3A_1309 : i32
      %mul3A_1311 = arith.constant 128 : i32
      %mul3A_1312 = arith.muli %add3A_1310, %mul3A_1311 : i32
      %add3A_1313 = arith.constant 112 : i32
      %add3A_1314 = arith.addi %mul3A_1312, %add3A_1313 : i32
      %get3A_1315 = arith.index_cast %add3A_1314 : i32 to index
      %get3A_1316 = tpu.vector_load %arg9[%get3A_1315] {strides = array<i32>} : memref<13312xf32, #tpu.memory_space<vmem>>, vector<16xf32>,
      %get3A_1317 = vector.shape_cast %get3A_1316 : vector<16xf32> to vector<16xf32>
      %add3A_1318 = arith.addf %add3A_1306, %get3A_1317 : vector<16xf32>
      %mul3A_1319 = arith.constant 4 : i32
      %mul3A_1320 = arith.muli %scan3A_1281, %mul3A_1319 : i32
      %add3A_1321 = arith.constant 3 : i32
      %add3A_1322 = arith.addi %mul3A_1320, %add3A_1321 : i32
      %mul3A_1323 = arith.constant 128 : i32
      %mul3A_1324 = arith.muli %add3A_1322, %mul3A_1323 : i32
      %add3A_1325 = arith.constant 112 : i32
      %add3A_1326 = arith.addi %mul3A_1324, %add3A_1325 : i32
      %get3A_1327 = arith.index_cast %add3A_1326 : i32 to index
      %get3A_1328 = tpu.vector_load %arg9[%get3A_1327] {strides = array<i32>} : memref<13312xf32, #tpu.memory_space<vmem>>, vector<16xf32>,
      %get3A_1329 = vector.shape_cast %get3A_1328 : vector<16xf32> to vector<16xf32>
      %add3A_1330 = arith.addf %add3A_1318, %get3A_1329 : vector<16xf32>
      scf.yield %add3A_1330 : vector<16xf32>
    }
    %scan3A_1255 = arith.constant 26 : i32
    %get3A_1256 = arith.constant 112 : index
    %get3A_1257 = tpu.vector_load %arg8[%get3A_1256] {strides = array<i32>} : memref<12288xf32, #tpu.memory_space<vmem>>, vector<16xf32>,
    %get3A_1258 = vector.shape_cast %get3A_1257 : vector<16xf32> to vector<16xf32>
    %get3A_1259 = arith.constant 13296 : index
    %get3A_1260 = tpu.vector_load %arg9[%get3A_1259] {strides = array<i32>} : memref<13312xf32, #tpu.memory_space<vmem>>, vector<16xf32>,
    %get3A_1261 = vector.shape_cast %get3A_1260 : vector<16xf32> to vector<16xf32>
    %mul3A_1262 = arith.constant 3.000000e+00 : f32
    %mul3A_1263 = vector.broadcast %mul3A_1262 : f32 to vector<16xf32>
    %mul3A_1264 = arith.mulf %mul3A_1263, %scan3A_1254 : vector<16xf32>
    %sub3A_1265 = arith.subf %mul3A_1264, %get3A_1258 : vector<16xf32>
    %sub3A_1266 = arith.subf %sub3A_1265, %get3A_1261 : vector<16xf32>
    %mul3A_1267 = arith.constant 0.00250626565 : f32
    %mul3A_1268 = vector.broadcast %mul3A_1267 : f32 to vector<16xf32>
    %mul3A_1269 = arith.mulf %sub3A_1266, %mul3A_1268 : vector<16xf32>
    %add3A_1270 = arith.addf %mul3A_1269, %get3A_2 : vector<16xf32>
    %swap3A_1271 = arith.constant 112 : index
    %swap3A_1272 = tpu.vector_load %arg10[%swap3A_1271] {strides = array<i32>} : memref<128xf32, #tpu.memory_space<vmem>>, vector<16xf32>,
    %swap3A_1273 = vector.shape_cast %swap3A_1272 : vector<16xf32> to vector<16xf32>
    %swap3A_1274 = vector.shape_cast %add3A_1270 : vector<16xf32> to vector<16xf32>
    tpu.vector_store %arg10[%swap3A_1271], %swap3A_1274 {strides = array<i32>} : memref<128xf32, #tpu.memory_space<vmem>>, vector<16xf32>,
    %mul3A_1275 = arith.constant 4 : i32
    %mul3A_1276 = arith.muli %add3A, %mul3A_1275 : i32
    %add3A_1277 = arith.constant 3 : i32
    %add3A_1278 = arith.addi %mul3A_1276, %add3A_1277 : i32
    %mul3A_1279 = arith.constant 128 : i32
    %mul3A_1280 = arith.muli %add3A_1278, %mul3A_1279 : i32
    "tpu.region"() ({
      %run_scoped3A = tpu.sem_alloc : memref<!tpu.dma_semaphore, #tpu.memory_space<semaphore_mem>>
      %dma_start3A_1281 = tpu.memref_slice %arg5[%mul3A_1280] : memref<16384xf32, #tpu.memory_space<hbm>> -> memref<128xf32, #tpu.memory_space<hbm>>
      %dma_start3A_1282 = tpu.memref_slice %arg5[%mul3A_1280] : memref<16384xf32, #tpu.memory_space<hbm>> -> memref<128xf32, #tpu.memory_space<hbm>>
      tpu.enqueue_dma source(%arg10 : memref<128xf32, #tpu.memory_space<vmem>>) target(%dma_start3A_1282 : memref<128xf32, #tpu.memory_space<hbm>>) target_semaphore(%run_scoped3A : memref<!tpu.dma_semaphore, #tpu.memory_space<semaphore_mem>>)
      %dma_wait3A_1283 = tpu.memref_slice %arg5[%mul3A_1280] : memref<16384xf32, #tpu.memory_space<hbm>> -> memref<128xf32, #tpu.memory_space<hbm>>
      %dma_wait3A_1284 = tpu.memref_slice %arg5[%mul3A_1280] : memref<16384xf32, #tpu.memory_space<hbm>> -> memref<128xf32, #tpu.memory_space<hbm>>
      tpu.wait_dma2 semaphore(%run_scoped3A : memref<!tpu.dma_semaphore, #tpu.memory_space<semaphore_mem>>) src(%arg10 : memref<128xf32, #tpu.memory_space<vmem>>) dst(%dma_wait3A_1284 : memref<128xf32, #tpu.memory_space<hbm>>)
      tpu.yield
    }) : () -> ()
    return
  }
}

module attributes {stable_mosaic.version = 14 : i64} {
  func.func @_matvec_body(%arg0: i32, %arg1: memref<32x65536xf32, #tpu.memory_space<vmem>>, %arg2: memref<32x128xf32, #tpu.memory_space<vmem>>, %arg3: memref<65536xf32, #tpu.memory_space<vmem>>) attributes {dimension_semantics = [#tpu.dimension_semantics<arbitrary>], iteration_bounds = array<i64: 16>, scalar_prefetch = 0 : i64, scratch_operands = 0 : i64, tpu.core_type = #tpu.core_type<tc>, window_params = [{transform_indices = @transform_0, window_bounds = array<i64: 32, 65536>}, {pipeline_mode = #tpu.pipeline_mode<synchronous>, transform_indices = @transform_1, window_bounds = array<i64: 32, 128>}, {transform_indices = @transform_2, window_bounds = array<i64: 65536>}]} {
    %get3A = arith.constant 0 : index
    %get3A_0 = arith.constant 0 : index
    %get3A_1 = vector.load %arg1[%get3A, %get3A_0] : memref<32x65536xf32, #tpu.memory_space<vmem>>, vector<32x65536xf32>
    %get3A_2 = arith.constant 0 : index
    %get3A_3 = arith.constant 0 : index
    %get3A_4 = vector.load %arg2[%get3A_2, %get3A_3] : memref<32x128xf32, #tpu.memory_space<vmem>>, vector<32x1xf32>
    %mul3A = vector.broadcast %get3A_4 : vector<32x1xf32> to vector<32x65536xf32>
    %mul3A_5 = arith.mulf %get3A_1, %mul3A : vector<32x65536xf32>
    %reduce_sum3A = arith.constant dense<0.000000e+00> : vector<65536xf32>
    %reduce_sum3A_6 = vector.multi_reduction <add>, %mul3A_5, %reduce_sum3A [0] : vector<32x65536xf32> to vector<65536xf32>
    %swap3A = arith.constant 0 : index
    %swap3A_7 = vector.load %arg3[%swap3A] : memref<65536xf32, #tpu.memory_space<vmem>>, vector<65536xf32>
    tpu.vector_store %arg3[%swap3A], %reduce_sum3A_6 {strides = array<i32>} : memref<65536xf32, #tpu.memory_space<vmem>>, vector<65536xf32>,
    return
  }
  func.func @transform_0(%arg0: i32) -> (i32, i32) {
    %c0_i32 = arith.constant 0 : i32
    %c0_i32_0 = arith.constant 0 : i32
    return %c0_i32, %arg0 : i32, i32
  }
  func.func @transform_1(%arg0: i32) -> (i32, i32) {
    %c0_i32 = arith.constant 0 : i32
    %c0_i32_0 = arith.constant 0 : i32
    %c0_i32_1 = arith.constant 0 : i32
    return %c0_i32, %c0_i32_0 : i32, i32
  }
  func.func @transform_2(%arg0: i32) -> i32 {
    %c0_i32 = arith.constant 0 : i32
    return %arg0 : i32
  }
}

</mosaic_0001>

<sc_bundles>
// kernel: kernel.4.cloned.1.call-start
scs
__scs_entry_jumppad:
0x0: {  	(pc) =	sbr.rel $0x88, $3  }
0x1: {  	(tag) =	ssettag $0x0;
	lr =	simm.s32 $0x1  }
0x2: {  	[smem:$0x3F9D] =	sst lr;
	_ =	strace $0xD0000000  }
0x3: {  	_ = 	snop  }
0x4: {  	_ = 	snop  }
0x5: {  	_ = 	snop  }
0x6: {  	_ = 	snop  }
0x7: {  	_ = 	snop  }
__scs_overlays_trampoline_lowered:
0x8: {  	[smem:$0x3FAC] =	sst s0  }
0x9: {  	[smem:$0x3FAD] =	sst s1  }
0xa: {  	[smem:$0x3FAE] =	sst s2  }
0xb: {  	[smem:$0x3FAF] =	sst s3  }
0xc: {  	[smem:$0x3FB0] =	sst s4  }
0xd: {  	[smem:$0x3FB1] =	sst s5  }
0xe: {  	[smem:$0x3FB2] =	sst s6  }
0xf: {  	[smem:$0x3FB3] =	sst s7  }
0x10: {  	[smem:$0x3FB4] =	sst s8  }
0x11: {  	[smem:$0x3FB5] =	sst s9;
	s0 =	simm.s32 @!p0 $0x0  }
0x12: {  	s1 =	sld [smem:$0x3F9B];
	s0 =	simm.s32 @p0 $0x1  }
0x13: {  	[smem:$0x3FB6] =	sst s0;
	s0 =	simm.s32 @!p1 $0x0  }
0x14: {  	s2 =	sld [smem:$0x3F9A];
	s0 =	simm.s32 @p1 $0x1  }
0x15: {  	[smem:$0x3FB7] =	sst s0;
	s0 =	simm.s32 @!p2 $0x0  }
0x16: {  	s3 =	sld [smem:$0x3FDB];
	s0 =	simm.s32 @p2 $0x1  }
0x17: {  	s4 =	simm.s32 $0x1BF5;
	[smem:$0x3FB9] =	sst s0  }
0x18: {  	s0 =	sld [smem:$0x3F9C];
	_ =	swait.ge [sflag:s4], $0x0  }
0x19: {  	s7 =	sld [smem:$0x3F9D]  }
0x1a: {  	s8 =	sadd.s32 $0xFFFFE003, lr  }
0x1b: {  	s9 =	sadd.s32 $0xFFFFFEF7, lr;
	s5 =	simm.s32 $0xFFFFFFFF;
	p2 =	slt.u32 s8, $0xFFFFF086  }
0x1c: {  	p1 =	slt.u32 s9, $0xF7A;
	s5 =	simm.s32 @!p2 $0x0  }
0x1d: {  	s5 =	simm.s32 @p1 $0x1;
	p0 =	seq.s32 s7, s2  }
0x1e: {  	s7 =	smul.u32 @!p0 $0xF7A, s2;
	p2 =	seq.s32 @!p0 s5, $0x0  }
0x1f: {  	s9 =	smul.u32 $0xF7A, s1;
	s8 =	simm.s32 @!p0 $0x1BF5;
	p2 =	por !p2, p0  }
0x20: {  	[sflag:s8] =	ssyncset.s32 @!p0 $0xFFFFF086;
	s6 =	sadd.s32 @!p0 s3, s7;
	s7 =	simm.s32 @!p0 $0x108  }
0x21: {  	s3 =	sadd.s32 s3, s9;
	s6 =	sadd.s32 @!p0 $0x88, s6;
	s7 =	simm.s32 @p2 $0x1082  }
0x22: {  	[simem:s7], [sflag:s8] =	dma.local @!p0 [hbm:s6], $0xF7A  }
0x23: {  	s9 =	sor.u32 $0xD0000000, s2;
	s6 =	simm.s32 $0x108;
	_ =	swait.ge @!p0 [sflag:s8], $0x0  }
0x24: {  	s3 =	sadd.s32 $0x88, s3;
	s6 =	simm.s32 @!p1 $0x1082;
	[sflag:s4] =	ssyncset.s32 $0xFFFFF086  }
0x25: {  	[simem:s6], [sflag:s4] =	dma.local [hbm:s3], $0xF7A  }
0x26: {  	[smem:$0x3F9D] =	sst s1;
	(tag) =	ssettag s2;
	_ =	strace s9  }
0x27: {  	s1 =	sld [smem:$0x3FAD]  }
0x28: {  	s2 =	sld [smem:$0x3FAE]  }
0x29: {  	s4 =	sld [smem:$0x3FB0]  }
0x2a: {  	p0 =	seq.s32 s5, $0x0;
	s5 =	sld [smem:$0x3FB1]  }
0x2b: {  	s6 =	sld [smem:$0x3FB2]  }
0x2c: {  	s7 =	sld [smem:$0x3FB3]  }
0x2d: {  	s3 =	simm.s32 $0x108;
	s8 =	sld [smem:$0x3FB4]  }
0x2e: {  	s3 =	simm.s32 @!p0 $0x1082;
	s9 =	sld [smem:$0x3FB5]  }
0x2f: {  	lr =	sadd.s32 s0, s3;
	s0 =	sld [smem:$0x3FAC]  }
0x30: {  	s3 =	sld [smem:$0x3FAF]  }
0x31: {  	[smem:$0x3FB8] =	sst s10  }
0x32: {  	s10 =	sld [smem:$0x3FB6];
	_ =	sdelay $0x3  }
0x33: {  	p0 =	seq.s32 s10, $0x1;
	s10 =	sld [smem:$0x3FB8];
	_ =	sdelay $0x3  }
0x34: {  	[smem:$0x3FB8] =	sst s10  }
0x35: {  	s10 =	sld [smem:$0x3FB7];
	_ =	sdelay $0x3  }
0x36: {  	p1 =	seq.s32 s10, $0x1;
	s10 =	sld [smem:$0x3FB8];
	_ =	sdelay $0x3  }
0x37: {  	[smem:$0x3FB8] =	sst s10  }
0x38: {  	s10 =	sld [smem:$0x3FB9]  }
0x39: {  	_ = 	snop;
	(pc) =	sbr.ind lr, $3  }
0x3a: {  	_ = 	snop  }
0x3b: {  	_ = 	snop  }
0x3c: {  	p2 =	seq.s32 s10, $0x1;
	s10 =	sld [smem:$0x3FB8]  }
0x3d: {  	_ =	shalt  }
0x3e: {  	_ =	shalt  }
0x3f: {  	_ =	shalt  }
0x40: {  	_ =	shalt  }
0x41: {  	_ =	shalt  }
0x42: {  	_ =	shalt  }
0x43: {  	_ =	shalt  }
0x44: {  	_ =	shalt  }
0x45: {  	_ =	shalt  }
0x46: {  	_ =	shalt  }
0x47: {  	_ =	shalt  }
0x48: {  	_ =	shalt  }
0x49: {  	_ =	shalt  }
0x4a: {  	_ =	shalt  }
0x4b: {  	_ =	shalt  }
0x4c: {  	_ =	shalt  }
0x4d: {  	_ =	shalt  }
0x4e: {  	_ =	shalt  }
0x4f: {  	_ =	shalt  }
0x50: {  	_ =	shalt  }
0x51: {  	_ =	shalt  }
0x52: {  	_ =	shalt  }
0x53: {  	_ =	shalt  }
0x54: {  	_ =	shalt  }
0x55: {  	_ =	shalt  }
0x56: {  	_ =	shalt  }
0x57: {  	_ =	shalt  }
0x58: {  	_ =	shalt  }
0x59: {  	_ =	shalt  }
0x5a: {  	_ =	shalt  }
0x5b: {  	_ =	shalt  }
0x5c: {  	_ =	shalt  }
0x5d: {  	_ =	shalt  }
0x5e: {  	_ =	shalt  }
0x5f: {  	_ =	shalt  }
0x60: {  	_ =	shalt  }
0x61: {  	_ =	shalt  }
0x62: {  	_ =	shalt  }
0x63: {  	_ =	shalt  }
0x64: {  	_ =	shalt  }
0x65: {  	_ =	shalt  }
0x66: {  	_ =	shalt  }
0x67: {  	_ =	shalt  }
0x68: {  	_ =	shalt  }
0x69: {  	_ =	shalt  }
0x6a: {  	_ =	shalt  }
0x6b: {  	_ =	shalt  }
0x6c: {  	_ =	shalt  }
0x6d: {  	_ =	shalt  }
0x6e: {  	_ =	shalt  }
0x6f: {  	_ =	shalt  }
0x70: {  	_ =	shalt  }
0x71: {  	_ =	shalt  }
0x72: {  	_ =	shalt  }
0x73: {  	_ =	shalt  }
0x74: {  	_ =	shalt  }
0x75: {  	_ =	shalt  }
0x76: {  	_ =	shalt  }
0x77: {  	_ =	shalt  }
0x78: {  	_ =	shalt  }
0x79: {  	_ =	shalt  }
0x7a: {  	_ =	shalt  }
0x7b: {  	_ =	shalt  }
0x7c: {  	_ =	shalt  }
0x7d: {  	_ =	shalt  }
0x7e: {  	_ =	shalt  }
0x7f: {  	_ =	shalt  }
0x80: {  	_ =	shalt  }
0x81: {  	_ =	shalt  }
0x82: {  	_ =	shalt  }
0x83: {  	_ =	shalt  }
0x84: {  	_ =	shalt  }
0x85: {  	_ =	shalt  }
0x86: {  	_ =	shalt  }
0x87: {  	_ =	shalt  }
.Lfunc_end0:
.L_simem_size_0:
called_computation_lowered:
.L_overlay_start_0:
0x88: {  	s2 =	sld [smem:$0x3FD9]  }
0x89: {  	s3 =	sld [smem:$0x3FFE];
	_ =	sdelay $0x1  }
0x8a: {  	s1 =	srdreg.scid  }
0x8b: {  	s0 =	sand.u32 $0x1, s1  }
0x8c: {  	s17 =	sshll.u32 s0, $0xA;
	s2 =	sadd.s32 s3, s2  }
0x8d: {  	s2 =	sadd.s32 s2, s17  }
0x8e: {  	[smem:$0x3FC4] =	sst s2  }
0x8f: {  	_ = 	snop  }
0x90: {  	s2 =	sld [smem:$0x3FC9]  }
0x91: {  	s18 =	sld [smem:$0x3FD0];
	(tm) =	ssettm $0x1  }
0x92: {  	s4 =	sld [smem:$0x3FFB];
	_ =	sdelay $0x3  }
0x93: {  	_ =	strace s4  }
0x94: {  	s4 =	sld [smem:$0x3FFC];
	_ =	sdelay $0x3  }
0x95: {  	_ =	strace s4  }
0x96: {  	s4 =	sld [smem:$0x3FFD];
	_ =	sdelay $0x3  }
0x97: {  	_ =	strace s4  }
0x98: {  	_ =	strace $0x8FFFFFFF  }
0x99: {  	s19 =	sld [smem:$0x3FDB];
	_ =	sdelay $0x1  }
0x9a: {  	s5 =	simm.s32 $_scs_section_size  }
0x9b: {  	s6 =	simm.s32 $_size__tile_overlayer_lowered;
	s7 =	simm.s32 $_tile_overlayer_lowered  }
0x9c: {  	s22 =	simm.s32 $0x1BFF;
	s21 =	sshll.u32 s7, $0x1;
	s4 =	sadd.s32 s5, s19  }
0x9d: {  	s8 =	simm.s32 $0x0;
	s20 =	sshll.u32 s6, $0x1;
	s6 =	sadd.s32 s21, s4  }
0x9e: {  	[timem:s8], [sflag:s22] =	dma.local [hbm:s6], s20  }
0x9f: {  	_ =	swait.ge [sflag:s22], s20  }
0xa0: {  	s5 =	ssub.s32 $0x0, s20;
	[sflag:s22] =	ssyncset.done $0x0  }
0xa1: {  	[sflag:s22] =	ssyncadd.s32 s5;
	_ =	sdelay $0x1  }
0xa2: {  	s23 =	simm.s32 $0x1B8B  }
0xa3: {  	_ =	swait.ge [sflag:s23], $0x1  }
0xa4: {  	[sflag:s23] =	ssyncset.done $0x0  }
0xa5: {  	s25 =	simm.s32 $0x1B8E;
	s24 =	sld [smem:$0x3FFE];
	[sflag:s23] =	ssyncadd.s32 $0xFFFFFFFF  }
0xa6: {  	s26 =	simm.s32 $execute0_lowered;
	[smem:$0x3FD2] =	sst s25  }
0xa7: {  	s6 =	sshll.u32 s26, $0x1;
	_ =	strace $0x80000046;
	[dreg:$0x1] =	wrdreg $0xFFFFFFFF  }
0xa8: {  	s28 =	simm.s32 $_size_execute0_lowered;
	s4 =	sadd.s32 s4, s6;
	[dreg:$0x0] =	wrdreg $0x0  }
0xa9: {  	s6 =	sshll.u32 s28, $0x1;
	[dreg:$0x2] =	wrdreg s4  }
0xaa: {  	[dreg:$0x3] =	wrdreg s6  }
0xab: {  	[dreg:$0x4] =	wrdreg $0xC0  }
0xac: {  	_ =	task [dreg:s8], $0x5FFFF  }
0xad: {  	[dreg:$0x1] =	wrdreg $0xFFFFFFFF  }
0xae: {  	[dreg:$0x0] =	wrdreg $0x60  }
0xaf: {  	[dreg:$0x2] =	wrdreg s2  }
0xb0: {  	[dreg:$0x3] =	wrdreg s24  }
0xb1: {  	[dreg:$0x4] =	wrdreg s18  }
0xb2: {  	[dreg:$0x5] =	wrdreg $0xC9000  }
0xb3: {  	[dreg:$0x6] =	wrdreg $0x9  }
0xb4: {  	_ =	task.clear_ibuf [dreg:s8], $0x7FFFF;
	_ =	strace $0x90000046  }
0xb5: {  	s29 =	simm.s32 $0x9;
	_ =	strace $0x80000048  }
0xb6: {  	_ =	swait.ge [sflag:s29], $0x1  }
0xb7: {  	[sflag:s29] =	ssyncadd.s32 $0xFFFFFFFF  }
0xb8: {  	_ =	strace $0x90000048  }
0xb9: {  	_ =	sfence  }
0xba: {  	s30 =	sld [smem:$0x0];
	_ =	sdelay $0x2  }
0xbb: {  	s31 =	sshll.u32 s1, $0xD;
	s1 =	sshrl.u32 s1, $0x2  }
0xbc: {  	s3 =	sand.u32 $0x4000, s31;
	s1 =	sadd.s32 s1, s30  }
0xbd: {  	s0 =	sor.u32 s3, s0;
	s1 =	sshll.u32 s1, $0x11  }
0xbe: {  	s0 =	sor.u32 s1, s0  }
0xbf: {  	s0 =	sadd.s32 $0x8F2B, s0  }
0xc0: {  	[sflag:s0] =	ssyncadd.remote.s32 $0x1  }
0xc1: {  	_ =	sfence.sel $0xFFFF  }
0xc2: {  	[dreg:$0x0] =	wrdreg $0xFFFFFFFF;
	(pc) =	sbr.abs _section_cstart, $3  }
0xc3: {  	[dreg:$0x1] =	wrdreg $0xFFFFFFFF  }
0xc4: {  	_ =	task.clear_ibuf [dreg:s8], $0x2FFFF;
	_ =	strace $0x9FFFFFFF  }
0xc5: {  	(tm) =	ssettm $0x7FFFFFFF  }
tec
execute0_lowered:
.L_overlay_start_1:
0x0: {  	(tag) =	ssettag $0x1  }
0x1: {  	s0 =	rddreg [dreg:$0x0]  }
0x2: {  	s2 =	rddreg [dreg:$0x1]  }
0x3: {  	s4 =	rddreg [dreg:$0x2]  }
0x4: {  	s1 =	rddreg [dreg:$0x3];
	s3 =	simm.s32 $0x0  }
0x5: {  	s5 =	srdreg.scid;
	s10 =	stileid.u32;
	s28 =	simm.s32 $0x3400  }
0x6: {  	s29 =	simm.s32 $0x9400;
	s30 =	simm.s32 $0x1;
	s31 =	simm.s32 $0x2  }
0x7: {  	[smem:$0x7FF] =	sst s3;
	s5 =	sand.u32 $0x1, s5;
	s6 =	sshll.u32 s10, $0xD  }
0x8: {  	s7 =	sshll.u32 s10, $0x3;
	s22 =	sadd.s32 $0x30000, s0;
	s23 =	sshll.u32 s10, $0x10  }
0x9: {  	_ =	strace $0x80000047;
	s8 =	sshll.u32 s5, $0x2;
	s9 =	sadd.s32 s6, s2  }
0xa: {  	s5 =	ssub.s32 $0x2, s5;
	s2 =	sadd.s32 $0x20600, s2;
	s12 =	sor.u32 s8, s7  }
0xb: {  	[dreg:$0x5] =	wrdreg s2;
	s19 =	sshrl.u32 s5, $0x1;
	s7 =	sadd.s32 $0x600, s9  }
0xc: {  	s20 =	sshll.u32 s12, $0x7;
	s2 =	ssub.s32 s5, s19;
	s13 =	sor.u32 $0x1, s12  }
0xd: {  	s19 =	sadd.s32 s23, s1;
	s25 =	sshll.u32 s12, $0x4;
	s15 =	sor.u32 $0x2, s12  }
0xe: {  	s16 =	sor.u32 $0x3, s12;
	s23 =	simm.s32 $0x3000;
	s21 =	sadd.s32 s0, s20  }
0xf: {  	s6 =	sadd.s32 s20, s22;
	s24 =	sshll.u32 s13, $0x7;
	s10 =	sadd.s32 s4, s25  }
0x10: {  	s14 =	sshll.u32 s15, $0x7;
	s13 =	sshll.u32 s13, $0x4;
	s17 =	sshll.u32 s16, $0x7  }
0x11: {  	s26 =	sshll.u32 s15, $0x4;
	s18 =	sshll.u32 s16, $0x4;
	s20 =	simm.s32 $0x4  }
0x12: {  	s25 =	simm.s32 $0x3;
	[dreg:$0x6] =	wrdreg s21;
	s8 =	sadd.s32 s0, s24  }
0x13: {  	s9 =	sadd.s32 s24, s22;
	s11 =	sadd.s32 s0, s14;
	s12 =	sadd.s32 s14, s22  }
0x14: {  	s13 =	sadd.s32 s4, s13;
	s14 =	sadd.s32 s0, s17;
	s15 =	sadd.s32 s17, s22  }
0x15: {  	s16 =	sadd.s32 s4, s26;
	s17 =	sadd.s32 s4, s18;
	s18 =	smax.u32 s2, $0x1  }
0x16: {  	s21 =	simm.s32 $0x400;
	s22 =	simm.s32 $0x20000;
	s24 =	sshrl.u32 s19, $0x3  }
0x17: {  	s26 =	simm.s32 $0x6400;
	s0 =	simm.s32 $0xC800;
	s19 =	simm.s32 $0x0  }
.LBB2_1:
0x18: {  	s2 =	rddreg [dreg:$0x5];
	s4 =	simm.s32 $0xC880  }
0x19: {  	[tilespmem:s4], [sflag:$0x4] =	stream.linear.gather [hbm4b:s2+s3], $0x80, $0x38;
	[tilespmem:$0x1C900] =	vst v63  }
0x1a: {  	_ =	swait.ge [sflag:s20], $0x80  }
0x1b: {  	s4 =	stileid.u32;
	[sflag:s20] =	ssyncset.done $0x0  }
0x1c: {  	s2 =	sshll.u32 s4, $0x6;
	s5 =	rddreg [dreg:$0x6];
	[sflag:s20] =	ssyncadd.s32 $0xFFFFFF80  }
0x1d: {  	v0 =	vld [tilespmem:$0xC880];
	[tilespmem:s3], [sflag:$0x3] =	stream.strided.gather [hbm4b:s5+s21], $0x3000, s22, s21, $0x38  }
0x1e: {  	s2 =	sor.u32 $0x1C04, s2  }
0x1f: {  	[tilespmem:s23], [sflag:$0x3] =	stream.strided.gather [hbm4b:s6+s21], $0x3400, s22, s21, $0x38;
	[tilespmem:$0x1C900] =	vst v63  }
0x20: {  	[spmem:s24], [sflag:s2] =	dma.local [hbm:s7], $0x2000  }
0x21: {  	_ =	swait.ge [sflag:s20], $0x2000  }
0x22: {  	[sflag:s20] =	ssyncset.done $0x0  }
0x23: {  	[sflag:s20] =	ssyncadd.s32 $0xFFFFE000  }
0x24: {  	[bflag:$0x0] =	sbarrier.arrive $0xFFFF  }
0x25: {  	_ =	swait.ge [sflag:s25], $0x3000  }
0x26: {  	[sflag:s25] =	ssyncset.done $0x0  }
0x27: {  	[sflag:s25] =	ssyncadd.s32 $0xFFFFD000  }
0x28: {  	[tilespmem:s26], [sflag:$0x1] =	stream.indirect.gather [spmem:s1], $0x1, s3, s23, $0xb8;
	[tilespmem:$0x1C900] =	vst v63  }
0x29: {  	_ =	swait.ge [sflag:s25], $0x3400  }
0x2a: {  	[sflag:s25] =	ssyncset.done $0x0  }
0x2b: {  	[sflag:s25] =	ssyncadd.s32 $0xFFFFCC00  }
0x2c: {  	[tilespmem:s29], [sflag:$0x2] =	stream.indirect.gather [spmem:s1], $0x1, s23, s28, $0xb8;
	[tilespmem:$0x1C900] =	vst v63  }
0x2d: {  	_ =	swait.ge [sflag:s30], $0x3000  }
0x2e: {  	[sflag:s30] =	ssyncset.done $0x0  }
0x2f: {  	[sflag:s30] =	ssyncadd.s32 $0xFFFFD000  }
0x30: {  	_ =	swait.ge [sflag:s31], $0x3400  }
0x31: {  	[sflag:s31] =	ssyncset.done $0x0  }
0x32: {  	[sflag:s31] =	ssyncadd.s32 $0xFFFFCC00  }
0x33: {  	[tilespmem:s3], [sflag:$0x3] =	stream.strided.gather [hbm4b:s8+s21], $0x3000, s22, s21, $0x38;
	[tilespmem:$0x1C900] =	vst v63  }
0x34: {  	s5 =	simm.s32 $0x0  }
0x35: {  	[tilespmem:s23], [sflag:$0x3] =	stream.strided.gather [hbm4b:s9+s21], $0x3400, s22, s21, $0x38;
	[tilespmem:$0x1C900] =	vst v63  }
0x36: {  	v1 =	vld [tilespmem:s5+$0x6400];
	_ =	sdelay $0x2  }
0x37: {  	v3 =	vld [tilespmem:s5+$0x6480]  }
0x38: {  	v2 =	vimm.f32 $0.0e+00  }
0x39: {  	v4 =	vadd.f32 v1, v2;
	v2 =	vld [tilespmem:s5+$0x6500];
	_ =	sdelay $0x1  }
0x3a: {  	v1 =	vld [tilespmem:s5+$0x6580]  }
0x3b: {  	s4 =	simm.s32 $0x1000;
	s2 =	simm.s32 $0x200;
	v3 =	vadd.f32 v3, v4  }
.LBB2_2:
0x3c: {  	p0 =	sne.s32 s4, $0xB800;
	v4 =	vld [tilespmem:s2+$0x6400]  }
0x3d: {  	v2 =	vadd.f32 v2, v3  }
0x3e: {  	v3 =	vld [tilespmem:s2+$0x6480]  }
.Ltmp0:
0x3f: {  	v1 =	vadd.f32 v1, v2;
	(pc) =	sbr.rel @p0 .LBB2_2-.Ltmp0, $4  }
0x40: {  	v2 =	vld [tilespmem:s2+$0x6500]  }
0x41: {  	v4 =	vadd.f32 v4, v1  }
0x42: {  	v1 =	vld [tilespmem:s2+$0x6580]  }
0x43: {  	s2 =	sshra.s32 s4, $0x2;
	s4 =	sadd.s32 $0x800, s4;
	v3 =	vadd.f32 v3, v4  }
0x44: {  	v4 =	vld [tilespmem:s2+$0x6400]  }
0x45: {  	v2 =	vadd.f32 v2, v3  }
0x46: {  	v3 =	vld [tilespmem:s2+$0x6480]  }
0x47: {  	v1 =	vadd.f32 v1, v2  }
0x48: {  	v2 =	vld [tilespmem:s2+$0x6500]  }
0x49: {  	v1 =	vadd.f32 v4, v1  }
0x4a: {  	v4 =	vld [tilespmem:s2+$0x6580]  }
0x4b: {  	s5 =	simm.s32 $0x0;
	v1 =	vadd.f32 v3, v1  }
0x4c: {  	v3 =	vld [tilespmem:s5+$0x9400]  }
0x4d: {  	v1 =	vadd.f32 v2, v1  }
0x4e: {  	v5 =	vld [tilespmem:s5+$0x9480]  }
0x4f: {  	v1 =	vadd.f32 v4, v1  }
0x50: {  	v2 =	vld [tilespmem:s5+$0x9500]  }
0x51: {  	v3 =	vadd.f32 v3, v1  }
0x52: {  	v1 =	vld [tilespmem:s5+$0x9580]  }
0x53: {  	s4 =	simm.s32 $0x1000;
	s2 =	simm.s32 $0x200;
	v3 =	vadd.f32 v5, v3  }
.LBB2_4:
0x54: {  	p0 =	sne.s32 s4, $0xC800;
	v4 =	vld [tilespmem:s2+$0x9400]  }
0x55: {  	v2 =	vadd.f32 v2, v3  }
0x56: {  	v3 =	vld [tilespmem:s2+$0x9480]  }
.Ltmp1:
0x57: {  	v1 =	vadd.f32 v1, v2;
	(pc) =	sbr.rel @p0 .LBB2_4-.Ltmp1, $4  }
0x58: {  	v2 =	vld [tilespmem:s2+$0x9500]  }
0x59: {  	v4 =	vadd.f32 v4, v1  }
0x5a: {  	v1 =	vld [tilespmem:s2+$0x9580]  }
0x5b: {  	s2 =	sshra.s32 s4, $0x2;
	s4 =	sadd.s32 $0x800, s4;
	v3 =	vadd.f32 v3, v4  }
0x5c: {  	v4 =	vld [tilespmem:s2+$0x9400]  }
0x5d: {  	v2 =	vadd.f32 v2, v3  }
0x5e: {  	v3 =	vld [tilespmem:s2+$0x9480]  }
0x5f: {  	v1 =	vadd.f32 v1, v2  }
0x60: {  	v2 =	vld [tilespmem:s2+$0x9500]  }
0x61: {  	v1 =	vadd.f32 v4, v1  }
0x62: {  	v4 =	vld [tilespmem:s2+$0x9580]  }
0x63: {  	v1 =	vadd.f32 v3, v1;
	_ =	sdelay $0x1  }
0x64: {  	v1 =	vadd.f32 v2, v1  }
0x65: {  	v2 =	vld [tilespmem:$0x6400]  }
0x66: {  	v1 =	vadd.f32 v4, v1  }
0x67: {  	v3 =	vld [tilespmem:$0xC780]  }
0x68: {  	v1 =	vmul.f32 $3.000000000e+00, v1;
	_ =	sdelay $0x1  }
0x69: {  	v1 =	vsub.f32 v1, v2;
	_ =	sdelay $0x1  }
0x6a: {  	v1 =	vsub.f32 v1, v3;
	_ =	sdelay $0x1  }
0x6b: {  	v1 =	vmul.f32 $2.506265650e-03, v1;
	_ =	sdelay $0x1  }
0x6c: {  	v1 =	vadd.f32 v1, v0;
	_ =	sdelay $0x1  }
0x6d: {  	s2 =	simm.s32 $0x0;
	[tilespmem:$0xC800] =	vst v1  }
0x6e: {  	v1 =	vld [tilespmem:s2+$0x6410];
	_ =	sdelay $0x2  }
0x6f: {  	v3 =	vld [tilespmem:s2+$0x6490]  }
0x70: {  	v2 =	vimm.f32 $0.0e+00  }
0x71: {  	v4 =	vadd.f32 v1, v2;
	v2 =	vld [tilespmem:s2+$0x6510];
	_ =	sdelay $0x1  }
0x72: {  	v1 =	vld [tilespmem:s2+$0x6590]  }
0x73: {  	s4 =	simm.s32 $0x200;
	s5 =	simm.s32 $0x1000;
	v3 =	vadd.f32 v3, v4  }
.LBB2_6:
0x74: {  	p0 =	sne.s32 s5, $0xB800;
	v4 =	vld [tilespmem:s4+$0x6410]  }
0x75: {  	v2 =	vadd.f32 v2, v3  }
0x76: {  	v3 =	vld [tilespmem:s4+$0x6490]  }
.Ltmp2:
0x77: {  	v1 =	vadd.f32 v1, v2;
	(pc) =	sbr.rel @p0 .LBB2_6-.Ltmp2, $4  }
0x78: {  	v2 =	vld [tilespmem:s4+$0x6510]  }
0x79: {  	v4 =	vadd.f32 v4, v1  }
0x7a: {  	v1 =	vld [tilespmem:s4+$0x6590]  }
0x7b: {  	s4 =	sshra.s32 s5, $0x2;
	s5 =	sadd.s32 $0x800, s5;
	v3 =	vadd.f32 v3, v4  }
0x7c: {  	v4 =	vld [tilespmem:s4+$0x6410]  }
0x7d: {  	v2 =	vadd.f32 v2, v3  }
0x7e: {  	v3 =	vld [tilespmem:s4+$0x6490]  }
0x7f: {  	v1 =	vadd.f32 v1, v2  }
0x80: {  	v2 =	vld [tilespmem:s4+$0x6510]  }
0x81: {  	v1 =	vadd.f32 v4, v1  }
0x82: {  	v4 =	vld [tilespmem:s4+$0x6590]  }
0x83: {  	v1 =	vadd.f32 v3, v1  }
0x84: {  	v3 =	vld [tilespmem:s2+$0x9410]  }
0x85: {  	v1 =	vadd.f32 v2, v1  }
0x86: {  	v5 =	vld [tilespmem:s2+$0x9490]  }
0x87: {  	v1 =	vadd.f32 v4, v1  }
0x88: {  	v2 =	vld [tilespmem:s2+$0x9510]  }
0x89: {  	v3 =	vadd.f32 v3, v1  }
0x8a: {  	v1 =	vld [tilespmem:s2+$0x9590]  }
0x8b: {  	s4 =	simm.s32 $0x1000;
	s2 =	simm.s32 $0x200;
	v3 =	vadd.f32 v5, v3  }
.LBB2_8:
0x8c: {  	p0 =	sne.s32 s4, $0xC800;
	v4 =	vld [tilespmem:s2+$0x9410]  }
0x8d: {  	v2 =	vadd.f32 v2, v3  }
0x8e: {  	v3 =	vld [tilespmem:s2+$0x9490]  }
.Ltmp3:
0x8f: {  	v1 =	vadd.f32 v1, v2;
	(pc) =	sbr.rel @p0 .LBB2_8-.Ltmp3, $4  }
0x90: {  	v2 =	vld [tilespmem:s2+$0x9510]  }
0x91: {  	v4 =	vadd.f32 v4, v1  }
0x92: {  	v1 =	vld [tilespmem:s2+$0x9590]  }
0x93: {  	s2 =	sshra.s32 s4, $0x2;
	s4 =	sadd.s32 $0x800, s4;
	v3 =	vadd.f32 v3, v4  }
0x94: {  	v4 =	vld [tilespmem:s2+$0x9410]  }
0x95: {  	v2 =	vadd.f32 v2, v3  }
0x96: {  	v3 =	vld [tilespmem:s2+$0x9490]  }
0x97: {  	v1 =	vadd.f32 v1, v2  }
0x98: {  	v2 =	vld [tilespmem:s2+$0x9510]  }
0x99: {  	v1 =	vadd.f32 v4, v1  }
0x9a: {  	v4 =	vld [tilespmem:s2+$0x9590]  }
0x9b: {  	v1 =	vadd.f32 v3, v1;
	_ =	sdelay $0x1  }
0x9c: {  	v1 =	vadd.f32 v2, v1  }
0x9d: {  	v2 =	vld [tilespmem:$0x6410]  }
0x9e: {  	v1 =	vadd.f32 v4, v1  }
0x9f: {  	v3 =	vld [tilespmem:$0xC790]  }
0xa0: {  	v1 =	vmul.f32 $3.000000000e+00, v1;
	_ =	sdelay $0x1  }
0xa1: {  	v1 =	vsub.f32 v1, v2;
	_ =	sdelay $0x1  }
0xa2: {  	v1 =	vsub.f32 v1, v3;
	_ =	sdelay $0x1  }
0xa3: {  	v1 =	vmul.f32 $2.506265650e-03, v1;
	_ =	sdelay $0x1  }
0xa4: {  	v1 =	vadd.f32 v1, v0;
	_ =	sdelay $0x1  }
0xa5: {  	s2 =	simm.s32 $0x0;
	[tilespmem:$0xC810] =	vst v1  }
0xa6: {  	v1 =	vld [tilespmem:s2+$0x6420];
	_ =	sdelay $0x2  }
0xa7: {  	v3 =	vld [tilespmem:s2+$0x64A0]  }
0xa8: {  	v2 =	vimm.f32 $0.0e+00  }
0xa9: {  	v4 =	vadd.f32 v1, v2;
	v2 =	vld [tilespmem:s2+$0x6520];
	_ =	sdelay $0x1  }
0xaa: {  	v1 =	vld [tilespmem:s2+$0x65A0]  }
0xab: {  	s4 =	simm.s32 $0x200;
	s5 =	simm.s32 $0x1000;
	v3 =	vadd.f32 v3, v4  }
.LBB2_10:
0xac: {  	p0 =	sne.s32 s5, $0xB800;
	v4 =	vld [tilespmem:s4+$0x6420]  }
0xad: {  	v2 =	vadd.f32 v2, v3  }
0xae: {  	v3 =	vld [tilespmem:s4+$0x64A0]  }
.Ltmp4:
0xaf: {  	v1 =	vadd.f32 v1, v2;
	(pc) =	sbr.rel @p0 .LBB2_10-.Ltmp4, $4  }
0xb0: {  	v2 =	vld [tilespmem:s4+$0x6520]  }
0xb1: {  	v4 =	vadd.f32 v4, v1  }
0xb2: {  	v1 =	vld [tilespmem:s4+$0x65A0]  }
0xb3: {  	s4 =	sshra.s32 s5, $0x2;
	s5 =	sadd.s32 $0x800, s5;
	v3 =	vadd.f32 v3, v4  }
0xb4: {  	v4 =	vld [tilespmem:s4+$0x6420]  }
0xb5: {  	v2 =	vadd.f32 v2, v3  }
0xb6: {  	v3 =	vld [tilespmem:s4+$0x64A0]  }
0xb7: {  	v1 =	vadd.f32 v1, v2  }
0xb8: {  	v2 =	vld [tilespmem:s4+$0x6520]  }
0xb9: {  	v1 =	vadd.f32 v4, v1  }
0xba: {  	v4 =	vld [tilespmem:s4+$0x65A0]  }
0xbb: {  	v1 =	vadd.f32 v3, v1  }
0xbc: {  	v3 =	vld [tilespmem:s2+$0x9420]  }
0xbd: {  	v1 =	vadd.f32 v2, v1  }
0xbe: {  	v5 =	vld [tilespmem:s2+$0x94A0]  }
0xbf: {  	v1 =	vadd.f32 v4, v1  }
0xc0: {  	v2 =	vld [tilespmem:s2+$0x9520]  }
0xc1: {  	v3 =	vadd.f32 v3, v1  }
0xc2: {  	v1 =	vld [tilespmem:s2+$0x95A0]  }
0xc3: {  	s4 =	simm.s32 $0x1000;
	s2 =	simm.s32 $0x200;
	v3 =	vadd.f32 v5, v3  }
.LBB2_12:
0xc4: {  	p0 =	sne.s32 s4, $0xC800;
	v4 =	vld [tilespmem:s2+$0x9420]  }
0xc5: {  	v2 =	vadd.f32 v2, v3  }
0xc6: {  	v3 =	vld [tilespmem:s2+$0x94A0]  }
.Ltmp5:
0xc7: {  	v1 =	vadd.f32 v1, v2;
	(pc) =	sbr.rel @p0 .LBB2_12-.Ltmp5, $4  }
0xc8: {  	v2 =	vld [tilespmem:s2+$0x9520]  }
0xc9: {  	v4 =	vadd.f32 v4, v1  }
0xca: {  	v1 =	vld [tilespmem:s2+$0x95A0]  }
0xcb: {  	s2 =	sshra.s32 s4, $0x2;
	s4 =	sadd.s32 $0x800, s4;
	v3 =	vadd.f32 v3, v4  }
0xcc: {  	v4 =	vld [tilespmem:s2+$0x9420]  }
0xcd: {  	v2 =	vadd.f32 v2, v3  }
0xce: {  	v3 =	vld [tilespmem:s2+$0x94A0]  }
0xcf: {  	v1 =	vadd.f32 v1, v2  }
0xd0: {  	v2 =	vld [tilespmem:s2+$0x9520]  }
0xd1: {  	v1 =	vadd.f32 v4, v1  }
0xd2: {  	v4 =	vld [tilespmem:s2+$0x95A0]  }
0xd3: {  	v1 =	vadd.f32 v3, v1;
	_ =	sdelay $0x1  }
0xd4: {  	v1 =	vadd.f32 v2, v1  }
0xd5: {  	v2 =	vld [tilespmem:$0x6420]  }
0xd6: {  	v1 =	vadd.f32 v4, v1  }
0xd7: {  	v3 =	vld [tilespmem:$0xC7A0]  }
0xd8: {  	v1 =	vmul.f32 $3.000000000e+00, v1;
	_ =	sdelay $0x1  }
0xd9: {  	v1 =	vsub.f32 v1, v2;
	_ =	sdelay $0x1  }
0xda: {  	v1 =	vsub.f32 v1, v3;
	_ =	sdelay $0x1  }
0xdb: {  	v1 =	vmul.f32 $2.506265650e-03, v1;
	_ =	sdelay $0x1  }
0xdc: {  	v1 =	vadd.f32 v1, v0;
	_ =	sdelay $0x1  }
0xdd: {  	s2 =	simm.s32 $0x0;
	[tilespmem:$0xC820] =	vst v1  }
0xde: {  	v1 =	vld [tilespmem:s2+$0x6430];
	_ =	sdelay $0x2  }
0xdf: {  	v3 =	vld [tilespmem:s2+$0x64B0]  }
0xe0: {  	v2 =	vimm.f32 $0.0e+00  }
0xe1: {  	v4 =	vadd.f32 v1, v2;
	v2 =	vld [tilespmem:s2+$0x6530];
	_ =	sdelay $0x1  }
0xe2: {  	v1 =	vld [tilespmem:s2+$0x65B0]  }
0xe3: {  	s4 =	simm.s32 $0x200;
	s5 =	simm.s32 $0x1000;
	v3 =	vadd.f32 v3, v4  }
.LBB2_14:
0xe4: {  	p0 =	sne.s32 s5, $0xB800;
	v4 =	vld [tilespmem:s4+$0x6430]  }
0xe5: {  	v2 =	vadd.f32 v2, v3  }
0xe6: {  	v3 =	vld [tilespmem:s4+$0x64B0]  }
.Ltmp6:
0xe7: {  	v1 =	vadd.f32 v1, v2;
	(pc) =	sbr.rel @p0 .LBB2_14-.Ltmp6, $4  }
0xe8: {  	v2 =	vld [tilespmem:s4+$0x6530]  }
0xe9: {  	v4 =	vadd.f32 v4, v1  }
0xea: {  	v1 =	vld [tilespmem:s4+$0x65B0]  }
0xeb: {  	s4 =	sshra.s32 s5, $0x2;
	s5 =	sadd.s32 $0x800, s5;
	v3 =	vadd.f32 v3, v4  }
0xec: {  	v4 =	vld [tilespmem:s4+$0x6430]  }
0xed: {  	v2 =	vadd.f32 v2, v3  }
0xee: {  	v3 =	vld [tilespmem:s4+$0x64B0]  }
0xef: {  	v1 =	vadd.f32 v1, v2  }
0xf0: {  	v2 =	vld [tilespmem:s4+$0x6530]  }
0xf1: {  	v1 =	vadd.f32 v4, v1  }
0xf2: {  	v4 =	vld [tilespmem:s4+$0x65B0]  }
0xf3: {  	v1 =	vadd.f32 v3, v1  }
0xf4: {  	v3 =	vld [tilespmem:s2+$0x9430]  }
0xf5: {  	v1 =	vadd.f32 v2, v1  }
0xf6: {  	v5 =	vld [tilespmem:s2+$0x94B0]  }
0xf7: {  	v1 =	vadd.f32 v4, v1  }
0xf8: {  	v2 =	vld [tilespmem:s2+$0x9530]  }
0xf9: {  	v3 =	vadd.f32 v3, v1  }
0xfa: {  	v1 =	vld [tilespmem:s2+$0x95B0]  }
0xfb: {  	s4 =	simm.s32 $0x1000;
	s2 =	simm.s32 $0x200;
	v3 =	vadd.f32 v5, v3  }
.LBB2_16:
0xfc: {  	p0 =	sne.s32 s4, $0xC800;
	v4 =	vld [tilespmem:s2+$0x9430]  }
0xfd: {  	v2 =	vadd.f32 v2, v3  }
0xfe: {  	v3 =	vld [tilespmem:s2+$0x94B0]  }
.Ltmp7:
0xff: {  	v1 =	vadd.f32 v1, v2;
	(pc) =	sbr.rel @p0 .LBB2_16-.Ltmp7, $4  }
0x100: {  	v2 =	vld [tilespmem:s2+$0x9530]  }
0x101: {  	v4 =	vadd.f32 v4, v1  }
0x102: {  	v1 =	vld [tilespmem:s2+$0x95B0]  }
0x103: {  	s2 =	sshra.s32 s4, $0x2;
	s4 =	sadd.s32 $0x800, s4;
	v3 =	vadd.f32 v3, v4  }
0x104: {  	v4 =	vld [tilespmem:s2+$0x9430]  }
0x105: {  	v2 =	vadd.f32 v2, v3  }
0x106: {  	v3 =	vld [tilespmem:s2+$0x94B0]  }
0x107: {  	v1 =	vadd.f32 v1, v2  }
0x108: {  	v2 =	vld [tilespmem:s2+$0x9530]  }
0x109: {  	v1 =	vadd.f32 v4, v1  }
0x10a: {  	v4 =	vld [tilespmem:s2+$0x95B0]  }
0x10b: {  	v1 =	vadd.f32 v3, v1;
	_ =	sdelay $0x1  }
0x10c: {  	v1 =	vadd.f32 v2, v1  }
0x10d: {  	v2 =	vld [tilespmem:$0x6430]  }
0x10e: {  	v1 =	vadd.f32 v4, v1  }
0x10f: {  	v3 =	vld [tilespmem:$0xC7B0]  }
0x110: {  	v1 =	vmul.f32 $3.000000000e+00, v1;
	_ =	sdelay $0x1  }
0x111: {  	v1 =	vsub.f32 v1, v2;
	_ =	sdelay $0x1  }
0x112: {  	v1 =	vsub.f32 v1, v3;
	_ =	sdelay $0x1  }
0x113: {  	v1 =	vmul.f32 $2.506265650e-03, v1;
	_ =	sdelay $0x1  }
0x114: {  	v1 =	vadd.f32 v1, v0;
	_ =	sdelay $0x1  }
0x115: {  	s2 =	simm.s32 $0x0;
	[tilespmem:$0xC830] =	vst v1  }
0x116: {  	v1 =	vld [tilespmem:s2+$0x6440];
	_ =	sdelay $0x2  }
0x117: {  	v3 =	vld [tilespmem:s2+$0x64C0]  }
0x118: {  	v2 =	vimm.f32 $0.0e+00  }
0x119: {  	v4 =	vadd.f32 v1, v2;
	v2 =	vld [tilespmem:s2+$0x6540];
	_ =	sdelay $0x1  }
0x11a: {  	v1 =	vld [tilespmem:s2+$0x65C0]  }
0x11b: {  	s4 =	simm.s32 $0x200;
	s5 =	simm.s32 $0x1000;
	v3 =	vadd.f32 v3, v4  }
.LBB2_18:
0x11c: {  	p0 =	sne.s32 s5, $0xB800;
	v4 =	vld [tilespmem:s4+$0x6440]  }
0x11d: {  	v2 =	vadd.f32 v2, v3  }
0x11e: {  	v3 =	vld [tilespmem:s4+$0x64C0]  }
.Ltmp8:
0x11f: {  	v1 =	vadd.f32 v1, v2;
	(pc) =	sbr.rel @p0 .LBB2_18-.Ltmp8, $4  }
0x120: {  	v2 =	vld [tilespmem:s4+$0x6540]  }
0x121: {  	v4 =	vadd.f32 v4, v1  }
0x122: {  	v1 =	vld [tilespmem:s4+$0x65C0]  }
0x123: {  	s4 =	sshra.s32 s5, $0x2;
	s5 =	sadd.s32 $0x800, s5;
	v3 =	vadd.f32 v3, v4  }
0x124: {  	v4 =	vld [tilespmem:s4+$0x6440]  }
0x125: {  	v2 =	vadd.f32 v2, v3  }
0x126: {  	v3 =	vld [tilespmem:s4+$0x64C0]  }
0x127: {  	v1 =	vadd.f32 v1, v2  }
0x128: {  	v2 =	vld [tilespmem:s4+$0x6540]  }
0x129: {  	v1 =	vadd.f32 v4, v1  }
0x12a: {  	v4 =	vld [tilespmem:s4+$0x65C0]  }
0x12b: {  	v1 =	vadd.f32 v3, v1  }
0x12c: {  	v3 =	vld [tilespmem:s2+$0x9440]  }
0x12d: {  	v1 =	vadd.f32 v2, v1  }
0x12e: {  	v5 =	vld [tilespmem:s2+$0x94C0]  }
0x12f: {  	v1 =	vadd.f32 v4, v1  }
0x130: {  	v2 =	vld [tilespmem:s2+$0x9540]  }
0x131: {  	v3 =	vadd.f32 v3, v1  }
0x132: {  	v1 =	vld [tilespmem:s2+$0x95C0]  }
0x133: {  	s4 =	simm.s32 $0x1000;
	s2 =	simm.s32 $0x200;
	v3 =	vadd.f32 v5, v3  }
.LBB2_20:
0x134: {  	p0 =	sne.s32 s4, $0xC800;
	v4 =	vld [tilespmem:s2+$0x9440]  }
0x135: {  	v2 =	vadd.f32 v2, v3  }
0x136: {  	v3 =	vld [tilespmem:s2+$0x94C0]  }
.Ltmp9:
0x137: {  	v1 =	vadd.f32 v1, v2;
	(pc) =	sbr.rel @p0 .LBB2_20-.Ltmp9, $4  }
0x138: {  	v2 =	vld [tilespmem:s2+$0x9540]  }
0x139: {  	v4 =	vadd.f32 v4, v1  }
0x13a: {  	v1 =	vld [tilespmem:s2+$0x95C0]  }
0x13b: {  	s2 =	sshra.s32 s4, $0x2;
	s4 =	sadd.s32 $0x800, s4;
	v3 =	vadd.f32 v3, v4  }
0x13c: {  	v4 =	vld [tilespmem:s2+$0x9440]  }
0x13d: {  	v2 =	vadd.f32 v2, v3  }
0x13e: {  	v3 =	vld [tilespmem:s2+$0x94C0]  }
0x13f: {  	v1 =	vadd.f32 v1, v2  }
0x140: {  	v2 =	vld [tilespmem:s2+$0x9540]  }
0x141: {  	v1 =	vadd.f32 v4, v1  }
0x142: {  	v4 =	vld [tilespmem:s2+$0x95C0]  }
0x143: {  	v1 =	vadd.f32 v3, v1;
	_ =	sdelay $0x1  }
0x144: {  	v1 =	vadd.f32 v2, v1  }
0x145: {  	v2 =	vld [tilespmem:$0x6440]  }
0x146: {  	v1 =	vadd.f32 v4, v1  }
0x147: {  	v3 =	vld [tilespmem:$0xC7C0]  }
0x148: {  	v1 =	vmul.f32 $3.000000000e+00, v1;
	_ =	sdelay $0x1  }
0x149: {  	v1 =	vsub.f32 v1, v2;
	_ =	sdelay $0x1  }
0x14a: {  	v1 =	vsub.f32 v1, v3;
	_ =	sdelay $0x1  }
0x14b: {  	v1 =	vmul.f32 $2.506265650e-03, v1;
	_ =	sdelay $0x1  }
0x14c: {  	v1 =	vadd.f32 v1, v0;
	_ =	sdelay $0x1  }
0x14d: {  	s2 =	simm.s32 $0x0;
	[tilespmem:$0xC840] =	vst v1  }
0x14e: {  	v1 =	vld [tilespmem:s2+$0x6450];
	_ =	sdelay $0x2  }
0x14f: {  	v3 =	vld [tilespmem:s2+$0x64D0]  }
0x150: {  	v2 =	vimm.f32 $0.0e+00  }
0x151: {  	v4 =	vadd.f32 v1, v2;
	v2 =	vld [tilespmem:s2+$0x6550];
	_ =	sdelay $0x1  }
0x152: {  	v1 =	vld [tilespmem:s2+$0x65D0]  }
0x153: {  	s4 =	simm.s32 $0x200;
	s5 =	simm.s32 $0x1000;
	v3 =	vadd.f32 v3, v4  }
.LBB2_22:
0x154: {  	p0 =	sne.s32 s5, $0xB800;
	v4 =	vld [tilespmem:s4+$0x6450]  }
0x155: {  	v2 =	vadd.f32 v2, v3  }
0x156: {  	v3 =	vld [tilespmem:s4+$0x64D0]  }
.Ltmp10:
0x157: {  	v1 =	vadd.f32 v1, v2;
	(pc) =	sbr.rel @p0 .LBB2_22-.Ltmp10, $4  }
0x158: {  	v2 =	vld [tilespmem:s4+$0x6550]  }
0x159: {  	v4 =	vadd.f32 v4, v1  }
0x15a: {  	v1 =	vld [tilespmem:s4+$0x65D0]  }
0x15b: {  	s4 =	sshra.s32 s5, $0x2;
	s5 =	sadd.s32 $0x800, s5;
	v3 =	vadd.f32 v3, v4  }
0x15c: {  	v4 =	vld [tilespmem:s4+$0x6450]  }
0x15d: {  	v2 =	vadd.f32 v2, v3  }
0x15e: {  	v3 =	vld [tilespmem:s4+$0x64D0]  }
0x15f: {  	v1 =	vadd.f32 v1, v2  }
0x160: {  	v2 =	vld [tilespmem:s4+$0x6550]  }
0x161: {  	v1 =	vadd.f32 v4, v1  }
0x162: {  	v4 =	vld [tilespmem:s4+$0x65D0]  }
0x163: {  	v1 =	vadd.f32 v3, v1  }
0x164: {  	v3 =	vld [tilespmem:s2+$0x9450]  }
0x165: {  	v1 =	vadd.f32 v2, v1  }
0x166: {  	v5 =	vld [tilespmem:s2+$0x94D0]  }
0x167: {  	v1 =	vadd.f32 v4, v1  }
0x168: {  	v2 =	vld [tilespmem:s2+$0x9550]  }
0x169: {  	v3 =	vadd.f32 v3, v1  }
0x16a: {  	v1 =	vld [tilespmem:s2+$0x95D0]  }
0x16b: {  	s4 =	simm.s32 $0x1000;
	s2 =	simm.s32 $0x200;
	v3 =	vadd.f32 v5, v3  }
.LBB2_24:
0x16c: {  	p0 =	sne.s32 s4, $0xC800;
	v4 =	vld [tilespmem:s2+$0x9450]  }
0x16d: {  	v2 =	vadd.f32 v2, v3  }
0x16e: {  	v3 =	vld [tilespmem:s2+$0x94D0]  }
.Ltmp11:
0x16f: {  	v1 =	vadd.f32 v1, v2;
	(pc) =	sbr.rel @p0 .LBB2_24-.Ltmp11, $4  }
0x170: {  	v2 =	vld [tilespmem:s2+$0x9550]  }
0x171: {  	v4 =	vadd.f32 v4, v1  }
0x172: {  	v1 =	vld [tilespmem:s2+$0x95D0]  }
0x173: {  	s2 =	sshra.s32 s4, $0x2;
	s4 =	sadd.s32 $0x800, s4;
	v3 =	vadd.f32 v3, v4  }
0x174: {  	v4 =	vld [tilespmem:s2+$0x9450]  }
0x175: {  	v2 =	vadd.f32 v2, v3  }
0x176: {  	v3 =	vld [tilespmem:s2+$0x94D0]  }
0x177: {  	v1 =	vadd.f32 v1, v2  }
0x178: {  	v2 =	vld [tilespmem:s2+$0x9550]  }
0x179: {  	v1 =	vadd.f32 v4, v1  }
0x17a: {  	v4 =	vld [tilespmem:s2+$0x95D0]  }
0x17b: {  	v1 =	vadd.f32 v3, v1;
	_ =	sdelay $0x1  }
0x17c: {  	v1 =	vadd.f32 v2, v1  }
0x17d: {  	v2 =	vld [tilespmem:$0x6450]  }
0x17e: {  	v1 =	vadd.f32 v4, v1  }
0x17f: {  	v3 =	vld [tilespmem:$0xC7D0]  }
0x180: {  	v1 =	vmul.f32 $3.000000000e+00, v1;
	_ =	sdelay $0x1  }
0x181: {  	v1 =	vsub.f32 v1, v2;
	_ =	sdelay $0x1  }
0x182: {  	v1 =	vsub.f32 v1, v3;
	_ =	sdelay $0x1  }
0x183: {  	v1 =	vmul.f32 $2.506265650e-03, v1;
	_ =	sdelay $0x1  }
0x184: {  	v1 =	vadd.f32 v1, v0;
	_ =	sdelay $0x1  }
0x185: {  	s2 =	simm.s32 $0x0;
	[tilespmem:$0xC850] =	vst v1  }
0x186: {  	v1 =	vld [tilespmem:s2+$0x6460];
	_ =	sdelay $0x2  }
0x187: {  	v3 =	vld [tilespmem:s2+$0x64E0]  }
0x188: {  	v2 =	vimm.f32 $0.0e+00  }
0x189: {  	v4 =	vadd.f32 v1, v2;
	v2 =	vld [tilespmem:s2+$0x6560];
	_ =	sdelay $0x1  }
0x18a: {  	v1 =	vld [tilespmem:s2+$0x65E0]  }
0x18b: {  	s4 =	simm.s32 $0x200;
	s5 =	simm.s32 $0x1000;
	v3 =	vadd.f32 v3, v4  }
.LBB2_26:
0x18c: {  	p0 =	sne.s32 s5, $0xB800;
	v4 =	vld [tilespmem:s4+$0x6460]  }
0x18d: {  	v2 =	vadd.f32 v2, v3  }
0x18e: {  	v3 =	vld [tilespmem:s4+$0x64E0]  }
.Ltmp12:
0x18f: {  	v1 =	vadd.f32 v1, v2;
	(pc) =	sbr.rel @p0 .LBB2_26-.Ltmp12, $4  }
0x190: {  	v2 =	vld [tilespmem:s4+$0x6560]  }
0x191: {  	v4 =	vadd.f32 v4, v1  }
0x192: {  	v1 =	vld [tilespmem:s4+$0x65E0]  }
0x193: {  	s4 =	sshra.s32 s5, $0x2;
	s5 =	sadd.s32 $0x800, s5;
	v3 =	vadd.f32 v3, v4  }
0x194: {  	v4 =	vld [tilespmem:s4+$0x6460]  }
0x195: {  	v2 =	vadd.f32 v2, v3  }
0x196: {  	v3 =	vld [tilespmem:s4+$0x64E0]  }
0x197: {  	v1 =	vadd.f32 v1, v2  }
0x198: {  	v2 =	vld [tilespmem:s4+$0x6560]  }
0x199: {  	v1 =	vadd.f32 v4, v1  }
0x19a: {  	v4 =	vld [tilespmem:s4+$0x65E0]  }
0x19b: {  	v1 =	vadd.f32 v3, v1  }
0x19c: {  	v3 =	vld [tilespmem:s2+$0x9460]  }
0x19d: {  	v1 =	vadd.f32 v2, v1  }
0x19e: {  	v5 =	vld [tilespmem:s2+$0x94E0]  }
0x19f: {  	v1 =	vadd.f32 v4, v1  }
0x1a0: {  	v2 =	vld [tilespmem:s2+$0x9560]  }
0x1a1: {  	v3 =	vadd.f32 v3, v1  }
0x1a2: {  	v1 =	vld [tilespmem:s2+$0x95E0]  }
0x1a3: {  	s4 =	simm.s32 $0x1000;
	s2 =	simm.s32 $0x200;
	v3 =	vadd.f32 v5, v3  }
.LBB2_28:
0x1a4: {  	p0 =	sne.s32 s4, $0xC800;
	v4 =	vld [tilespmem:s2+$0x9460]  }
0x1a5: {  	v2 =	vadd.f32 v2, v3  }
0x1a6: {  	v3 =	vld [tilespmem:s2+$0x94E0]  }
.Ltmp13:
0x1a7: {  	v1 =	vadd.f32 v1, v2;
	(pc) =	sbr.rel @p0 .LBB2_28-.Ltmp13, $4  }
0x1a8: {  	v2 =	vld [tilespmem:s2+$0x9560]  }
0x1a9: {  	v4 =	vadd.f32 v4, v1  }
0x1aa: {  	v1 =	vld [tilespmem:s2+$0x95E0]  }
0x1ab: {  	s2 =	sshra.s32 s4, $0x2;
	s4 =	sadd.s32 $0x800, s4;
	v3 =	vadd.f32 v3, v4  }
0x1ac: {  	v4 =	vld [tilespmem:s2+$0x9460]  }
0x1ad: {  	v2 =	vadd.f32 v2, v3  }
0x1ae: {  	v3 =	vld [tilespmem:s2+$0x94E0]  }
0x1af: {  	v1 =	vadd.f32 v1, v2  }
0x1b0: {  	v2 =	vld [tilespmem:s2+$0x9560]  }
0x1b1: {  	v1 =	vadd.f32 v4, v1  }
0x1b2: {  	v4 =	vld [tilespmem:s2+$0x95E0]  }
0x1b3: {  	v1 =	vadd.f32 v3, v1;
	_ =	sdelay $0x1  }
0x1b4: {  	v1 =	vadd.f32 v2, v1  }
0x1b5: {  	v2 =	vld [tilespmem:$0x6460]  }
0x1b6: {  	v1 =	vadd.f32 v4, v1  }
0x1b7: {  	v3 =	vld [tilespmem:$0xC7E0]  }
0x1b8: {  	v1 =	vmul.f32 $3.000000000e+00, v1;
	_ =	sdelay $0x1  }
0x1b9: {  	v1 =	vsub.f32 v1, v2;
	_ =	sdelay $0x1  }
0x1ba: {  	v1 =	vsub.f32 v1, v3;
	_ =	sdelay $0x1  }
0x1bb: {  	v1 =	vmul.f32 $2.506265650e-03, v1;
	_ =	sdelay $0x1  }
0x1bc: {  	v1 =	vadd.f32 v1, v0;
	_ =	sdelay $0x1  }
0x1bd: {  	s2 =	simm.s32 $0x0;
	[tilespmem:$0xC860] =	vst v1  }
0x1be: {  	v1 =	vld [tilespmem:s2+$0x6470];
	_ =	sdelay $0x2  }
0x1bf: {  	v3 =	vld [tilespmem:s2+$0x64F0]  }
0x1c0: {  	v2 =	vimm.f32 $0.0e+00  }
0x1c1: {  	v4 =	vadd.f32 v1, v2;
	v2 =	vld [tilespmem:s2+$0x6570];
	_ =	sdelay $0x1  }
0x1c2: {  	v1 =	vld [tilespmem:s2+$0x65F0]  }
0x1c3: {  	s4 =	simm.s32 $0x200;
	s5 =	simm.s32 $0x1000;
	v3 =	vadd.f32 v3, v4  }
.LBB2_30:
0x1c4: {  	p0 =	sne.s32 s5, $0xB800;
	v4 =	vld [tilespmem:s4+$0x6470]  }
0x1c5: {  	v2 =	vadd.f32 v2, v3  }
0x1c6: {  	v3 =	vld [tilespmem:s4+$0x64F0]  }
.Ltmp14:
0x1c7: {  	v1 =	vadd.f32 v1, v2;
	(pc) =	sbr.rel @p0 .LBB2_30-.Ltmp14, $4  }
0x1c8: {  	v2 =	vld [tilespmem:s4+$0x6570]  }
0x1c9: {  	v4 =	vadd.f32 v4, v1  }
0x1ca: {  	v1 =	vld [tilespmem:s4+$0x65F0]  }
0x1cb: {  	s4 =	sshra.s32 s5, $0x2;
	s5 =	sadd.s32 $0x800, s5;
	v3 =	vadd.f32 v3, v4  }
0x1cc: {  	v4 =	vld [tilespmem:s4+$0x6470]  }
0x1cd: {  	v2 =	vadd.f32 v2, v3  }
0x1ce: {  	v3 =	vld [tilespmem:s4+$0x64F0]  }
0x1cf: {  	v1 =	vadd.f32 v1, v2  }
0x1d0: {  	v2 =	vld [tilespmem:s4+$0x6570]  }
0x1d1: {  	v1 =	vadd.f32 v4, v1  }
0x1d2: {  	v4 =	vld [tilespmem:s4+$0x65F0]  }
0x1d3: {  	v1 =	vadd.f32 v3, v1  }
0x1d4: {  	v3 =	vld [tilespmem:s2+$0x9470]  }
0x1d5: {  	v1 =	vadd.f32 v2, v1  }
0x1d6: {  	v5 =	vld [tilespmem:s2+$0x94F0]  }
0x1d7: {  	v1 =	vadd.f32 v4, v1  }
0x1d8: {  	v2 =	vld [tilespmem:s2+$0x9570]  }
0x1d9: {  	v3 =	vadd.f32 v3, v1  }
0x1da: {  	v1 =	vld [tilespmem:s2+$0x95F0]  }
0x1db: {  	s4 =	simm.s32 $0x1000;
	s2 =	simm.s32 $0x200;
	v3 =	vadd.f32 v5, v3  }
.LBB2_32:
0x1dc: {  	p0 =	sne.s32 s4, $0xC800;
	v4 =	vld [tilespmem:s2+$0x9470]  }
0x1dd: {  	v2 =	vadd.f32 v2, v3  }
0x1de: {  	v3 =	vld [tilespmem:s2+$0x94F0]  }
.Ltmp15:
0x1df: {  	v1 =	vadd.f32 v1, v2;
	(pc) =	sbr.rel @p0 .LBB2_32-.Ltmp15, $4  }
0x1e0: {  	v2 =	vld [tilespmem:s2+$0x9570]  }
0x1e1: {  	v4 =	vadd.f32 v4, v1  }
0x1e2: {  	v1 =	vld [tilespmem:s2+$0x95F0]  }
0x1e3: {  	s2 =	sshra.s32 s4, $0x2;
	s4 =	sadd.s32 $0x800, s4;
	v3 =	vadd.f32 v3, v4  }
0x1e4: {  	v4 =	vld [tilespmem:s2+$0x9470]  }
0x1e5: {  	v2 =	vadd.f32 v2, v3  }
0x1e6: {  	v3 =	vld [tilespmem:s2+$0x94F0]  }
0x1e7: {  	v1 =	vadd.f32 v1, v2  }
0x1e8: {  	v2 =	vld [tilespmem:s2+$0x9570]  }
0x1e9: {  	v1 =	vadd.f32 v4, v1  }
0x1ea: {  	v4 =	vld [tilespmem:s2+$0x95F0]  }
0x1eb: {  	v1 =	vadd.f32 v3, v1;
	_ =	sdelay $0x1  }
0x1ec: {  	v1 =	vadd.f32 v2, v1  }
0x1ed: {  	v2 =	vld [tilespmem:$0x6470]  }
0x1ee: {  	v1 =	vadd.f32 v4, v1  }
0x1ef: {  	v3 =	vld [tilespmem:$0xC7F0]  }
0x1f0: {  	v1 =	vmul.f32 $3.000000000e+00, v1;
	_ =	sdelay $0x1  }
0x1f1: {  	v1 =	vsub.f32 v1, v2;
	_ =	sdelay $0x1  }
0x1f2: {  	v1 =	vsub.f32 v1, v3;
	_ =	sdelay $0x1  }
0x1f3: {  	v1 =	vmul.f32 $2.506265650e-03, v1;
	_ =	sdelay $0x1  }
0x1f4: {  	v1 =	vadd.f32 v1, v0;
	_ =	sdelay $0x1  }
0x1f5: {  	s5 =	simm.s32 $0x0;
	[tilespmem:$0xC870] =	vst v1  }
0x1f6: {  	[hbm4b:s10+s5] =	stream.linear.scatter [tilespmem:s0], [sflag:$0x4], $0x80, $0x38;
	[tilespmem:$0x1C900] =	vst v63  }
0x1f7: {  	_ =	swait.ge [sflag:s20], $0x80  }
0x1f8: {  	[sflag:s20] =	ssyncset.done $0x0  }
0x1f9: {  	[sflag:s20] =	ssyncadd.s32 $0xFFFFFF80  }
0x1fa: {  	_ =	swait.ge [sflag:s25], $0x3000  }
0x1fb: {  	[sflag:s25] =	ssyncset.done $0x0  }
0x1fc: {  	[sflag:s25] =	ssyncadd.s32 $0xFFFFD000  }
0x1fd: {  	_ =	swait.ge [sflag:s25], $0x3400  }
0x1fe: {  	[sflag:s25] =	ssyncset.done $0x0  }
0x1ff: {  	[sflag:s25] =	ssyncadd.s32 $0xFFFFCC00  }
0x200: {  	[tilespmem:s26], [sflag:$0x1] =	stream.indirect.gather [spmem:s1], $0x1, s5, s23, $0xb8;
	[tilespmem:$0x1C900] =	vst v63  }
0x201: {  	_ = 	snop  }
0x202: {  	[tilespmem:s29], [sflag:$0x2] =	stream.indirect.gather [spmem:s1], $0x1, s23, s28, $0xb8;
	[tilespmem:$0x1C900] =	vst v63  }
0x203: {  	_ =	swait.ge [sflag:s30], $0x3000  }
0x204: {  	[sflag:s30] =	ssyncset.done $0x0  }
0x205: {  	[sflag:s30] =	ssyncadd.s32 $0xFFFFD000  }
0x206: {  	_ =	swait.ge [sflag:s31], $0x3400  }
0x207: {  	[sflag:s31] =	ssyncset.done $0x0  }
0x208: {  	[sflag:s31] =	ssyncadd.s32 $0xFFFFCC00  }
0x209: {  	[tilespmem:s5], [sflag:$0x3] =	stream.strided.gather [hbm4b:s11+s21], $0x3000, s22, s21, $0x38;
	[tilespmem:$0x1C900] =	vst v63  }
0x20a: {  	s2 =	simm.s32 $0x0  }
0x20b: {  	[tilespmem:s23], [sflag:$0x3] =	stream.strided.gather [hbm4b:s12+s21], $0x3400, s22, s21, $0x38;
	[tilespmem:$0x1C900] =	vst v63  }
0x20c: {  	v1 =	vld [tilespmem:s2+$0x6400];
	_ =	sdelay $0x2  }
0x20d: {  	v3 =	vld [tilespmem:s2+$0x6480]  }
0x20e: {  	v2 =	vimm.f32 $0.0e+00  }
0x20f: {  	v4 =	vadd.f32 v1, v2;
	v2 =	vld [tilespmem:s2+$0x6500];
	_ =	sdelay $0x1  }
0x210: {  	v1 =	vld [tilespmem:s2+$0x6580]  }
0x211: {  	s4 =	simm.s32 $0x200;
	s5 =	simm.s32 $0x1000;
	v3 =	vadd.f32 v3, v4  }
.LBB2_34:
0x212: {  	p0 =	sne.s32 s5, $0xB800;
	v4 =	vld [tilespmem:s4+$0x6400]  }
0x213: {  	v2 =	vadd.f32 v2, v3  }
0x214: {  	v3 =	vld [tilespmem:s4+$0x6480]  }
.Ltmp16:
0x215: {  	v1 =	vadd.f32 v1, v2;
	(pc) =	sbr.rel @p0 .LBB2_34-.Ltmp16, $4  }
0x216: {  	v2 =	vld [tilespmem:s4+$0x6500]  }
0x217: {  	v4 =	vadd.f32 v4, v1  }
0x218: {  	v1 =	vld [tilespmem:s4+$0x6580]  }
0x219: {  	s4 =	sshra.s32 s5, $0x2;
	s5 =	sadd.s32 $0x800, s5;
	v3 =	vadd.f32 v3, v4  }
0x21a: {  	v4 =	vld [tilespmem:s4+$0x6400]  }
0x21b: {  	v2 =	vadd.f32 v2, v3  }
0x21c: {  	v3 =	vld [tilespmem:s4+$0x6480]  }
0x21d: {  	v1 =	vadd.f32 v1, v2  }
0x21e: {  	v2 =	vld [tilespmem:s4+$0x6500]  }
0x21f: {  	v1 =	vadd.f32 v4, v1  }
0x220: {  	v4 =	vld [tilespmem:s4+$0x6580]  }
0x221: {  	v1 =	vadd.f32 v3, v1  }
0x222: {  	v3 =	vld [tilespmem:s2+$0x9400]  }
0x223: {  	v1 =	vadd.f32 v2, v1  }
0x224: {  	v5 =	vld [tilespmem:s2+$0x9480]  }
0x225: {  	v1 =	vadd.f32 v4, v1  }
0x226: {  	v2 =	vld [tilespmem:s2+$0x9500]  }
0x227: {  	v3 =	vadd.f32 v3, v1  }
0x228: {  	v1 =	vld [tilespmem:s2+$0x9580]  }
0x229: {  	s4 =	simm.s32 $0x1000;
	s2 =	simm.s32 $0x200;
	v3 =	vadd.f32 v5, v3  }
.LBB2_36:
0x22a: {  	p0 =	sne.s32 s4, $0xC800;
	v4 =	vld [tilespmem:s2+$0x9400]  }
0x22b: {  	v2 =	vadd.f32 v2, v3  }
0x22c: {  	v3 =	vld [tilespmem:s2+$0x9480]  }
.Ltmp17:
0x22d: {  	v1 =	vadd.f32 v1, v2;
	(pc) =	sbr.rel @p0 .LBB2_36-.Ltmp17, $4  }
0x22e: {  	v2 =	vld [tilespmem:s2+$0x9500]  }
0x22f: {  	v4 =	vadd.f32 v4, v1  }
0x230: {  	v1 =	vld [tilespmem:s2+$0x9580]  }
0x231: {  	s2 =	sshra.s32 s4, $0x2;
	s4 =	sadd.s32 $0x800, s4;
	v3 =	vadd.f32 v3, v4  }
0x232: {  	v4 =	vld [tilespmem:s2+$0x9400]  }
0x233: {  	v2 =	vadd.f32 v2, v3  }
0x234: {  	v3 =	vld [tilespmem:s2+$0x9480]  }
0x235: {  	v1 =	vadd.f32 v1, v2  }
0x236: {  	v2 =	vld [tilespmem:s2+$0x9500]  }
0x237: {  	v1 =	vadd.f32 v4, v1  }
0x238: {  	v4 =	vld [tilespmem:s2+$0x9580]  }
0x239: {  	v1 =	vadd.f32 v3, v1;
	_ =	sdelay $0x1  }
0x23a: {  	v1 =	vadd.f32 v2, v1  }
0x23b: {  	v2 =	vld [tilespmem:$0x6400]  }
0x23c: {  	v1 =	vadd.f32 v4, v1  }
0x23d: {  	v3 =	vld [tilespmem:$0xC780]  }
0x23e: {  	v1 =	vmul.f32 $3.000000000e+00, v1;
	_ =	sdelay $0x1  }
0x23f: {  	v1 =	vsub.f32 v1, v2;
	_ =	sdelay $0x1  }
0x240: {  	v1 =	vsub.f32 v1, v3;
	_ =	sdelay $0x1  }
0x241: {  	v1 =	vmul.f32 $2.506265650e-03, v1;
	_ =	sdelay $0x1  }
0x242: {  	v1 =	vadd.f32 v1, v0;
	_ =	sdelay $0x1  }
0x243: {  	s2 =	simm.s32 $0x0;
	[tilespmem:$0xC800] =	vst v1  }
0x244: {  	v1 =	vld [tilespmem:s2+$0x6410];
	_ =	sdelay $0x2  }
0x245: {  	v3 =	vld [tilespmem:s2+$0x6490]  }
0x246: {  	v2 =	vimm.f32 $0.0e+00  }
0x247: {  	v4 =	vadd.f32 v1, v2;
	v2 =	vld [tilespmem:s2+$0x6510];
	_ =	sdelay $0x1  }
0x248: {  	v1 =	vld [tilespmem:s2+$0x6590]  }
0x249: {  	s4 =	simm.s32 $0x200;
	s5 =	simm.s32 $0x1000;
	v3 =	vadd.f32 v3, v4  }
.LBB2_38:
0x24a: {  	p0 =	sne.s32 s5, $0xB800;
	v4 =	vld [tilespmem:s4+$0x6410]  }
0x24b: {  	v2 =	vadd.f32 v2, v3  }
0x24c: {  	v3 =	vld [tilespmem:s4+$0x6490]  }
.Ltmp18:
0x24d: {  	v1 =	vadd.f32 v1, v2;
	(pc) =	sbr.rel @p0 .LBB2_38-.Ltmp18, $4  }
0x24e: {  	v2 =	vld [tilespmem:s4+$0x6510]  }
0x24f: {  	v4 =	vadd.f32 v4, v1  }
0x250: {  	v1 =	vld [tilespmem:s4+$0x6590]  }
0x251: {  	s4 =	sshra.s32 s5, $0x2;
	s5 =	sadd.s32 $0x800, s5;
	v3 =	vadd.f32 v3, v4  }
0x252: {  	v4 =	vld [tilespmem:s4+$0x6410]  }
0x253: {  	v2 =	vadd.f32 v2, v3  }
0x254: {  	v3 =	vld [tilespmem:s4+$0x6490]  }
0x255: {  	v1 =	vadd.f32 v1, v2  }
0x256: {  	v2 =	vld [tilespmem:s4+$0x6510]  }
0x257: {  	v1 =	vadd.f32 v4, v1  }
0x258: {  	v4 =	vld [tilespmem:s4+$0x6590]  }
0x259: {  	v1 =	vadd.f32 v3, v1  }
0x25a: {  	v3 =	vld [tilespmem:s2+$0x9410]  }
0x25b: {  	v1 =	vadd.f32 v2, v1  }
0x25c: {  	v5 =	vld [tilespmem:s2+$0x9490]  }
0x25d: {  	v1 =	vadd.f32 v4, v1  }
0x25e: {  	v2 =	vld [tilespmem:s2+$0x9510]  }
0x25f: {  	v3 =	vadd.f32 v3, v1  }
0x260: {  	v1 =	vld [tilespmem:s2+$0x9590]  }
0x261: {  	s4 =	simm.s32 $0x1000;
	s2 =	simm.s32 $0x200;
	v3 =	vadd.f32 v5, v3  }
.LBB2_40:
0x262: {  	p0 =	sne.s32 s4, $0xC800;
	v4 =	vld [tilespmem:s2+$0x9410]  }
0x263: {  	v2 =	vadd.f32 v2, v3  }
0x264: {  	v3 =	vld [tilespmem:s2+$0x9490]  }
.Ltmp19:
0x265: {  	v1 =	vadd.f32 v1, v2;
	(pc) =	sbr.rel @p0 .LBB2_40-.Ltmp19, $4  }
0x266: {  	v2 =	vld [tilespmem:s2+$0x9510]  }
0x267: {  	v4 =	vadd.f32 v4, v1  }
0x268: {  	v1 =	vld [tilespmem:s2+$0x9590]  }
0x269: {  	s2 =	sshra.s32 s4, $0x2;
	s4 =	sadd.s32 $0x800, s4;
	v3 =	vadd.f32 v3, v4  }
0x26a: {  	v4 =	vld [tilespmem:s2+$0x9410]  }
0x26b: {  	v2 =	vadd.f32 v2, v3  }
0x26c: {  	v3 =	vld [tilespmem:s2+$0x9490]  }
0x26d: {  	v1 =	vadd.f32 v1, v2  }
0x26e: {  	v2 =	vld [tilespmem:s2+$0x9510]  }
0x26f: {  	v1 =	vadd.f32 v4, v1  }
0x270: {  	v4 =	vld [tilespmem:s2+$0x9590]  }
0x271: {  	v1 =	vadd.f32 v3, v1;
	_ =	sdelay $0x1  }
0x272: {  	v1 =	vadd.f32 v2, v1  }
0x273: {  	v2 =	vld [tilespmem:$0x6410]  }
0x274: {  	v1 =	vadd.f32 v4, v1  }
0x275: {  	v3 =	vld [tilespmem:$0xC790]  }
0x276: {  	v1 =	vmul.f32 $3.000000000e+00, v1;
	_ =	sdelay $0x1  }
0x277: {  	v1 =	vsub.f32 v1, v2;
	_ =	sdelay $0x1  }
0x278: {  	v1 =	vsub.f32 v1, v3;
	_ =	sdelay $0x1  }
0x279: {  	v1 =	vmul.f32 $2.506265650e-03, v1;
	_ =	sdelay $0x1  }
0x27a: {  	v1 =	vadd.f32 v1, v0;
	_ =	sdelay $0x1  }
0x27b: {  	s2 =	simm.s32 $0x0;
	[tilespmem:$0xC810] =	vst v1  }
0x27c: {  	v1 =	vld [tilespmem:s2+$0x6420];
	_ =	sdelay $0x2  }
0x27d: {  	v3 =	vld [tilespmem:s2+$0x64A0]  }
0x27e: {  	v2 =	vimm.f32 $0.0e+00  }
0x27f: {  	v4 =	vadd.f32 v1, v2;
	v2 =	vld [tilespmem:s2+$0x6520];
	_ =	sdelay $0x1  }
0x280: {  	v1 =	vld [tilespmem:s2+$0x65A0]  }
0x281: {  	s4 =	simm.s32 $0x200;
	s5 =	simm.s32 $0x1000;
	v3 =	vadd.f32 v3, v4  }
.LBB2_42:
0x282: {  	p0 =	sne.s32 s5, $0xB800;
	v4 =	vld [tilespmem:s4+$0x6420]  }
0x283: {  	v2 =	vadd.f32 v2, v3  }
0x284: {  	v3 =	vld [tilespmem:s4+$0x64A0]  }
.Ltmp20:
0x285: {  	v1 =	vadd.f32 v1, v2;
	(pc) =	sbr.rel @p0 .LBB2_42-.Ltmp20, $4  }
0x286: {  	v2 =	vld [tilespmem:s4+$0x6520]  }
0x287: {  	v4 =	vadd.f32 v4, v1  }
0x288: {  	v1 =	vld [tilespmem:s4+$0x65A0]  }
0x289: {  	s4 =	sshra.s32 s5, $0x2;
	s5 =	sadd.s32 $0x800, s5;
	v3 =	vadd.f32 v3, v4  }
0x28a: {  	v4 =	vld [tilespmem:s4+$0x6420]  }
0x28b: {  	v2 =	vadd.f32 v2, v3  }
0x28c: {  	v3 =	vld [tilespmem:s4+$0x64A0]  }
0x28d: {  	v1 =	vadd.f32 v1, v2  }
0x28e: {  	v2 =	vld [tilespmem:s4+$0x6520]  }
0x28f: {  	v1 =	vadd.f32 v4, v1  }
0x290: {  	v4 =	vld [tilespmem:s4+$0x65A0]  }
0x291: {  	v1 =	vadd.f32 v3, v1  }
0x292: {  	v3 =	vld [tilespmem:s2+$0x9420]  }
0x293: {  	v1 =	vadd.f32 v2, v1  }
0x294: {  	v5 =	vld [tilespmem:s2+$0x94A0]  }
0x295: {  	v1 =	vadd.f32 v4, v1  }
0x296: {  	v2 =	vld [tilespmem:s2+$0x9520]  }
0x297: {  	v3 =	vadd.f32 v3, v1  }
0x298: {  	v1 =	vld [tilespmem:s2+$0x95A0]  }
0x299: {  	s4 =	simm.s32 $0x1000;
	s2 =	simm.s32 $0x200;
	v3 =	vadd.f32 v5, v3  }
.LBB2_44:
0x29a: {  	p0 =	sne.s32 s4, $0xC800;
	v4 =	vld [tilespmem:s2+$0x9420]  }
0x29b: {  	v2 =	vadd.f32 v2, v3  }
0x29c: {  	v3 =	vld [tilespmem:s2+$0x94A0]  }
.Ltmp21:
0x29d: {  	v1 =	vadd.f32 v1, v2;
	(pc) =	sbr.rel @p0 .LBB2_44-.Ltmp21, $4  }
0x29e: {  	v2 =	vld [tilespmem:s2+$0x9520]  }
0x29f: {  	v4 =	vadd.f32 v4, v1  }
0x2a0: {  	v1 =	vld [tilespmem:s2+$0x95A0]  }
0x2a1: {  	s2 =	sshra.s32 s4, $0x2;
	s4 =	sadd.s32 $0x800, s4;
	v3 =	vadd.f32 v3, v4  }
0x2a2: {  	v4 =	vld [tilespmem:s2+$0x9420]  }
0x2a3: {  	v2 =	vadd.f32 v2, v3  }
0x2a4: {  	v3 =	vld [tilespmem:s2+$0x94A0]  }
0x2a5: {  	v1 =	vadd.f32 v1, v2  }
0x2a6: {  	v2 =	vld [tilespmem:s2+$0x9520]  }
0x2a7: {  	v1 =	vadd.f32 v4, v1  }
0x2a8: {  	v4 =	vld [tilespmem:s2+$0x95A0]  }
0x2a9: {  	v1 =	vadd.f32 v3, v1;
	_ =	sdelay $0x1  }
0x2aa: {  	v1 =	vadd.f32 v2, v1  }
0x2ab: {  	v2 =	vld [tilespmem:$0x6420]  }
0x2ac: {  	v1 =	vadd.f32 v4, v1  }
0x2ad: {  	v3 =	vld [tilespmem:$0xC7A0]  }
0x2ae: {  	v1 =	vmul.f32 $3.000000000e+00, v1;
	_ =	sdelay $0x1  }
0x2af: {  	v1 =	vsub.f32 v1, v2;
	_ =	sdelay $0x1  }
0x2b0: {  	v1 =	vsub.f32 v1, v3;
	_ =	sdelay $0x1  }
0x2b1: {  	v1 =	vmul.f32 $2.506265650e-03, v1;
	_ =	sdelay $0x1  }
0x2b2: {  	v1 =	vadd.f32 v1, v0;
	_ =	sdelay $0x1  }
0x2b3: {  	s2 =	simm.s32 $0x0;
	[tilespmem:$0xC820] =	vst v1  }
0x2b4: {  	v1 =	vld [tilespmem:s2+$0x6430];
	_ =	sdelay $0x2  }
0x2b5: {  	v3 =	vld [tilespmem:s2+$0x64B0]  }
0x2b6: {  	v2 =	vimm.f32 $0.0e+00  }
0x2b7: {  	v4 =	vadd.f32 v1, v2;
	v2 =	vld [tilespmem:s2+$0x6530];
	_ =	sdelay $0x1  }
0x2b8: {  	v1 =	vld [tilespmem:s2+$0x65B0]  }
0x2b9: {  	s4 =	simm.s32 $0x200;
	s5 =	simm.s32 $0x1000;
	v3 =	vadd.f32 v3, v4  }
.LBB2_46:
0x2ba: {  	p0 =	sne.s32 s5, $0xB800;
	v4 =	vld [tilespmem:s4+$0x6430]  }
0x2bb: {  	v2 =	vadd.f32 v2, v3  }
0x2bc: {  	v3 =	vld [tilespmem:s4+$0x64B0]  }
.Ltmp22:
0x2bd: {  	v1 =	vadd.f32 v1, v2;
	(pc) =	sbr.rel @p0 .LBB2_46-.Ltmp22, $4  }
0x2be: {  	v2 =	vld [tilespmem:s4+$0x6530]  }
0x2bf: {  	v4 =	vadd.f32 v4, v1  }
0x2c0: {  	v1 =	vld [tilespmem:s4+$0x65B0]  }
0x2c1: {  	s4 =	sshra.s32 s5, $0x2;
	s5 =	sadd.s32 $0x800, s5;
	v3 =	vadd.f32 v3, v4  }
0x2c2: {  	v4 =	vld [tilespmem:s4+$0x6430]  }
0x2c3: {  	v2 =	vadd.f32 v2, v3  }
0x2c4: {  	v3 =	vld [tilespmem:s4+$0x64B0]  }
0x2c5: {  	v1 =	vadd.f32 v1, v2  }
0x2c6: {  	v2 =	vld [tilespmem:s4+$0x6530]  }
0x2c7: {  	v1 =	vadd.f32 v4, v1  }
0x2c8: {  	v4 =	vld [tilespmem:s4+$0x65B0]  }
0x2c9: {  	v1 =	vadd.f32 v3, v1  }
0x2ca: {  	v3 =	vld [tilespmem:s2+$0x9430]  }
0x2cb: {  	v1 =	vadd.f32 v2, v1  }
0x2cc: {  	v5 =	vld [tilespmem:s2+$0x94B0]  }
0x2cd: {  	v1 =	vadd.f32 v4, v1  }
0x2ce: {  	v2 =	vld [tilespmem:s2+$0x9530]  }
0x2cf: {  	v3 =	vadd.f32 v3, v1  }
0x2d0: {  	v1 =	vld [tilespmem:s2+$0x95B0]  }
0x2d1: {  	s4 =	simm.s32 $0x1000;
	s2 =	simm.s32 $0x200;
	v3 =	vadd.f32 v5, v3  }
.LBB2_48:
0x2d2: {  	p0 =	sne.s32 s4, $0xC800;
	v4 =	vld [tilespmem:s2+$0x9430]  }
0x2d3: {  	v2 =	vadd.f32 v2, v3  }
0x2d4: {  	v3 =	vld [tilespmem:s2+$0x94B0]  }
.Ltmp23:
0x2d5: {  	v1 =	vadd.f32 v1, v2;
	(pc) =	sbr.rel @p0 .LBB2_48-.Ltmp23, $4  }
0x2d6: {  	v2 =	vld [tilespmem:s2+$0x9530]  }
0x2d7: {  	v4 =	vadd.f32 v4, v1  }
0x2d8: {  	v1 =	vld [tilespmem:s2+$0x95B0]  }
0x2d9: {  	s2 =	sshra.s32 s4, $0x2;
	s4 =	sadd.s32 $0x800, s4;
	v3 =	vadd.f32 v3, v4  }
0x2da: {  	v4 =	vld [tilespmem:s2+$0x9430]  }
0x2db: {  	v2 =	vadd.f32 v2, v3  }
0x2dc: {  	v3 =	vld [tilespmem:s2+$0x94B0]  }
0x2dd: {  	v1 =	vadd.f32 v1, v2  }
0x2de: {  	v2 =	vld [tilespmem:s2+$0x9530]  }
0x2df: {  	v1 =	vadd.f32 v4, v1  }
0x2e0: {  	v4 =	vld [tilespmem:s2+$0x95B0]  }
0x2e1: {  	v1 =	vadd.f32 v3, v1;
	_ =	sdelay $0x1  }
0x2e2: {  	v1 =	vadd.f32 v2, v1  }
0x2e3: {  	v2 =	vld [tilespmem:$0x6430]  }
0x2e4: {  	v1 =	vadd.f32 v4, v1  }
0x2e5: {  	v3 =	vld [tilespmem:$0xC7B0]  }
0x2e6: {  	v1 =	vmul.f32 $3.000000000e+00, v1;
	_ =	sdelay $0x1  }
0x2e7: {  	v1 =	vsub.f32 v1, v2;
	_ =	sdelay $0x1  }
0x2e8: {  	v1 =	vsub.f32 v1, v3;
	_ =	sdelay $0x1  }
0x2e9: {  	v1 =	vmul.f32 $2.506265650e-03, v1;
	_ =	sdelay $0x1  }
0x2ea: {  	v1 =	vadd.f32 v1, v0;
	_ =	sdelay $0x1  }
0x2eb: {  	s2 =	simm.s32 $0x0;
	[tilespmem:$0xC830] =	vst v1  }
0x2ec: {  	v1 =	vld [tilespmem:s2+$0x6440];
	_ =	sdelay $0x2  }
0x2ed: {  	v3 =	vld [tilespmem:s2+$0x64C0]  }
0x2ee: {  	v2 =	vimm.f32 $0.0e+00  }
0x2ef: {  	v4 =	vadd.f32 v1, v2;
	v2 =	vld [tilespmem:s2+$0x6540];
	_ =	sdelay $0x1  }
0x2f0: {  	v1 =	vld [tilespmem:s2+$0x65C0]  }
0x2f1: {  	s4 =	simm.s32 $0x200;
	s5 =	simm.s32 $0x1000;
	v3 =	vadd.f32 v3, v4  }
.LBB2_50:
0x2f2: {  	p0 =	sne.s32 s5, $0xB800;
	v4 =	vld [tilespmem:s4+$0x6440]  }
0x2f3: {  	v2 =	vadd.f32 v2, v3  }
0x2f4: {  	v3 =	vld [tilespmem:s4+$0x64C0]  }
.Ltmp24:
0x2f5: {  	v1 =	vadd.f32 v1, v2;
	(pc) =	sbr.rel @p0 .LBB2_50-.Ltmp24, $4  }
0x2f6: {  	v2 =	vld [tilespmem:s4+$0x6540]  }
0x2f7: {  	v4 =	vadd.f32 v4, v1  }
0x2f8: {  	v1 =	vld [tilespmem:s4+$0x65C0]  }
0x2f9: {  	s4 =	sshra.s32 s5, $0x2;
	s5 =	sadd.s32 $0x800, s5;
	v3 =	vadd.f32 v3, v4  }
0x2fa: {  	v4 =	vld [tilespmem:s4+$0x6440]  }
0x2fb: {  	v2 =	vadd.f32 v2, v3  }
0x2fc: {  	v3 =	vld [tilespmem:s4+$0x64C0]  }
0x2fd: {  	v1 =	vadd.f32 v1, v2  }
0x2fe: {  	v2 =	vld [tilespmem:s4+$0x6540]  }
0x2ff: {  	v1 =	vadd.f32 v4, v1  }
0x300: {  	v4 =	vld [tilespmem:s4+$0x65C0]  }
0x301: {  	v1 =	vadd.f32 v3, v1  }
0x302: {  	v3 =	vld [tilespmem:s2+$0x9440]  }
0x303: {  	v1 =	vadd.f32 v2, v1  }
0x304: {  	v5 =	vld [tilespmem:s2+$0x94C0]  }
0x305: {  	v1 =	vadd.f32 v4, v1  }
0x306: {  	v2 =	vld [tilespmem:s2+$0x9540]  }
0x307: {  	v3 =	vadd.f32 v3, v1  }
0x308: {  	v1 =	vld [tilespmem:s2+$0x95C0]  }
0x309: {  	s4 =	simm.s32 $0x1000;
	s2 =	simm.s32 $0x200;
	v3 =	vadd.f32 v5, v3  }
.LBB2_52:
0x30a: {  	p0 =	sne.s32 s4, $0xC800;
	v4 =	vld [tilespmem:s2+$0x9440]  }
0x30b: {  	v2 =	vadd.f32 v2, v3  }
0x30c: {  	v3 =	vld [tilespmem:s2+$0x94C0]  }
.Ltmp25:
0x30d: {  	v1 =	vadd.f32 v1, v2;
	(pc) =	sbr.rel @p0 .LBB2_52-.Ltmp25, $4  }
0x30e: {  	v2 =	vld [tilespmem:s2+$0x9540]  }
0x30f: {  	v4 =	vadd.f32 v4, v1  }
0x310: {  	v1 =	vld [tilespmem:s2+$0x95C0]  }
0x311: {  	s2 =	sshra.s32 s4, $0x2;
	s4 =	sadd.s32 $0x800, s4;
	v3 =	vadd.f32 v3, v4  }
0x312: {  	v4 =	vld [tilespmem:s2+$0x9440]  }
0x313: {  	v2 =	vadd.f32 v2, v3  }
0x314: {  	v3 =	vld [tilespmem:s2+$0x94C0]  }
0x315: {  	v1 =	vadd.f32 v1, v2  }
0x316: {  	v2 =	vld [tilespmem:s2+$0x9540]  }
0x317: {  	v1 =	vadd.f32 v4, v1  }
0x318: {  	v4 =	vld [tilespmem:s2+$0x95C0]  }
0x319: {  	v1 =	vadd.f32 v3, v1;
	_ =	sdelay $0x1  }
0x31a: {  	v1 =	vadd.f32 v2, v1  }
0x31b: {  	v2 =	vld [tilespmem:$0x6440]  }
0x31c: {  	v1 =	vadd.f32 v4, v1  }
0x31d: {  	v3 =	vld [tilespmem:$0xC7C0]  }
0x31e: {  	v1 =	vmul.f32 $3.000000000e+00, v1;
	_ =	sdelay $0x1  }
0x31f: {  	v1 =	vsub.f32 v1, v2;
	_ =	sdelay $0x1  }
0x320: {  	v1 =	vsub.f32 v1, v3;
	_ =	sdelay $0x1  }
0x321: {  	v1 =	vmul.f32 $2.506265650e-03, v1;
	_ =	sdelay $0x1  }
0x322: {  	v1 =	vadd.f32 v1, v0;
	_ =	sdelay $0x1  }
0x323: {  	s2 =	simm.s32 $0x0;
	[tilespmem:$0xC840] =	vst v1  }
0x324: {  	v1 =	vld [tilespmem:s2+$0x6450];
	_ =	sdelay $0x2  }
0x325: {  	v3 =	vld [tilespmem:s2+$0x64D0]  }
0x326: {  	v2 =	vimm.f32 $0.0e+00  }
0x327: {  	v4 =	vadd.f32 v1, v2;
	v2 =	vld [tilespmem:s2+$0x6550];
	_ =	sdelay $0x1  }
0x328: {  	v1 =	vld [tilespmem:s2+$0x65D0]  }
0x329: {  	s4 =	simm.s32 $0x200;
	s5 =	simm.s32 $0x1000;
	v3 =	vadd.f32 v3, v4  }
.LBB2_54:
0x32a: {  	p0 =	sne.s32 s5, $0xB800;
	v4 =	vld [tilespmem:s4+$0x6450]  }
0x32b: {  	v2 =	vadd.f32 v2, v3  }
0x32c: {  	v3 =	vld [tilespmem:s4+$0x64D0]  }
.Ltmp26:
0x32d: {  	v1 =	vadd.f32 v1, v2;
	(pc) =	sbr.rel @p0 .LBB2_54-.Ltmp26, $4  }
0x32e: {  	v2 =	vld [tilespmem:s4+$0x6550]  }
0x32f: {  	v4 =	vadd.f32 v4, v1  }
0x330: {  	v1 =	vld [tilespmem:s4+$0x65D0]  }
0x331: {  	s4 =	sshra.s32 s5, $0x2;
	s5 =	sadd.s32 $0x800, s5;
	v3 =	vadd.f32 v3, v4  }
0x332: {  	v4 =	vld [tilespmem:s4+$0x6450]  }
0x333: {  	v2 =	vadd.f32 v2, v3  }
0x334: {  	v3 =	vld [tilespmem:s4+$0x64D0]  }
0x335: {  	v1 =	vadd.f32 v1, v2  }
0x336: {  	v2 =	vld [tilespmem:s4+$0x6550]  }
0x337: {  	v1 =	vadd.f32 v4, v1  }
0x338: {  	v4 =	vld [tilespmem:s4+$0x65D0]  }
0x339: {  	v1 =	vadd.f32 v3, v1  }
0x33a: {  	v3 =	vld [tilespmem:s2+$0x9450]  }
0x33b: {  	v1 =	vadd.f32 v2, v1  }
0x33c: {  	v5 =	vld [tilespmem:s2+$0x94D0]  }
0x33d: {  	v1 =	vadd.f32 v4, v1  }
0x33e: {  	v2 =	vld [tilespmem:s2+$0x9550]  }
0x33f: {  	v3 =	vadd.f32 v3, v1  }
0x340: {  	v1 =	vld [tilespmem:s2+$0x95D0]  }
0x341: {  	s4 =	simm.s32 $0x1000;
	s2 =	simm.s32 $0x200;
	v3 =	vadd.f32 v5, v3  }
.LBB2_56:
0x342: {  	p0 =	sne.s32 s4, $0xC800;
	v4 =	vld [tilespmem:s2+$0x9450]  }
0x343: {  	v2 =	vadd.f32 v2, v3  }
0x344: {  	v3 =	vld [tilespmem:s2+$0x94D0]  }
.Ltmp27:
0x345: {  	v1 =	vadd.f32 v1, v2;
	(pc) =	sbr.rel @p0 .LBB2_56-.Ltmp27, $4  }
0x346: {  	v2 =	vld [tilespmem:s2+$0x9550]  }
0x347: {  	v4 =	vadd.f32 v4, v1  }
0x348: {  	v1 =	vld [tilespmem:s2+$0x95D0]  }
0x349: {  	s2 =	sshra.s32 s4, $0x2;
	s4 =	sadd.s32 $0x800, s4;
	v3 =	vadd.f32 v3, v4  }
0x34a: {  	v4 =	vld [tilespmem:s2+$0x9450]  }
0x34b: {  	v2 =	vadd.f32 v2, v3  }
0x34c: {  	v3 =	vld [tilespmem:s2+$0x94D0]  }
0x34d: {  	v1 =	vadd.f32 v1, v2  }
0x34e: {  	v2 =	vld [tilespmem:s2+$0x9550]  }
0x34f: {  	v1 =	vadd.f32 v4, v1  }
0x350: {  	v4 =	vld [tilespmem:s2+$0x95D0]  }
0x351: {  	v1 =	vadd.f32 v3, v1;
	_ =	sdelay $0x1  }
0x352: {  	v1 =	vadd.f32 v2, v1  }
0x353: {  	v2 =	vld [tilespmem:$0x6450]  }
0x354: {  	v1 =	vadd.f32 v4, v1  }
0x355: {  	v3 =	vld [tilespmem:$0xC7D0]  }
0x356: {  	v1 =	vmul.f32 $3.000000000e+00, v1;
	_ =	sdelay $0x1  }
0x357: {  	v1 =	vsub.f32 v1, v2;
	_ =	sdelay $0x1  }
0x358: {  	v1 =	vsub.f32 v1, v3;
	_ =	sdelay $0x1  }
0x359: {  	v1 =	vmul.f32 $2.506265650e-03, v1;
	_ =	sdelay $0x1  }
0x35a: {  	v1 =	vadd.f32 v1, v0;
	_ =	sdelay $0x1  }
0x35b: {  	s2 =	simm.s32 $0x0;
	[tilespmem:$0xC850] =	vst v1  }
0x35c: {  	v1 =	vld [tilespmem:s2+$0x6460];
	_ =	sdelay $0x2  }
0x35d: {  	v3 =	vld [tilespmem:s2+$0x64E0]  }
0x35e: {  	v2 =	vimm.f32 $0.0e+00  }
0x35f: {  	v4 =	vadd.f32 v1, v2;
	v2 =	vld [tilespmem:s2+$0x6560];
	_ =	sdelay $0x1  }
0x360: {  	v1 =	vld [tilespmem:s2+$0x65E0]  }
0x361: {  	s4 =	simm.s32 $0x200;
	s5 =	simm.s32 $0x1000;
	v3 =	vadd.f32 v3, v4  }
.LBB2_58:
0x362: {  	p0 =	sne.s32 s5, $0xB800;
	v4 =	vld [tilespmem:s4+$0x6460]  }
0x363: {  	v2 =	vadd.f32 v2, v3  }
0x364: {  	v3 =	vld [tilespmem:s4+$0x64E0]  }
.Ltmp28:
0x365: {  	v1 =	vadd.f32 v1, v2;
	(pc) =	sbr.rel @p0 .LBB2_58-.Ltmp28, $4  }
0x366: {  	v2 =	vld [tilespmem:s4+$0x6560]  }
0x367: {  	v4 =	vadd.f32 v4, v1  }
0x368: {  	v1 =	vld [tilespmem:s4+$0x65E0]  }
0x369: {  	s4 =	sshra.s32 s5, $0x2;
	s5 =	sadd.s32 $0x800, s5;
	v3 =	vadd.f32 v3, v4  }
0x36a: {  	v4 =	vld [tilespmem:s4+$0x6460]  }
0x36b: {  	v2 =	vadd.f32 v2, v3  }
0x36c: {  	v3 =	vld [tilespmem:s4+$0x64E0]  }
0x36d: {  	v1 =	vadd.f32 v1, v2  }
0x36e: {  	v2 =	vld [tilespmem:s4+$0x6560]  }
0x36f: {  	v1 =	vadd.f32 v4, v1  }
0x370: {  	v4 =	vld [tilespmem:s4+$0x65E0]  }
0x371: {  	v1 =	vadd.f32 v3, v1  }
0x372: {  	v3 =	vld [tilespmem:s2+$0x9460]  }
0x373: {  	v1 =	vadd.f32 v2, v1  }
0x374: {  	v5 =	vld [tilespmem:s2+$0x94E0]  }
0x375: {  	v1 =	vadd.f32 v4, v1  }
0x376: {  	v2 =	vld [tilespmem:s2+$0x9560]  }
0x377: {  	v3 =	vadd.f32 v3, v1  }
0x378: {  	v1 =	vld [tilespmem:s2+$0x95E0]  }
0x379: {  	s4 =	simm.s32 $0x1000;
	s2 =	simm.s32 $0x200;
	v3 =	vadd.f32 v5, v3  }
.LBB2_60:
0x37a: {  	p0 =	sne.s32 s4, $0xC800;
	v4 =	vld [tilespmem:s2+$0x9460]  }
0x37b: {  	v2 =	vadd.f32 v2, v3  }
0x37c: {  	v3 =	vld [tilespmem:s2+$0x94E0]  }
.Ltmp29:
0x37d: {  	v1 =	vadd.f32 v1, v2;
	(pc) =	sbr.rel @p0 .LBB2_60-.Ltmp29, $4  }
0x37e: {  	v2 =	vld [tilespmem:s2+$0x9560]  }
0x37f: {  	v4 =	vadd.f32 v4, v1  }
0x380: {  	v1 =	vld [tilespmem:s2+$0x95E0]  }
0x381: {  	s2 =	sshra.s32 s4, $0x2;
	s4 =	sadd.s32 $0x800, s4;
	v3 =	vadd.f32 v3, v4  }
0x382: {  	v4 =	vld [tilespmem:s2+$0x9460]  }
0x383: {  	v2 =	vadd.f32 v2, v3  }
0x384: {  	v3 =	vld [tilespmem:s2+$0x94E0]  }
0x385: {  	v1 =	vadd.f32 v1, v2  }
0x386: {  	v2 =	vld [tilespmem:s2+$0x9560]  }
0x387: {  	v1 =	vadd.f32 v4, v1  }
0x388: {  	v4 =	vld [tilespmem:s2+$0x95E0]  }
0x389: {  	v1 =	vadd.f32 v3, v1;
	_ =	sdelay $0x1  }
0x38a: {  	v1 =	vadd.f32 v2, v1  }
0x38b: {  	v2 =	vld [tilespmem:$0x6460]  }
0x38c: {  	v1 =	vadd.f32 v4, v1  }
0x38d: {  	v3 =	vld [tilespmem:$0xC7E0]  }
0x38e: {  	v1 =	vmul.f32 $3.000000000e+00, v1;
	_ =	sdelay $0x1  }
0x38f: {  	v1 =	vsub.f32 v1, v2;
	_ =	sdelay $0x1  }
0x390: {  	v1 =	vsub.f32 v1, v3;
	_ =	sdelay $0x1  }
0x391: {  	v1 =	vmul.f32 $2.506265650e-03, v1;
	_ =	sdelay $0x1  }
0x392: {  	v1 =	vadd.f32 v1, v0;
	_ =	sdelay $0x1  }
0x393: {  	s2 =	simm.s32 $0x0;
	[tilespmem:$0xC860] =	vst v1  }
0x394: {  	v1 =	vld [tilespmem:s2+$0x6470];
	_ =	sdelay $0x2  }
0x395: {  	v3 =	vld [tilespmem:s2+$0x64F0]  }
0x396: {  	v2 =	vimm.f32 $0.0e+00  }
0x397: {  	v4 =	vadd.f32 v1, v2;
	v2 =	vld [tilespmem:s2+$0x6570];
	_ =	sdelay $0x1  }
0x398: {  	v1 =	vld [tilespmem:s2+$0x65F0]  }
0x399: {  	s4 =	simm.s32 $0x200;
	s5 =	simm.s32 $0x1000;
	v3 =	vadd.f32 v3, v4  }
.LBB2_62:
0x39a: {  	p0 =	sne.s32 s5, $0xB800;
	v4 =	vld [tilespmem:s4+$0x6470]  }
0x39b: {  	v2 =	vadd.f32 v2, v3  }
0x39c: {  	v3 =	vld [tilespmem:s4+$0x64F0]  }
.Ltmp30:
0x39d: {  	v1 =	vadd.f32 v1, v2;
	(pc) =	sbr.rel @p0 .LBB2_62-.Ltmp30, $4  }
0x39e: {  	v2 =	vld [tilespmem:s4+$0x6570]  }
0x39f: {  	v4 =	vadd.f32 v4, v1  }
0x3a0: {  	v1 =	vld [tilespmem:s4+$0x65F0]  }
0x3a1: {  	s4 =	sshra.s32 s5, $0x2;
	s5 =	sadd.s32 $0x800, s5;
	v3 =	vadd.f32 v3, v4  }
0x3a2: {  	v4 =	vld [tilespmem:s4+$0x6470]  }
0x3a3: {  	v2 =	vadd.f32 v2, v3  }
0x3a4: {  	v3 =	vld [tilespmem:s4+$0x64F0]  }
0x3a5: {  	v1 =	vadd.f32 v1, v2  }
0x3a6: {  	v2 =	vld [tilespmem:s4+$0x6570]  }
0x3a7: {  	v1 =	vadd.f32 v4, v1  }
0x3a8: {  	v4 =	vld [tilespmem:s4+$0x65F0]  }
0x3a9: {  	v1 =	vadd.f32 v3, v1  }
0x3aa: {  	v3 =	vld [tilespmem:s2+$0x9470]  }
0x3ab: {  	v1 =	vadd.f32 v2, v1  }
0x3ac: {  	v5 =	vld [tilespmem:s2+$0x94F0]  }
0x3ad: {  	v1 =	vadd.f32 v4, v1  }
0x3ae: {  	v2 =	vld [tilespmem:s2+$0x9570]  }
0x3af: {  	v3 =	vadd.f32 v3, v1  }
0x3b0: {  	v1 =	vld [tilespmem:s2+$0x95F0]  }
0x3b1: {  	s4 =	simm.s32 $0x1000;
	s2 =	simm.s32 $0x200;
	v3 =	vadd.f32 v5, v3  }
.LBB2_64:
0x3b2: {  	p0 =	sne.s32 s4, $0xC800;
	v4 =	vld [tilespmem:s2+$0x9470]  }
0x3b3: {  	v2 =	vadd.f32 v2, v3  }
0x3b4: {  	v3 =	vld [tilespmem:s2+$0x94F0]  }
.Ltmp31:
0x3b5: {  	v1 =	vadd.f32 v1, v2;
	(pc) =	sbr.rel @p0 .LBB2_64-.Ltmp31, $4  }
0x3b6: {  	v2 =	vld [tilespmem:s2+$0x9570]  }
0x3b7: {  	v4 =	vadd.f32 v4, v1  }
0x3b8: {  	v1 =	vld [tilespmem:s2+$0x95F0]  }
0x3b9: {  	s2 =	sshra.s32 s4, $0x2;
	s4 =	sadd.s32 $0x800, s4;
	v3 =	vadd.f32 v3, v4  }
0x3ba: {  	v4 =	vld [tilespmem:s2+$0x9470]  }
0x3bb: {  	v2 =	vadd.f32 v2, v3  }
0x3bc: {  	v3 =	vld [tilespmem:s2+$0x94F0]  }
0x3bd: {  	v1 =	vadd.f32 v1, v2  }
0x3be: {  	v2 =	vld [tilespmem:s2+$0x9570]  }
0x3bf: {  	v1 =	vadd.f32 v4, v1  }
0x3c0: {  	v4 =	vld [tilespmem:s2+$0x95F0]  }
0x3c1: {  	v1 =	vadd.f32 v3, v1;
	_ =	sdelay $0x1  }
0x3c2: {  	v1 =	vadd.f32 v2, v1  }
0x3c3: {  	v2 =	vld [tilespmem:$0x6470]  }
0x3c4: {  	v1 =	vadd.f32 v4, v1  }
0x3c5: {  	v3 =	vld [tilespmem:$0xC7F0]  }
0x3c6: {  	v1 =	vmul.f32 $3.000000000e+00, v1;
	_ =	sdelay $0x1  }
0x3c7: {  	v1 =	vsub.f32 v1, v2;
	_ =	sdelay $0x1  }
0x3c8: {  	v1 =	vsub.f32 v1, v3;
	_ =	sdelay $0x1  }
0x3c9: {  	v1 =	vmul.f32 $2.506265650e-03, v1;
	_ =	sdelay $0x1  }
0x3ca: {  	v1 =	vadd.f32 v1, v0;
	_ =	sdelay $0x1  }
0x3cb: {  	s5 =	simm.s32 $0x0;
	[tilespmem:$0xC870] =	vst v1  }
0x3cc: {  	[hbm4b:s13+s5] =	stream.linear.scatter [tilespmem:s0], [sflag:$0x4], $0x80, $0x38;
	[tilespmem:$0x1C900] =	vst v63  }
0x3cd: {  	_ =	swait.ge [sflag:s20], $0x80  }
0x3ce: {  	[sflag:s20] =	ssyncset.done $0x0  }
0x3cf: {  	[sflag:s20] =	ssyncadd.s32 $0xFFFFFF80  }
0x3d0: {  	_ =	swait.ge [sflag:s25], $0x3000  }
0x3d1: {  	[sflag:s25] =	ssyncset.done $0x0  }
0x3d2: {  	[sflag:s25] =	ssyncadd.s32 $0xFFFFD000  }
0x3d3: {  	_ =	swait.ge [sflag:s25], $0x3400  }
0x3d4: {  	[sflag:s25] =	ssyncset.done $0x0  }
0x3d5: {  	[sflag:s25] =	ssyncadd.s32 $0xFFFFCC00  }
0x3d6: {  	[tilespmem:s26], [sflag:$0x1] =	stream.indirect.gather [spmem:s1], $0x1, s5, s23, $0xb8;
	[tilespmem:$0x1C900] =	vst v63  }
0x3d7: {  	_ = 	snop  }
0x3d8: {  	[tilespmem:s29], [sflag:$0x2] =	stream.indirect.gather [spmem:s1], $0x1, s23, s28, $0xb8;
	[tilespmem:$0x1C900] =	vst v63  }
0x3d9: {  	_ =	swait.ge [sflag:s30], $0x3000  }
0x3da: {  	[sflag:s30] =	ssyncset.done $0x0  }
0x3db: {  	[sflag:s30] =	ssyncadd.s32 $0xFFFFD000  }
0x3dc: {  	_ =	swait.ge [sflag:s31], $0x3400  }
0x3dd: {  	[sflag:s31] =	ssyncset.done $0x0  }
0x3de: {  	[sflag:s31] =	ssyncadd.s32 $0xFFFFCC00  }
0x3df: {  	[tilespmem:s5], [sflag:$0x3] =	stream.strided.gather [hbm4b:s14+s21], $0x3000, s22, s21, $0x38;
	[tilespmem:$0x1C900] =	vst v63  }
0x3e0: {  	s2 =	simm.s32 $0x0  }
0x3e1: {  	[tilespmem:s23], [sflag:$0x3] =	stream.strided.gather [hbm4b:s15+s21], $0x3400, s22, s21, $0x38;
	[tilespmem:$0x1C900] =	vst v63  }
0x3e2: {  	v1 =	vld [tilespmem:s2+$0x6400];
	_ =	sdelay $0x2  }
0x3e3: {  	v3 =	vld [tilespmem:s2+$0x6480]  }
0x3e4: {  	v2 =	vimm.f32 $0.0e+00  }
0x3e5: {  	v4 =	vadd.f32 v1, v2;
	v2 =	vld [tilespmem:s2+$0x6500];
	_ =	sdelay $0x1  }
0x3e6: {  	v1 =	vld [tilespmem:s2+$0x6580]  }
0x3e7: {  	s4 =	simm.s32 $0x200;
	s5 =	simm.s32 $0x1000;
	v3 =	vadd.f32 v3, v4  }
.LBB2_66:
0x3e8: {  	p0 =	sne.s32 s5, $0xB800;
	v4 =	vld [tilespmem:s4+$0x6400]  }
0x3e9: {  	v2 =	vadd.f32 v2, v3  }
0x3ea: {  	v3 =	vld [tilespmem:s4+$0x6480]  }
.Ltmp32:
0x3eb: {  	v1 =	vadd.f32 v1, v2;
	(pc) =	sbr.rel @p0 .LBB2_66-.Ltmp32, $4  }
0x3ec: {  	v2 =	vld [tilespmem:s4+$0x6500]  }
0x3ed: {  	v4 =	vadd.f32 v4, v1  }
0x3ee: {  	v1 =	vld [tilespmem:s4+$0x6580]  }
0x3ef: {  	s4 =	sshra.s32 s5, $0x2;
	s5 =	sadd.s32 $0x800, s5;
	v3 =	vadd.f32 v3, v4  }
0x3f0: {  	v4 =	vld [tilespmem:s4+$0x6400]  }
0x3f1: {  	v2 =	vadd.f32 v2, v3  }
0x3f2: {  	v3 =	vld [tilespmem:s4+$0x6480]  }
0x3f3: {  	v1 =	vadd.f32 v1, v2  }
0x3f4: {  	v2 =	vld [tilespmem:s4+$0x6500]  }
0x3f5: {  	v1 =	vadd.f32 v4, v1  }
0x3f6: {  	v4 =	vld [tilespmem:s4+$0x6580]  }
0x3f7: {  	v1 =	vadd.f32 v3, v1  }
0x3f8: {  	v3 =	vld [tilespmem:s2+$0x9400]  }
0x3f9: {  	v1 =	vadd.f32 v2, v1  }
0x3fa: {  	v5 =	vld [tilespmem:s2+$0x9480]  }
0x3fb: {  	v1 =	vadd.f32 v4, v1  }
0x3fc: {  	v2 =	vld [tilespmem:s2+$0x9500]  }
0x3fd: {  	v3 =	vadd.f32 v3, v1  }
0x3fe: {  	v1 =	vld [tilespmem:s2+$0x9580]  }
0x3ff: {  	s4 =	simm.s32 $0x1000;
	s2 =	simm.s32 $0x200;
	v3 =	vadd.f32 v5, v3  }
.LBB2_68:
0x400: {  	p0 =	sne.s32 s4, $0xC800;
	v4 =	vld [tilespmem:s2+$0x9400]  }
0x401: {  	v2 =	vadd.f32 v2, v3  }
0x402: {  	v3 =	vld [tilespmem:s2+$0x9480]  }
.Ltmp33:
0x403: {  	v1 =	vadd.f32 v1, v2;
	(pc) =	sbr.rel @p0 .LBB2_68-.Ltmp33, $4  }
0x404: {  	v2 =	vld [tilespmem:s2+$0x9500]  }
0x405: {  	v4 =	vadd.f32 v4, v1  }
0x406: {  	v1 =	vld [tilespmem:s2+$0x9580]  }
0x407: {  	s2 =	sshra.s32 s4, $0x2;
	s4 =	sadd.s32 $0x800, s4;
	v3 =	vadd.f32 v3, v4  }
0x408: {  	v4 =	vld [tilespmem:s2+$0x9400]  }
0x409: {  	v2 =	vadd.f32 v2, v3  }
0x40a: {  	v3 =	vld [tilespmem:s2+$0x9480]  }
0x40b: {  	v1 =	vadd.f32 v1, v2  }
0x40c: {  	v2 =	vld [tilespmem:s2+$0x9500]  }
0x40d: {  	v1 =	vadd.f32 v4, v1  }
0x40e: {  	v4 =	vld [tilespmem:s2+$0x9580]  }
0x40f: {  	v1 =	vadd.f32 v3, v1;
	_ =	sdelay $0x1  }
0x410: {  	v1 =	vadd.f32 v2, v1  }
0x411: {  	v2 =	vld [tilespmem:$0x6400]  }
0x412: {  	v1 =	vadd.f32 v4, v1  }
0x413: {  	v3 =	vld [tilespmem:$0xC780]  }
0x414: {  	v1 =	vmul.f32 $3.000000000e+00, v1;
	_ =	sdelay $0x1  }
0x415: {  	v1 =	vsub.f32 v1, v2;
	_ =	sdelay $0x1  }
0x416: {  	v1 =	vsub.f32 v1, v3;
	_ =	sdelay $0x1  }
0x417: {  	v1 =	vmul.f32 $2.506265650e-03, v1;
	_ =	sdelay $0x1  }
0x418: {  	v1 =	vadd.f32 v1, v0;
	_ =	sdelay $0x1  }
0x419: {  	s2 =	simm.s32 $0x0;
	[tilespmem:$0xC800] =	vst v1  }
0x41a: {  	v1 =	vld [tilespmem:s2+$0x6410];
	_ =	sdelay $0x2  }
0x41b: {  	v3 =	vld [tilespmem:s2+$0x6490]  }
0x41c: {  	v2 =	vimm.f32 $0.0e+00  }
0x41d: {  	v4 =	vadd.f32 v1, v2;
	v2 =	vld [tilespmem:s2+$0x6510];
	_ =	sdelay $0x1  }
0x41e: {  	v1 =	vld [tilespmem:s2+$0x6590]  }
0x41f: {  	s4 =	simm.s32 $0x200;
	s5 =	simm.s32 $0x1000;
	v3 =	vadd.f32 v3, v4  }
.LBB2_70:
0x420: {  	p0 =	sne.s32 s5, $0xB800;
	v4 =	vld [tilespmem:s4+$0x6410]  }
0x421: {  	v2 =	vadd.f32 v2, v3  }
0x422: {  	v3 =	vld [tilespmem:s4+$0x6490]  }
.Ltmp34:
0x423: {  	v1 =	vadd.f32 v1, v2;
	(pc) =	sbr.rel @p0 .LBB2_70-.Ltmp34, $4  }
0x424: {  	v2 =	vld [tilespmem:s4+$0x6510]  }
0x425: {  	v4 =	vadd.f32 v4, v1  }
0x426: {  	v1 =	vld [tilespmem:s4+$0x6590]  }
0x427: {  	s4 =	sshra.s32 s5, $0x2;
	s5 =	sadd.s32 $0x800, s5;
	v3 =	vadd.f32 v3, v4  }
0x428: {  	v4 =	vld [tilespmem:s4+$0x6410]  }
0x429: {  	v2 =	vadd.f32 v2, v3  }
0x42a: {  	v3 =	vld [tilespmem:s4+$0x6490]  }
0x42b: {  	v1 =	vadd.f32 v1, v2  }
0x42c: {  	v2 =	vld [tilespmem:s4+$0x6510]  }
0x42d: {  	v1 =	vadd.f32 v4, v1  }
0x42e: {  	v4 =	vld [tilespmem:s4+$0x6590]  }
0x42f: {  	v1 =	vadd.f32 v3, v1  }
0x430: {  	v3 =	vld [tilespmem:s2+$0x9410]  }
0x431: {  	v1 =	vadd.f32 v2, v1  }
0x432: {  	v5 =	vld [tilespmem:s2+$0x9490]  }
0x433: {  	v1 =	vadd.f32 v4, v1  }
0x434: {  	v2 =	vld [tilespmem:s2+$0x9510]  }
0x435: {  	v3 =	vadd.f32 v3, v1  }
0x436: {  	v1 =	vld [tilespmem:s2+$0x9590]  }
0x437: {  	s4 =	simm.s32 $0x1000;
	s2 =	simm.s32 $0x200;
	v3 =	vadd.f32 v5, v3  }
.LBB2_72:
0x438: {  	p0 =	sne.s32 s4, $0xC800;
	v4 =	vld [tilespmem:s2+$0x9410]  }
0x439: {  	v2 =	vadd.f32 v2, v3  }
0x43a: {  	v3 =	vld [tilespmem:s2+$0x9490]  }
.Ltmp35:
0x43b: {  	v1 =	vadd.f32 v1, v2;
	(pc) =	sbr.rel @p0 .LBB2_72-.Ltmp35, $4  }
0x43c: {  	v2 =	vld [tilespmem:s2+$0x9510]  }
0x43d: {  	v4 =	vadd.f32 v4, v1  }
0x43e: {  	v1 =	vld [tilespmem:s2+$0x9590]  }
0x43f: {  	s2 =	sshra.s32 s4, $0x2;
	s4 =	sadd.s32 $0x800, s4;
	v3 =	vadd.f32 v3, v4  }
0x440: {  	v4 =	vld [tilespmem:s2+$0x9410]  }
0x441: {  	v2 =	vadd.f32 v2, v3  }
0x442: {  	v3 =	vld [tilespmem:s2+$0x9490]  }
0x443: {  	v1 =	vadd.f32 v1, v2  }
0x444: {  	v2 =	vld [tilespmem:s2+$0x9510]  }
0x445: {  	v1 =	vadd.f32 v4, v1  }
0x446: {  	v4 =	vld [tilespmem:s2+$0x9590]  }
0x447: {  	v1 =	vadd.f32 v3, v1;
	_ =	sdelay $0x1  }
0x448: {  	v1 =	vadd.f32 v2, v1  }
0x449: {  	v2 =	vld [tilespmem:$0x6410]  }
0x44a: {  	v1 =	vadd.f32 v4, v1  }
0x44b: {  	v3 =	vld [tilespmem:$0xC790]  }
0x44c: {  	v1 =	vmul.f32 $3.000000000e+00, v1;
	_ =	sdelay $0x1  }
0x44d: {  	v1 =	vsub.f32 v1, v2;
	_ =	sdelay $0x1  }
0x44e: {  	v1 =	vsub.f32 v1, v3;
	_ =	sdelay $0x1  }
0x44f: {  	v1 =	vmul.f32 $2.506265650e-03, v1;
	_ =	sdelay $0x1  }
0x450: {  	v1 =	vadd.f32 v1, v0;
	_ =	sdelay $0x1  }
0x451: {  	s2 =	simm.s32 $0x0;
	[tilespmem:$0xC810] =	vst v1  }
0x452: {  	v1 =	vld [tilespmem:s2+$0x6420];
	_ =	sdelay $0x2  }
0x453: {  	v3 =	vld [tilespmem:s2+$0x64A0]  }
0x454: {  	v2 =	vimm.f32 $0.0e+00  }
0x455: {  	v4 =	vadd.f32 v1, v2;
	v2 =	vld [tilespmem:s2+$0x6520];
	_ =	sdelay $0x1  }
0x456: {  	v1 =	vld [tilespmem:s2+$0x65A0]  }
0x457: {  	s4 =	simm.s32 $0x200;
	s5 =	simm.s32 $0x1000;
	v3 =	vadd.f32 v3, v4  }
.LBB2_74:
0x458: {  	p0 =	sne.s32 s5, $0xB800;
	v4 =	vld [tilespmem:s4+$0x6420]  }
0x459: {  	v2 =	vadd.f32 v2, v3  }
0x45a: {  	v3 =	vld [tilespmem:s4+$0x64A0]  }
.Ltmp36:
0x45b: {  	v1 =	vadd.f32 v1, v2;
	(pc) =	sbr.rel @p0 .LBB2_74-.Ltmp36, $4  }
0x45c: {  	v2 =	vld [tilespmem:s4+$0x6520]  }
0x45d: {  	v4 =	vadd.f32 v4, v1  }
0x45e: {  	v1 =	vld [tilespmem:s4+$0x65A0]  }
0x45f: {  	s4 =	sshra.s32 s5, $0x2;
	s5 =	sadd.s32 $0x800, s5;
	v3 =	vadd.f32 v3, v4  }
0x460: {  	v4 =	vld [tilespmem:s4+$0x6420]  }
0x461: {  	v2 =	vadd.f32 v2, v3  }
0x462: {  	v3 =	vld [tilespmem:s4+$0x64A0]  }
0x463: {  	v1 =	vadd.f32 v1, v2  }
0x464: {  	v2 =	vld [tilespmem:s4+$0x6520]  }
0x465: {  	v1 =	vadd.f32 v4, v1  }
0x466: {  	v4 =	vld [tilespmem:s4+$0x65A0]  }
0x467: {  	v1 =	vadd.f32 v3, v1  }
0x468: {  	v3 =	vld [tilespmem:s2+$0x9420]  }
0x469: {  	v1 =	vadd.f32 v2, v1  }
0x46a: {  	v5 =	vld [tilespmem:s2+$0x94A0]  }
0x46b: {  	v1 =	vadd.f32 v4, v1  }
0x46c: {  	v2 =	vld [tilespmem:s2+$0x9520]  }
0x46d: {  	v3 =	vadd.f32 v3, v1  }
0x46e: {  	v1 =	vld [tilespmem:s2+$0x95A0]  }
0x46f: {  	s4 =	simm.s32 $0x1000;
	s2 =	simm.s32 $0x200;
	v3 =	vadd.f32 v5, v3  }
.LBB2_76:
0x470: {  	p0 =	sne.s32 s4, $0xC800;
	v4 =	vld [tilespmem:s2+$0x9420]  }
0x471: {  	v2 =	vadd.f32 v2, v3  }
0x472: {  	v3 =	vld [tilespmem:s2+$0x94A0]  }
.Ltmp37:
0x473: {  	v1 =	vadd.f32 v1, v2;
	(pc) =	sbr.rel @p0 .LBB2_76-.Ltmp37, $4  }
0x474: {  	v2 =	vld [tilespmem:s2+$0x9520]  }
0x475: {  	v4 =	vadd.f32 v4, v1  }
0x476: {  	v1 =	vld [tilespmem:s2+$0x95A0]  }
0x477: {  	s2 =	sshra.s32 s4, $0x2;
	s4 =	sadd.s32 $0x800, s4;
	v3 =	vadd.f32 v3, v4  }
0x478: {  	v4 =	vld [tilespmem:s2+$0x9420]  }
0x479: {  	v2 =	vadd.f32 v2, v3  }
0x47a: {  	v3 =	vld [tilespmem:s2+$0x94A0]  }
0x47b: {  	v1 =	vadd.f32 v1, v2  }
0x47c: {  	v2 =	vld [tilespmem:s2+$0x9520]  }
0x47d: {  	v1 =	vadd.f32 v4, v1  }
0x47e: {  	v4 =	vld [tilespmem:s2+$0x95A0]  }
0x47f: {  	v1 =	vadd.f32 v3, v1;
	_ =	sdelay $0x1  }
0x480: {  	v1 =	vadd.f32 v2, v1  }
0x481: {  	v2 =	vld [tilespmem:$0x6420]  }
0x482: {  	v1 =	vadd.f32 v4, v1  }
0x483: {  	v3 =	vld [tilespmem:$0xC7A0]  }
0x484: {  	v1 =	vmul.f32 $3.000000000e+00, v1;
	_ =	sdelay $0x1  }
0x485: {  	v1 =	vsub.f32 v1, v2;
	_ =	sdelay $0x1  }
0x486: {  	v1 =	vsub.f32 v1, v3;
	_ =	sdelay $0x1  }
0x487: {  	v1 =	vmul.f32 $2.506265650e-03, v1;
	_ =	sdelay $0x1  }
0x488: {  	v1 =	vadd.f32 v1, v0;
	_ =	sdelay $0x1  }
0x489: {  	s2 =	simm.s32 $0x0;
	[tilespmem:$0xC820] =	vst v1  }
0x48a: {  	v1 =	vld [tilespmem:s2+$0x6430];
	_ =	sdelay $0x2  }
0x48b: {  	v3 =	vld [tilespmem:s2+$0x64B0]  }
0x48c: {  	v2 =	vimm.f32 $0.0e+00  }
0x48d: {  	v4 =	vadd.f32 v1, v2;
	v2 =	vld [tilespmem:s2+$0x6530];
	_ =	sdelay $0x1  }
0x48e: {  	v1 =	vld [tilespmem:s2+$0x65B0]  }
0x48f: {  	s4 =	simm.s32 $0x200;
	s5 =	simm.s32 $0x1000;
	v3 =	vadd.f32 v3, v4  }
.LBB2_78:
0x490: {  	p0 =	sne.s32 s5, $0xB800;
	v4 =	vld [tilespmem:s4+$0x6430]  }
0x491: {  	v2 =	vadd.f32 v2, v3  }
0x492: {  	v3 =	vld [tilespmem:s4+$0x64B0]  }
.Ltmp38:
0x493: {  	v1 =	vadd.f32 v1, v2;
	(pc) =	sbr.rel @p0 .LBB2_78-.Ltmp38, $4  }
0x494: {  	v2 =	vld [tilespmem:s4+$0x6530]  }
0x495: {  	v4 =	vadd.f32 v4, v1  }
0x496: {  	v1 =	vld [tilespmem:s4+$0x65B0]  }
0x497: {  	s4 =	sshra.s32 s5, $0x2;
	s5 =	sadd.s32 $0x800, s5;
	v3 =	vadd.f32 v3, v4  }
0x498: {  	v4 =	vld [tilespmem:s4+$0x6430]  }
0x499: {  	v2 =	vadd.f32 v2, v3  }
0x49a: {  	v3 =	vld [tilespmem:s4+$0x64B0]  }
0x49b: {  	v1 =	vadd.f32 v1, v2  }
0x49c: {  	v2 =	vld [tilespmem:s4+$0x6530]  }
0x49d: {  	v1 =	vadd.f32 v4, v1  }
0x49e: {  	v4 =	vld [tilespmem:s4+$0x65B0]  }
0x49f: {  	v1 =	vadd.f32 v3, v1  }
0x4a0: {  	v3 =	vld [tilespmem:s2+$0x9430]  }
0x4a1: {  	v1 =	vadd.f32 v2, v1  }
0x4a2: {  	v5 =	vld [tilespmem:s2+$0x94B0]  }
0x4a3: {  	v1 =	vadd.f32 v4, v1  }
0x4a4: {  	v2 =	vld [tilespmem:s2+$0x9530]  }
0x4a5: {  	v3 =	vadd.f32 v3, v1  }
0x4a6: {  	v1 =	vld [tilespmem:s2+$0x95B0]  }
0x4a7: {  	s4 =	simm.s32 $0x1000;
	s2 =	simm.s32 $0x200;
	v3 =	vadd.f32 v5, v3  }
.LBB2_80:
0x4a8: {  	p0 =	sne.s32 s4, $0xC800;
	v4 =	vld [tilespmem:s2+$0x9430]  }
0x4a9: {  	v2 =	vadd.f32 v2, v3  }
0x4aa: {  	v3 =	vld [tilespmem:s2+$0x94B0]  }
.Ltmp39:
0x4ab: {  	v1 =	vadd.f32 v1, v2;
	(pc) =	sbr.rel @p0 .LBB2_80-.Ltmp39, $4  }
0x4ac: {  	v2 =	vld [tilespmem:s2+$0x9530]  }
0x4ad: {  	v4 =	vadd.f32 v4, v1  }
0x4ae: {  	v1 =	vld [tilespmem:s2+$0x95B0]  }
0x4af: {  	s2 =	sshra.s32 s4, $0x2;
	s4 =	sadd.s32 $0x800, s4;
	v3 =	vadd.f32 v3, v4  }
0x4b0: {  	v4 =	vld [tilespmem:s2+$0x9430]  }
0x4b1: {  	v2 =	vadd.f32 v2, v3  }
0x4b2: {  	v3 =	vld [tilespmem:s2+$0x94B0]  }
0x4b3: {  	v1 =	vadd.f32 v1, v2  }
0x4b4: {  	v2 =	vld [tilespmem:s2+$0x9530]  }
0x4b5: {  	v1 =	vadd.f32 v4, v1  }
0x4b6: {  	v4 =	vld [tilespmem:s2+$0x95B0]  }
0x4b7: {  	v1 =	vadd.f32 v3, v1;
	_ =	sdelay $0x1  }
0x4b8: {  	v1 =	vadd.f32 v2, v1  }
0x4b9: {  	v2 =	vld [tilespmem:$0x6430]  }
0x4ba: {  	v1 =	vadd.f32 v4, v1  }
0x4bb: {  	v3 =	vld [tilespmem:$0xC7B0]  }
0x4bc: {  	v1 =	vmul.f32 $3.000000000e+00, v1;
	_ =	sdelay $0x1  }
0x4bd: {  	v1 =	vsub.f32 v1, v2;
	_ =	sdelay $0x1  }
0x4be: {  	v1 =	vsub.f32 v1, v3;
	_ =	sdelay $0x1  }
0x4bf: {  	v1 =	vmul.f32 $2.506265650e-03, v1;
	_ =	sdelay $0x1  }
0x4c0: {  	v1 =	vadd.f32 v1, v0;
	_ =	sdelay $0x1  }
0x4c1: {  	s2 =	simm.s32 $0x0;
	[tilespmem:$0xC830] =	vst v1  }
0x4c2: {  	v1 =	vld [tilespmem:s2+$0x6440];
	_ =	sdelay $0x2  }
0x4c3: {  	v3 =	vld [tilespmem:s2+$0x64C0]  }
0x4c4: {  	v2 =	vimm.f32 $0.0e+00  }
0x4c5: {  	v4 =	vadd.f32 v1, v2;
	v2 =	vld [tilespmem:s2+$0x6540];
	_ =	sdelay $0x1  }
0x4c6: {  	v1 =	vld [tilespmem:s2+$0x65C0]  }
0x4c7: {  	s4 =	simm.s32 $0x200;
	s5 =	simm.s32 $0x1000;
	v3 =	vadd.f32 v3, v4  }
.LBB2_82:
0x4c8: {  	p0 =	sne.s32 s5, $0xB800;
	v4 =	vld [tilespmem:s4+$0x6440]  }
0x4c9: {  	v2 =	vadd.f32 v2, v3  }
0x4ca: {  	v3 =	vld [tilespmem:s4+$0x64C0]  }
.Ltmp40:
0x4cb: {  	v1 =	vadd.f32 v1, v2;
	(pc) =	sbr.rel @p0 .LBB2_82-.Ltmp40, $4  }
0x4cc: {  	v2 =	vld [tilespmem:s4+$0x6540]  }
0x4cd: {  	v4 =	vadd.f32 v4, v1  }
0x4ce: {  	v1 =	vld [tilespmem:s4+$0x65C0]  }
0x4cf: {  	s4 =	sshra.s32 s5, $0x2;
	s5 =	sadd.s32 $0x800, s5;
	v3 =	vadd.f32 v3, v4  }
0x4d0: {  	v4 =	vld [tilespmem:s4+$0x6440]  }
0x4d1: {  	v2 =	vadd.f32 v2, v3  }
0x4d2: {  	v3 =	vld [tilespmem:s4+$0x64C0]  }
0x4d3: {  	v1 =	vadd.f32 v1, v2  }
0x4d4: {  	v2 =	vld [tilespmem:s4+$0x6540]  }
0x4d5: {  	v1 =	vadd.f32 v4, v1  }
0x4d6: {  	v4 =	vld [tilespmem:s4+$0x65C0]  }
0x4d7: {  	v1 =	vadd.f32 v3, v1  }
0x4d8: {  	v3 =	vld [tilespmem:s2+$0x9440]  }
0x4d9: {  	v1 =	vadd.f32 v2, v1  }
0x4da: {  	v5 =	vld [tilespmem:s2+$0x94C0]  }
0x4db: {  	v1 =	vadd.f32 v4, v1  }
0x4dc: {  	v2 =	vld [tilespmem:s2+$0x9540]  }
0x4dd: {  	v3 =	vadd.f32 v3, v1  }
0x4de: {  	v1 =	vld [tilespmem:s2+$0x95C0]  }
0x4df: {  	s4 =	simm.s32 $0x1000;
	s2 =	simm.s32 $0x200;
	v3 =	vadd.f32 v5, v3  }
.LBB2_84:
0x4e0: {  	p0 =	sne.s32 s4, $0xC800;
	v4 =	vld [tilespmem:s2+$0x9440]  }
0x4e1: {  	v2 =	vadd.f32 v2, v3  }
0x4e2: {  	v3 =	vld [tilespmem:s2+$0x94C0]  }
.Ltmp41:
0x4e3: {  	v1 =	vadd.f32 v1, v2;
	(pc) =	sbr.rel @p0 .LBB2_84-.Ltmp41, $4  }
0x4e4: {  	v2 =	vld [tilespmem:s2+$0x9540]  }
0x4e5: {  	v4 =	vadd.f32 v4, v1  }
0x4e6: {  	v1 =	vld [tilespmem:s2+$0x95C0]  }
0x4e7: {  	s2 =	sshra.s32 s4, $0x2;
	s4 =	sadd.s32 $0x800, s4;
	v3 =	vadd.f32 v3, v4  }
0x4e8: {  	v4 =	vld [tilespmem:s2+$0x9440]  }
0x4e9: {  	v2 =	vadd.f32 v2, v3  }
0x4ea: {  	v3 =	vld [tilespmem:s2+$0x94C0]  }
0x4eb: {  	v1 =	vadd.f32 v1, v2  }
0x4ec: {  	v2 =	vld [tilespmem:s2+$0x9540]  }
0x4ed: {  	v1 =	vadd.f32 v4, v1  }
0x4ee: {  	v4 =	vld [tilespmem:s2+$0x95C0]  }
0x4ef: {  	v1 =	vadd.f32 v3, v1;
	_ =	sdelay $0x1  }
0x4f0: {  	v1 =	vadd.f32 v2, v1  }
0x4f1: {  	v2 =	vld [tilespmem:$0x6440]  }
0x4f2: {  	v1 =	vadd.f32 v4, v1  }
0x4f3: {  	v3 =	vld [tilespmem:$0xC7C0]  }
0x4f4: {  	v1 =	vmul.f32 $3.000000000e+00, v1;
	_ =	sdelay $0x1  }
0x4f5: {  	v1 =	vsub.f32 v1, v2;
	_ =	sdelay $0x1  }
0x4f6: {  	v1 =	vsub.f32 v1, v3;
	_ =	sdelay $0x1  }
0x4f7: {  	v1 =	vmul.f32 $2.506265650e-03, v1;
	_ =	sdelay $0x1  }
0x4f8: {  	v1 =	vadd.f32 v1, v0;
	_ =	sdelay $0x1  }
0x4f9: {  	s2 =	simm.s32 $0x0;
	[tilespmem:$0xC840] =	vst v1  }
0x4fa: {  	v1 =	vld [tilespmem:s2+$0x6450];
	_ =	sdelay $0x2  }
0x4fb: {  	v3 =	vld [tilespmem:s2+$0x64D0]  }
0x4fc: {  	v2 =	vimm.f32 $0.0e+00  }
0x4fd: {  	v4 =	vadd.f32 v1, v2;
	v2 =	vld [tilespmem:s2+$0x6550];
	_ =	sdelay $0x1  }
0x4fe: {  	v1 =	vld [tilespmem:s2+$0x65D0]  }
0x4ff: {  	s4 =	simm.s32 $0x200;
	s5 =	simm.s32 $0x1000;
	v3 =	vadd.f32 v3, v4  }
.LBB2_86:
0x500: {  	p0 =	sne.s32 s5, $0xB800;
	v4 =	vld [tilespmem:s4+$0x6450]  }
0x501: {  	v2 =	vadd.f32 v2, v3  }
0x502: {  	v3 =	vld [tilespmem:s4+$0x64D0]  }
.Ltmp42:
0x503: {  	v1 =	vadd.f32 v1, v2;
	(pc) =	sbr.rel @p0 .LBB2_86-.Ltmp42, $4  }
0x504: {  	v2 =	vld [tilespmem:s4+$0x6550]  }
0x505: {  	v4 =	vadd.f32 v4, v1  }
0x506: {  	v1 =	vld [tilespmem:s4+$0x65D0]  }
0x507: {  	s4 =	sshra.s32 s5, $0x2;
	s5 =	sadd.s32 $0x800, s5;
	v3 =	vadd.f32 v3, v4  }
0x508: {  	v4 =	vld [tilespmem:s4+$0x6450]  }
0x509: {  	v2 =	vadd.f32 v2, v3  }
0x50a: {  	v3 =	vld [tilespmem:s4+$0x64D0]  }
0x50b: {  	v1 =	vadd.f32 v1, v2  }
0x50c: {  	v2 =	vld [tilespmem:s4+$0x6550]  }
0x50d: {  	v1 =	vadd.f32 v4, v1  }
0x50e: {  	v4 =	vld [tilespmem:s4+$0x65D0]  }
0x50f: {  	v1 =	vadd.f32 v3, v1  }
0x510: {  	v3 =	vld [tilespmem:s2+$0x9450]  }
0x511: {  	v1 =	vadd.f32 v2, v1  }
0x512: {  	v5 =	vld [tilespmem:s2+$0x94D0]  }
0x513: {  	v1 =	vadd.f32 v4, v1  }
0x514: {  	v2 =	vld [tilespmem:s2+$0x9550]  }
0x515: {  	v3 =	vadd.f32 v3, v1  }
0x516: {  	v1 =	vld [tilespmem:s2+$0x95D0]  }
0x517: {  	s4 =	simm.s32 $0x1000;
	s2 =	simm.s32 $0x200;
	v3 =	vadd.f32 v5, v3  }
.LBB2_88:
0x518: {  	p0 =	sne.s32 s4, $0xC800;
	v4 =	vld [tilespmem:s2+$0x9450]  }
0x519: {  	v2 =	vadd.f32 v2, v3  }
0x51a: {  	v3 =	vld [tilespmem:s2+$0x94D0]  }
.Ltmp43:
0x51b: {  	v1 =	vadd.f32 v1, v2;
	(pc) =	sbr.rel @p0 .LBB2_88-.Ltmp43, $4  }
0x51c: {  	v2 =	vld [tilespmem:s2+$0x9550]  }
0x51d: {  	v4 =	vadd.f32 v4, v1  }
0x51e: {  	v1 =	vld [tilespmem:s2+$0x95D0]  }
0x51f: {  	s2 =	sshra.s32 s4, $0x2;
	s4 =	sadd.s32 $0x800, s4;
	v3 =	vadd.f32 v3, v4  }
0x520: {  	v4 =	vld [tilespmem:s2+$0x9450]  }
0x521: {  	v2 =	vadd.f32 v2, v3  }
0x522: {  	v3 =	vld [tilespmem:s2+$0x94D0]  }
0x523: {  	v1 =	vadd.f32 v1, v2  }
0x524: {  	v2 =	vld [tilespmem:s2+$0x9550]  }
0x525: {  	v1 =	vadd.f32 v4, v1  }
0x526: {  	v4 =	vld [tilespmem:s2+$0x95D0]  }
0x527: {  	v1 =	vadd.f32 v3, v1;
	_ =	sdelay $0x1  }
0x528: {  	v1 =	vadd.f32 v2, v1  }
0x529: {  	v2 =	vld [tilespmem:$0x6450]  }
0x52a: {  	v1 =	vadd.f32 v4, v1  }
0x52b: {  	v3 =	vld [tilespmem:$0xC7D0]  }
0x52c: {  	v1 =	vmul.f32 $3.000000000e+00, v1;
	_ =	sdelay $0x1  }
0x52d: {  	v1 =	vsub.f32 v1, v2;
	_ =	sdelay $0x1  }
0x52e: {  	v1 =	vsub.f32 v1, v3;
	_ =	sdelay $0x1  }
0x52f: {  	v1 =	vmul.f32 $2.506265650e-03, v1;
	_ =	sdelay $0x1  }
0x530: {  	v1 =	vadd.f32 v1, v0;
	_ =	sdelay $0x1  }
0x531: {  	s2 =	simm.s32 $0x0;
	[tilespmem:$0xC850] =	vst v1  }
0x532: {  	v1 =	vld [tilespmem:s2+$0x6460];
	_ =	sdelay $0x2  }
0x533: {  	v3 =	vld [tilespmem:s2+$0x64E0]  }
0x534: {  	v2 =	vimm.f32 $0.0e+00  }
0x535: {  	v4 =	vadd.f32 v1, v2;
	v2 =	vld [tilespmem:s2+$0x6560];
	_ =	sdelay $0x1  }
0x536: {  	v1 =	vld [tilespmem:s2+$0x65E0]  }
0x537: {  	s4 =	simm.s32 $0x200;
	s5 =	simm.s32 $0x1000;
	v3 =	vadd.f32 v3, v4  }
.LBB2_90:
0x538: {  	p0 =	sne.s32 s5, $0xB800;
	v4 =	vld [tilespmem:s4+$0x6460]  }
0x539: {  	v2 =	vadd.f32 v2, v3  }
0x53a: {  	v3 =	vld [tilespmem:s4+$0x64E0]  }
.Ltmp44:
0x53b: {  	v1 =	vadd.f32 v1, v2;
	(pc) =	sbr.rel @p0 .LBB2_90-.Ltmp44, $4  }
0x53c: {  	v2 =	vld [tilespmem:s4+$0x6560]  }
0x53d: {  	v4 =	vadd.f32 v4, v1  }
0x53e: {  	v1 =	vld [tilespmem:s4+$0x65E0]  }
0x53f: {  	s4 =	sshra.s32 s5, $0x2;
	s5 =	sadd.s32 $0x800, s5;
	v3 =	vadd.f32 v3, v4  }
0x540: {  	v4 =	vld [tilespmem:s4+$0x6460]  }
0x541: {  	v2 =	vadd.f32 v2, v3  }
0x542: {  	v3 =	vld [tilespmem:s4+$0x64E0]  }
0x543: {  	v1 =	vadd.f32 v1, v2  }
0x544: {  	v2 =	vld [tilespmem:s4+$0x6560]  }
0x545: {  	v1 =	vadd.f32 v4, v1  }
0x546: {  	v4 =	vld [tilespmem:s4+$0x65E0]  }
0x547: {  	v1 =	vadd.f32 v3, v1  }
0x548: {  	v3 =	vld [tilespmem:s2+$0x9460]  }
0x549: {  	v1 =	vadd.f32 v2, v1  }
0x54a: {  	v5 =	vld [tilespmem:s2+$0x94E0]  }
0x54b: {  	v1 =	vadd.f32 v4, v1  }
0x54c: {  	v2 =	vld [tilespmem:s2+$0x9560]  }
0x54d: {  	v3 =	vadd.f32 v3, v1  }
0x54e: {  	v1 =	vld [tilespmem:s2+$0x95E0]  }
0x54f: {  	s4 =	simm.s32 $0x1000;
	s2 =	simm.s32 $0x200;
	v3 =	vadd.f32 v5, v3  }
.LBB2_92:
0x550: {  	p0 =	sne.s32 s4, $0xC800;
	v4 =	vld [tilespmem:s2+$0x9460]  }
0x551: {  	v2 =	vadd.f32 v2, v3  }
0x552: {  	v3 =	vld [tilespmem:s2+$0x94E0]  }
.Ltmp45:
0x553: {  	v1 =	vadd.f32 v1, v2;
	(pc) =	sbr.rel @p0 .LBB2_92-.Ltmp45, $4  }
0x554: {  	v2 =	vld [tilespmem:s2+$0x9560]  }
0x555: {  	v4 =	vadd.f32 v4, v1  }
0x556: {  	v1 =	vld [tilespmem:s2+$0x95E0]  }
0x557: {  	s2 =	sshra.s32 s4, $0x2;
	s4 =	sadd.s32 $0x800, s4;
	v3 =	vadd.f32 v3, v4  }
0x558: {  	v4 =	vld [tilespmem:s2+$0x9460]  }
0x559: {  	v2 =	vadd.f32 v2, v3  }
0x55a: {  	v3 =	vld [tilespmem:s2+$0x94E0]  }
0x55b: {  	v1 =	vadd.f32 v1, v2  }
0x55c: {  	v2 =	vld [tilespmem:s2+$0x9560]  }
0x55d: {  	v1 =	vadd.f32 v4, v1  }
0x55e: {  	v4 =	vld [tilespmem:s2+$0x95E0]  }
0x55f: {  	v1 =	vadd.f32 v3, v1;
	_ =	sdelay $0x1  }
0x560: {  	v1 =	vadd.f32 v2, v1  }
0x561: {  	v2 =	vld [tilespmem:$0x6460]  }
0x562: {  	v1 =	vadd.f32 v4, v1  }
0x563: {  	v3 =	vld [tilespmem:$0xC7E0]  }
0x564: {  	v1 =	vmul.f32 $3.000000000e+00, v1;
	_ =	sdelay $0x1  }
0x565: {  	v1 =	vsub.f32 v1, v2;
	_ =	sdelay $0x1  }
0x566: {  	v1 =	vsub.f32 v1, v3;
	_ =	sdelay $0x1  }
0x567: {  	v1 =	vmul.f32 $2.506265650e-03, v1;
	_ =	sdelay $0x1  }
0x568: {  	v1 =	vadd.f32 v1, v0;
	_ =	sdelay $0x1  }
0x569: {  	s2 =	simm.s32 $0x0;
	[tilespmem:$0xC860] =	vst v1  }
0x56a: {  	v1 =	vld [tilespmem:s2+$0x6470];
	_ =	sdelay $0x2  }
0x56b: {  	v3 =	vld [tilespmem:s2+$0x64F0]  }
0x56c: {  	v2 =	vimm.f32 $0.0e+00  }
0x56d: {  	v4 =	vadd.f32 v1, v2;
	v2 =	vld [tilespmem:s2+$0x6570];
	_ =	sdelay $0x1  }
0x56e: {  	v1 =	vld [tilespmem:s2+$0x65F0]  }
0x56f: {  	s4 =	simm.s32 $0x200;
	s5 =	simm.s32 $0x1000;
	v3 =	vadd.f32 v3, v4  }
.LBB2_94:
0x570: {  	p0 =	sne.s32 s5, $0xB800;
	v4 =	vld [tilespmem:s4+$0x6470]  }
0x571: {  	v2 =	vadd.f32 v2, v3  }
0x572: {  	v3 =	vld [tilespmem:s4+$0x64F0]  }
.Ltmp46:
0x573: {  	v1 =	vadd.f32 v1, v2;
	(pc) =	sbr.rel @p0 .LBB2_94-.Ltmp46, $4  }
0x574: {  	v2 =	vld [tilespmem:s4+$0x6570]  }
0x575: {  	v4 =	vadd.f32 v4, v1  }
0x576: {  	v1 =	vld [tilespmem:s4+$0x65F0]  }
0x577: {  	s4 =	sshra.s32 s5, $0x2;
	s5 =	sadd.s32 $0x800, s5;
	v3 =	vadd.f32 v3, v4  }
0x578: {  	v4 =	vld [tilespmem:s4+$0x6470]  }
0x579: {  	v2 =	vadd.f32 v2, v3  }
0x57a: {  	v3 =	vld [tilespmem:s4+$0x64F0]  }
0x57b: {  	v1 =	vadd.f32 v1, v2  }
0x57c: {  	v2 =	vld [tilespmem:s4+$0x6570]  }
0x57d: {  	v1 =	vadd.f32 v4, v1  }
0x57e: {  	v4 =	vld [tilespmem:s4+$0x65F0]  }
0x57f: {  	v1 =	vadd.f32 v3, v1  }
0x580: {  	v3 =	vld [tilespmem:s2+$0x9470]  }
0x581: {  	v1 =	vadd.f32 v2, v1  }
0x582: {  	v5 =	vld [tilespmem:s2+$0x94F0]  }
0x583: {  	v1 =	vadd.f32 v4, v1  }
0x584: {  	v2 =	vld [tilespmem:s2+$0x9570]  }
0x585: {  	v3 =	vadd.f32 v3, v1  }
0x586: {  	v1 =	vld [tilespmem:s2+$0x95F0]  }
0x587: {  	s4 =	simm.s32 $0x1000;
	s2 =	simm.s32 $0x200;
	v3 =	vadd.f32 v5, v3  }
.LBB2_96:
0x588: {  	p0 =	sne.s32 s4, $0xC800;
	v4 =	vld [tilespmem:s2+$0x9470]  }
0x589: {  	v2 =	vadd.f32 v2, v3  }
0x58a: {  	v3 =	vld [tilespmem:s2+$0x94F0]  }
.Ltmp47:
0x58b: {  	v1 =	vadd.f32 v1, v2;
	(pc) =	sbr.rel @p0 .LBB2_96-.Ltmp47, $4  }
0x58c: {  	v2 =	vld [tilespmem:s2+$0x9570]  }
0x58d: {  	v4 =	vadd.f32 v4, v1  }
0x58e: {  	v1 =	vld [tilespmem:s2+$0x95F0]  }
0x58f: {  	s2 =	sshra.s32 s4, $0x2;
	s4 =	sadd.s32 $0x800, s4;
	v3 =	vadd.f32 v3, v4  }
0x590: {  	v4 =	vld [tilespmem:s2+$0x9470]  }
0x591: {  	v2 =	vadd.f32 v2, v3  }
0x592: {  	v3 =	vld [tilespmem:s2+$0x94F0]  }
0x593: {  	v1 =	vadd.f32 v1, v2  }
0x594: {  	v2 =	vld [tilespmem:s2+$0x9570]  }
0x595: {  	v1 =	vadd.f32 v4, v1  }
0x596: {  	v4 =	vld [tilespmem:s2+$0x95F0]  }
0x597: {  	v1 =	vadd.f32 v3, v1;
	_ =	sdelay $0x1  }
0x598: {  	v1 =	vadd.f32 v2, v1  }
0x599: {  	v2 =	vld [tilespmem:$0x6470]  }
0x59a: {  	v1 =	vadd.f32 v4, v1  }
0x59b: {  	v3 =	vld [tilespmem:$0xC7F0]  }
0x59c: {  	v1 =	vmul.f32 $3.000000000e+00, v1;
	_ =	sdelay $0x1  }
0x59d: {  	v1 =	vsub.f32 v1, v2;
	_ =	sdelay $0x1  }
0x59e: {  	v1 =	vsub.f32 v1, v3;
	_ =	sdelay $0x1  }
0x59f: {  	v1 =	vmul.f32 $2.506265650e-03, v1;
	_ =	sdelay $0x1  }
0x5a0: {  	v1 =	vadd.f32 v1, v0;
	_ =	sdelay $0x1  }
0x5a1: {  	s5 =	simm.s32 $0x0;
	[tilespmem:$0xC870] =	vst v1  }
0x5a2: {  	[hbm4b:s16+s5] =	stream.linear.scatter [tilespmem:s0], [sflag:$0x4], $0x80, $0x38;
	[tilespmem:$0x1C900] =	vst v63  }
0x5a3: {  	_ =	swait.ge [sflag:s20], $0x80  }
0x5a4: {  	[sflag:s20] =	ssyncset.done $0x0  }
0x5a5: {  	[sflag:s20] =	ssyncadd.s32 $0xFFFFFF80  }
0x5a6: {  	_ =	swait.ge [sflag:s25], $0x3000  }
0x5a7: {  	[sflag:s25] =	ssyncset.done $0x0  }
0x5a8: {  	[sflag:s25] =	ssyncadd.s32 $0xFFFFD000  }
0x5a9: {  	_ =	swait.ge [sflag:s25], $0x3400  }
0x5aa: {  	[sflag:s25] =	ssyncset.done $0x0  }
0x5ab: {  	[sflag:s25] =	ssyncadd.s32 $0xFFFFCC00  }
0x5ac: {  	[tilespmem:s26], [sflag:$0x1] =	stream.indirect.gather [spmem:s1], $0x1, s5, s23, $0xb8;
	[tilespmem:$0x1C900] =	vst v63  }
0x5ad: {  	_ = 	snop  }
0x5ae: {  	[tilespmem:s29], [sflag:$0x2] =	stream.indirect.gather [spmem:s1], $0x1, s23, s28, $0xb8;
	[tilespmem:$0x1C900] =	vst v63  }
0x5af: {  	_ =	swait.ge [sflag:s30], $0x3000  }
0x5b0: {  	[sflag:s30] =	ssyncset.done $0x0  }
0x5b1: {  	[sflag:s30] =	ssyncadd.s32 $0xFFFFD000  }
0x5b2: {  	_ =	swait.ge [sflag:s31], $0x3400  }
0x5b3: {  	[sflag:s31] =	ssyncset.done $0x0  }
0x5b4: {  	s2 =	simm.s32 $0x0;
	[sflag:s31] =	ssyncadd.s32 $0xFFFFCC00  }
0x5b5: {  	v1 =	vld [tilespmem:s2+$0x6400];
	_ =	sdelay $0x2  }
0x5b6: {  	v3 =	vld [tilespmem:s2+$0x6480]  }
0x5b7: {  	v2 =	vimm.f32 $0.0e+00  }
0x5b8: {  	v4 =	vadd.f32 v1, v2;
	v2 =	vld [tilespmem:s2+$0x6500];
	_ =	sdelay $0x1  }
0x5b9: {  	v1 =	vld [tilespmem:s2+$0x6580]  }
0x5ba: {  	s4 =	simm.s32 $0x200;
	s5 =	simm.s32 $0x1000;
	v3 =	vadd.f32 v3, v4  }
.LBB2_98:
0x5bb: {  	p0 =	sne.s32 s5, $0xB800;
	v4 =	vld [tilespmem:s4+$0x6400]  }
0x5bc: {  	v2 =	vadd.f32 v2, v3  }
0x5bd: {  	v3 =	vld [tilespmem:s4+$0x6480]  }
.Ltmp48:
0x5be: {  	v1 =	vadd.f32 v1, v2;
	(pc) =	sbr.rel @p0 .LBB2_98-.Ltmp48, $4  }
0x5bf: {  	v2 =	vld [tilespmem:s4+$0x6500]  }
0x5c0: {  	v4 =	vadd.f32 v4, v1  }
0x5c1: {  	v1 =	vld [tilespmem:s4+$0x6580]  }
0x5c2: {  	s4 =	sshra.s32 s5, $0x2;
	s5 =	sadd.s32 $0x800, s5;
	v3 =	vadd.f32 v3, v4  }
0x5c3: {  	v4 =	vld [tilespmem:s4+$0x6400]  }
0x5c4: {  	v2 =	vadd.f32 v2, v3  }
0x5c5: {  	v3 =	vld [tilespmem:s4+$0x6480]  }
0x5c6: {  	v1 =	vadd.f32 v1, v2  }
0x5c7: {  	v2 =	vld [tilespmem:s4+$0x6500]  }
0x5c8: {  	v1 =	vadd.f32 v4, v1  }
0x5c9: {  	v4 =	vld [tilespmem:s4+$0x6580]  }
0x5ca: {  	v1 =	vadd.f32 v3, v1  }
0x5cb: {  	v3 =	vld [tilespmem:s2+$0x9400]  }
0x5cc: {  	v1 =	vadd.f32 v2, v1  }
0x5cd: {  	v5 =	vld [tilespmem:s2+$0x9480]  }
0x5ce: {  	v1 =	vadd.f32 v4, v1  }
0x5cf: {  	v2 =	vld [tilespmem:s2+$0x9500]  }
0x5d0: {  	v3 =	vadd.f32 v3, v1  }
0x5d1: {  	v1 =	vld [tilespmem:s2+$0x9580]  }
0x5d2: {  	s4 =	simm.s32 $0x1000;
	s2 =	simm.s32 $0x200;
	v3 =	vadd.f32 v5, v3  }
.LBB2_100:
0x5d3: {  	p0 =	sne.s32 s4, $0xC800;
	v4 =	vld [tilespmem:s2+$0x9400]  }
0x5d4: {  	v2 =	vadd.f32 v2, v3  }
0x5d5: {  	v3 =	vld [tilespmem:s2+$0x9480]  }
.Ltmp49:
0x5d6: {  	v1 =	vadd.f32 v1, v2;
	(pc) =	sbr.rel @p0 .LBB2_100-.Ltmp49, $4  }
0x5d7: {  	v2 =	vld [tilespmem:s2+$0x9500]  }
0x5d8: {  	v4 =	vadd.f32 v4, v1  }
0x5d9: {  	v1 =	vld [tilespmem:s2+$0x9580]  }
0x5da: {  	s2 =	sshra.s32 s4, $0x2;
	s4 =	sadd.s32 $0x800, s4;
	v3 =	vadd.f32 v3, v4  }
0x5db: {  	v4 =	vld [tilespmem:s2+$0x9400]  }
0x5dc: {  	v2 =	vadd.f32 v2, v3  }
0x5dd: {  	v3 =	vld [tilespmem:s2+$0x9480]  }
0x5de: {  	v1 =	vadd.f32 v1, v2  }
0x5df: {  	v2 =	vld [tilespmem:s2+$0x9500]  }
0x5e0: {  	v1 =	vadd.f32 v4, v1  }
0x5e1: {  	v4 =	vld [tilespmem:s2+$0x9580]  }
0x5e2: {  	v1 =	vadd.f32 v3, v1;
	_ =	sdelay $0x1  }
0x5e3: {  	v1 =	vadd.f32 v2, v1  }
0x5e4: {  	v2 =	vld [tilespmem:$0x6400]  }
0x5e5: {  	v1 =	vadd.f32 v4, v1  }
0x5e6: {  	v3 =	vld [tilespmem:$0xC780]  }
0x5e7: {  	v1 =	vmul.f32 $3.000000000e+00, v1;
	_ =	sdelay $0x1  }
0x5e8: {  	v1 =	vsub.f32 v1, v2;
	_ =	sdelay $0x1  }
0x5e9: {  	v1 =	vsub.f32 v1, v3;
	_ =	sdelay $0x1  }
0x5ea: {  	v1 =	vmul.f32 $2.506265650e-03, v1;
	_ =	sdelay $0x1  }
0x5eb: {  	v1 =	vadd.f32 v1, v0;
	_ =	sdelay $0x1  }
0x5ec: {  	s2 =	simm.s32 $0x0;
	[tilespmem:$0xC800] =	vst v1  }
0x5ed: {  	v1 =	vld [tilespmem:s2+$0x6410];
	_ =	sdelay $0x2  }
0x5ee: {  	v3 =	vld [tilespmem:s2+$0x6490]  }
0x5ef: {  	v2 =	vimm.f32 $0.0e+00  }
0x5f0: {  	v4 =	vadd.f32 v1, v2;
	v2 =	vld [tilespmem:s2+$0x6510];
	_ =	sdelay $0x1  }
0x5f1: {  	v1 =	vld [tilespmem:s2+$0x6590]  }
0x5f2: {  	s4 =	simm.s32 $0x200;
	s5 =	simm.s32 $0x1000;
	v3 =	vadd.f32 v3, v4  }
.LBB2_102:
0x5f3: {  	p0 =	sne.s32 s5, $0xB800;
	v4 =	vld [tilespmem:s4+$0x6410]  }
0x5f4: {  	v2 =	vadd.f32 v2, v3  }
0x5f5: {  	v3 =	vld [tilespmem:s4+$0x6490]  }
.Ltmp50:
0x5f6: {  	v1 =	vadd.f32 v1, v2;
	(pc) =	sbr.rel @p0 .LBB2_102-.Ltmp50, $4  }
0x5f7: {  	v2 =	vld [tilespmem:s4+$0x6510]  }
0x5f8: {  	v4 =	vadd.f32 v4, v1  }
0x5f9: {  	v1 =	vld [tilespmem:s4+$0x6590]  }
0x5fa: {  	s4 =	sshra.s32 s5, $0x2;
	s5 =	sadd.s32 $0x800, s5;
	v3 =	vadd.f32 v3, v4  }
0x5fb: {  	v4 =	vld [tilespmem:s4+$0x6410]  }
0x5fc: {  	v2 =	vadd.f32 v2, v3  }
0x5fd: {  	v3 =	vld [tilespmem:s4+$0x6490]  }
0x5fe: {  	v1 =	vadd.f32 v1, v2  }
0x5ff: {  	v2 =	vld [tilespmem:s4+$0x6510]  }
0x600: {  	v1 =	vadd.f32 v4, v1  }
0x601: {  	v4 =	vld [tilespmem:s4+$0x6590]  }
0x602: {  	v1 =	vadd.f32 v3, v1  }
0x603: {  	v3 =	vld [tilespmem:s2+$0x9410]  }
0x604: {  	v1 =	vadd.f32 v2, v1  }
0x605: {  	v5 =	vld [tilespmem:s2+$0x9490]  }
0x606: {  	v1 =	vadd.f32 v4, v1  }
0x607: {  	v2 =	vld [tilespmem:s2+$0x9510]  }
0x608: {  	v3 =	vadd.f32 v3, v1  }
0x609: {  	v1 =	vld [tilespmem:s2+$0x9590]  }
0x60a: {  	s4 =	simm.s32 $0x1000;
	s2 =	simm.s32 $0x200;
	v3 =	vadd.f32 v5, v3  }
.LBB2_104:
0x60b: {  	p0 =	sne.s32 s4, $0xC800;
	v4 =	vld [tilespmem:s2+$0x9410]  }
0x60c: {  	v2 =	vadd.f32 v2, v3  }
0x60d: {  	v3 =	vld [tilespmem:s2+$0x9490]  }
.Ltmp51:
0x60e: {  	v1 =	vadd.f32 v1, v2;
	(pc) =	sbr.rel @p0 .LBB2_104-.Ltmp51, $4  }
0x60f: {  	v2 =	vld [tilespmem:s2+$0x9510]  }
0x610: {  	v4 =	vadd.f32 v4, v1  }
0x611: {  	v1 =	vld [tilespmem:s2+$0x9590]  }
0x612: {  	s2 =	sshra.s32 s4, $0x2;
	s4 =	sadd.s32 $0x800, s4;
	v3 =	vadd.f32 v3, v4  }
0x613: {  	v4 =	vld [tilespmem:s2+$0x9410]  }
0x614: {  	v2 =	vadd.f32 v2, v3  }
0x615: {  	v3 =	vld [tilespmem:s2+$0x9490]  }
0x616: {  	v1 =	vadd.f32 v1, v2  }
0x617: {  	v2 =	vld [tilespmem:s2+$0x9510]  }
0x618: {  	v1 =	vadd.f32 v4, v1  }
0x619: {  	v4 =	vld [tilespmem:s2+$0x9590]  }
0x61a: {  	v1 =	vadd.f32 v3, v1;
	_ =	sdelay $0x1  }
0x61b: {  	v1 =	vadd.f32 v2, v1  }
0x61c: {  	v2 =	vld [tilespmem:$0x6410]  }
0x61d: {  	v1 =	vadd.f32 v4, v1  }
0x61e: {  	v3 =	vld [tilespmem:$0xC790]  }
0x61f: {  	v1 =	vmul.f32 $3.000000000e+00, v1;
	_ =	sdelay $0x1  }
0x620: {  	v1 =	vsub.f32 v1, v2;
	_ =	sdelay $0x1  }
0x621: {  	v1 =	vsub.f32 v1, v3;
	_ =	sdelay $0x1  }
0x622: {  	v1 =	vmul.f32 $2.506265650e-03, v1;
	_ =	sdelay $0x1  }
0x623: {  	v1 =	vadd.f32 v1, v0;
	_ =	sdelay $0x1  }
0x624: {  	s2 =	simm.s32 $0x0;
	[tilespmem:$0xC810] =	vst v1  }
0x625: {  	v1 =	vld [tilespmem:s2+$0x6420];
	_ =	sdelay $0x2  }
0x626: {  	v3 =	vld [tilespmem:s2+$0x64A0]  }
0x627: {  	v2 =	vimm.f32 $0.0e+00  }
0x628: {  	v4 =	vadd.f32 v1, v2;
	v2 =	vld [tilespmem:s2+$0x6520];
	_ =	sdelay $0x1  }
0x629: {  	v1 =	vld [tilespmem:s2+$0x65A0]  }
0x62a: {  	s4 =	simm.s32 $0x200;
	s5 =	simm.s32 $0x1000;
	v3 =	vadd.f32 v3, v4  }
.LBB2_106:
0x62b: {  	p0 =	sne.s32 s5, $0xB800;
	v4 =	vld [tilespmem:s4+$0x6420]  }
0x62c: {  	v2 =	vadd.f32 v2, v3  }
0x62d: {  	v3 =	vld [tilespmem:s4+$0x64A0]  }
.Ltmp52:
0x62e: {  	v1 =	vadd.f32 v1, v2;
	(pc) =	sbr.rel @p0 .LBB2_106-.Ltmp52, $4  }
0x62f: {  	v2 =	vld [tilespmem:s4+$0x6520]  }
0x630: {  	v4 =	vadd.f32 v4, v1  }
0x631: {  	v1 =	vld [tilespmem:s4+$0x65A0]  }
0x632: {  	s4 =	sshra.s32 s5, $0x2;
	s5 =	sadd.s32 $0x800, s5;
	v3 =	vadd.f32 v3, v4  }
0x633: {  	v4 =	vld [tilespmem:s4+$0x6420]  }
0x634: {  	v2 =	vadd.f32 v2, v3  }
0x635: {  	v3 =	vld [tilespmem:s4+$0x64A0]  }
0x636: {  	v1 =	vadd.f32 v1, v2  }
0x637: {  	v2 =	vld [tilespmem:s4+$0x6520]  }
0x638: {  	v1 =	vadd.f32 v4, v1  }
0x639: {  	v4 =	vld [tilespmem:s4+$0x65A0]  }
0x63a: {  	v1 =	vadd.f32 v3, v1  }
0x63b: {  	v3 =	vld [tilespmem:s2+$0x9420]  }
0x63c: {  	v1 =	vadd.f32 v2, v1  }
0x63d: {  	v5 =	vld [tilespmem:s2+$0x94A0]  }
0x63e: {  	v1 =	vadd.f32 v4, v1  }
0x63f: {  	v2 =	vld [tilespmem:s2+$0x9520]  }
0x640: {  	v3 =	vadd.f32 v3, v1  }
0x641: {  	v1 =	vld [tilespmem:s2+$0x95A0]  }
0x642: {  	s4 =	simm.s32 $0x1000;
	s2 =	simm.s32 $0x200;
	v3 =	vadd.f32 v5, v3  }
.LBB2_108:
0x643: {  	p0 =	sne.s32 s4, $0xC800;
	v4 =	vld [tilespmem:s2+$0x9420]  }
0x644: {  	v2 =	vadd.f32 v2, v3  }
0x645: {  	v3 =	vld [tilespmem:s2+$0x94A0]  }
.Ltmp53:
0x646: {  	v1 =	vadd.f32 v1, v2;
	(pc) =	sbr.rel @p0 .LBB2_108-.Ltmp53, $4  }
0x647: {  	v2 =	vld [tilespmem:s2+$0x9520]  }
0x648: {  	v4 =	vadd.f32 v4, v1  }
0x649: {  	v1 =	vld [tilespmem:s2+$0x95A0]  }
0x64a: {  	s2 =	sshra.s32 s4, $0x2;
	s4 =	sadd.s32 $0x800, s4;
	v3 =	vadd.f32 v3, v4  }
0x64b: {  	v4 =	vld [tilespmem:s2+$0x9420]  }
0x64c: {  	v2 =	vadd.f32 v2, v3  }
0x64d: {  	v3 =	vld [tilespmem:s2+$0x94A0]  }
0x64e: {  	v1 =	vadd.f32 v1, v2  }
0x64f: {  	v2 =	vld [tilespmem:s2+$0x9520]  }
0x650: {  	v1 =	vadd.f32 v4, v1  }
0x651: {  	v4 =	vld [tilespmem:s2+$0x95A0]  }
0x652: {  	v1 =	vadd.f32 v3, v1;
	_ =	sdelay $0x1  }
0x653: {  	v1 =	vadd.f32 v2, v1  }
0x654: {  	v2 =	vld [tilespmem:$0x6420]  }
0x655: {  	v1 =	vadd.f32 v4, v1  }
0x656: {  	v3 =	vld [tilespmem:$0xC7A0]  }
0x657: {  	v1 =	vmul.f32 $3.000000000e+00, v1;
	_ =	sdelay $0x1  }
0x658: {  	v1 =	vsub.f32 v1, v2;
	_ =	sdelay $0x1  }
0x659: {  	v1 =	vsub.f32 v1, v3;
	_ =	sdelay $0x1  }
0x65a: {  	v1 =	vmul.f32 $2.506265650e-03, v1;
	_ =	sdelay $0x1  }
0x65b: {  	v1 =	vadd.f32 v1, v0;
	_ =	sdelay $0x1  }
0x65c: {  	s2 =	simm.s32 $0x0;
	[tilespmem:$0xC820] =	vst v1  }
0x65d: {  	v1 =	vld [tilespmem:s2+$0x6430];
	_ =	sdelay $0x2  }
0x65e: {  	v3 =	vld [tilespmem:s2+$0x64B0]  }
0x65f: {  	v2 =	vimm.f32 $0.0e+00  }
0x660: {  	v4 =	vadd.f32 v1, v2;
	v2 =	vld [tilespmem:s2+$0x6530];
	_ =	sdelay $0x1  }
0x661: {  	v1 =	vld [tilespmem:s2+$0x65B0]  }
0x662: {  	s4 =	simm.s32 $0x200;
	s5 =	simm.s32 $0x1000;
	v3 =	vadd.f32 v3, v4  }
.LBB2_110:
0x663: {  	p0 =	sne.s32 s5, $0xB800;
	v4 =	vld [tilespmem:s4+$0x6430]  }
0x664: {  	v2 =	vadd.f32 v2, v3  }
0x665: {  	v3 =	vld [tilespmem:s4+$0x64B0]  }
.Ltmp54:
0x666: {  	v1 =	vadd.f32 v1, v2;
	(pc) =	sbr.rel @p0 .LBB2_110-.Ltmp54, $4  }
0x667: {  	v2 =	vld [tilespmem:s4+$0x6530]  }
0x668: {  	v4 =	vadd.f32 v4, v1  }
0x669: {  	v1 =	vld [tilespmem:s4+$0x65B0]  }
0x66a: {  	s4 =	sshra.s32 s5, $0x2;
	s5 =	sadd.s32 $0x800, s5;
	v3 =	vadd.f32 v3, v4  }
0x66b: {  	v4 =	vld [tilespmem:s4+$0x6430]  }
0x66c: {  	v2 =	vadd.f32 v2, v3  }
0x66d: {  	v3 =	vld [tilespmem:s4+$0x64B0]  }
0x66e: {  	v1 =	vadd.f32 v1, v2  }
0x66f: {  	v2 =	vld [tilespmem:s4+$0x6530]  }
0x670: {  	v1 =	vadd.f32 v4, v1  }
0x671: {  	v4 =	vld [tilespmem:s4+$0x65B0]  }
0x672: {  	v1 =	vadd.f32 v3, v1  }
0x673: {  	v3 =	vld [tilespmem:s2+$0x9430]  }
0x674: {  	v1 =	vadd.f32 v2, v1  }
0x675: {  	v5 =	vld [tilespmem:s2+$0x94B0]  }
0x676: {  	v1 =	vadd.f32 v4, v1  }
0x677: {  	v2 =	vld [tilespmem:s2+$0x9530]  }
0x678: {  	v3 =	vadd.f32 v3, v1  }
0x679: {  	v1 =	vld [tilespmem:s2+$0x95B0]  }
0x67a: {  	s4 =	simm.s32 $0x1000;
	s2 =	simm.s32 $0x200;
	v3 =	vadd.f32 v5, v3  }
.LBB2_112:
0x67b: {  	p0 =	sne.s32 s4, $0xC800;
	v4 =	vld [tilespmem:s2+$0x9430]  }
0x67c: {  	v2 =	vadd.f32 v2, v3  }
0x67d: {  	v3 =	vld [tilespmem:s2+$0x94B0]  }
.Ltmp55:
0x67e: {  	v1 =	vadd.f32 v1, v2;
	(pc) =	sbr.rel @p0 .LBB2_112-.Ltmp55, $4  }
0x67f: {  	v2 =	vld [tilespmem:s2+$0x9530]  }
0x680: {  	v4 =	vadd.f32 v4, v1  }
0x681: {  	v1 =	vld [tilespmem:s2+$0x95B0]  }
0x682: {  	s2 =	sshra.s32 s4, $0x2;
	s4 =	sadd.s32 $0x800, s4;
	v3 =	vadd.f32 v3, v4  }
0x683: {  	v4 =	vld [tilespmem:s2+$0x9430]  }
0x684: {  	v2 =	vadd.f32 v2, v3  }
0x685: {  	v3 =	vld [tilespmem:s2+$0x94B0]  }
0x686: {  	v1 =	vadd.f32 v1, v2  }
0x687: {  	v2 =	vld [tilespmem:s2+$0x9530]  }
0x688: {  	v1 =	vadd.f32 v4, v1  }
0x689: {  	v4 =	vld [tilespmem:s2+$0x95B0]  }
0x68a: {  	v1 =	vadd.f32 v3, v1;
	_ =	sdelay $0x1  }
0x68b: {  	v1 =	vadd.f32 v2, v1  }
0x68c: {  	v2 =	vld [tilespmem:$0x6430]  }
0x68d: {  	v1 =	vadd.f32 v4, v1  }
0x68e: {  	v3 =	vld [tilespmem:$0xC7B0]  }
0x68f: {  	v1 =	vmul.f32 $3.000000000e+00, v1;
	_ =	sdelay $0x1  }
0x690: {  	v1 =	vsub.f32 v1, v2;
	_ =	sdelay $0x1  }
0x691: {  	v1 =	vsub.f32 v1, v3;
	_ =	sdelay $0x1  }
0x692: {  	v1 =	vmul.f32 $2.506265650e-03, v1;
	_ =	sdelay $0x1  }
0x693: {  	v1 =	vadd.f32 v1, v0;
	_ =	sdelay $0x1  }
0x694: {  	s2 =	simm.s32 $0x0;
	[tilespmem:$0xC830] =	vst v1  }
0x695: {  	v1 =	vld [tilespmem:s2+$0x6440];
	_ =	sdelay $0x2  }
0x696: {  	v3 =	vld [tilespmem:s2+$0x64C0]  }
0x697: {  	v2 =	vimm.f32 $0.0e+00  }
0x698: {  	v4 =	vadd.f32 v1, v2;
	v2 =	vld [tilespmem:s2+$0x6540];
	_ =	sdelay $0x1  }
0x699: {  	v1 =	vld [tilespmem:s2+$0x65C0]  }
0x69a: {  	s4 =	simm.s32 $0x200;
	s5 =	simm.s32 $0x1000;
	v3 =	vadd.f32 v3, v4  }
.LBB2_114:
0x69b: {  	p0 =	sne.s32 s5, $0xB800;
	v4 =	vld [tilespmem:s4+$0x6440]  }
0x69c: {  	v2 =	vadd.f32 v2, v3  }
0x69d: {  	v3 =	vld [tilespmem:s4+$0x64C0]  }
.Ltmp56:
0x69e: {  	v1 =	vadd.f32 v1, v2;
	(pc) =	sbr.rel @p0 .LBB2_114-.Ltmp56, $4  }
0x69f: {  	v2 =	vld [tilespmem:s4+$0x6540]  }
0x6a0: {  	v4 =	vadd.f32 v4, v1  }
0x6a1: {  	v1 =	vld [tilespmem:s4+$0x65C0]  }
0x6a2: {  	s4 =	sshra.s32 s5, $0x2;
	s5 =	sadd.s32 $0x800, s5;
	v3 =	vadd.f32 v3, v4  }
0x6a3: {  	v4 =	vld [tilespmem:s4+$0x6440]  }
0x6a4: {  	v2 =	vadd.f32 v2, v3  }
0x6a5: {  	v3 =	vld [tilespmem:s4+$0x64C0]  }
0x6a6: {  	v1 =	vadd.f32 v1, v2  }
0x6a7: {  	v2 =	vld [tilespmem:s4+$0x6540]  }
0x6a8: {  	v1 =	vadd.f32 v4, v1  }
0x6a9: {  	v4 =	vld [tilespmem:s4+$0x65C0]  }
0x6aa: {  	v1 =	vadd.f32 v3, v1  }
0x6ab: {  	v3 =	vld [tilespmem:s2+$0x9440]  }
0x6ac: {  	v1 =	vadd.f32 v2, v1  }
0x6ad: {  	v5 =	vld [tilespmem:s2+$0x94C0]  }
0x6ae: {  	v1 =	vadd.f32 v4, v1  }
0x6af: {  	v2 =	vld [tilespmem:s2+$0x9540]  }
0x6b0: {  	v3 =	vadd.f32 v3, v1  }
0x6b1: {  	v1 =	vld [tilespmem:s2+$0x95C0]  }
0x6b2: {  	s4 =	simm.s32 $0x1000;
	s2 =	simm.s32 $0x200;
	v3 =	vadd.f32 v5, v3  }
.LBB2_116:
0x6b3: {  	p0 =	sne.s32 s4, $0xC800;
	v4 =	vld [tilespmem:s2+$0x9440]  }
0x6b4: {  	v2 =	vadd.f32 v2, v3  }
0x6b5: {  	v3 =	vld [tilespmem:s2+$0x94C0]  }
.Ltmp57:
0x6b6: {  	v1 =	vadd.f32 v1, v2;
	(pc) =	sbr.rel @p0 .LBB2_116-.Ltmp57, $4  }
0x6b7: {  	v2 =	vld [tilespmem:s2+$0x9540]  }
0x6b8: {  	v4 =	vadd.f32 v4, v1  }
0x6b9: {  	v1 =	vld [tilespmem:s2+$0x95C0]  }
0x6ba: {  	s2 =	sshra.s32 s4, $0x2;
	s4 =	sadd.s32 $0x800, s4;
	v3 =	vadd.f32 v3, v4  }
0x6bb: {  	v4 =	vld [tilespmem:s2+$0x9440]  }
0x6bc: {  	v2 =	vadd.f32 v2, v3  }
0x6bd: {  	v3 =	vld [tilespmem:s2+$0x94C0]  }
0x6be: {  	v1 =	vadd.f32 v1, v2  }
0x6bf: {  	v2 =	vld [tilespmem:s2+$0x9540]  }
0x6c0: {  	v1 =	vadd.f32 v4, v1  }
0x6c1: {  	v4 =	vld [tilespmem:s2+$0x95C0]  }
0x6c2: {  	v1 =	vadd.f32 v3, v1;
	_ =	sdelay $0x1  }
0x6c3: {  	v1 =	vadd.f32 v2, v1  }
0x6c4: {  	v2 =	vld [tilespmem:$0x6440]  }
0x6c5: {  	v1 =	vadd.f32 v4, v1  }
0x6c6: {  	v3 =	vld [tilespmem:$0xC7C0]  }
0x6c7: {  	v1 =	vmul.f32 $3.000000000e+00, v1;
	_ =	sdelay $0x1  }
0x6c8: {  	v1 =	vsub.f32 v1, v2;
	_ =	sdelay $0x1  }
0x6c9: {  	v1 =	vsub.f32 v1, v3;
	_ =	sdelay $0x1  }
0x6ca: {  	v1 =	vmul.f32 $2.506265650e-03, v1;
	_ =	sdelay $0x1  }
0x6cb: {  	v1 =	vadd.f32 v1, v0;
	_ =	sdelay $0x1  }
0x6cc: {  	s2 =	simm.s32 $0x0;
	[tilespmem:$0xC840] =	vst v1  }
0x6cd: {  	v1 =	vld [tilespmem:s2+$0x6450];
	_ =	sdelay $0x2  }
0x6ce: {  	v3 =	vld [tilespmem:s2+$0x64D0]  }
0x6cf: {  	v2 =	vimm.f32 $0.0e+00  }
0x6d0: {  	v4 =	vadd.f32 v1, v2;
	v2 =	vld [tilespmem:s2+$0x6550];
	_ =	sdelay $0x1  }
0x6d1: {  	v1 =	vld [tilespmem:s2+$0x65D0]  }
0x6d2: {  	s4 =	simm.s32 $0x200;
	s5 =	simm.s32 $0x1000;
	v3 =	vadd.f32 v3, v4  }
.LBB2_118:
0x6d3: {  	p0 =	sne.s32 s5, $0xB800;
	v4 =	vld [tilespmem:s4+$0x6450]  }
0x6d4: {  	v2 =	vadd.f32 v2, v3  }
0x6d5: {  	v3 =	vld [tilespmem:s4+$0x64D0]  }
.Ltmp58:
0x6d6: {  	v1 =	vadd.f32 v1, v2;
	(pc) =	sbr.rel @p0 .LBB2_118-.Ltmp58, $4  }
0x6d7: {  	v2 =	vld [tilespmem:s4+$0x6550]  }
0x6d8: {  	v4 =	vadd.f32 v4, v1  }
0x6d9: {  	v1 =	vld [tilespmem:s4+$0x65D0]  }
0x6da: {  	s4 =	sshra.s32 s5, $0x2;
	s5 =	sadd.s32 $0x800, s5;
	v3 =	vadd.f32 v3, v4  }
0x6db: {  	v4 =	vld [tilespmem:s4+$0x6450]  }
0x6dc: {  	v2 =	vadd.f32 v2, v3  }
0x6dd: {  	v3 =	vld [tilespmem:s4+$0x64D0]  }
0x6de: {  	v1 =	vadd.f32 v1, v2  }
0x6df: {  	v2 =	vld [tilespmem:s4+$0x6550]  }
0x6e0: {  	v1 =	vadd.f32 v4, v1  }
0x6e1: {  	v4 =	vld [tilespmem:s4+$0x65D0]  }
0x6e2: {  	v1 =	vadd.f32 v3, v1  }
0x6e3: {  	v3 =	vld [tilespmem:s2+$0x9450]  }
0x6e4: {  	v1 =	vadd.f32 v2, v1  }
0x6e5: {  	v5 =	vld [tilespmem:s2+$0x94D0]  }
0x6e6: {  	v1 =	vadd.f32 v4, v1  }
0x6e7: {  	v2 =	vld [tilespmem:s2+$0x9550]  }
0x6e8: {  	v3 =	vadd.f32 v3, v1  }
0x6e9: {  	v1 =	vld [tilespmem:s2+$0x95D0]  }
0x6ea: {  	s4 =	simm.s32 $0x1000;
	s2 =	simm.s32 $0x200;
	v3 =	vadd.f32 v5, v3  }
.LBB2_120:
0x6eb: {  	p0 =	sne.s32 s4, $0xC800;
	v4 =	vld [tilespmem:s2+$0x9450]  }
0x6ec: {  	v2 =	vadd.f32 v2, v3  }
0x6ed: {  	v3 =	vld [tilespmem:s2+$0x94D0]  }
.Ltmp59:
0x6ee: {  	v1 =	vadd.f32 v1, v2;
	(pc) =	sbr.rel @p0 .LBB2_120-.Ltmp59, $4  }
0x6ef: {  	v2 =	vld [tilespmem:s2+$0x9550]  }
0x6f0: {  	v4 =	vadd.f32 v4, v1  }
0x6f1: {  	v1 =	vld [tilespmem:s2+$0x95D0]  }
0x6f2: {  	s2 =	sshra.s32 s4, $0x2;
	s4 =	sadd.s32 $0x800, s4;
	v3 =	vadd.f32 v3, v4  }
0x6f3: {  	v4 =	vld [tilespmem:s2+$0x9450]  }
0x6f4: {  	v2 =	vadd.f32 v2, v3  }
0x6f5: {  	v3 =	vld [tilespmem:s2+$0x94D0]  }
0x6f6: {  	v1 =	vadd.f32 v1, v2  }
0x6f7: {  	v2 =	vld [tilespmem:s2+$0x9550]  }
0x6f8: {  	v1 =	vadd.f32 v4, v1  }
0x6f9: {  	v4 =	vld [tilespmem:s2+$0x95D0]  }
0x6fa: {  	v1 =	vadd.f32 v3, v1;
	_ =	sdelay $0x1  }
0x6fb: {  	v1 =	vadd.f32 v2, v1  }
0x6fc: {  	v2 =	vld [tilespmem:$0x6450]  }
0x6fd: {  	v1 =	vadd.f32 v4, v1  }
0x6fe: {  	v3 =	vld [tilespmem:$0xC7D0]  }
0x6ff: {  	v1 =	vmul.f32 $3.000000000e+00, v1;
	_ =	sdelay $0x1  }
0x700: {  	v1 =	vsub.f32 v1, v2;
	_ =	sdelay $0x1  }
0x701: {  	v1 =	vsub.f32 v1, v3;
	_ =	sdelay $0x1  }
0x702: {  	v1 =	vmul.f32 $2.506265650e-03, v1;
	_ =	sdelay $0x1  }
0x703: {  	v1 =	vadd.f32 v1, v0;
	_ =	sdelay $0x1  }
0x704: {  	s2 =	simm.s32 $0x0;
	[tilespmem:$0xC850] =	vst v1  }
0x705: {  	v1 =	vld [tilespmem:s2+$0x6460];
	_ =	sdelay $0x2  }
0x706: {  	v3 =	vld [tilespmem:s2+$0x64E0]  }
0x707: {  	v2 =	vimm.f32 $0.0e+00  }
0x708: {  	v4 =	vadd.f32 v1, v2;
	v2 =	vld [tilespmem:s2+$0x6560];
	_ =	sdelay $0x1  }
0x709: {  	v1 =	vld [tilespmem:s2+$0x65E0]  }
0x70a: {  	s4 =	simm.s32 $0x200;
	s5 =	simm.s32 $0x1000;
	v3 =	vadd.f32 v3, v4  }
.LBB2_122:
0x70b: {  	p0 =	sne.s32 s5, $0xB800;
	v4 =	vld [tilespmem:s4+$0x6460]  }
0x70c: {  	v2 =	vadd.f32 v2, v3  }
0x70d: {  	v3 =	vld [tilespmem:s4+$0x64E0]  }
.Ltmp60:
0x70e: {  	v1 =	vadd.f32 v1, v2;
	(pc) =	sbr.rel @p0 .LBB2_122-.Ltmp60, $4  }
0x70f: {  	v2 =	vld [tilespmem:s4+$0x6560]  }
0x710: {  	v4 =	vadd.f32 v4, v1  }
0x711: {  	v1 =	vld [tilespmem:s4+$0x65E0]  }
0x712: {  	s4 =	sshra.s32 s5, $0x2;
	s5 =	sadd.s32 $0x800, s5;
	v3 =	vadd.f32 v3, v4  }
0x713: {  	v4 =	vld [tilespmem:s4+$0x6460]  }
0x714: {  	v2 =	vadd.f32 v2, v3  }
0x715: {  	v3 =	vld [tilespmem:s4+$0x64E0]  }
0x716: {  	v1 =	vadd.f32 v1, v2  }
0x717: {  	v2 =	vld [tilespmem:s4+$0x6560]  }
0x718: {  	v1 =	vadd.f32 v4, v1  }
0x719: {  	v4 =	vld [tilespmem:s4+$0x65E0]  }
0x71a: {  	v1 =	vadd.f32 v3, v1  }
0x71b: {  	v3 =	vld [tilespmem:s2+$0x9460]  }
0x71c: {  	v1 =	vadd.f32 v2, v1  }
0x71d: {  	v5 =	vld [tilespmem:s2+$0x94E0]  }
0x71e: {  	v1 =	vadd.f32 v4, v1  }
0x71f: {  	v2 =	vld [tilespmem:s2+$0x9560]  }
0x720: {  	v3 =	vadd.f32 v3, v1  }
0x721: {  	v1 =	vld [tilespmem:s2+$0x95E0]  }
0x722: {  	s4 =	simm.s32 $0x1000;
	s2 =	simm.s32 $0x200;
	v3 =	vadd.f32 v5, v3  }
.LBB2_124:
0x723: {  	p0 =	sne.s32 s4, $0xC800;
	v4 =	vld [tilespmem:s2+$0x9460]  }
0x724: {  	v2 =	vadd.f32 v2, v3  }
0x725: {  	v3 =	vld [tilespmem:s2+$0x94E0]  }
.Ltmp61:
0x726: {  	v1 =	vadd.f32 v1, v2;
	(pc) =	sbr.rel @p0 .LBB2_124-.Ltmp61, $4  }
0x727: {  	v2 =	vld [tilespmem:s2+$0x9560]  }
0x728: {  	v4 =	vadd.f32 v4, v1  }
0x729: {  	v1 =	vld [tilespmem:s2+$0x95E0]  }
0x72a: {  	s2 =	sshra.s32 s4, $0x2;
	s4 =	sadd.s32 $0x800, s4;
	v3 =	vadd.f32 v3, v4  }
0x72b: {  	v4 =	vld [tilespmem:s2+$0x9460]  }
0x72c: {  	v2 =	vadd.f32 v2, v3  }
0x72d: {  	v3 =	vld [tilespmem:s2+$0x94E0]  }
0x72e: {  	v1 =	vadd.f32 v1, v2  }
0x72f: {  	v2 =	vld [tilespmem:s2+$0x9560]  }
0x730: {  	v1 =	vadd.f32 v4, v1  }
0x731: {  	v4 =	vld [tilespmem:s2+$0x95E0]  }
0x732: {  	v1 =	vadd.f32 v3, v1;
	_ =	sdelay $0x1  }
0x733: {  	v1 =	vadd.f32 v2, v1  }
0x734: {  	v2 =	vld [tilespmem:$0x6460]  }
0x735: {  	v1 =	vadd.f32 v4, v1  }
0x736: {  	v3 =	vld [tilespmem:$0xC7E0]  }
0x737: {  	v1 =	vmul.f32 $3.000000000e+00, v1;
	_ =	sdelay $0x1  }
0x738: {  	v1 =	vsub.f32 v1, v2;
	_ =	sdelay $0x1  }
0x739: {  	v1 =	vsub.f32 v1, v3;
	_ =	sdelay $0x1  }
0x73a: {  	v1 =	vmul.f32 $2.506265650e-03, v1;
	_ =	sdelay $0x1  }
0x73b: {  	v1 =	vadd.f32 v1, v0;
	_ =	sdelay $0x1  }
0x73c: {  	s2 =	simm.s32 $0x0;
	[tilespmem:$0xC860] =	vst v1  }
0x73d: {  	v1 =	vld [tilespmem:s2+$0x6470];
	_ =	sdelay $0x2  }
0x73e: {  	v3 =	vld [tilespmem:s2+$0x64F0]  }
0x73f: {  	v2 =	vimm.f32 $0.0e+00  }
0x740: {  	v4 =	vadd.f32 v1, v2;
	v2 =	vld [tilespmem:s2+$0x6570];
	_ =	sdelay $0x1  }
0x741: {  	v1 =	vld [tilespmem:s2+$0x65F0]  }
0x742: {  	s4 =	simm.s32 $0x200;
	s5 =	simm.s32 $0x1000;
	v3 =	vadd.f32 v3, v4  }
.LBB2_126:
0x743: {  	p0 =	sne.s32 s5, $0xB800;
	v4 =	vld [tilespmem:s4+$0x6470]  }
0x744: {  	v2 =	vadd.f32 v2, v3  }
0x745: {  	v3 =	vld [tilespmem:s4+$0x64F0]  }
.Ltmp62:
0x746: {  	v1 =	vadd.f32 v1, v2;
	(pc) =	sbr.rel @p0 .LBB2_126-.Ltmp62, $4  }
0x747: {  	v2 =	vld [tilespmem:s4+$0x6570]  }
0x748: {  	v4 =	vadd.f32 v4, v1  }
0x749: {  	v1 =	vld [tilespmem:s4+$0x65F0]  }
0x74a: {  	s4 =	sshra.s32 s5, $0x2;
	s5 =	sadd.s32 $0x800, s5;
	v3 =	vadd.f32 v3, v4  }
0x74b: {  	v4 =	vld [tilespmem:s4+$0x6470]  }
0x74c: {  	v2 =	vadd.f32 v2, v3  }
0x74d: {  	v3 =	vld [tilespmem:s4+$0x64F0]  }
0x74e: {  	v1 =	vadd.f32 v1, v2  }
0x74f: {  	v2 =	vld [tilespmem:s4+$0x6570]  }
0x750: {  	v1 =	vadd.f32 v4, v1  }
0x751: {  	v4 =	vld [tilespmem:s4+$0x65F0]  }
0x752: {  	v1 =	vadd.f32 v3, v1  }
0x753: {  	v3 =	vld [tilespmem:s2+$0x9470]  }
0x754: {  	v1 =	vadd.f32 v2, v1  }
0x755: {  	v5 =	vld [tilespmem:s2+$0x94F0]  }
0x756: {  	v1 =	vadd.f32 v4, v1  }
0x757: {  	v2 =	vld [tilespmem:s2+$0x9570]  }
0x758: {  	v3 =	vadd.f32 v3, v1  }
0x759: {  	v1 =	vld [tilespmem:s2+$0x95F0]  }
0x75a: {  	s4 =	simm.s32 $0x1000;
	s2 =	simm.s32 $0x200;
	v3 =	vadd.f32 v5, v3  }
.LBB2_128:
0x75b: {  	p0 =	sne.s32 s4, $0xC800;
	v4 =	vld [tilespmem:s2+$0x9470]  }
0x75c: {  	v2 =	vadd.f32 v2, v3  }
0x75d: {  	v3 =	vld [tilespmem:s2+$0x94F0]  }
.Ltmp63:
0x75e: {  	v1 =	vadd.f32 v1, v2;
	(pc) =	sbr.rel @p0 .LBB2_128-.Ltmp63, $4  }
0x75f: {  	v2 =	vld [tilespmem:s2+$0x9570]  }
0x760: {  	v4 =	vadd.f32 v4, v1  }
0x761: {  	v1 =	vld [tilespmem:s2+$0x95F0]  }
0x762: {  	s2 =	sshra.s32 s4, $0x2;
	s4 =	sadd.s32 $0x800, s4;
	v3 =	vadd.f32 v3, v4  }
0x763: {  	v4 =	vld [tilespmem:s2+$0x9470]  }
0x764: {  	v2 =	vadd.f32 v2, v3  }
0x765: {  	v59 =	vld [tilespmem:s2+$0x94F0]  }
0x766: {  	v1 =	vadd.f32 v1, v2  }
0x767: {  	v60 =	vld [tilespmem:s2+$0x9570]  }
0x768: {  	v1 =	vadd.f32 v4, v1  }
0x769: {  	v61 =	vld [tilespmem:s2+$0x95F0]  }
0x76a: {  	v1 =	vadd.f32 v59, v1;
	_ =	sdelay $0x1  }
0x76b: {  	v1 =	vadd.f32 v60, v1  }
0x76c: {  	v62 =	vld [tilespmem:$0x6470]  }
0x76d: {  	v1 =	vadd.f32 v61, v1  }
0x76e: {  	v63 =	vld [tilespmem:$0xC7F0]  }
0x76f: {  	v1 =	vmul.f32 $3.000000000e+00, v1;
	_ =	sdelay $0x1  }
0x770: {  	v1 =	vsub.f32 v1, v62;
	_ =	sdelay $0x1  }
0x771: {  	v1 =	vsub.f32 v1, v63;
	_ =	sdelay $0x1  }
0x772: {  	v1 =	vmul.f32 $2.506265650e-03, v1;
	_ =	sdelay $0x1  }
0x773: {  	s19 =	sadd.s32 $0x1, s19;
	v0 =	vadd.f32 v1, v0  }
0x774: {  	p0 =	sne.s32 s19, s18  }
.Ltmp64:
0x775: {  	[tilespmem:$0xC870] =	vst v0;
	(pc) =	sbr.rel @p0 .LBB2_1-.Ltmp64, $4  }
0x776: {  	[hbm4b:s17+s3] =	stream.linear.scatter [tilespmem:s0], [sflag:$0x4], $0x80, $0x38;
	[tilespmem:$0x1C900] =	vst v63  }
0x777: {  	_ =	swait.ge [sflag:s20], $0x80  }
0x778: {  	[sflag:s20] =	ssyncset.done $0x0  }
0x779: {  	[sflag:s20] =	ssyncadd.s32 $0xFFFFFF80  }
0x77a: {  	_ =	sfence.sel $0x180000  }
0x77b: {  	[bflag:$0x0] =	sbarrier.arrive $0xFFFF  }
0x77c: {  	_ =	strace $0x90000047  }
0x77d: {  	s0 =	stileid.u32;
	[bflag:$0x2] =	sbarrier.arrive $0xFFFF  }
0x77e: {  	p0 =	sne.s32 s0, $0x0;
	s0 =	rddreg [dreg:$0x4]  }
0x77f: {  	s0 =	sadd.s32 @!p0 $0x100000, s0  }
0x780: {  	[sflag:s0] =	ssyncadd.tile.s32 @!p0 $0x1;
	_ =	shalt  }
.Lfunc_end2:
_tile_overlayer_lowered:
.L_overlay_start_2:
0x781: {  	(tag) =	ssettag $0x2  }
0x782: {  	s0 =	rddreg [dreg:$0x0];
	s2 =	stileid.u32  }
0x783: {  	s1 =	rddreg [dreg:$0x1];
	p0 =	sne.s32 s2, $0x0  }
0x784: {  	s3 =	rddreg [dreg:$0x2];
	[bflag:$0x3] =	sbarrier.arrive $0xFFFF;
	s2 =	simm.s32 @!p0 $0x1C04  }
0x785: {  	[timem:s3], [sflag:s2] =	dma.local @!p0 [hbm:s0], s1  }
0x786: {  	s0 =	simm.s32 @!p0 $0x4  }
0x787: {  	_ =	swait.ge @!p0 [sflag:s0], s1  }
0x788: {  	s1 =	ssub.s32 @!p0 $0x0, s1;
	[sflag:s0] =	ssyncset.done @!p0 $0x0  }
0x789: {  	[sflag:s0] =	ssyncadd.s32 @!p0 s1  }
0x78a: {  	[bflag:$0x3] =	sbarrier.arrive $0xFFFF  }
0x78b: {  	_ =	shalt  }

</sc_bundles>
